<compile_context>
chip_gen: v7x
topology: tpu7x:2x2x1
jax: 0.10.2.dev20260603
libtpu: 0.0.44.dev20260713+nightly
codegen_flags: <defaults>
</compile_context>

<pallas_src>
import functools

import jax
import jax.numpy as jnp
from jax import lax
from jax.experimental import pallas as pl
from jax.experimental.pallas import tpu as pltpu
from jax.experimental.pallas import tpu_sc as plsc

N = 10000
E = 320000
D = 128
H = 2 * D

NC = 2
NS = 16
NW = NC * NS
EW = E // NW
CHUNK = 40
NCHUNK = EW // CHUNK
RPT = 624
REM = N - NS * RPT


NBUF = 8
EOFF = 4
GOFF = 2
DLAG = NBUF - EOFF
BB = 16
UNROLL = 2 * BB
NBLK = (NCHUNK + BB - 1) // BB
CPAD = NBLK * BB


def _sc_segment_sum(node_feat, edge_feat, src2, dst2, zeros):
    mesh = plsc.VectorSubcoreMesh(core_axis_name="c", subcore_axis_name="s")

    @functools.partial(
        pl.kernel,
        mesh=mesh,
        out_type=jax.ShapeDtypeStruct((NC, N, D), jnp.float32),
        scratch_types=[
            [pltpu.VMEM((BB, CHUNK), jnp.int32)] * 2,
            [pltpu.VMEM((BB, CHUNK), jnp.int32)] * 2,
            [pltpu.VMEM((CHUNK, D), jnp.float32)] * NBUF,
            [pltpu.SemaphoreType.DMA] * 2,
            [pltpu.SemaphoreType.DMA] * NBUF,
            [pltpu.SemaphoreType.DMA] * NBUF,
            [pltpu.SemaphoreType.DMA] * NBUF,
            pltpu.VMEM_SHARED((N, D), jnp.float32),
        ],
    )
    def body(node_hbm, ef_hbm, src_hbm, dst_hbm, zero_hbm, out_hbm,
             sidx_v, didx_v, mrows_v, bsems, lsems, gsems, ssems, acc):
        cid = lax.axis_index("c")
        sid = lax.axis_index("s")
        wid = cid * NS + sid

        pltpu.sync_copy(zero_hbm.at[pl.ds(sid * RPT, RPT)],
                        acc.at[pl.ds(sid * RPT, RPT)])

        @pl.when(sid == NS - 1)
        def _():
            pltpu.sync_copy(zero_hbm.at[pl.ds(NS * RPT, REM)],
                            acc.at[pl.ds(NS * RPT, REM)])

        plsc.subcore_barrier()

        def issue_blk(t, p):
            row = wid * NBLK + t
            pltpu.async_copy(src_hbm.at[row], sidx_v[p], bsems[p])
            pltpu.async_copy(dst_hbm.at[row], didx_v[p], bsems[p])

        def wait_blk(p):
            pltpu.make_async_copy(src_hbm.at[0], sidx_v[p],
                                  bsems[p]).wait()
            pltpu.make_async_copy(src_hbm.at[0], didx_v[p],
                                  bsems[p]).wait()

        def issue_eload(c, b):
            base = wid * EW + c * CHUNK
            pltpu.async_copy(ef_hbm.at[pl.ds(base, CHUNK)], mrows_v[b],
                             lsems[b])

        def wait_eload(b):
            pltpu.make_async_copy(ef_hbm.at[pl.ds(0, CHUNK)],
                                  mrows_v[b], lsems[b]).wait()

        def issue_gadd(b, p, r):
            pltpu.async_copy(node_hbm.at[sidx_v[p].at[r]], mrows_v[b],
                             gsems[b], add=True)

        def wait_gadd(b):
            pltpu.make_async_copy(ef_hbm.at[pl.ds(0, CHUNK)],
                                  mrows_v[b], gsems[b]).wait()

        def issue_scatter(b, p, r):
            pltpu.async_copy(mrows_v[b], acc.at[didx_v[p].at[r]], ssems[b],
                             add=True)

        def wait_scatter(b):
            pltpu.make_async_copy(ef_hbm.at[pl.ds(0, CHUNK)],
                                  mrows_v[b], ssems[b]).wait()

        issue_blk(0, 0)
        wait_blk(0)
        for k in range(EOFF):
            issue_eload(k, k % NBUF)
        for k in range(GOFF):
            wait_eload(k % NBUF)
            issue_gadd(k % NBUF, 0, k)

        def group_body(g, carry):
            for k in range(UNROLL):
                c = g * UNROLL + k
                b = k % NBUF

                @pl.when(c < NCHUNK)
                def _():
                    be = (k + EOFF) % NBUF
                    bg = (k + GOFF) % NBUF
                    pg = ((k + GOFF) // BB) % 2
                    rg = (k + GOFF) % BB
                    pc = (k // BB) % 2
                    rc = k % BB

                    @pl.when(c + EOFF < NCHUNK)
                    def _():
                        @pl.when(c >= DLAG)
                        def _():
                            wait_scatter(be)
                        issue_eload(c + EOFF, be)

                    if k % BB == DLAG - 1:
                        t = (c + BB - (DLAG - 1)) // BB

                        @pl.when(t * BB < NCHUNK)
                        def _():
                            issue_blk(t, (pc + 1) % 2)

                    if k % BB == BB - GOFF:
                        t = (c + GOFF) // BB

                        @pl.when(t * BB < NCHUNK)
                        def _():
                            wait_blk((pc + 1) % 2)

                    @pl.when(c + GOFF < NCHUNK)
                    def _():
                        wait_eload(bg)
                        issue_gadd(bg, pg, rg)

                    wait_gadd(b)
                    issue_scatter(b, pc, rc)

            return carry

        lax.fori_loop(0, (NCHUNK + UNROLL - 1) // UNROLL, group_body, 0)

        for b in range(NBUF):
            wait_scatter(b)

        plsc.subcore_barrier()
        pltpu.sync_copy(acc.at[pl.ds(sid * RPT, RPT)],
                        out_hbm.at[cid, pl.ds(sid * RPT, RPT)])

        @pl.when(sid == NS - 1)
        def _():
            pltpu.sync_copy(acc.at[pl.ds(NS * RPT, REM)],
                            out_hbm.at[cid, pl.ds(NS * RPT, REM)])

    return body(node_feat, edge_feat, src2, dst2, zeros)


BN = 1000


def _mlp_body(agg_ref, w1_ref, b1_ref, w2_ref, b2_ref, out_ref):
    a = agg_ref[0] + agg_ref[1]
    h = jnp.maximum(
        jnp.dot(a, w1_ref[...], preferred_element_type=jnp.float32)
        + b1_ref[...], 0.0)
    out_ref[...] = (
        jnp.dot(h, w2_ref[...], preferred_element_type=jnp.float32)
        + b2_ref[...])


def _mlp(partials, W1, b1, W2, b2):
    return pl.pallas_call(
        _mlp_body,
        grid=(N // BN,),
        in_specs=[
            pl.BlockSpec((NC, BN, D), lambda i: (0, i, 0)),
            pl.BlockSpec((D, H), lambda i: (0, 0)),
            pl.BlockSpec((1, H), lambda i: (0, 0)),
            pl.BlockSpec((H, D), lambda i: (0, 0)),
            pl.BlockSpec((1, D), lambda i: (0, 0)),
        ],
        out_specs=pl.BlockSpec((BN, D), lambda i: (i, 0)),
        out_shape=jax.ShapeDtypeStruct((N, D), jnp.float32),
    )(partials, W1, b1, W2, b2)


@jax.jit
def kernel(node_feat, edge_feat, edge_index, W1, b1, W2, b2):
    pad = CPAD * CHUNK - EW
    src2 = jnp.pad(edge_index[0].reshape(NW, EW), ((0, 0), (0, pad)))
    src2 = src2.reshape(NW * NBLK, BB, CHUNK)
    dst2 = jnp.pad(edge_index[1].reshape(NW, EW), ((0, 0), (0, pad)))
    dst2 = dst2.reshape(NW * NBLK, BB, CHUNK)
    zeros = jnp.zeros((N, D), jnp.float32)
    partials = _sc_segment_sum(node_feat, edge_feat, src2, dst2, zeros)
    return _mlp(partials, W1, b1.reshape(1, H), W2, b2.reshape(1, D))

# --- scband reference (transcript-rebuilt; emitter-appended) ---
"""Pipeline reference for scband-gin-420906795778 (READ-ONLY COPY).

The authoritative reference and input builder live on the scoring server;
editing this copy changes nothing except your own understanding.
"""

import jax, jax.numpy as jnp
import numpy as np

N = 10000
E = 320000
D = 128
H = 2 * D


def setup_inputs(seed: int = 0) -> dict:
    key = jax.random.key(seed)
    ks = jax.random.split(key, 8)
    node_feat = jax.random.normal(ks[0], (N, D), dtype=jnp.float32)
    edge_feat = jax.random.normal(ks[1], (E, D), dtype=jnp.float32)
    edge_index = jax.random.randint(ks[2], (2, E), 0, N, dtype=jnp.int32)
    # MLP params: Linear(D -> 2D), ReLU, Linear(2D -> D)
    W1 = jax.random.normal(ks[3], (D, H), dtype=jnp.float32) * (1.0 / np.sqrt(D))
    b1 = jnp.zeros((H,), dtype=jnp.float32)
    W2 = jax.random.normal(ks[4], (H, D), dtype=jnp.float32) * (1.0 / np.sqrt(H))
    b2 = jnp.zeros((D,), dtype=jnp.float32)
    return {
        "node_feat": node_feat,
        "edge_feat": edge_feat,
        "edge_index": edge_index,
        "W1": W1,
        "b1": b1,
        "W2": W2,
        "b2": b2,
    }


def reference(node_feat, edge_feat, edge_index, W1, b1, W2, b2):
    # DGL update_all(fn.u_add_e('h','e','m'), fn.sum('m','h')):
    # message m = h_src + e_edge; new h_dst = sum of incoming messages
    src = edge_index[0]
    dst = edge_index[1]
    msg = jnp.take(node_feat, src, axis=0) + edge_feat  # gather on src
    agg = jax.ops.segment_sum(msg, dst, num_segments=N)  # scatter-add by dst
    # MLP: Linear -> ReLU -> Linear
    h = jnp.maximum(agg @ W1 + b1, 0.0)
    out = h @ W2 + b2
    return out

if __name__ == "__main__":
    import jax
    _d = setup_inputs()
    print(jax.jit(kernel)(*tuple(_d.values())))

</pallas_src>

<mosaic_0001>
#map = affine_map<(d0, d1) -> (0, 0)>
#map1 = affine_map<(d0, d1) -> (0, 0, 0)>
module attributes {stable_mosaic.version = 14 : i64} {
  func.func @body(%arg0: i32, %arg1: i32, %arg2: memref<10000x128xf32, #tpu.memory_space<hbm>>, %arg3: memref<320000x128xf32, #tpu.memory_space<hbm>>, %arg4: memref<512x16x40xi32, #tpu.memory_space<hbm>>, %arg5: memref<512x16x40xi32, #tpu.memory_space<hbm>>, %arg6: memref<10000x128xf32, #tpu.memory_space<hbm>>, %arg7: memref<2x10000x128xf32, #tpu.memory_space<hbm>>, %arg8: memref<16x40xi32, #tpu.memory_space<vmem>>, %arg9: memref<16x40xi32, #tpu.memory_space<vmem>>, %arg10: memref<16x40xi32, #tpu.memory_space<vmem>>, %arg11: memref<16x40xi32, #tpu.memory_space<vmem>>, %arg12: memref<40x128xf32, #tpu.memory_space<vmem>>, %arg13: memref<40x128xf32, #tpu.memory_space<vmem>>, %arg14: memref<40x128xf32, #tpu.memory_space<vmem>>, %arg15: memref<40x128xf32, #tpu.memory_space<vmem>>, %arg16: memref<40x128xf32, #tpu.memory_space<vmem>>, %arg17: memref<40x128xf32, #tpu.memory_space<vmem>>, %arg18: memref<40x128xf32, #tpu.memory_space<vmem>>, %arg19: memref<40x128xf32, #tpu.memory_space<vmem>>, %arg20: memref<!tpu.dma_semaphore, #tpu.memory_space<semaphore_mem>>, %arg21: memref<!tpu.dma_semaphore, #tpu.memory_space<semaphore_mem>>, %arg22: memref<!tpu.dma_semaphore, #tpu.memory_space<semaphore_mem>>, %arg23: memref<!tpu.dma_semaphore, #tpu.memory_space<semaphore_mem>>, %arg24: memref<!tpu.dma_semaphore, #tpu.memory_space<semaphore_mem>>, %arg25: memref<!tpu.dma_semaphore, #tpu.memory_space<semaphore_mem>>, %arg26: memref<!tpu.dma_semaphore, #tpu.memory_space<semaphore_mem>>, %arg27: memref<!tpu.dma_semaphore, #tpu.memory_space<semaphore_mem>>, %arg28: memref<!tpu.dma_semaphore, #tpu.memory_space<semaphore_mem>>, %arg29: memref<!tpu.dma_semaphore, #tpu.memory_space<semaphore_mem>>, %arg30: memref<!tpu.dma_semaphore, #tpu.memory_space<semaphore_mem>>, %arg31: memref<!tpu.dma_semaphore, #tpu.memory_space<semaphore_mem>>, %arg32: memref<!tpu.dma_semaphore, #tpu.memory_space<semaphore_mem>>, %arg33: memref<!tpu.dma_semaphore, #tpu.memory_space<semaphore_mem>>, %arg34: memref<!tpu.dma_semaphore, #tpu.memory_space<semaphore_mem>>, %arg35: memref<!tpu.dma_semaphore, #tpu.memory_space<semaphore_mem>>, %arg36: memref<!tpu.dma_semaphore, #tpu.memory_space<semaphore_mem>>, %arg37: memref<!tpu.dma_semaphore, #tpu.memory_space<semaphore_mem>>, %arg38: memref<!tpu.dma_semaphore, #tpu.memory_space<semaphore_mem>>, %arg39: memref<!tpu.dma_semaphore, #tpu.memory_space<semaphore_mem>>, %arg40: memref<!tpu.dma_semaphore, #tpu.memory_space<semaphore_mem>>, %arg41: memref<!tpu.dma_semaphore, #tpu.memory_space<semaphore_mem>>, %arg42: memref<!tpu.dma_semaphore, #tpu.memory_space<semaphore_mem>>, %arg43: memref<!tpu.dma_semaphore, #tpu.memory_space<semaphore_mem>>, %arg44: memref<!tpu.dma_semaphore, #tpu.memory_space<semaphore_mem>>, %arg45: memref<!tpu.dma_semaphore, #tpu.memory_space<semaphore_mem>>, %arg46: memref<10000x128xf32, #tpu.memory_space<vmem_shared>>) attributes {dimension_semantics = [#tpu.dimension_semantics<core_parallel>, #tpu.dimension_semantics<subcore_parallel>], iteration_bounds = array<i64: 2, 16>, scalar_prefetch = 0 : i64, scratch_operands = 39 : i64, tpu.core_type = #tpu.core_type<sc_vector_subcore>, window_params = [{transform_indices = #map}, {transform_indices = #map}, {transform_indices = #map1}, {transform_indices = #map1}, {transform_indices = #map}, {transform_indices = #map1}]} {
    %mul3A = arith.constant 16 : i32
    %mul3A_0 = arith.muli %arg0, %mul3A : i32
    %add3A = arith.addi %mul3A_0, %arg1 : i32
    %mul3A_1 = arith.constant 624 : i32
    %mul3A_2 = arith.muli %arg1, %mul3A_1 : i32
    %mul3A_3 = arith.constant 624 : i32
    %mul3A_4 = arith.muli %arg1, %mul3A_3 : i32
    "tpu.region"() ({
      %run_scoped3A = tpu.sem_alloc : memref<!tpu.dma_semaphore, #tpu.memory_space<semaphore_mem>>
      %dma_start3A_164 = arith.constant 0 : i32
      %dma_start3A_165 = tpu.memref_slice %arg46[%mul3A_4, %dma_start3A_164] : memref<10000x128xf32, #tpu.memory_space<vmem_shared>> -> memref<624x128xf32, #tpu.memory_space<vmem_shared>>
      %dma_start3A_166 = arith.constant 0 : i32
      %dma_start3A_167 = tpu.memref_slice %arg6[%mul3A_2, %dma_start3A_166] : memref<10000x128xf32, #tpu.memory_space<hbm>> -> memref<624x128xf32, #tpu.memory_space<hbm>>
      tpu.enqueue_dma source(%dma_start3A_167 : memref<624x128xf32, #tpu.memory_space<hbm>>) target(%dma_start3A_165 : memref<624x128xf32, #tpu.memory_space<vmem_shared>>) target_semaphore(%run_scoped3A : memref<!tpu.dma_semaphore, #tpu.memory_space<semaphore_mem>>)
      %dma_wait3A_168 = arith.constant 0 : i32
      %dma_wait3A_169 = tpu.memref_slice %arg46[%mul3A_4, %dma_wait3A_168] : memref<10000x128xf32, #tpu.memory_space<vmem_shared>> -> memref<624x128xf32, #tpu.memory_space<vmem_shared>>
      %dma_wait3A_170 = arith.constant 0 : i32
      %dma_wait3A_171 = tpu.memref_slice %arg6[%mul3A_2, %dma_wait3A_170] : memref<10000x128xf32, #tpu.memory_space<hbm>> -> memref<624x128xf32, #tpu.memory_space<hbm>>
      tpu.wait_dma2 semaphore(%run_scoped3A : memref<!tpu.dma_semaphore, #tpu.memory_space<semaphore_mem>>) src(%dma_wait3A_171 : memref<624x128xf32, #tpu.memory_space<hbm>>) dst(%dma_wait3A_169 : memref<624x128xf32, #tpu.memory_space<vmem_shared>>)
      tpu.yield
    }) : () -> ()
    %eq3A = arith.constant 15 : i32
    %eq3A_5 = arith.cmpi eq, %arg1, %eq3A : i32
    %convert_element_type3A = arith.extui %eq3A_5 : i1 to i32
    %cond3A = arith.constant 0 : i32
    %cond3A_6 = arith.cmpi ne, %convert_element_type3A, %cond3A : i32
    scf.if %cond3A_6 {
      "tpu.region"() ({
        %run_scoped3A = tpu.sem_alloc : memref<!tpu.dma_semaphore, #tpu.memory_space<semaphore_mem>>
        %dma_start3A_164 = arith.constant 9984 : i32
        %dma_start3A_165 = arith.constant 0 : i32
        %dma_start3A_166 = tpu.memref_slice %arg46[%dma_start3A_164, %dma_start3A_165] : memref<10000x128xf32, #tpu.memory_space<vmem_shared>> -> memref<16x128xf32, #tpu.memory_space<vmem_shared>>
        %dma_start3A_167 = arith.constant 9984 : i32
        %dma_start3A_168 = arith.constant 0 : i32
        %dma_start3A_169 = tpu.memref_slice %arg6[%dma_start3A_167, %dma_start3A_168] : memref<10000x128xf32, #tpu.memory_space<hbm>> -> memref<16x128xf32, #tpu.memory_space<hbm>>
        tpu.enqueue_dma source(%dma_start3A_169 : memref<16x128xf32, #tpu.memory_space<hbm>>) target(%dma_start3A_166 : memref<16x128xf32, #tpu.memory_space<vmem_shared>>) target_semaphore(%run_scoped3A : memref<!tpu.dma_semaphore, #tpu.memory_space<semaphore_mem>>)
        %dma_wait3A_170 = arith.constant 9984 : i32
        %dma_wait3A_171 = arith.constant 0 : i32
        %dma_wait3A_172 = tpu.memref_slice %arg46[%dma_wait3A_170, %dma_wait3A_171] : memref<10000x128xf32, #tpu.memory_space<vmem_shared>> -> memref<16x128xf32, #tpu.memory_space<vmem_shared>>
        %dma_wait3A_173 = arith.constant 9984 : i32
        %dma_wait3A_174 = arith.constant 0 : i32
        %dma_wait3A_175 = tpu.memref_slice %arg6[%dma_wait3A_173, %dma_wait3A_174] : memref<10000x128xf32, #tpu.memory_space<hbm>> -> memref<16x128xf32, #tpu.memory_space<hbm>>
        tpu.wait_dma2 semaphore(%run_scoped3A : memref<!tpu.dma_semaphore, #tpu.memory_space<semaphore_mem>>) src(%dma_wait3A_175 : memref<16x128xf32, #tpu.memory_space<hbm>>) dst(%dma_wait3A_172 : memref<16x128xf32, #tpu.memory_space<vmem_shared>>)
        tpu.yield
      }) : () -> ()
    } else {
    }
    %barrier3A = arith.constant 0 : index
    tpu.barrier barrier_id(%barrier3A)
    %mul3A_7 = arith.constant 16 : i32
    %mul3A_8 = arith.muli %add3A, %mul3A_7 : i32
    %add3A_9 = arith.constant 0 : i32
    %add3A_10 = arith.addi %mul3A_8, %add3A_9 : i32
    %dma_start3A = arith.constant 0 : i32
    %dma_start3A_11 = arith.constant 0 : i32
    %dma_start3A_12 = tpu.memref_slice %arg4[%add3A_10, %dma_start3A, %dma_start3A_11] : memref<512x16x40xi32, #tpu.memory_space<hbm>> -> memref<1x16x40xi32, #tpu.memory_space<hbm>>
    %dma_start3A_13 = tpu.memref_squeeze %dma_start3A_12 : memref<1x16x40xi32, #tpu.memory_space<hbm>> -> memref<16x40xi32, #tpu.memory_space<hbm>>
    %dma_start3A_14 = arith.constant 0 : i32
    %dma_start3A_15 = arith.constant 0 : i32
    %dma_start3A_16 = tpu.memref_slice %arg4[%add3A_10, %dma_start3A_14, %dma_start3A_15] : memref<512x16x40xi32, #tpu.memory_space<hbm>> -> memref<1x16x40xi32, #tpu.memory_space<hbm>>
    %dma_start3A_17 = tpu.memref_squeeze %dma_start3A_16 : memref<1x16x40xi32, #tpu.memory_space<hbm>> -> memref<16x40xi32, #tpu.memory_space<hbm>>
    tpu.enqueue_dma source(%dma_start3A_17 : memref<16x40xi32, #tpu.memory_space<hbm>>) target(%arg8 : memref<16x40xi32, #tpu.memory_space<vmem>>) target_semaphore(%arg20 : memref<!tpu.dma_semaphore, #tpu.memory_space<semaphore_mem>>)
    %dma_start3A_18 = arith.constant 0 : i32
    %dma_start3A_19 = arith.constant 0 : i32
    %dma_start3A_20 = tpu.memref_slice %arg5[%add3A_10, %dma_start3A_18, %dma_start3A_19] : memref<512x16x40xi32, #tpu.memory_space<hbm>> -> memref<1x16x40xi32, #tpu.memory_space<hbm>>
    %dma_start3A_21 = tpu.memref_squeeze %dma_start3A_20 : memref<1x16x40xi32, #tpu.memory_space<hbm>> -> memref<16x40xi32, #tpu.memory_space<hbm>>
    %dma_start3A_22 = arith.constant 0 : i32
    %dma_start3A_23 = arith.constant 0 : i32
    %dma_start3A_24 = tpu.memref_slice %arg5[%add3A_10, %dma_start3A_22, %dma_start3A_23] : memref<512x16x40xi32, #tpu.memory_space<hbm>> -> memref<1x16x40xi32, #tpu.memory_space<hbm>>
    %dma_start3A_25 = tpu.memref_squeeze %dma_start3A_24 : memref<1x16x40xi32, #tpu.memory_space<hbm>> -> memref<16x40xi32, #tpu.memory_space<hbm>>
    tpu.enqueue_dma source(%dma_start3A_25 : memref<16x40xi32, #tpu.memory_space<hbm>>) target(%arg10 : memref<16x40xi32, #tpu.memory_space<vmem>>) target_semaphore(%arg20 : memref<!tpu.dma_semaphore, #tpu.memory_space<semaphore_mem>>)
    %dma_wait3A = arith.constant 0 : i32
    %dma_wait3A_26 = arith.constant 0 : i32
    %dma_wait3A_27 = arith.constant 0 : i32
    %dma_wait3A_28 = tpu.memref_slice %arg4[%dma_wait3A, %dma_wait3A_26, %dma_wait3A_27] : memref<512x16x40xi32, #tpu.memory_space<hbm>> -> memref<1x16x40xi32, #tpu.memory_space<hbm>>
    %dma_wait3A_29 = tpu.memref_squeeze %dma_wait3A_28 : memref<1x16x40xi32, #tpu.memory_space<hbm>> -> memref<16x40xi32, #tpu.memory_space<hbm>>
    %dma_wait3A_30 = arith.constant 0 : i32
    %dma_wait3A_31 = arith.constant 0 : i32
    %dma_wait3A_32 = tpu.memref_slice %arg4[%dma_wait3A, %dma_wait3A_30, %dma_wait3A_31] : memref<512x16x40xi32, #tpu.memory_space<hbm>> -> memref<1x16x40xi32, #tpu.memory_space<hbm>>
    %dma_wait3A_33 = tpu.memref_squeeze %dma_wait3A_32 : memref<1x16x40xi32, #tpu.memory_space<hbm>> -> memref<16x40xi32, #tpu.memory_space<hbm>>
    tpu.wait_dma2 semaphore(%arg20 : memref<!tpu.dma_semaphore, #tpu.memory_space<semaphore_mem>>) src(%dma_wait3A_33 : memref<16x40xi32, #tpu.memory_space<hbm>>) dst(%arg8 : memref<16x40xi32, #tpu.memory_space<vmem>>)
    %dma_wait3A_34 = arith.constant 0 : i32
    %dma_wait3A_35 = arith.constant 0 : i32
    %dma_wait3A_36 = arith.constant 0 : i32
    %dma_wait3A_37 = tpu.memref_slice %arg4[%dma_wait3A_34, %dma_wait3A_35, %dma_wait3A_36] : memref<512x16x40xi32, #tpu.memory_space<hbm>> -> memref<1x16x40xi32, #tpu.memory_space<hbm>>
    %dma_wait3A_38 = tpu.memref_squeeze %dma_wait3A_37 : memref<1x16x40xi32, #tpu.memory_space<hbm>> -> memref<16x40xi32, #tpu.memory_space<hbm>>
    %dma_wait3A_39 = arith.constant 0 : i32
    %dma_wait3A_40 = arith.constant 0 : i32
    %dma_wait3A_41 = tpu.memref_slice %arg4[%dma_wait3A_34, %dma_wait3A_39, %dma_wait3A_40] : memref<512x16x40xi32, #tpu.memory_space<hbm>> -> memref<1x16x40xi32, #tpu.memory_space<hbm>>
    %dma_wait3A_42 = tpu.memref_squeeze %dma_wait3A_41 : memref<1x16x40xi32, #tpu.memory_space<hbm>> -> memref<16x40xi32, #tpu.memory_space<hbm>>
    tpu.wait_dma2 semaphore(%arg20 : memref<!tpu.dma_semaphore, #tpu.memory_space<semaphore_mem>>) src(%dma_wait3A_42 : memref<16x40xi32, #tpu.memory_space<hbm>>) dst(%arg10 : memref<16x40xi32, #tpu.memory_space<vmem>>)
    %mul3A_43 = arith.constant 10000 : i32
    %mul3A_44 = arith.muli %add3A, %mul3A_43 : i32
    %add3A_45 = arith.constant 0 : i32
    %add3A_46 = arith.addi %mul3A_44, %add3A_45 : i32
    %dma_start3A_47 = arith.constant 0 : i32
    %dma_start3A_48 = tpu.memref_slice %arg3[%add3A_46, %dma_start3A_47] : memref<320000x128xf32, #tpu.memory_space<hbm>> -> memref<40x128xf32, #tpu.memory_space<hbm>>
    %dma_start3A_49 = arith.constant 0 : i32
    %dma_start3A_50 = tpu.memref_slice %arg3[%add3A_46, %dma_start3A_49] : memref<320000x128xf32, #tpu.memory_space<hbm>> -> memref<40x128xf32, #tpu.memory_space<hbm>>
    tpu.enqueue_dma source(%dma_start3A_50 : memref<40x128xf32, #tpu.memory_space<hbm>>) target(%arg12 : memref<40x128xf32, #tpu.memory_space<vmem>>) target_semaphore(%arg22 : memref<!tpu.dma_semaphore, #tpu.memory_space<semaphore_mem>>)
    %mul3A_51 = arith.constant 10000 : i32
    %mul3A_52 = arith.muli %add3A, %mul3A_51 : i32
    %add3A_53 = arith.constant 40 : i32
    %add3A_54 = arith.addi %mul3A_52, %add3A_53 : i32
    %dma_start3A_55 = arith.constant 0 : i32
    %dma_start3A_56 = tpu.memref_slice %arg3[%add3A_54, %dma_start3A_55] : memref<320000x128xf32, #tpu.memory_space<hbm>> -> memref<40x128xf32, #tpu.memory_space<hbm>>
    %dma_start3A_57 = arith.constant 0 : i32
    %dma_start3A_58 = tpu.memref_slice %arg3[%add3A_54, %dma_start3A_57] : memref<320000x128xf32, #tpu.memory_space<hbm>> -> memref<40x128xf32, #tpu.memory_space<hbm>>
    tpu.enqueue_dma source(%dma_start3A_58 : memref<40x128xf32, #tpu.memory_space<hbm>>) target(%arg13 : memref<40x128xf32, #tpu.memory_space<vmem>>) target_semaphore(%arg23 : memref<!tpu.dma_semaphore, #tpu.memory_space<semaphore_mem>>)
    %mul3A_59 = arith.constant 10000 : i32
    %mul3A_60 = arith.muli %add3A, %mul3A_59 : i32
    %add3A_61 = arith.constant 80 : i32
    %add3A_62 = arith.addi %mul3A_60, %add3A_61 : i32
    %dma_start3A_63 = arith.constant 0 : i32
    %dma_start3A_64 = tpu.memref_slice %arg3[%add3A_62, %dma_start3A_63] : memref<320000x128xf32, #tpu.memory_space<hbm>> -> memref<40x128xf32, #tpu.memory_space<hbm>>
    %dma_start3A_65 = arith.constant 0 : i32
    %dma_start3A_66 = tpu.memref_slice %arg3[%add3A_62, %dma_start3A_65] : memref<320000x128xf32, #tpu.memory_space<hbm>> -> memref<40x128xf32, #tpu.memory_space<hbm>>
    tpu.enqueue_dma source(%dma_start3A_66 : memref<40x128xf32, #tpu.memory_space<hbm>>) target(%arg14 : memref<40x128xf32, #tpu.memory_space<vmem>>) target_semaphore(%arg24 : memref<!tpu.dma_semaphore, #tpu.memory_space<semaphore_mem>>)
    %mul3A_67 = arith.constant 10000 : i32
    %mul3A_68 = arith.muli %add3A, %mul3A_67 : i32
    %add3A_69 = arith.constant 120 : i32
    %add3A_70 = arith.addi %mul3A_68, %add3A_69 : i32
    %dma_start3A_71 = arith.constant 0 : i32
    %dma_start3A_72 = tpu.memref_slice %arg3[%add3A_70, %dma_start3A_71] : memref<320000x128xf32, #tpu.memory_space<hbm>> -> memref<40x128xf32, #tpu.memory_space<hbm>>
    %dma_start3A_73 = arith.constant 0 : i32
    %dma_start3A_74 = tpu.memref_slice %arg3[%add3A_70, %dma_start3A_73] : memref<320000x128xf32, #tpu.memory_space<hbm>> -> memref<40x128xf32, #tpu.memory_space<hbm>>
    tpu.enqueue_dma source(%dma_start3A_74 : memref<40x128xf32, #tpu.memory_space<hbm>>) target(%arg15 : memref<40x128xf32, #tpu.memory_space<vmem>>) target_semaphore(%arg25 : memref<!tpu.dma_semaphore, #tpu.memory_space<semaphore_mem>>)
    %dma_wait3A_75 = arith.constant 0 : i32
    %dma_wait3A_76 = arith.constant 0 : i32
    %dma_wait3A_77 = tpu.memref_slice %arg3[%dma_wait3A_75, %dma_wait3A_76] : memref<320000x128xf32, #tpu.memory_space<hbm>> -> memref<40x128xf32, #tpu.memory_space<hbm>>
    %dma_wait3A_78 = arith.constant 0 : i32
    %dma_wait3A_79 = arith.constant 0 : i32
    %dma_wait3A_80 = tpu.memref_slice %arg3[%dma_wait3A_78, %dma_wait3A_79] : memref<320000x128xf32, #tpu.memory_space<hbm>> -> memref<40x128xf32, #tpu.memory_space<hbm>>
    tpu.wait_dma2 semaphore(%arg22 : memref<!tpu.dma_semaphore, #tpu.memory_space<semaphore_mem>>) src(%dma_wait3A_80 : memref<40x128xf32, #tpu.memory_space<hbm>>) dst(%arg12 : memref<40x128xf32, #tpu.memory_space<vmem>>)
    %dma_start3A_81 = arith.constant 0 : i32
    %dma_start3A_82 = arith.constant 0 : i32
    %dma_start3A_83 = tpu.memref_slice %arg8[%dma_start3A_81, %dma_start3A_82] : memref<16x40xi32, #tpu.memory_space<vmem>> -> memref<1x40xi32, #tpu.memory_space<vmem>>
    %dma_start3A_84 = tpu.memref_squeeze %dma_start3A_83 : memref<1x40xi32, #tpu.memory_space<vmem>> -> memref<40xi32, #tpu.memory_space<vmem>>
    %dma_start3A_85 = arith.constant 0 : i32
    %dma_start3A_86 = arith.constant 0 : i32
    %dma_start3A_87 = tpu.memref_slice %arg2[%dma_start3A_85, %dma_start3A_86] : memref<10000x128xf32, #tpu.memory_space<hbm>> -> memref<10000x128xf32, #tpu.memory_space<hbm>>
    tpu.enqueue_indirect_dma source(%dma_start3A_87 : memref<10000x128xf32, #tpu.memory_space<hbm>>) target(%arg12 : memref<40x128xf32, #tpu.memory_space<vmem>>) offsets(%dma_start3A_84 : memref<40xi32, #tpu.memory_space<vmem>>) semaphore(%arg30 : memref<!tpu.dma_semaphore, #tpu.memory_space<semaphore_mem>>) {add = true}
    %dma_wait3A_88 = arith.constant 0 : i32
    %dma_wait3A_89 = arith.constant 0 : i32
    %dma_wait3A_90 = tpu.memref_slice %arg3[%dma_wait3A_88, %dma_wait3A_89] : memref<320000x128xf32, #tpu.memory_space<hbm>> -> memref<40x128xf32, #tpu.memory_space<hbm>>
    %dma_wait3A_91 = arith.constant 0 : i32
    %dma_wait3A_92 = arith.constant 0 : i32
    %dma_wait3A_93 = tpu.memref_slice %arg3[%dma_wait3A_91, %dma_wait3A_92] : memref<320000x128xf32, #tpu.memory_space<hbm>> -> memref<40x128xf32, #tpu.memory_space<hbm>>
    tpu.wait_dma2 semaphore(%arg23 : memref<!tpu.dma_semaphore, #tpu.memory_space<semaphore_mem>>) src(%dma_wait3A_93 : memref<40x128xf32, #tpu.memory_space<hbm>>) dst(%arg13 : memref<40x128xf32, #tpu.memory_space<vmem>>)
    %dma_start3A_94 = arith.constant 1 : i32
    %dma_start3A_95 = arith.constant 0 : i32
    %dma_start3A_96 = tpu.memref_slice %arg8[%dma_start3A_94, %dma_start3A_95] : memref<16x40xi32, #tpu.memory_space<vmem>> -> memref<1x40xi32, #tpu.memory_space<vmem>>
    %dma_start3A_97 = tpu.memref_squeeze %dma_start3A_96 : memref<1x40xi32, #tpu.memory_space<vmem>> -> memref<40xi32, #tpu.memory_space<vmem>>
    %dma_start3A_98 = arith.constant 0 : i32
    %dma_start3A_99 = arith.constant 0 : i32
    %dma_start3A_100 = tpu.memref_slice %arg2[%dma_start3A_98, %dma_start3A_99] : memref<10000x128xf32, #tpu.memory_space<hbm>> -> memref<10000x128xf32, #tpu.memory_space<hbm>>
    tpu.enqueue_indirect_dma source(%dma_start3A_100 : memref<10000x128xf32, #tpu.memory_space<hbm>>) target(%arg13 : memref<40x128xf32, #tpu.memory_space<vmem>>) offsets(%dma_start3A_97 : memref<40xi32, #tpu.memory_space<vmem>>) semaphore(%arg31 : memref<!tpu.dma_semaphore, #tpu.memory_space<semaphore_mem>>) {add = true}
    %scan3A = arith.constant 0 : i32
    %scan3A_101 = arith.constant 0 : i32
    %scan3A_102 = arith.constant 8 : i32
    %scan3A_103 = arith.addi %scan3A_101, %scan3A_102 : i32
    %scan3A_104 = arith.constant 1 : i32
    scf.for %scan3A_164 = %scan3A_101 to %scan3A_103 step %scan3A_104  : i32 {
      %mul3A_165 = arith.constant 32 : i32
      %mul3A_166 = arith.muli %scan3A_164, %mul3A_165 : i32
      %add3A_167 = arith.constant 0 : i32
      %add3A_168 = arith.addi %mul3A_166, %add3A_167 : i32
      %lt3A = arith.constant 250 : i32
      %lt3A_169 = arith.cmpi slt, %add3A_168, %lt3A : i32
      %convert_element_type3A_170 = arith.extui %lt3A_169 : i1 to i32
      %cond3A_171 = arith.constant 0 : i32
      %cond3A_172 = arith.cmpi ne, %convert_element_type3A_170, %cond3A_171 : i32
      scf.if %cond3A_172 {
        %add3A_452 = arith.constant 4 : i32
        %add3A_453 = arith.addi %add3A_168, %add3A_452 : i32
        %lt3A_454 = arith.constant 250 : i32
        %lt3A_455 = arith.cmpi slt, %add3A_453, %lt3A_454 : i32
        %convert_element_type3A_456 = arith.extui %lt3A_455 : i1 to i32
        %cond3A_457 = arith.constant 0 : i32
        %cond3A_458 = arith.cmpi ne, %convert_element_type3A_456, %cond3A_457 : i32
        scf.if %cond3A_458 {
          %ge3A = arith.constant 4 : i32
          %ge3A_479 = arith.cmpi sge, %add3A_168, %ge3A : i32
          %convert_element_type3A_480 = arith.extui %ge3A_479 : i1 to i32
          %cond3A_481 = arith.constant 0 : i32
          %cond3A_482 = arith.cmpi ne, %convert_element_type3A_480, %cond3A_481 : i32
          scf.if %cond3A_482 {
            %dma_wait3A_494 = arith.constant 0 : i32
            %dma_wait3A_495 = arith.constant 0 : i32
            %dma_wait3A_496 = tpu.memref_slice %arg3[%dma_wait3A_494, %dma_wait3A_495] : memref<320000x128xf32, #tpu.memory_space<hbm>> -> memref<40x128xf32, #tpu.memory_space<hbm>>
            %dma_wait3A_497 = arith.constant 0 : i32
            %dma_wait3A_498 = arith.constant 0 : i32
            %dma_wait3A_499 = tpu.memref_slice %arg3[%dma_wait3A_497, %dma_wait3A_498] : memref<320000x128xf32, #tpu.memory_space<hbm>> -> memref<40x128xf32, #tpu.memory_space<hbm>>
            tpu.wait_dma2 semaphore(%arg42 : memref<!tpu.dma_semaphore, #tpu.memory_space<semaphore_mem>>) src(%dma_wait3A_499 : memref<40x128xf32, #tpu.memory_space<hbm>>) dst(%arg16 : memref<40x128xf32, #tpu.memory_space<vmem>>)
          } else {
          }
          %add3A_483 = arith.constant 4 : i32
          %add3A_484 = arith.addi %add3A_168, %add3A_483 : i32
          %mul3A_485 = arith.constant 10000 : i32
          %mul3A_486 = arith.muli %add3A, %mul3A_485 : i32
          %mul3A_487 = arith.constant 40 : i32
          %mul3A_488 = arith.muli %add3A_484, %mul3A_487 : i32
          %add3A_489 = arith.addi %mul3A_486, %mul3A_488 : i32
          %dma_start3A_490 = arith.constant 0 : i32
          %dma_start3A_491 = tpu.memref_slice %arg3[%add3A_489, %dma_start3A_490] : memref<320000x128xf32, #tpu.memory_space<hbm>> -> memref<40x128xf32, #tpu.memory_space<hbm>>
          %dma_start3A_492 = arith.constant 0 : i32
          %dma_start3A_493 = tpu.memref_slice %arg3[%add3A_489, %dma_start3A_492] : memref<320000x128xf32, #tpu.memory_space<hbm>> -> memref<40x128xf32, #tpu.memory_space<hbm>>
          tpu.enqueue_dma source(%dma_start3A_493 : memref<40x128xf32, #tpu.memory_space<hbm>>) target(%arg16 : memref<40x128xf32, #tpu.memory_space<vmem>>) target_semaphore(%arg26 : memref<!tpu.dma_semaphore, #tpu.memory_space<semaphore_mem>>)
        } else {
        }
        %add3A_459 = arith.constant 2 : i32
        %add3A_460 = arith.addi %add3A_168, %add3A_459 : i32
        %lt3A_461 = arith.constant 250 : i32
        %lt3A_462 = arith.cmpi slt, %add3A_460, %lt3A_461 : i32
        %convert_element_type3A_463 = arith.extui %lt3A_462 : i1 to i32
        %cond3A_464 = arith.constant 0 : i32
        %cond3A_465 = arith.cmpi ne, %convert_element_type3A_463, %cond3A_464 : i32
        scf.if %cond3A_465 {
          %dma_wait3A_479 = arith.constant 0 : i32
          %dma_wait3A_480 = arith.constant 0 : i32
          %dma_wait3A_481 = tpu.memref_slice %arg3[%dma_wait3A_479, %dma_wait3A_480] : memref<320000x128xf32, #tpu.memory_space<hbm>> -> memref<40x128xf32, #tpu.memory_space<hbm>>
          %dma_wait3A_482 = arith.constant 0 : i32
          %dma_wait3A_483 = arith.constant 0 : i32
          %dma_wait3A_484 = tpu.memref_slice %arg3[%dma_wait3A_482, %dma_wait3A_483] : memref<320000x128xf32, #tpu.memory_space<hbm>> -> memref<40x128xf32, #tpu.memory_space<hbm>>
          tpu.wait_dma2 semaphore(%arg24 : memref<!tpu.dma_semaphore, #tpu.memory_space<semaphore_mem>>) src(%dma_wait3A_484 : memref<40x128xf32, #tpu.memory_space<hbm>>) dst(%arg14 : memref<40x128xf32, #tpu.memory_space<vmem>>)
          %dma_start3A_485 = arith.constant 2 : i32
          %dma_start3A_486 = arith.constant 0 : i32
          %dma_start3A_487 = tpu.memref_slice %arg8[%dma_start3A_485, %dma_start3A_486] : memref<16x40xi32, #tpu.memory_space<vmem>> -> memref<1x40xi32, #tpu.memory_space<vmem>>
          %dma_start3A_488 = tpu.memref_squeeze %dma_start3A_487 : memref<1x40xi32, #tpu.memory_space<vmem>> -> memref<40xi32, #tpu.memory_space<vmem>>
          %dma_start3A_489 = arith.constant 0 : i32
          %dma_start3A_490 = arith.constant 0 : i32
          %dma_start3A_491 = tpu.memref_slice %arg2[%dma_start3A_489, %dma_start3A_490] : memref<10000x128xf32, #tpu.memory_space<hbm>> -> memref<10000x128xf32, #tpu.memory_space<hbm>>
          tpu.enqueue_indirect_dma source(%dma_start3A_491 : memref<10000x128xf32, #tpu.memory_space<hbm>>) target(%arg14 : memref<40x128xf32, #tpu.memory_space<vmem>>) offsets(%dma_start3A_488 : memref<40xi32, #tpu.memory_space<vmem>>) semaphore(%arg32 : memref<!tpu.dma_semaphore, #tpu.memory_space<semaphore_mem>>) {add = true}
        } else {
        }
        %dma_wait3A_466 = arith.constant 0 : i32
        %dma_wait3A_467 = arith.constant 0 : i32
        %dma_wait3A_468 = tpu.memref_slice %arg3[%dma_wait3A_466, %dma_wait3A_467] : memref<320000x128xf32, #tpu.memory_space<hbm>> -> memref<40x128xf32, #tpu.memory_space<hbm>>
        %dma_wait3A_469 = arith.constant 0 : i32
        %dma_wait3A_470 = arith.constant 0 : i32
        %dma_wait3A_471 = tpu.memref_slice %arg3[%dma_wait3A_469, %dma_wait3A_470] : memref<320000x128xf32, #tpu.memory_space<hbm>> -> memref<40x128xf32, #tpu.memory_space<hbm>>
        tpu.wait_dma2 semaphore(%arg30 : memref<!tpu.dma_semaphore, #tpu.memory_space<semaphore_mem>>) src(%dma_wait3A_471 : memref<40x128xf32, #tpu.memory_space<hbm>>) dst(%arg12 : memref<40x128xf32, #tpu.memory_space<vmem>>)
        %dma_start3A_472 = arith.constant 0 : i32
        %dma_start3A_473 = arith.constant 0 : i32
        %dma_start3A_474 = tpu.memref_slice %arg10[%dma_start3A_472, %dma_start3A_473] : memref<16x40xi32, #tpu.memory_space<vmem>> -> memref<1x40xi32, #tpu.memory_space<vmem>>
        %dma_start3A_475 = tpu.memref_squeeze %dma_start3A_474 : memref<1x40xi32, #tpu.memory_space<vmem>> -> memref<40xi32, #tpu.memory_space<vmem>>
        %dma_start3A_476 = arith.constant 0 : i32
        %dma_start3A_477 = arith.constant 0 : i32
        %dma_start3A_478 = tpu.memref_slice %arg46[%dma_start3A_476, %dma_start3A_477] : memref<10000x128xf32, #tpu.memory_space<vmem_shared>> -> memref<10000x128xf32, #tpu.memory_space<vmem_shared>>
        tpu.enqueue_indirect_dma source(%arg12 : memref<40x128xf32, #tpu.memory_space<vmem>>) target(%dma_start3A_478 : memref<10000x128xf32, #tpu.memory_space<vmem_shared>>) offsets(%dma_start3A_475 : memref<40xi32, #tpu.memory_space<vmem>>) semaphore(%arg38 : memref<!tpu.dma_semaphore, #tpu.memory_space<semaphore_mem>>) {add = true}
      } else {
      }
      %mul3A_173 = arith.constant 32 : i32
      %mul3A_174 = arith.muli %scan3A_164, %mul3A_173 : i32
      %add3A_175 = arith.constant 1 : i32
      %add3A_176 = arith.addi %mul3A_174, %add3A_175 : i32
      %lt3A_177 = arith.constant 250 : i32
      %lt3A_178 = arith.cmpi slt, %add3A_176, %lt3A_177 : i32
      %convert_element_type3A_179 = arith.extui %lt3A_178 : i1 to i32
      %cond3A_180 = arith.constant 0 : i32
      %cond3A_181 = arith.cmpi ne, %convert_element_type3A_179, %cond3A_180 : i32
      scf.if %cond3A_181 {
        %add3A_452 = arith.constant 4 : i32
        %add3A_453 = arith.addi %add3A_176, %add3A_452 : i32
        %lt3A_454 = arith.constant 250 : i32
        %lt3A_455 = arith.cmpi slt, %add3A_453, %lt3A_454 : i32
        %convert_element_type3A_456 = arith.extui %lt3A_455 : i1 to i32
        %cond3A_457 = arith.constant 0 : i32
        %cond3A_458 = arith.cmpi ne, %convert_element_type3A_456, %cond3A_457 : i32
        scf.if %cond3A_458 {
          %ge3A = arith.constant 4 : i32
          %ge3A_479 = arith.cmpi sge, %add3A_176, %ge3A : i32
          %convert_element_type3A_480 = arith.extui %ge3A_479 : i1 to i32
          %cond3A_481 = arith.constant 0 : i32
          %cond3A_482 = arith.cmpi ne, %convert_element_type3A_480, %cond3A_481 : i32
          scf.if %cond3A_482 {
            %dma_wait3A_494 = arith.constant 0 : i32
            %dma_wait3A_495 = arith.constant 0 : i32
            %dma_wait3A_496 = tpu.memref_slice %arg3[%dma_wait3A_494, %dma_wait3A_495] : memref<320000x128xf32, #tpu.memory_space<hbm>> -> memref<40x128xf32, #tpu.memory_space<hbm>>
            %dma_wait3A_497 = arith.constant 0 : i32
            %dma_wait3A_498 = arith.constant 0 : i32
            %dma_wait3A_499 = tpu.memref_slice %arg3[%dma_wait3A_497, %dma_wait3A_498] : memref<320000x128xf32, #tpu.memory_space<hbm>> -> memref<40x128xf32, #tpu.memory_space<hbm>>
            tpu.wait_dma2 semaphore(%arg43 : memref<!tpu.dma_semaphore, #tpu.memory_space<semaphore_mem>>) src(%dma_wait3A_499 : memref<40x128xf32, #tpu.memory_space<hbm>>) dst(%arg17 : memref<40x128xf32, #tpu.memory_space<vmem>>)
          } else {
          }
          %add3A_483 = arith.constant 4 : i32
          %add3A_484 = arith.addi %add3A_176, %add3A_483 : i32
          %mul3A_485 = arith.constant 10000 : i32
          %mul3A_486 = arith.muli %add3A, %mul3A_485 : i32
          %mul3A_487 = arith.constant 40 : i32
          %mul3A_488 = arith.muli %add3A_484, %mul3A_487 : i32
          %add3A_489 = arith.addi %mul3A_486, %mul3A_488 : i32
          %dma_start3A_490 = arith.constant 0 : i32
          %dma_start3A_491 = tpu.memref_slice %arg3[%add3A_489, %dma_start3A_490] : memref<320000x128xf32, #tpu.memory_space<hbm>> -> memref<40x128xf32, #tpu.memory_space<hbm>>
          %dma_start3A_492 = arith.constant 0 : i32
          %dma_start3A_493 = tpu.memref_slice %arg3[%add3A_489, %dma_start3A_492] : memref<320000x128xf32, #tpu.memory_space<hbm>> -> memref<40x128xf32, #tpu.memory_space<hbm>>
          tpu.enqueue_dma source(%dma_start3A_493 : memref<40x128xf32, #tpu.memory_space<hbm>>) target(%arg17 : memref<40x128xf32, #tpu.memory_space<vmem>>) target_semaphore(%arg27 : memref<!tpu.dma_semaphore, #tpu.memory_space<semaphore_mem>>)
        } else {
        }
        %add3A_459 = arith.constant 2 : i32
        %add3A_460 = arith.addi %add3A_176, %add3A_459 : i32
        %lt3A_461 = arith.constant 250 : i32
        %lt3A_462 = arith.cmpi slt, %add3A_460, %lt3A_461 : i32
        %convert_element_type3A_463 = arith.extui %lt3A_462 : i1 to i32
        %cond3A_464 = arith.constant 0 : i32
        %cond3A_465 = arith.cmpi ne, %convert_element_type3A_463, %cond3A_464 : i32
        scf.if %cond3A_465 {
          %dma_wait3A_479 = arith.constant 0 : i32
          %dma_wait3A_480 = arith.constant 0 : i32
          %dma_wait3A_481 = tpu.memref_slice %arg3[%dma_wait3A_479, %dma_wait3A_480] : memref<320000x128xf32, #tpu.memory_space<hbm>> -> memref<40x128xf32, #tpu.memory_space<hbm>>
          %dma_wait3A_482 = arith.constant 0 : i32
          %dma_wait3A_483 = arith.constant 0 : i32
          %dma_wait3A_484 = tpu.memref_slice %arg3[%dma_wait3A_482, %dma_wait3A_483] : memref<320000x128xf32, #tpu.memory_space<hbm>> -> memref<40x128xf32, #tpu.memory_space<hbm>>
          tpu.wait_dma2 semaphore(%arg25 : memref<!tpu.dma_semaphore, #tpu.memory_space<semaphore_mem>>) src(%dma_wait3A_484 : memref<40x128xf32, #tpu.memory_space<hbm>>) dst(%arg15 : memref<40x128xf32, #tpu.memory_space<vmem>>)
          %dma_start3A_485 = arith.constant 3 : i32
          %dma_start3A_486 = arith.constant 0 : i32
          %dma_start3A_487 = tpu.memref_slice %arg8[%dma_start3A_485, %dma_start3A_486] : memref<16x40xi32, #tpu.memory_space<vmem>> -> memref<1x40xi32, #tpu.memory_space<vmem>>
          %dma_start3A_488 = tpu.memref_squeeze %dma_start3A_487 : memref<1x40xi32, #tpu.memory_space<vmem>> -> memref<40xi32, #tpu.memory_space<vmem>>
          %dma_start3A_489 = arith.constant 0 : i32
          %dma_start3A_490 = arith.constant 0 : i32
          %dma_start3A_491 = tpu.memref_slice %arg2[%dma_start3A_489, %dma_start3A_490] : memref<10000x128xf32, #tpu.memory_space<hbm>> -> memref<10000x128xf32, #tpu.memory_space<hbm>>
          tpu.enqueue_indirect_dma source(%dma_start3A_491 : memref<10000x128xf32, #tpu.memory_space<hbm>>) target(%arg15 : memref<40x128xf32, #tpu.memory_space<vmem>>) offsets(%dma_start3A_488 : memref<40xi32, #tpu.memory_space<vmem>>) semaphore(%arg33 : memref<!tpu.dma_semaphore, #tpu.memory_space<semaphore_mem>>) {add = true}
        } else {
        }
        %dma_wait3A_466 = arith.constant 0 : i32
        %dma_wait3A_467 = arith.constant 0 : i32
        %dma_wait3A_468 = tpu.memref_slice %arg3[%dma_wait3A_466, %dma_wait3A_467] : memref<320000x128xf32, #tpu.memory_space<hbm>> -> memref<40x128xf32, #tpu.memory_space<hbm>>
        %dma_wait3A_469 = arith.constant 0 : i32
        %dma_wait3A_470 = arith.constant 0 : i32
        %dma_wait3A_471 = tpu.memref_slice %arg3[%dma_wait3A_469, %dma_wait3A_470] : memref<320000x128xf32, #tpu.memory_space<hbm>> -> memref<40x128xf32, #tpu.memory_space<hbm>>
        tpu.wait_dma2 semaphore(%arg31 : memref<!tpu.dma_semaphore, #tpu.memory_space<semaphore_mem>>) src(%dma_wait3A_471 : memref<40x128xf32, #tpu.memory_space<hbm>>) dst(%arg13 : memref<40x128xf32, #tpu.memory_space<vmem>>)
        %dma_start3A_472 = arith.constant 1 : i32
        %dma_start3A_473 = arith.constant 0 : i32
        %dma_start3A_474 = tpu.memref_slice %arg10[%dma_start3A_472, %dma_start3A_473] : memref<16x40xi32, #tpu.memory_space<vmem>> -> memref<1x40xi32, #tpu.memory_space<vmem>>
        %dma_start3A_475 = tpu.memref_squeeze %dma_start3A_474 : memref<1x40xi32, #tpu.memory_space<vmem>> -> memref<40xi32, #tpu.memory_space<vmem>>
        %dma_start3A_476 = arith.constant 0 : i32
        %dma_start3A_477 = arith.constant 0 : i32
        %dma_start3A_478 = tpu.memref_slice %arg46[%dma_start3A_476, %dma_start3A_477] : memref<10000x128xf32, #tpu.memory_space<vmem_shared>> -> memref<10000x128xf32, #tpu.memory_space<vmem_shared>>
        tpu.enqueue_indirect_dma source(%arg13 : memref<40x128xf32, #tpu.memory_space<vmem>>) target(%dma_start3A_478 : memref<10000x128xf32, #tpu.memory_space<vmem_shared>>) offsets(%dma_start3A_475 : memref<40xi32, #tpu.memory_space<vmem>>) semaphore(%arg39 : memref<!tpu.dma_semaphore, #tpu.memory_space<semaphore_mem>>) {add = true}
      } else {
      }
      %mul3A_182 = arith.constant 32 : i32
      %mul3A_183 = arith.muli %scan3A_164, %mul3A_182 : i32
      %add3A_184 = arith.constant 2 : i32
      %add3A_185 = arith.addi %mul3A_183, %add3A_184 : i32
      %lt3A_186 = arith.constant 250 : i32
      %lt3A_187 = arith.cmpi slt, %add3A_185, %lt3A_186 : i32
      %convert_element_type3A_188 = arith.extui %lt3A_187 : i1 to i32
      %cond3A_189 = arith.constant 0 : i32
      %cond3A_190 = arith.cmpi ne, %convert_element_type3A_188, %cond3A_189 : i32
      scf.if %cond3A_190 {
        %add3A_452 = arith.constant 4 : i32
        %add3A_453 = arith.addi %add3A_185, %add3A_452 : i32
        %lt3A_454 = arith.constant 250 : i32
        %lt3A_455 = arith.cmpi slt, %add3A_453, %lt3A_454 : i32
        %convert_element_type3A_456 = arith.extui %lt3A_455 : i1 to i32
        %cond3A_457 = arith.constant 0 : i32
        %cond3A_458 = arith.cmpi ne, %convert_element_type3A_456, %cond3A_457 : i32
        scf.if %cond3A_458 {
          %ge3A = arith.constant 4 : i32
          %ge3A_479 = arith.cmpi sge, %add3A_185, %ge3A : i32
          %convert_element_type3A_480 = arith.extui %ge3A_479 : i1 to i32
          %cond3A_481 = arith.constant 0 : i32
          %cond3A_482 = arith.cmpi ne, %convert_element_type3A_480, %cond3A_481 : i32
          scf.if %cond3A_482 {
            %dma_wait3A_494 = arith.constant 0 : i32
            %dma_wait3A_495 = arith.constant 0 : i32
            %dma_wait3A_496 = tpu.memref_slice %arg3[%dma_wait3A_494, %dma_wait3A_495] : memref<320000x128xf32, #tpu.memory_space<hbm>> -> memref<40x128xf32, #tpu.memory_space<hbm>>
            %dma_wait3A_497 = arith.constant 0 : i32
            %dma_wait3A_498 = arith.constant 0 : i32
            %dma_wait3A_499 = tpu.memref_slice %arg3[%dma_wait3A_497, %dma_wait3A_498] : memref<320000x128xf32, #tpu.memory_space<hbm>> -> memref<40x128xf32, #tpu.memory_space<hbm>>
            tpu.wait_dma2 semaphore(%arg44 : memref<!tpu.dma_semaphore, #tpu.memory_space<semaphore_mem>>) src(%dma_wait3A_499 : memref<40x128xf32, #tpu.memory_space<hbm>>) dst(%arg18 : memref<40x128xf32, #tpu.memory_space<vmem>>)
          } else {
          }
          %add3A_483 = arith.constant 4 : i32
          %add3A_484 = arith.addi %add3A_185, %add3A_483 : i32
          %mul3A_485 = arith.constant 10000 : i32
          %mul3A_486 = arith.muli %add3A, %mul3A_485 : i32
          %mul3A_487 = arith.constant 40 : i32
          %mul3A_488 = arith.muli %add3A_484, %mul3A_487 : i32
          %add3A_489 = arith.addi %mul3A_486, %mul3A_488 : i32
          %dma_start3A_490 = arith.constant 0 : i32
          %dma_start3A_491 = tpu.memref_slice %arg3[%add3A_489, %dma_start3A_490] : memref<320000x128xf32, #tpu.memory_space<hbm>> -> memref<40x128xf32, #tpu.memory_space<hbm>>
          %dma_start3A_492 = arith.constant 0 : i32
          %dma_start3A_493 = tpu.memref_slice %arg3[%add3A_489, %dma_start3A_492] : memref<320000x128xf32, #tpu.memory_space<hbm>> -> memref<40x128xf32, #tpu.memory_space<hbm>>
          tpu.enqueue_dma source(%dma_start3A_493 : memref<40x128xf32, #tpu.memory_space<hbm>>) target(%arg18 : memref<40x128xf32, #tpu.memory_space<vmem>>) target_semaphore(%arg28 : memref<!tpu.dma_semaphore, #tpu.memory_space<semaphore_mem>>)
        } else {
        }
        %add3A_459 = arith.constant 2 : i32
        %add3A_460 = arith.addi %add3A_185, %add3A_459 : i32
        %lt3A_461 = arith.constant 250 : i32
        %lt3A_462 = arith.cmpi slt, %add3A_460, %lt3A_461 : i32
        %convert_element_type3A_463 = arith.extui %lt3A_462 : i1 to i32
        %cond3A_464 = arith.constant 0 : i32
        %cond3A_465 = arith.cmpi ne, %convert_element_type3A_463, %cond3A_464 : i32
        scf.if %cond3A_465 {
          %dma_wait3A_479 = arith.constant 0 : i32
          %dma_wait3A_480 = arith.constant 0 : i32
          %dma_wait3A_481 = tpu.memref_slice %arg3[%dma_wait3A_479, %dma_wait3A_480] : memref<320000x128xf32, #tpu.memory_space<hbm>> -> memref<40x128xf32, #tpu.memory_space<hbm>>
          %dma_wait3A_482 = arith.constant 0 : i32
          %dma_wait3A_483 = arith.constant 0 : i32
          %dma_wait3A_484 = tpu.memref_slice %arg3[%dma_wait3A_482, %dma_wait3A_483] : memref<320000x128xf32, #tpu.memory_space<hbm>> -> memref<40x128xf32, #tpu.memory_space<hbm>>
          tpu.wait_dma2 semaphore(%arg26 : memref<!tpu.dma_semaphore, #tpu.memory_space<semaphore_mem>>) src(%dma_wait3A_484 : memref<40x128xf32, #tpu.memory_space<hbm>>) dst(%arg16 : memref<40x128xf32, #tpu.memory_space<vmem>>)
          %dma_start3A_485 = arith.constant 4 : i32
          %dma_start3A_486 = arith.constant 0 : i32
          %dma_start3A_487 = tpu.memref_slice %arg8[%dma_start3A_485, %dma_start3A_486] : memref<16x40xi32, #tpu.memory_space<vmem>> -> memref<1x40xi32, #tpu.memory_space<vmem>>
          %dma_start3A_488 = tpu.memref_squeeze %dma_start3A_487 : memref<1x40xi32, #tpu.memory_space<vmem>> -> memref<40xi32, #tpu.memory_space<vmem>>
          %dma_start3A_489 = arith.constant 0 : i32
          %dma_start3A_490 = arith.constant 0 : i32
          %dma_start3A_491 = tpu.memref_slice %arg2[%dma_start3A_489, %dma_start3A_490] : memref<10000x128xf32, #tpu.memory_space<hbm>> -> memref<10000x128xf32, #tpu.memory_space<hbm>>
          tpu.enqueue_indirect_dma source(%dma_start3A_491 : memref<10000x128xf32, #tpu.memory_space<hbm>>) target(%arg16 : memref<40x128xf32, #tpu.memory_space<vmem>>) offsets(%dma_start3A_488 : memref<40xi32, #tpu.memory_space<vmem>>) semaphore(%arg34 : memref<!tpu.dma_semaphore, #tpu.memory_space<semaphore_mem>>) {add = true}
        } else {
        }
        %dma_wait3A_466 = arith.constant 0 : i32
        %dma_wait3A_467 = arith.constant 0 : i32
        %dma_wait3A_468 = tpu.memref_slice %arg3[%dma_wait3A_466, %dma_wait3A_467] : memref<320000x128xf32, #tpu.memory_space<hbm>> -> memref<40x128xf32, #tpu.memory_space<hbm>>
        %dma_wait3A_469 = arith.constant 0 : i32
        %dma_wait3A_470 = arith.constant 0 : i32
        %dma_wait3A_471 = tpu.memref_slice %arg3[%dma_wait3A_469, %dma_wait3A_470] : memref<320000x128xf32, #tpu.memory_space<hbm>> -> memref<40x128xf32, #tpu.memory_space<hbm>>
        tpu.wait_dma2 semaphore(%arg32 : memref<!tpu.dma_semaphore, #tpu.memory_space<semaphore_mem>>) src(%dma_wait3A_471 : memref<40x128xf32, #tpu.memory_space<hbm>>) dst(%arg14 : memref<40x128xf32, #tpu.memory_space<vmem>>)
        %dma_start3A_472 = arith.constant 2 : i32
        %dma_start3A_473 = arith.constant 0 : i32
        %dma_start3A_474 = tpu.memref_slice %arg10[%dma_start3A_472, %dma_start3A_473] : memref<16x40xi32, #tpu.memory_space<vmem>> -> memref<1x40xi32, #tpu.memory_space<vmem>>
        %dma_start3A_475 = tpu.memref_squeeze %dma_start3A_474 : memref<1x40xi32, #tpu.memory_space<vmem>> -> memref<40xi32, #tpu.memory_space<vmem>>
        %dma_start3A_476 = arith.constant 0 : i32
        %dma_start3A_477 = arith.constant 0 : i32
        %dma_start3A_478 = tpu.memref_slice %arg46[%dma_start3A_476, %dma_start3A_477] : memref<10000x128xf32, #tpu.memory_space<vmem_shared>> -> memref<10000x128xf32, #tpu.memory_space<vmem_shared>>
        tpu.enqueue_indirect_dma source(%arg14 : memref<40x128xf32, #tpu.memory_space<vmem>>) target(%dma_start3A_478 : memref<10000x128xf32, #tpu.memory_space<vmem_shared>>) offsets(%dma_start3A_475 : memref<40xi32, #tpu.memory_space<vmem>>) semaphore(%arg40 : memref<!tpu.dma_semaphore, #tpu.memory_space<semaphore_mem>>) {add = true}
      } else {
      }
      %mul3A_191 = arith.constant 32 : i32
      %mul3A_192 = arith.muli %scan3A_164, %mul3A_191 : i32
      %add3A_193 = arith.constant 3 : i32
      %add3A_194 = arith.addi %mul3A_192, %add3A_193 : i32
      %lt3A_195 = arith.constant 250 : i32
      %lt3A_196 = arith.cmpi slt, %add3A_194, %lt3A_195 : i32
      %convert_element_type3A_197 = arith.extui %lt3A_196 : i1 to i32
      %cond3A_198 = arith.constant 0 : i32
      %cond3A_199 = arith.cmpi ne, %convert_element_type3A_197, %cond3A_198 : i32
      scf.if %cond3A_199 {
        %add3A_452 = arith.constant 4 : i32
        %add3A_453 = arith.addi %add3A_194, %add3A_452 : i32
        %lt3A_454 = arith.constant 250 : i32
        %lt3A_455 = arith.cmpi slt, %add3A_453, %lt3A_454 : i32
        %convert_element_type3A_456 = arith.extui %lt3A_455 : i1 to i32
        %cond3A_457 = arith.constant 0 : i32
        %cond3A_458 = arith.cmpi ne, %convert_element_type3A_456, %cond3A_457 : i32
        scf.if %cond3A_458 {
          %ge3A = arith.constant 4 : i32
          %ge3A_506 = arith.cmpi sge, %add3A_194, %ge3A : i32
          %convert_element_type3A_507 = arith.extui %ge3A_506 : i1 to i32
          %cond3A_508 = arith.constant 0 : i32
          %cond3A_509 = arith.cmpi ne, %convert_element_type3A_507, %cond3A_508 : i32
          scf.if %cond3A_509 {
            %dma_wait3A_521 = arith.constant 0 : i32
            %dma_wait3A_522 = arith.constant 0 : i32
            %dma_wait3A_523 = tpu.memref_slice %arg3[%dma_wait3A_521, %dma_wait3A_522] : memref<320000x128xf32, #tpu.memory_space<hbm>> -> memref<40x128xf32, #tpu.memory_space<hbm>>
            %dma_wait3A_524 = arith.constant 0 : i32
            %dma_wait3A_525 = arith.constant 0 : i32
            %dma_wait3A_526 = tpu.memref_slice %arg3[%dma_wait3A_524, %dma_wait3A_525] : memref<320000x128xf32, #tpu.memory_space<hbm>> -> memref<40x128xf32, #tpu.memory_space<hbm>>
            tpu.wait_dma2 semaphore(%arg45 : memref<!tpu.dma_semaphore, #tpu.memory_space<semaphore_mem>>) src(%dma_wait3A_526 : memref<40x128xf32, #tpu.memory_space<hbm>>) dst(%arg19 : memref<40x128xf32, #tpu.memory_space<vmem>>)
          } else {
          }
          %add3A_510 = arith.constant 4 : i32
          %add3A_511 = arith.addi %add3A_194, %add3A_510 : i32
          %mul3A_512 = arith.constant 10000 : i32
          %mul3A_513 = arith.muli %add3A, %mul3A_512 : i32
          %mul3A_514 = arith.constant 40 : i32
          %mul3A_515 = arith.muli %add3A_511, %mul3A_514 : i32
          %add3A_516 = arith.addi %mul3A_513, %mul3A_515 : i32
          %dma_start3A_517 = arith.constant 0 : i32
          %dma_start3A_518 = tpu.memref_slice %arg3[%add3A_516, %dma_start3A_517] : memref<320000x128xf32, #tpu.memory_space<hbm>> -> memref<40x128xf32, #tpu.memory_space<hbm>>
          %dma_start3A_519 = arith.constant 0 : i32
          %dma_start3A_520 = tpu.memref_slice %arg3[%add3A_516, %dma_start3A_519] : memref<320000x128xf32, #tpu.memory_space<hbm>> -> memref<40x128xf32, #tpu.memory_space<hbm>>
          tpu.enqueue_dma source(%dma_start3A_520 : memref<40x128xf32, #tpu.memory_space<hbm>>) target(%arg19 : memref<40x128xf32, #tpu.memory_space<vmem>>) target_semaphore(%arg29 : memref<!tpu.dma_semaphore, #tpu.memory_space<semaphore_mem>>)
        } else {
        }
        %add3A_459 = arith.constant 16 : i32
        %add3A_460 = arith.addi %add3A_194, %add3A_459 : i32
        %sub3A = arith.constant 3 : i32
        %sub3A_461 = arith.subi %add3A_460, %sub3A : i32
        %jit3A = arith.constant 16 : i32
        %div3A = arith.divsi %sub3A_461, %jit3A : i32
        %sign3A = arith.constant 0 : i32
        %sign3A_462 = arith.cmpi sgt, %sub3A_461, %sign3A : i32
        %sign3A_463 = arith.extui %sign3A_462 : i1 to i32
        %sign3A_464 = arith.constant 0 : i32
        %sign3A_465 = arith.cmpi slt, %sub3A_461, %sign3A_464 : i32
        %sign3A_466 = arith.extui %sign3A_465 : i1 to i32
        %sign3A_467 = arith.subi %sign3A_463, %sign3A_466 : i32
        %sign3A_468 = arith.constant 0 : i32
        %sign3A_469 = arith.cmpi sgt, %jit3A, %sign3A_468 : i32
        %sign3A_470 = arith.extui %sign3A_469 : i1 to i32
        %sign3A_471 = arith.constant 0 : i32
        %sign3A_472 = arith.cmpi slt, %jit3A, %sign3A_471 : i32
        %sign3A_473 = arith.extui %sign3A_472 : i1 to i32
        %sign3A_474 = arith.subi %sign3A_470, %sign3A_473 : i32
        %ne3A = arith.cmpi ne, %sign3A_467, %sign3A_474 : i32
        %rem3A = arith.remsi %sub3A_461, %jit3A : i32
        %ne3A_475 = arith.constant 0 : i32
        %ne3A_476 = arith.cmpi ne, %rem3A, %ne3A_475 : i32
        %and3A = arith.andi %ne3A, %ne3A_476 : i1
        %sub3A_477 = arith.constant 1 : i32
        %sub3A_478 = arith.subi %div3A, %sub3A_477 : i32
        %select_n3A = arith.select %and3A, %sub3A_478, %div3A : i32
        %mul3A_479 = arith.constant 16 : i32
        %mul3A_480 = arith.muli %select_n3A, %mul3A_479 : i32
        %lt3A_481 = arith.constant 250 : i32
        %lt3A_482 = arith.cmpi slt, %mul3A_480, %lt3A_481 : i32
        %convert_element_type3A_483 = arith.extui %lt3A_482 : i1 to i32
        %cond3A_484 = arith.constant 0 : i32
        %cond3A_485 = arith.cmpi ne, %convert_element_type3A_483, %cond3A_484 : i32
        scf.if %cond3A_485 {
          %mul3A_506 = arith.constant 16 : i32
          %mul3A_507 = arith.muli %add3A, %mul3A_506 : i32
          %add3A_508 = arith.addi %mul3A_507, %select_n3A : i32
          %dma_start3A_509 = arith.constant 0 : i32
          %dma_start3A_510 = arith.constant 0 : i32
          %dma_start3A_511 = tpu.memref_slice %arg4[%add3A_508, %dma_start3A_509, %dma_start3A_510] : memref<512x16x40xi32, #tpu.memory_space<hbm>> -> memref<1x16x40xi32, #tpu.memory_space<hbm>>
          %dma_start3A_512 = tpu.memref_squeeze %dma_start3A_511 : memref<1x16x40xi32, #tpu.memory_space<hbm>> -> memref<16x40xi32, #tpu.memory_space<hbm>>
          %dma_start3A_513 = arith.constant 0 : i32
          %dma_start3A_514 = arith.constant 0 : i32
          %dma_start3A_515 = tpu.memref_slice %arg4[%add3A_508, %dma_start3A_513, %dma_start3A_514] : memref<512x16x40xi32, #tpu.memory_space<hbm>> -> memref<1x16x40xi32, #tpu.memory_space<hbm>>
          %dma_start3A_516 = tpu.memref_squeeze %dma_start3A_515 : memref<1x16x40xi32, #tpu.memory_space<hbm>> -> memref<16x40xi32, #tpu.memory_space<hbm>>
          tpu.enqueue_dma source(%dma_start3A_516 : memref<16x40xi32, #tpu.memory_space<hbm>>) target(%arg9 : memref<16x40xi32, #tpu.memory_space<vmem>>) target_semaphore(%arg21 : memref<!tpu.dma_semaphore, #tpu.memory_space<semaphore_mem>>)
          %dma_start3A_517 = arith.constant 0 : i32
          %dma_start3A_518 = arith.constant 0 : i32
          %dma_start3A_519 = tpu.memref_slice %arg5[%add3A_508, %dma_start3A_517, %dma_start3A_518] : memref<512x16x40xi32, #tpu.memory_space<hbm>> -> memref<1x16x40xi32, #tpu.memory_space<hbm>>
          %dma_start3A_520 = tpu.memref_squeeze %dma_start3A_519 : memref<1x16x40xi32, #tpu.memory_space<hbm>> -> memref<16x40xi32, #tpu.memory_space<hbm>>
          %dma_start3A_521 = arith.constant 0 : i32
          %dma_start3A_522 = arith.constant 0 : i32
          %dma_start3A_523 = tpu.memref_slice %arg5[%add3A_508, %dma_start3A_521, %dma_start3A_522] : memref<512x16x40xi32, #tpu.memory_space<hbm>> -> memref<1x16x40xi32, #tpu.memory_space<hbm>>
          %dma_start3A_524 = tpu.memref_squeeze %dma_start3A_523 : memref<1x16x40xi32, #tpu.memory_space<hbm>> -> memref<16x40xi32, #tpu.memory_space<hbm>>
          tpu.enqueue_dma source(%dma_start3A_524 : memref<16x40xi32, #tpu.memory_space<hbm>>) target(%arg11 : memref<16x40xi32, #tpu.memory_space<vmem>>) target_semaphore(%arg21 : memref<!tpu.dma_semaphore, #tpu.memory_space<semaphore_mem>>)
        } else {
        }
        %add3A_486 = arith.constant 2 : i32
        %add3A_487 = arith.addi %add3A_194, %add3A_486 : i32
        %lt3A_488 = arith.constant 250 : i32
        %lt3A_489 = arith.cmpi slt, %add3A_487, %lt3A_488 : i32
        %convert_element_type3A_490 = arith.extui %lt3A_489 : i1 to i32
        %cond3A_491 = arith.constant 0 : i32
        %cond3A_492 = arith.cmpi ne, %convert_element_type3A_490, %cond3A_491 : i32
        scf.if %cond3A_492 {
          %dma_wait3A_506 = arith.constant 0 : i32
          %dma_wait3A_507 = arith.constant 0 : i32
          %dma_wait3A_508 = tpu.memref_slice %arg3[%dma_wait3A_506, %dma_wait3A_507] : memref<320000x128xf32, #tpu.memory_space<hbm>> -> memref<40x128xf32, #tpu.memory_space<hbm>>
          %dma_wait3A_509 = arith.constant 0 : i32
          %dma_wait3A_510 = arith.constant 0 : i32
          %dma_wait3A_511 = tpu.memref_slice %arg3[%dma_wait3A_509, %dma_wait3A_510] : memref<320000x128xf32, #tpu.memory_space<hbm>> -> memref<40x128xf32, #tpu.memory_space<hbm>>
          tpu.wait_dma2 semaphore(%arg27 : memref<!tpu.dma_semaphore, #tpu.memory_space<semaphore_mem>>) src(%dma_wait3A_511 : memref<40x128xf32, #tpu.memory_space<hbm>>) dst(%arg17 : memref<40x128xf32, #tpu.memory_space<vmem>>)
          %dma_start3A_512 = arith.constant 5 : i32
          %dma_start3A_513 = arith.constant 0 : i32
          %dma_start3A_514 = tpu.memref_slice %arg8[%dma_start3A_512, %dma_start3A_513] : memref<16x40xi32, #tpu.memory_space<vmem>> -> memref<1x40xi32, #tpu.memory_space<vmem>>
          %dma_start3A_515 = tpu.memref_squeeze %dma_start3A_514 : memref<1x40xi32, #tpu.memory_space<vmem>> -> memref<40xi32, #tpu.memory_space<vmem>>
          %dma_start3A_516 = arith.constant 0 : i32
          %dma_start3A_517 = arith.constant 0 : i32
          %dma_start3A_518 = tpu.memref_slice %arg2[%dma_start3A_516, %dma_start3A_517] : memref<10000x128xf32, #tpu.memory_space<hbm>> -> memref<10000x128xf32, #tpu.memory_space<hbm>>
          tpu.enqueue_indirect_dma source(%dma_start3A_518 : memref<10000x128xf32, #tpu.memory_space<hbm>>) target(%arg17 : memref<40x128xf32, #tpu.memory_space<vmem>>) offsets(%dma_start3A_515 : memref<40xi32, #tpu.memory_space<vmem>>) semaphore(%arg35 : memref<!tpu.dma_semaphore, #tpu.memory_space<semaphore_mem>>) {add = true}
        } else {
        }
        %dma_wait3A_493 = arith.constant 0 : i32
        %dma_wait3A_494 = arith.constant 0 : i32
        %dma_wait3A_495 = tpu.memref_slice %arg3[%dma_wait3A_493, %dma_wait3A_494] : memref<320000x128xf32, #tpu.memory_space<hbm>> -> memref<40x128xf32, #tpu.memory_space<hbm>>
        %dma_wait3A_496 = arith.constant 0 : i32
        %dma_wait3A_497 = arith.constant 0 : i32
        %dma_wait3A_498 = tpu.memref_slice %arg3[%dma_wait3A_496, %dma_wait3A_497] : memref<320000x128xf32, #tpu.memory_space<hbm>> -> memref<40x128xf32, #tpu.memory_space<hbm>>
        tpu.wait_dma2 semaphore(%arg33 : memref<!tpu.dma_semaphore, #tpu.memory_space<semaphore_mem>>) src(%dma_wait3A_498 : memref<40x128xf32, #tpu.memory_space<hbm>>) dst(%arg15 : memref<40x128xf32, #tpu.memory_space<vmem>>)
        %dma_start3A_499 = arith.constant 3 : i32
        %dma_start3A_500 = arith.constant 0 : i32
        %dma_start3A_501 = tpu.memref_slice %arg10[%dma_start3A_499, %dma_start3A_500] : memref<16x40xi32, #tpu.memory_space<vmem>> -> memref<1x40xi32, #tpu.memory_space<vmem>>
        %dma_start3A_502 = tpu.memref_squeeze %dma_start3A_501 : memref<1x40xi32, #tpu.memory_space<vmem>> -> memref<40xi32, #tpu.memory_space<vmem>>
        %dma_start3A_503 = arith.constant 0 : i32
        %dma_start3A_504 = arith.constant 0 : i32
        %dma_start3A_505 = tpu.memref_slice %arg46[%dma_start3A_503, %dma_start3A_504] : memref<10000x128xf32, #tpu.memory_space<vmem_shared>> -> memref<10000x128xf32, #tpu.memory_space<vmem_shared>>
        tpu.enqueue_indirect_dma source(%arg15 : memref<40x128xf32, #tpu.memory_space<vmem>>) target(%dma_start3A_505 : memref<10000x128xf32, #tpu.memory_space<vmem_shared>>) offsets(%dma_start3A_502 : memref<40xi32, #tpu.memory_space<vmem>>) semaphore(%arg41 : memref<!tpu.dma_semaphore, #tpu.memory_space<semaphore_mem>>) {add = true}
      } else {
      }
      %mul3A_200 = arith.constant 32 : i32
      %mul3A_201 = arith.muli %scan3A_164, %mul3A_200 : i32
      %add3A_202 = arith.constant 4 : i32
      %add3A_203 = arith.addi %mul3A_201, %add3A_202 : i32
      %lt3A_204 = arith.constant 250 : i32
      %lt3A_205 = arith.cmpi slt, %add3A_203, %lt3A_204 : i32
      %convert_element_type3A_206 = arith.extui %lt3A_205 : i1 to i32
      %cond3A_207 = arith.constant 0 : i32
      %cond3A_208 = arith.cmpi ne, %convert_element_type3A_206, %cond3A_207 : i32
      scf.if %cond3A_208 {
        %add3A_452 = arith.constant 4 : i32
        %add3A_453 = arith.addi %add3A_203, %add3A_452 : i32
        %lt3A_454 = arith.constant 250 : i32
        %lt3A_455 = arith.cmpi slt, %add3A_453, %lt3A_454 : i32
        %convert_element_type3A_456 = arith.extui %lt3A_455 : i1 to i32
        %cond3A_457 = arith.constant 0 : i32
        %cond3A_458 = arith.cmpi ne, %convert_element_type3A_456, %cond3A_457 : i32
        scf.if %cond3A_458 {
          %ge3A = arith.constant 4 : i32
          %ge3A_479 = arith.cmpi sge, %add3A_203, %ge3A : i32
          %convert_element_type3A_480 = arith.extui %ge3A_479 : i1 to i32
          %cond3A_481 = arith.constant 0 : i32
          %cond3A_482 = arith.cmpi ne, %convert_element_type3A_480, %cond3A_481 : i32
          scf.if %cond3A_482 {
            %dma_wait3A_494 = arith.constant 0 : i32
            %dma_wait3A_495 = arith.constant 0 : i32
            %dma_wait3A_496 = tpu.memref_slice %arg3[%dma_wait3A_494, %dma_wait3A_495] : memref<320000x128xf32, #tpu.memory_space<hbm>> -> memref<40x128xf32, #tpu.memory_space<hbm>>
            %dma_wait3A_497 = arith.constant 0 : i32
            %dma_wait3A_498 = arith.constant 0 : i32
            %dma_wait3A_499 = tpu.memref_slice %arg3[%dma_wait3A_497, %dma_wait3A_498] : memref<320000x128xf32, #tpu.memory_space<hbm>> -> memref<40x128xf32, #tpu.memory_space<hbm>>
            tpu.wait_dma2 semaphore(%arg38 : memref<!tpu.dma_semaphore, #tpu.memory_space<semaphore_mem>>) src(%dma_wait3A_499 : memref<40x128xf32, #tpu.memory_space<hbm>>) dst(%arg12 : memref<40x128xf32, #tpu.memory_space<vmem>>)
          } else {
          }
          %add3A_483 = arith.constant 4 : i32
          %add3A_484 = arith.addi %add3A_203, %add3A_483 : i32
          %mul3A_485 = arith.constant 10000 : i32
          %mul3A_486 = arith.muli %add3A, %mul3A_485 : i32
          %mul3A_487 = arith.constant 40 : i32
          %mul3A_488 = arith.muli %add3A_484, %mul3A_487 : i32
          %add3A_489 = arith.addi %mul3A_486, %mul3A_488 : i32
          %dma_start3A_490 = arith.constant 0 : i32
          %dma_start3A_491 = tpu.memref_slice %arg3[%add3A_489, %dma_start3A_490] : memref<320000x128xf32, #tpu.memory_space<hbm>> -> memref<40x128xf32, #tpu.memory_space<hbm>>
          %dma_start3A_492 = arith.constant 0 : i32
          %dma_start3A_493 = tpu.memref_slice %arg3[%add3A_489, %dma_start3A_492] : memref<320000x128xf32, #tpu.memory_space<hbm>> -> memref<40x128xf32, #tpu.memory_space<hbm>>
          tpu.enqueue_dma source(%dma_start3A_493 : memref<40x128xf32, #tpu.memory_space<hbm>>) target(%arg12 : memref<40x128xf32, #tpu.memory_space<vmem>>) target_semaphore(%arg22 : memref<!tpu.dma_semaphore, #tpu.memory_space<semaphore_mem>>)
        } else {
        }
        %add3A_459 = arith.constant 2 : i32
        %add3A_460 = arith.addi %add3A_203, %add3A_459 : i32
        %lt3A_461 = arith.constant 250 : i32
        %lt3A_462 = arith.cmpi slt, %add3A_460, %lt3A_461 : i32
        %convert_element_type3A_463 = arith.extui %lt3A_462 : i1 to i32
        %cond3A_464 = arith.constant 0 : i32
        %cond3A_465 = arith.cmpi ne, %convert_element_type3A_463, %cond3A_464 : i32
        scf.if %cond3A_465 {
          %dma_wait3A_479 = arith.constant 0 : i32
          %dma_wait3A_480 = arith.constant 0 : i32
          %dma_wait3A_481 = tpu.memref_slice %arg3[%dma_wait3A_479, %dma_wait3A_480] : memref<320000x128xf32, #tpu.memory_space<hbm>> -> memref<40x128xf32, #tpu.memory_space<hbm>>
          %dma_wait3A_482 = arith.constant 0 : i32
          %dma_wait3A_483 = arith.constant 0 : i32
          %dma_wait3A_484 = tpu.memref_slice %arg3[%dma_wait3A_482, %dma_wait3A_483] : memref<320000x128xf32, #tpu.memory_space<hbm>> -> memref<40x128xf32, #tpu.memory_space<hbm>>
          tpu.wait_dma2 semaphore(%arg28 : memref<!tpu.dma_semaphore, #tpu.memory_space<semaphore_mem>>) src(%dma_wait3A_484 : memref<40x128xf32, #tpu.memory_space<hbm>>) dst(%arg18 : memref<40x128xf32, #tpu.memory_space<vmem>>)
          %dma_start3A_485 = arith.constant 6 : i32
          %dma_start3A_486 = arith.constant 0 : i32
          %dma_start3A_487 = tpu.memref_slice %arg8[%dma_start3A_485, %dma_start3A_486] : memref<16x40xi32, #tpu.memory_space<vmem>> -> memref<1x40xi32, #tpu.memory_space<vmem>>
          %dma_start3A_488 = tpu.memref_squeeze %dma_start3A_487 : memref<1x40xi32, #tpu.memory_space<vmem>> -> memref<40xi32, #tpu.memory_space<vmem>>
          %dma_start3A_489 = arith.constant 0 : i32
          %dma_start3A_490 = arith.constant 0 : i32
          %dma_start3A_491 = tpu.memref_slice %arg2[%dma_start3A_489, %dma_start3A_490] : memref<10000x128xf32, #tpu.memory_space<hbm>> -> memref<10000x128xf32, #tpu.memory_space<hbm>>
          tpu.enqueue_indirect_dma source(%dma_start3A_491 : memref<10000x128xf32, #tpu.memory_space<hbm>>) target(%arg18 : memref<40x128xf32, #tpu.memory_space<vmem>>) offsets(%dma_start3A_488 : memref<40xi32, #tpu.memory_space<vmem>>) semaphore(%arg36 : memref<!tpu.dma_semaphore, #tpu.memory_space<semaphore_mem>>) {add = true}
        } else {
        }
        %dma_wait3A_466 = arith.constant 0 : i32
        %dma_wait3A_467 = arith.constant 0 : i32
        %dma_wait3A_468 = tpu.memref_slice %arg3[%dma_wait3A_466, %dma_wait3A_467] : memref<320000x128xf32, #tpu.memory_space<hbm>> -> memref<40x128xf32, #tpu.memory_space<hbm>>
        %dma_wait3A_469 = arith.constant 0 : i32
        %dma_wait3A_470 = arith.constant 0 : i32
        %dma_wait3A_471 = tpu.memref_slice %arg3[%dma_wait3A_469, %dma_wait3A_470] : memref<320000x128xf32, #tpu.memory_space<hbm>> -> memref<40x128xf32, #tpu.memory_space<hbm>>
        tpu.wait_dma2 semaphore(%arg34 : memref<!tpu.dma_semaphore, #tpu.memory_space<semaphore_mem>>) src(%dma_wait3A_471 : memref<40x128xf32, #tpu.memory_space<hbm>>) dst(%arg16 : memref<40x128xf32, #tpu.memory_space<vmem>>)
        %dma_start3A_472 = arith.constant 4 : i32
        %dma_start3A_473 = arith.constant 0 : i32
        %dma_start3A_474 = tpu.memref_slice %arg10[%dma_start3A_472, %dma_start3A_473] : memref<16x40xi32, #tpu.memory_space<vmem>> -> memref<1x40xi32, #tpu.memory_space<vmem>>
        %dma_start3A_475 = tpu.memref_squeeze %dma_start3A_474 : memref<1x40xi32, #tpu.memory_space<vmem>> -> memref<40xi32, #tpu.memory_space<vmem>>
        %dma_start3A_476 = arith.constant 0 : i32
        %dma_start3A_477 = arith.constant 0 : i32
        %dma_start3A_478 = tpu.memref_slice %arg46[%dma_start3A_476, %dma_start3A_477] : memref<10000x128xf32, #tpu.memory_space<vmem_shared>> -> memref<10000x128xf32, #tpu.memory_space<vmem_shared>>
        tpu.enqueue_indirect_dma source(%arg16 : memref<40x128xf32, #tpu.memory_space<vmem>>) target(%dma_start3A_478 : memref<10000x128xf32, #tpu.memory_space<vmem_shared>>) offsets(%dma_start3A_475 : memref<40xi32, #tpu.memory_space<vmem>>) semaphore(%arg42 : memref<!tpu.dma_semaphore, #tpu.memory_space<semaphore_mem>>) {add = true}
      } else {
      }
      %mul3A_209 = arith.constant 32 : i32
      %mul3A_210 = arith.muli %scan3A_164, %mul3A_209 : i32
      %add3A_211 = arith.constant 5 : i32
      %add3A_212 = arith.addi %mul3A_210, %add3A_211 : i32
      %lt3A_213 = arith.constant 250 : i32
      %lt3A_214 = arith.cmpi slt, %add3A_212, %lt3A_213 : i32
      %convert_element_type3A_215 = arith.extui %lt3A_214 : i1 to i32
      %cond3A_216 = arith.constant 0 : i32
      %cond3A_217 = arith.cmpi ne, %convert_element_type3A_215, %cond3A_216 : i32
      scf.if %cond3A_217 {
        %add3A_452 = arith.constant 4 : i32
        %add3A_453 = arith.addi %add3A_212, %add3A_452 : i32
        %lt3A_454 = arith.constant 250 : i32
        %lt3A_455 = arith.cmpi slt, %add3A_453, %lt3A_454 : i32
        %convert_element_type3A_456 = arith.extui %lt3A_455 : i1 to i32
        %cond3A_457 = arith.constant 0 : i32
        %cond3A_458 = arith.cmpi ne, %convert_element_type3A_456, %cond3A_457 : i32
        scf.if %cond3A_458 {
          %ge3A = arith.constant 4 : i32
          %ge3A_479 = arith.cmpi sge, %add3A_212, %ge3A : i32
          %convert_element_type3A_480 = arith.extui %ge3A_479 : i1 to i32
          %cond3A_481 = arith.constant 0 : i32
          %cond3A_482 = arith.cmpi ne, %convert_element_type3A_480, %cond3A_481 : i32
          scf.if %cond3A_482 {
            %dma_wait3A_494 = arith.constant 0 : i32
            %dma_wait3A_495 = arith.constant 0 : i32
            %dma_wait3A_496 = tpu.memref_slice %arg3[%dma_wait3A_494, %dma_wait3A_495] : memref<320000x128xf32, #tpu.memory_space<hbm>> -> memref<40x128xf32, #tpu.memory_space<hbm>>
            %dma_wait3A_497 = arith.constant 0 : i32
            %dma_wait3A_498 = arith.constant 0 : i32
            %dma_wait3A_499 = tpu.memref_slice %arg3[%dma_wait3A_497, %dma_wait3A_498] : memref<320000x128xf32, #tpu.memory_space<hbm>> -> memref<40x128xf32, #tpu.memory_space<hbm>>
            tpu.wait_dma2 semaphore(%arg39 : memref<!tpu.dma_semaphore, #tpu.memory_space<semaphore_mem>>) src(%dma_wait3A_499 : memref<40x128xf32, #tpu.memory_space<hbm>>) dst(%arg13 : memref<40x128xf32, #tpu.memory_space<vmem>>)
          } else {
          }
          %add3A_483 = arith.constant 4 : i32
          %add3A_484 = arith.addi %add3A_212, %add3A_483 : i32
          %mul3A_485 = arith.constant 10000 : i32
          %mul3A_486 = arith.muli %add3A, %mul3A_485 : i32
          %mul3A_487 = arith.constant 40 : i32
          %mul3A_488 = arith.muli %add3A_484, %mul3A_487 : i32
          %add3A_489 = arith.addi %mul3A_486, %mul3A_488 : i32
          %dma_start3A_490 = arith.constant 0 : i32
          %dma_start3A_491 = tpu.memref_slice %arg3[%add3A_489, %dma_start3A_490] : memref<320000x128xf32, #tpu.memory_space<hbm>> -> memref<40x128xf32, #tpu.memory_space<hbm>>
          %dma_start3A_492 = arith.constant 0 : i32
          %dma_start3A_493 = tpu.memref_slice %arg3[%add3A_489, %dma_start3A_492] : memref<320000x128xf32, #tpu.memory_space<hbm>> -> memref<40x128xf32, #tpu.memory_space<hbm>>
          tpu.enqueue_dma source(%dma_start3A_493 : memref<40x128xf32, #tpu.memory_space<hbm>>) target(%arg13 : memref<40x128xf32, #tpu.memory_space<vmem>>) target_semaphore(%arg23 : memref<!tpu.dma_semaphore, #tpu.memory_space<semaphore_mem>>)
        } else {
        }
        %add3A_459 = arith.constant 2 : i32
        %add3A_460 = arith.addi %add3A_212, %add3A_459 : i32
        %lt3A_461 = arith.constant 250 : i32
        %lt3A_462 = arith.cmpi slt, %add3A_460, %lt3A_461 : i32
        %convert_element_type3A_463 = arith.extui %lt3A_462 : i1 to i32
        %cond3A_464 = arith.constant 0 : i32
        %cond3A_465 = arith.cmpi ne, %convert_element_type3A_463, %cond3A_464 : i32
        scf.if %cond3A_465 {
          %dma_wait3A_479 = arith.constant 0 : i32
          %dma_wait3A_480 = arith.constant 0 : i32
          %dma_wait3A_481 = tpu.memref_slice %arg3[%dma_wait3A_479, %dma_wait3A_480] : memref<320000x128xf32, #tpu.memory_space<hbm>> -> memref<40x128xf32, #tpu.memory_space<hbm>>
          %dma_wait3A_482 = arith.constant 0 : i32
          %dma_wait3A_483 = arith.constant 0 : i32
          %dma_wait3A_484 = tpu.memref_slice %arg3[%dma_wait3A_482, %dma_wait3A_483] : memref<320000x128xf32, #tpu.memory_space<hbm>> -> memref<40x128xf32, #tpu.memory_space<hbm>>
          tpu.wait_dma2 semaphore(%arg29 : memref<!tpu.dma_semaphore, #tpu.memory_space<semaphore_mem>>) src(%dma_wait3A_484 : memref<40x128xf32, #tpu.memory_space<hbm>>) dst(%arg19 : memref<40x128xf32, #tpu.memory_space<vmem>>)
          %dma_start3A_485 = arith.constant 7 : i32
          %dma_start3A_486 = arith.constant 0 : i32
          %dma_start3A_487 = tpu.memref_slice %arg8[%dma_start3A_485, %dma_start3A_486] : memref<16x40xi32, #tpu.memory_space<vmem>> -> memref<1x40xi32, #tpu.memory_space<vmem>>
          %dma_start3A_488 = tpu.memref_squeeze %dma_start3A_487 : memref<1x40xi32, #tpu.memory_space<vmem>> -> memref<40xi32, #tpu.memory_space<vmem>>
          %dma_start3A_489 = arith.constant 0 : i32
          %dma_start3A_490 = arith.constant 0 : i32
          %dma_start3A_491 = tpu.memref_slice %arg2[%dma_start3A_489, %dma_start3A_490] : memref<10000x128xf32, #tpu.memory_space<hbm>> -> memref<10000x128xf32, #tpu.memory_space<hbm>>
          tpu.enqueue_indirect_dma source(%dma_start3A_491 : memref<10000x128xf32, #tpu.memory_space<hbm>>) target(%arg19 : memref<40x128xf32, #tpu.memory_space<vmem>>) offsets(%dma_start3A_488 : memref<40xi32, #tpu.memory_space<vmem>>) semaphore(%arg37 : memref<!tpu.dma_semaphore, #tpu.memory_space<semaphore_mem>>) {add = true}
        } else {
        }
        %dma_wait3A_466 = arith.constant 0 : i32
        %dma_wait3A_467 = arith.constant 0 : i32
        %dma_wait3A_468 = tpu.memref_slice %arg3[%dma_wait3A_466, %dma_wait3A_467] : memref<320000x128xf32, #tpu.memory_space<hbm>> -> memref<40x128xf32, #tpu.memory_space<hbm>>
        %dma_wait3A_469 = arith.constant 0 : i32
        %dma_wait3A_470 = arith.constant 0 : i32
        %dma_wait3A_471 = tpu.memref_slice %arg3[%dma_wait3A_469, %dma_wait3A_470] : memref<320000x128xf32, #tpu.memory_space<hbm>> -> memref<40x128xf32, #tpu.memory_space<hbm>>
        tpu.wait_dma2 semaphore(%arg35 : memref<!tpu.dma_semaphore, #tpu.memory_space<semaphore_mem>>) src(%dma_wait3A_471 : memref<40x128xf32, #tpu.memory_space<hbm>>) dst(%arg17 : memref<40x128xf32, #tpu.memory_space<vmem>>)
        %dma_start3A_472 = arith.constant 5 : i32
        %dma_start3A_473 = arith.constant 0 : i32
        %dma_start3A_474 = tpu.memref_slice %arg10[%dma_start3A_472, %dma_start3A_473] : memref<16x40xi32, #tpu.memory_space<vmem>> -> memref<1x40xi32, #tpu.memory_space<vmem>>
        %dma_start3A_475 = tpu.memref_squeeze %dma_start3A_474 : memref<1x40xi32, #tpu.memory_space<vmem>> -> memref<40xi32, #tpu.memory_space<vmem>>
        %dma_start3A_476 = arith.constant 0 : i32
        %dma_start3A_477 = arith.constant 0 : i32
        %dma_start3A_478 = tpu.memref_slice %arg46[%dma_start3A_476, %dma_start3A_477] : memref<10000x128xf32, #tpu.memory_space<vmem_shared>> -> memref<10000x128xf32, #tpu.memory_space<vmem_shared>>
        tpu.enqueue_indirect_dma source(%arg17 : memref<40x128xf32, #tpu.memory_space<vmem>>) target(%dma_start3A_478 : memref<10000x128xf32, #tpu.memory_space<vmem_shared>>) offsets(%dma_start3A_475 : memref<40xi32, #tpu.memory_space<vmem>>) semaphore(%arg43 : memref<!tpu.dma_semaphore, #tpu.memory_space<semaphore_mem>>) {add = true}
      } else {
      }
      %mul3A_218 = arith.constant 32 : i32
      %mul3A_219 = arith.muli %scan3A_164, %mul3A_218 : i32
      %add3A_220 = arith.constant 6 : i32
      %add3A_221 = arith.addi %mul3A_219, %add3A_220 : i32
      %lt3A_222 = arith.constant 250 : i32
      %lt3A_223 = arith.cmpi slt, %add3A_221, %lt3A_222 : i32
      %convert_element_type3A_224 = arith.extui %lt3A_223 : i1 to i32
      %cond3A_225 = arith.constant 0 : i32
      %cond3A_226 = arith.cmpi ne, %convert_element_type3A_224, %cond3A_225 : i32
      scf.if %cond3A_226 {
        %add3A_452 = arith.constant 4 : i32
        %add3A_453 = arith.addi %add3A_221, %add3A_452 : i32
        %lt3A_454 = arith.constant 250 : i32
        %lt3A_455 = arith.cmpi slt, %add3A_453, %lt3A_454 : i32
        %convert_element_type3A_456 = arith.extui %lt3A_455 : i1 to i32
        %cond3A_457 = arith.constant 0 : i32
        %cond3A_458 = arith.cmpi ne, %convert_element_type3A_456, %cond3A_457 : i32
        scf.if %cond3A_458 {
          %ge3A = arith.constant 4 : i32
          %ge3A_479 = arith.cmpi sge, %add3A_221, %ge3A : i32
          %convert_element_type3A_480 = arith.extui %ge3A_479 : i1 to i32
          %cond3A_481 = arith.constant 0 : i32
          %cond3A_482 = arith.cmpi ne, %convert_element_type3A_480, %cond3A_481 : i32
          scf.if %cond3A_482 {
            %dma_wait3A_494 = arith.constant 0 : i32
            %dma_wait3A_495 = arith.constant 0 : i32
            %dma_wait3A_496 = tpu.memref_slice %arg3[%dma_wait3A_494, %dma_wait3A_495] : memref<320000x128xf32, #tpu.memory_space<hbm>> -> memref<40x128xf32, #tpu.memory_space<hbm>>
            %dma_wait3A_497 = arith.constant 0 : i32
            %dma_wait3A_498 = arith.constant 0 : i32
            %dma_wait3A_499 = tpu.memref_slice %arg3[%dma_wait3A_497, %dma_wait3A_498] : memref<320000x128xf32, #tpu.memory_space<hbm>> -> memref<40x128xf32, #tpu.memory_space<hbm>>
            tpu.wait_dma2 semaphore(%arg40 : memref<!tpu.dma_semaphore, #tpu.memory_space<semaphore_mem>>) src(%dma_wait3A_499 : memref<40x128xf32, #tpu.memory_space<hbm>>) dst(%arg14 : memref<40x128xf32, #tpu.memory_space<vmem>>)
          } else {
          }
          %add3A_483 = arith.constant 4 : i32
          %add3A_484 = arith.addi %add3A_221, %add3A_483 : i32
          %mul3A_485 = arith.constant 10000 : i32
          %mul3A_486 = arith.muli %add3A, %mul3A_485 : i32
          %mul3A_487 = arith.constant 40 : i32
          %mul3A_488 = arith.muli %add3A_484, %mul3A_487 : i32
          %add3A_489 = arith.addi %mul3A_486, %mul3A_488 : i32
          %dma_start3A_490 = arith.constant 0 : i32
          %dma_start3A_491 = tpu.memref_slice %arg3[%add3A_489, %dma_start3A_490] : memref<320000x128xf32, #tpu.memory_space<hbm>> -> memref<40x128xf32, #tpu.memory_space<hbm>>
          %dma_start3A_492 = arith.constant 0 : i32
          %dma_start3A_493 = tpu.memref_slice %arg3[%add3A_489, %dma_start3A_492] : memref<320000x128xf32, #tpu.memory_space<hbm>> -> memref<40x128xf32, #tpu.memory_space<hbm>>
          tpu.enqueue_dma source(%dma_start3A_493 : memref<40x128xf32, #tpu.memory_space<hbm>>) target(%arg14 : memref<40x128xf32, #tpu.memory_space<vmem>>) target_semaphore(%arg24 : memref<!tpu.dma_semaphore, #tpu.memory_space<semaphore_mem>>)
        } else {
        }
        %add3A_459 = arith.constant 2 : i32
        %add3A_460 = arith.addi %add3A_221, %add3A_459 : i32
        %lt3A_461 = arith.constant 250 : i32
        %lt3A_462 = arith.cmpi slt, %add3A_460, %lt3A_461 : i32
        %convert_element_type3A_463 = arith.extui %lt3A_462 : i1 to i32
        %cond3A_464 = arith.constant 0 : i32
        %cond3A_465 = arith.cmpi ne, %convert_element_type3A_463, %cond3A_464 : i32
        scf.if %cond3A_465 {
          %dma_wait3A_479 = arith.constant 0 : i32
          %dma_wait3A_480 = arith.constant 0 : i32
          %dma_wait3A_481 = tpu.memref_slice %arg3[%dma_wait3A_479, %dma_wait3A_480] : memref<320000x128xf32, #tpu.memory_space<hbm>> -> memref<40x128xf32, #tpu.memory_space<hbm>>
          %dma_wait3A_482 = arith.constant 0 : i32
          %dma_wait3A_483 = arith.constant 0 : i32
          %dma_wait3A_484 = tpu.memref_slice %arg3[%dma_wait3A_482, %dma_wait3A_483] : memref<320000x128xf32, #tpu.memory_space<hbm>> -> memref<40x128xf32, #tpu.memory_space<hbm>>
          tpu.wait_dma2 semaphore(%arg22 : memref<!tpu.dma_semaphore, #tpu.memory_space<semaphore_mem>>) src(%dma_wait3A_484 : memref<40x128xf32, #tpu.memory_space<hbm>>) dst(%arg12 : memref<40x128xf32, #tpu.memory_space<vmem>>)
          %dma_start3A_485 = arith.constant 8 : i32
          %dma_start3A_486 = arith.constant 0 : i32
          %dma_start3A_487 = tpu.memref_slice %arg8[%dma_start3A_485, %dma_start3A_486] : memref<16x40xi32, #tpu.memory_space<vmem>> -> memref<1x40xi32, #tpu.memory_space<vmem>>
          %dma_start3A_488 = tpu.memref_squeeze %dma_start3A_487 : memref<1x40xi32, #tpu.memory_space<vmem>> -> memref<40xi32, #tpu.memory_space<vmem>>
          %dma_start3A_489 = arith.constant 0 : i32
          %dma_start3A_490 = arith.constant 0 : i32
          %dma_start3A_491 = tpu.memref_slice %arg2[%dma_start3A_489, %dma_start3A_490] : memref<10000x128xf32, #tpu.memory_space<hbm>> -> memref<10000x128xf32, #tpu.memory_space<hbm>>
          tpu.enqueue_indirect_dma source(%dma_start3A_491 : memref<10000x128xf32, #tpu.memory_space<hbm>>) target(%arg12 : memref<40x128xf32, #tpu.memory_space<vmem>>) offsets(%dma_start3A_488 : memref<40xi32, #tpu.memory_space<vmem>>) semaphore(%arg30 : memref<!tpu.dma_semaphore, #tpu.memory_space<semaphore_mem>>) {add = true}
        } else {
        }
        %dma_wait3A_466 = arith.constant 0 : i32
        %dma_wait3A_467 = arith.constant 0 : i32
        %dma_wait3A_468 = tpu.memref_slice %arg3[%dma_wait3A_466, %dma_wait3A_467] : memref<320000x128xf32, #tpu.memory_space<hbm>> -> memref<40x128xf32, #tpu.memory_space<hbm>>
        %dma_wait3A_469 = arith.constant 0 : i32
        %dma_wait3A_470 = arith.constant 0 : i32
        %dma_wait3A_471 = tpu.memref_slice %arg3[%dma_wait3A_469, %dma_wait3A_470] : memref<320000x128xf32, #tpu.memory_space<hbm>> -> memref<40x128xf32, #tpu.memory_space<hbm>>
        tpu.wait_dma2 semaphore(%arg36 : memref<!tpu.dma_semaphore, #tpu.memory_space<semaphore_mem>>) src(%dma_wait3A_471 : memref<40x128xf32, #tpu.memory_space<hbm>>) dst(%arg18 : memref<40x128xf32, #tpu.memory_space<vmem>>)
        %dma_start3A_472 = arith.constant 6 : i32
        %dma_start3A_473 = arith.constant 0 : i32
        %dma_start3A_474 = tpu.memref_slice %arg10[%dma_start3A_472, %dma_start3A_473] : memref<16x40xi32, #tpu.memory_space<vmem>> -> memref<1x40xi32, #tpu.memory_space<vmem>>
        %dma_start3A_475 = tpu.memref_squeeze %dma_start3A_474 : memref<1x40xi32, #tpu.memory_space<vmem>> -> memref<40xi32, #tpu.memory_space<vmem>>
        %dma_start3A_476 = arith.constant 0 : i32
        %dma_start3A_477 = arith.constant 0 : i32
        %dma_start3A_478 = tpu.memref_slice %arg46[%dma_start3A_476, %dma_start3A_477] : memref<10000x128xf32, #tpu.memory_space<vmem_shared>> -> memref<10000x128xf32, #tpu.memory_space<vmem_shared>>
        tpu.enqueue_indirect_dma source(%arg18 : memref<40x128xf32, #tpu.memory_space<vmem>>) target(%dma_start3A_478 : memref<10000x128xf32, #tpu.memory_space<vmem_shared>>) offsets(%dma_start3A_475 : memref<40xi32, #tpu.memory_space<vmem>>) semaphore(%arg44 : memref<!tpu.dma_semaphore, #tpu.memory_space<semaphore_mem>>) {add = true}
      } else {
      }
      %mul3A_227 = arith.constant 32 : i32
      %mul3A_228 = arith.muli %scan3A_164, %mul3A_227 : i32
      %add3A_229 = arith.constant 7 : i32
      %add3A_230 = arith.addi %mul3A_228, %add3A_229 : i32
      %lt3A_231 = arith.constant 250 : i32
      %lt3A_232 = arith.cmpi slt, %add3A_230, %lt3A_231 : i32
      %convert_element_type3A_233 = arith.extui %lt3A_232 : i1 to i32
      %cond3A_234 = arith.constant 0 : i32
      %cond3A_235 = arith.cmpi ne, %convert_element_type3A_233, %cond3A_234 : i32
      scf.if %cond3A_235 {
        %add3A_452 = arith.constant 4 : i32
        %add3A_453 = arith.addi %add3A_230, %add3A_452 : i32
        %lt3A_454 = arith.constant 250 : i32
        %lt3A_455 = arith.cmpi slt, %add3A_453, %lt3A_454 : i32
        %convert_element_type3A_456 = arith.extui %lt3A_455 : i1 to i32
        %cond3A_457 = arith.constant 0 : i32
        %cond3A_458 = arith.cmpi ne, %convert_element_type3A_456, %cond3A_457 : i32
        scf.if %cond3A_458 {
          %ge3A = arith.constant 4 : i32
          %ge3A_479 = arith.cmpi sge, %add3A_230, %ge3A : i32
          %convert_element_type3A_480 = arith.extui %ge3A_479 : i1 to i32
          %cond3A_481 = arith.constant 0 : i32
          %cond3A_482 = arith.cmpi ne, %convert_element_type3A_480, %cond3A_481 : i32
          scf.if %cond3A_482 {
            %dma_wait3A_494 = arith.constant 0 : i32
            %dma_wait3A_495 = arith.constant 0 : i32
            %dma_wait3A_496 = tpu.memref_slice %arg3[%dma_wait3A_494, %dma_wait3A_495] : memref<320000x128xf32, #tpu.memory_space<hbm>> -> memref<40x128xf32, #tpu.memory_space<hbm>>
            %dma_wait3A_497 = arith.constant 0 : i32
            %dma_wait3A_498 = arith.constant 0 : i32
            %dma_wait3A_499 = tpu.memref_slice %arg3[%dma_wait3A_497, %dma_wait3A_498] : memref<320000x128xf32, #tpu.memory_space<hbm>> -> memref<40x128xf32, #tpu.memory_space<hbm>>
            tpu.wait_dma2 semaphore(%arg41 : memref<!tpu.dma_semaphore, #tpu.memory_space<semaphore_mem>>) src(%dma_wait3A_499 : memref<40x128xf32, #tpu.memory_space<hbm>>) dst(%arg15 : memref<40x128xf32, #tpu.memory_space<vmem>>)
          } else {
          }
          %add3A_483 = arith.constant 4 : i32
          %add3A_484 = arith.addi %add3A_230, %add3A_483 : i32
          %mul3A_485 = arith.constant 10000 : i32
          %mul3A_486 = arith.muli %add3A, %mul3A_485 : i32
          %mul3A_487 = arith.constant 40 : i32
          %mul3A_488 = arith.muli %add3A_484, %mul3A_487 : i32
          %add3A_489 = arith.addi %mul3A_486, %mul3A_488 : i32
          %dma_start3A_490 = arith.constant 0 : i32
          %dma_start3A_491 = tpu.memref_slice %arg3[%add3A_489, %dma_start3A_490] : memref<320000x128xf32, #tpu.memory_space<hbm>> -> memref<40x128xf32, #tpu.memory_space<hbm>>
          %dma_start3A_492 = arith.constant 0 : i32
          %dma_start3A_493 = tpu.memref_slice %arg3[%add3A_489, %dma_start3A_492] : memref<320000x128xf32, #tpu.memory_space<hbm>> -> memref<40x128xf32, #tpu.memory_space<hbm>>
          tpu.enqueue_dma source(%dma_start3A_493 : memref<40x128xf32, #tpu.memory_space<hbm>>) target(%arg15 : memref<40x128xf32, #tpu.memory_space<vmem>>) target_semaphore(%arg25 : memref<!tpu.dma_semaphore, #tpu.memory_space<semaphore_mem>>)
        } else {
        }
        %add3A_459 = arith.constant 2 : i32
        %add3A_460 = arith.addi %add3A_230, %add3A_459 : i32
        %lt3A_461 = arith.constant 250 : i32
        %lt3A_462 = arith.cmpi slt, %add3A_460, %lt3A_461 : i32
        %convert_element_type3A_463 = arith.extui %lt3A_462 : i1 to i32
        %cond3A_464 = arith.constant 0 : i32
        %cond3A_465 = arith.cmpi ne, %convert_element_type3A_463, %cond3A_464 : i32
        scf.if %cond3A_465 {
          %dma_wait3A_479 = arith.constant 0 : i32
          %dma_wait3A_480 = arith.constant 0 : i32
          %dma_wait3A_481 = tpu.memref_slice %arg3[%dma_wait3A_479, %dma_wait3A_480] : memref<320000x128xf32, #tpu.memory_space<hbm>> -> memref<40x128xf32, #tpu.memory_space<hbm>>
          %dma_wait3A_482 = arith.constant 0 : i32
          %dma_wait3A_483 = arith.constant 0 : i32
          %dma_wait3A_484 = tpu.memref_slice %arg3[%dma_wait3A_482, %dma_wait3A_483] : memref<320000x128xf32, #tpu.memory_space<hbm>> -> memref<40x128xf32, #tpu.memory_space<hbm>>
          tpu.wait_dma2 semaphore(%arg23 : memref<!tpu.dma_semaphore, #tpu.memory_space<semaphore_mem>>) src(%dma_wait3A_484 : memref<40x128xf32, #tpu.memory_space<hbm>>) dst(%arg13 : memref<40x128xf32, #tpu.memory_space<vmem>>)
          %dma_start3A_485 = arith.constant 9 : i32
          %dma_start3A_486 = arith.constant 0 : i32
          %dma_start3A_487 = tpu.memref_slice %arg8[%dma_start3A_485, %dma_start3A_486] : memref<16x40xi32, #tpu.memory_space<vmem>> -> memref<1x40xi32, #tpu.memory_space<vmem>>
          %dma_start3A_488 = tpu.memref_squeeze %dma_start3A_487 : memref<1x40xi32, #tpu.memory_space<vmem>> -> memref<40xi32, #tpu.memory_space<vmem>>
          %dma_start3A_489 = arith.constant 0 : i32
          %dma_start3A_490 = arith.constant 0 : i32
          %dma_start3A_491 = tpu.memref_slice %arg2[%dma_start3A_489, %dma_start3A_490] : memref<10000x128xf32, #tpu.memory_space<hbm>> -> memref<10000x128xf32, #tpu.memory_space<hbm>>
          tpu.enqueue_indirect_dma source(%dma_start3A_491 : memref<10000x128xf32, #tpu.memory_space<hbm>>) target(%arg13 : memref<40x128xf32, #tpu.memory_space<vmem>>) offsets(%dma_start3A_488 : memref<40xi32, #tpu.memory_space<vmem>>) semaphore(%arg31 : memref<!tpu.dma_semaphore, #tpu.memory_space<semaphore_mem>>) {add = true}
        } else {
        }
        %dma_wait3A_466 = arith.constant 0 : i32
        %dma_wait3A_467 = arith.constant 0 : i32
        %dma_wait3A_468 = tpu.memref_slice %arg3[%dma_wait3A_466, %dma_wait3A_467] : memref<320000x128xf32, #tpu.memory_space<hbm>> -> memref<40x128xf32, #tpu.memory_space<hbm>>
        %dma_wait3A_469 = arith.constant 0 : i32
        %dma_wait3A_470 = arith.constant 0 : i32
        %dma_wait3A_471 = tpu.memref_slice %arg3[%dma_wait3A_469, %dma_wait3A_470] : memref<320000x128xf32, #tpu.memory_space<hbm>> -> memref<40x128xf32, #tpu.memory_space<hbm>>
        tpu.wait_dma2 semaphore(%arg37 : memref<!tpu.dma_semaphore, #tpu.memory_space<semaphore_mem>>) src(%dma_wait3A_471 : memref<40x128xf32, #tpu.memory_space<hbm>>) dst(%arg19 : memref<40x128xf32, #tpu.memory_space<vmem>>)
        %dma_start3A_472 = arith.constant 7 : i32
        %dma_start3A_473 = arith.constant 0 : i32
        %dma_start3A_474 = tpu.memref_slice %arg10[%dma_start3A_472, %dma_start3A_473] : memref<16x40xi32, #tpu.memory_space<vmem>> -> memref<1x40xi32, #tpu.memory_space<vmem>>
        %dma_start3A_475 = tpu.memref_squeeze %dma_start3A_474 : memref<1x40xi32, #tpu.memory_space<vmem>> -> memref<40xi32, #tpu.memory_space<vmem>>
        %dma_start3A_476 = arith.constant 0 : i32
        %dma_start3A_477 = arith.constant 0 : i32
        %dma_start3A_478 = tpu.memref_slice %arg46[%dma_start3A_476, %dma_start3A_477] : memref<10000x128xf32, #tpu.memory_space<vmem_shared>> -> memref<10000x128xf32, #tpu.memory_space<vmem_shared>>
        tpu.enqueue_indirect_dma source(%arg19 : memref<40x128xf32, #tpu.memory_space<vmem>>) target(%dma_start3A_478 : memref<10000x128xf32, #tpu.memory_space<vmem_shared>>) offsets(%dma_start3A_475 : memref<40xi32, #tpu.memory_space<vmem>>) semaphore(%arg45 : memref<!tpu.dma_semaphore, #tpu.memory_space<semaphore_mem>>) {add = true}
      } else {
      }
      %mul3A_236 = arith.constant 32 : i32
      %mul3A_237 = arith.muli %scan3A_164, %mul3A_236 : i32
      %add3A_238 = arith.constant 8 : i32
      %add3A_239 = arith.addi %mul3A_237, %add3A_238 : i32
      %lt3A_240 = arith.constant 250 : i32
      %lt3A_241 = arith.cmpi slt, %add3A_239, %lt3A_240 : i32
      %convert_element_type3A_242 = arith.extui %lt3A_241 : i1 to i32
      %cond3A_243 = arith.constant 0 : i32
      %cond3A_244 = arith.cmpi ne, %convert_element_type3A_242, %cond3A_243 : i32
      scf.if %cond3A_244 {
        %add3A_452 = arith.constant 4 : i32
        %add3A_453 = arith.addi %add3A_239, %add3A_452 : i32
        %lt3A_454 = arith.constant 250 : i32
        %lt3A_455 = arith.cmpi slt, %add3A_453, %lt3A_454 : i32
        %convert_element_type3A_456 = arith.extui %lt3A_455 : i1 to i32
        %cond3A_457 = arith.constant 0 : i32
        %cond3A_458 = arith.cmpi ne, %convert_element_type3A_456, %cond3A_457 : i32
        scf.if %cond3A_458 {
          %ge3A = arith.constant 4 : i32
          %ge3A_479 = arith.cmpi sge, %add3A_239, %ge3A : i32
          %convert_element_type3A_480 = arith.extui %ge3A_479 : i1 to i32
          %cond3A_481 = arith.constant 0 : i32
          %cond3A_482 = arith.cmpi ne, %convert_element_type3A_480, %cond3A_481 : i32
          scf.if %cond3A_482 {
            %dma_wait3A_494 = arith.constant 0 : i32
            %dma_wait3A_495 = arith.constant 0 : i32
            %dma_wait3A_496 = tpu.memref_slice %arg3[%dma_wait3A_494, %dma_wait3A_495] : memref<320000x128xf32, #tpu.memory_space<hbm>> -> memref<40x128xf32, #tpu.memory_space<hbm>>
            %dma_wait3A_497 = arith.constant 0 : i32
            %dma_wait3A_498 = arith.constant 0 : i32
            %dma_wait3A_499 = tpu.memref_slice %arg3[%dma_wait3A_497, %dma_wait3A_498] : memref<320000x128xf32, #tpu.memory_space<hbm>> -> memref<40x128xf32, #tpu.memory_space<hbm>>
            tpu.wait_dma2 semaphore(%arg42 : memref<!tpu.dma_semaphore, #tpu.memory_space<semaphore_mem>>) src(%dma_wait3A_499 : memref<40x128xf32, #tpu.memory_space<hbm>>) dst(%arg16 : memref<40x128xf32, #tpu.memory_space<vmem>>)
          } else {
          }
          %add3A_483 = arith.constant 4 : i32
          %add3A_484 = arith.addi %add3A_239, %add3A_483 : i32
          %mul3A_485 = arith.constant 10000 : i32
          %mul3A_486 = arith.muli %add3A, %mul3A_485 : i32
          %mul3A_487 = arith.constant 40 : i32
          %mul3A_488 = arith.muli %add3A_484, %mul3A_487 : i32
          %add3A_489 = arith.addi %mul3A_486, %mul3A_488 : i32
          %dma_start3A_490 = arith.constant 0 : i32
          %dma_start3A_491 = tpu.memref_slice %arg3[%add3A_489, %dma_start3A_490] : memref<320000x128xf32, #tpu.memory_space<hbm>> -> memref<40x128xf32, #tpu.memory_space<hbm>>
          %dma_start3A_492 = arith.constant 0 : i32
          %dma_start3A_493 = tpu.memref_slice %arg3[%add3A_489, %dma_start3A_492] : memref<320000x128xf32, #tpu.memory_space<hbm>> -> memref<40x128xf32, #tpu.memory_space<hbm>>
          tpu.enqueue_dma source(%dma_start3A_493 : memref<40x128xf32, #tpu.memory_space<hbm>>) target(%arg16 : memref<40x128xf32, #tpu.memory_space<vmem>>) target_semaphore(%arg26 : memref<!tpu.dma_semaphore, #tpu.memory_space<semaphore_mem>>)
        } else {
        }
        %add3A_459 = arith.constant 2 : i32
        %add3A_460 = arith.addi %add3A_239, %add3A_459 : i32
        %lt3A_461 = arith.constant 250 : i32
        %lt3A_462 = arith.cmpi slt, %add3A_460, %lt3A_461 : i32
        %convert_element_type3A_463 = arith.extui %lt3A_462 : i1 to i32
        %cond3A_464 = arith.constant 0 : i32
        %cond3A_465 = arith.cmpi ne, %convert_element_type3A_463, %cond3A_464 : i32
        scf.if %cond3A_465 {
          %dma_wait3A_479 = arith.constant 0 : i32
          %dma_wait3A_480 = arith.constant 0 : i32
          %dma_wait3A_481 = tpu.memref_slice %arg3[%dma_wait3A_479, %dma_wait3A_480] : memref<320000x128xf32, #tpu.memory_space<hbm>> -> memref<40x128xf32, #tpu.memory_space<hbm>>
          %dma_wait3A_482 = arith.constant 0 : i32
          %dma_wait3A_483 = arith.constant 0 : i32
          %dma_wait3A_484 = tpu.memref_slice %arg3[%dma_wait3A_482, %dma_wait3A_483] : memref<320000x128xf32, #tpu.memory_space<hbm>> -> memref<40x128xf32, #tpu.memory_space<hbm>>
          tpu.wait_dma2 semaphore(%arg24 : memref<!tpu.dma_semaphore, #tpu.memory_space<semaphore_mem>>) src(%dma_wait3A_484 : memref<40x128xf32, #tpu.memory_space<hbm>>) dst(%arg14 : memref<40x128xf32, #tpu.memory_space<vmem>>)
          %dma_start3A_485 = arith.constant 10 : i32
          %dma_start3A_486 = arith.constant 0 : i32
          %dma_start3A_487 = tpu.memref_slice %arg8[%dma_start3A_485, %dma_start3A_486] : memref<16x40xi32, #tpu.memory_space<vmem>> -> memref<1x40xi32, #tpu.memory_space<vmem>>
          %dma_start3A_488 = tpu.memref_squeeze %dma_start3A_487 : memref<1x40xi32, #tpu.memory_space<vmem>> -> memref<40xi32, #tpu.memory_space<vmem>>
          %dma_start3A_489 = arith.constant 0 : i32
          %dma_start3A_490 = arith.constant 0 : i32
          %dma_start3A_491 = tpu.memref_slice %arg2[%dma_start3A_489, %dma_start3A_490] : memref<10000x128xf32, #tpu.memory_space<hbm>> -> memref<10000x128xf32, #tpu.memory_space<hbm>>
          tpu.enqueue_indirect_dma source(%dma_start3A_491 : memref<10000x128xf32, #tpu.memory_space<hbm>>) target(%arg14 : memref<40x128xf32, #tpu.memory_space<vmem>>) offsets(%dma_start3A_488 : memref<40xi32, #tpu.memory_space<vmem>>) semaphore(%arg32 : memref<!tpu.dma_semaphore, #tpu.memory_space<semaphore_mem>>) {add = true}
        } else {
        }
        %dma_wait3A_466 = arith.constant 0 : i32
        %dma_wait3A_467 = arith.constant 0 : i32
        %dma_wait3A_468 = tpu.memref_slice %arg3[%dma_wait3A_466, %dma_wait3A_467] : memref<320000x128xf32, #tpu.memory_space<hbm>> -> memref<40x128xf32, #tpu.memory_space<hbm>>
        %dma_wait3A_469 = arith.constant 0 : i32
        %dma_wait3A_470 = arith.constant 0 : i32
        %dma_wait3A_471 = tpu.memref_slice %arg3[%dma_wait3A_469, %dma_wait3A_470] : memref<320000x128xf32, #tpu.memory_space<hbm>> -> memref<40x128xf32, #tpu.memory_space<hbm>>
        tpu.wait_dma2 semaphore(%arg30 : memref<!tpu.dma_semaphore, #tpu.memory_space<semaphore_mem>>) src(%dma_wait3A_471 : memref<40x128xf32, #tpu.memory_space<hbm>>) dst(%arg12 : memref<40x128xf32, #tpu.memory_space<vmem>>)
        %dma_start3A_472 = arith.constant 8 : i32
        %dma_start3A_473 = arith.constant 0 : i32
        %dma_start3A_474 = tpu.memref_slice %arg10[%dma_start3A_472, %dma_start3A_473] : memref<16x40xi32, #tpu.memory_space<vmem>> -> memref<1x40xi32, #tpu.memory_space<vmem>>
        %dma_start3A_475 = tpu.memref_squeeze %dma_start3A_474 : memref<1x40xi32, #tpu.memory_space<vmem>> -> memref<40xi32, #tpu.memory_space<vmem>>
        %dma_start3A_476 = arith.constant 0 : i32
        %dma_start3A_477 = arith.constant 0 : i32
        %dma_start3A_478 = tpu.memref_slice %arg46[%dma_start3A_476, %dma_start3A_477] : memref<10000x128xf32, #tpu.memory_space<vmem_shared>> -> memref<10000x128xf32, #tpu.memory_space<vmem_shared>>
        tpu.enqueue_indirect_dma source(%arg12 : memref<40x128xf32, #tpu.memory_space<vmem>>) target(%dma_start3A_478 : memref<10000x128xf32, #tpu.memory_space<vmem_shared>>) offsets(%dma_start3A_475 : memref<40xi32, #tpu.memory_space<vmem>>) semaphore(%arg38 : memref<!tpu.dma_semaphore, #tpu.memory_space<semaphore_mem>>) {add = true}
      } else {
      }
      %mul3A_245 = arith.constant 32 : i32
      %mul3A_246 = arith.muli %scan3A_164, %mul3A_245 : i32
      %add3A_247 = arith.constant 9 : i32
      %add3A_248 = arith.addi %mul3A_246, %add3A_247 : i32
      %lt3A_249 = arith.constant 250 : i32
      %lt3A_250 = arith.cmpi slt, %add3A_248, %lt3A_249 : i32
      %convert_element_type3A_251 = arith.extui %lt3A_250 : i1 to i32
      %cond3A_252 = arith.constant 0 : i32
      %cond3A_253 = arith.cmpi ne, %convert_element_type3A_251, %cond3A_252 : i32
      scf.if %cond3A_253 {
        %add3A_452 = arith.constant 4 : i32
        %add3A_453 = arith.addi %add3A_248, %add3A_452 : i32
        %lt3A_454 = arith.constant 250 : i32
        %lt3A_455 = arith.cmpi slt, %add3A_453, %lt3A_454 : i32
        %convert_element_type3A_456 = arith.extui %lt3A_455 : i1 to i32
        %cond3A_457 = arith.constant 0 : i32
        %cond3A_458 = arith.cmpi ne, %convert_element_type3A_456, %cond3A_457 : i32
        scf.if %cond3A_458 {
          %ge3A = arith.constant 4 : i32
          %ge3A_479 = arith.cmpi sge, %add3A_248, %ge3A : i32
          %convert_element_type3A_480 = arith.extui %ge3A_479 : i1 to i32
          %cond3A_481 = arith.constant 0 : i32
          %cond3A_482 = arith.cmpi ne, %convert_element_type3A_480, %cond3A_481 : i32
          scf.if %cond3A_482 {
            %dma_wait3A_494 = arith.constant 0 : i32
            %dma_wait3A_495 = arith.constant 0 : i32
            %dma_wait3A_496 = tpu.memref_slice %arg3[%dma_wait3A_494, %dma_wait3A_495] : memref<320000x128xf32, #tpu.memory_space<hbm>> -> memref<40x128xf32, #tpu.memory_space<hbm>>
            %dma_wait3A_497 = arith.constant 0 : i32
            %dma_wait3A_498 = arith.constant 0 : i32
            %dma_wait3A_499 = tpu.memref_slice %arg3[%dma_wait3A_497, %dma_wait3A_498] : memref<320000x128xf32, #tpu.memory_space<hbm>> -> memref<40x128xf32, #tpu.memory_space<hbm>>
            tpu.wait_dma2 semaphore(%arg43 : memref<!tpu.dma_semaphore, #tpu.memory_space<semaphore_mem>>) src(%dma_wait3A_499 : memref<40x128xf32, #tpu.memory_space<hbm>>) dst(%arg17 : memref<40x128xf32, #tpu.memory_space<vmem>>)
          } else {
          }
          %add3A_483 = arith.constant 4 : i32
          %add3A_484 = arith.addi %add3A_248, %add3A_483 : i32
          %mul3A_485 = arith.constant 10000 : i32
          %mul3A_486 = arith.muli %add3A, %mul3A_485 : i32
          %mul3A_487 = arith.constant 40 : i32
          %mul3A_488 = arith.muli %add3A_484, %mul3A_487 : i32
          %add3A_489 = arith.addi %mul3A_486, %mul3A_488 : i32
          %dma_start3A_490 = arith.constant 0 : i32
          %dma_start3A_491 = tpu.memref_slice %arg3[%add3A_489, %dma_start3A_490] : memref<320000x128xf32, #tpu.memory_space<hbm>> -> memref<40x128xf32, #tpu.memory_space<hbm>>
          %dma_start3A_492 = arith.constant 0 : i32
          %dma_start3A_493 = tpu.memref_slice %arg3[%add3A_489, %dma_start3A_492] : memref<320000x128xf32, #tpu.memory_space<hbm>> -> memref<40x128xf32, #tpu.memory_space<hbm>>
          tpu.enqueue_dma source(%dma_start3A_493 : memref<40x128xf32, #tpu.memory_space<hbm>>) target(%arg17 : memref<40x128xf32, #tpu.memory_space<vmem>>) target_semaphore(%arg27 : memref<!tpu.dma_semaphore, #tpu.memory_space<semaphore_mem>>)
        } else {
        }
        %add3A_459 = arith.constant 2 : i32
        %add3A_460 = arith.addi %add3A_248, %add3A_459 : i32
        %lt3A_461 = arith.constant 250 : i32
        %lt3A_462 = arith.cmpi slt, %add3A_460, %lt3A_461 : i32
        %convert_element_type3A_463 = arith.extui %lt3A_462 : i1 to i32
        %cond3A_464 = arith.constant 0 : i32
        %cond3A_465 = arith.cmpi ne, %convert_element_type3A_463, %cond3A_464 : i32
        scf.if %cond3A_465 {
          %dma_wait3A_479 = arith.constant 0 : i32
          %dma_wait3A_480 = arith.constant 0 : i32
          %dma_wait3A_481 = tpu.memref_slice %arg3[%dma_wait3A_479, %dma_wait3A_480] : memref<320000x128xf32, #tpu.memory_space<hbm>> -> memref<40x128xf32, #tpu.memory_space<hbm>>
          %dma_wait3A_482 = arith.constant 0 : i32
          %dma_wait3A_483 = arith.constant 0 : i32
          %dma_wait3A_484 = tpu.memref_slice %arg3[%dma_wait3A_482, %dma_wait3A_483] : memref<320000x128xf32, #tpu.memory_space<hbm>> -> memref<40x128xf32, #tpu.memory_space<hbm>>
          tpu.wait_dma2 semaphore(%arg25 : memref<!tpu.dma_semaphore, #tpu.memory_space<semaphore_mem>>) src(%dma_wait3A_484 : memref<40x128xf32, #tpu.memory_space<hbm>>) dst(%arg15 : memref<40x128xf32, #tpu.memory_space<vmem>>)
          %dma_start3A_485 = arith.constant 11 : i32
          %dma_start3A_486 = arith.constant 0 : i32
          %dma_start3A_487 = tpu.memref_slice %arg8[%dma_start3A_485, %dma_start3A_486] : memref<16x40xi32, #tpu.memory_space<vmem>> -> memref<1x40xi32, #tpu.memory_space<vmem>>
          %dma_start3A_488 = tpu.memref_squeeze %dma_start3A_487 : memref<1x40xi32, #tpu.memory_space<vmem>> -> memref<40xi32, #tpu.memory_space<vmem>>
          %dma_start3A_489 = arith.constant 0 : i32
          %dma_start3A_490 = arith.constant 0 : i32
          %dma_start3A_491 = tpu.memref_slice %arg2[%dma_start3A_489, %dma_start3A_490] : memref<10000x128xf32, #tpu.memory_space<hbm>> -> memref<10000x128xf32, #tpu.memory_space<hbm>>
          tpu.enqueue_indirect_dma source(%dma_start3A_491 : memref<10000x128xf32, #tpu.memory_space<hbm>>) target(%arg15 : memref<40x128xf32, #tpu.memory_space<vmem>>) offsets(%dma_start3A_488 : memref<40xi32, #tpu.memory_space<vmem>>) semaphore(%arg33 : memref<!tpu.dma_semaphore, #tpu.memory_space<semaphore_mem>>) {add = true}
        } else {
        }
        %dma_wait3A_466 = arith.constant 0 : i32
        %dma_wait3A_467 = arith.constant 0 : i32
        %dma_wait3A_468 = tpu.memref_slice %arg3[%dma_wait3A_466, %dma_wait3A_467] : memref<320000x128xf32, #tpu.memory_space<hbm>> -> memref<40x128xf32, #tpu.memory_space<hbm>>
        %dma_wait3A_469 = arith.constant 0 : i32
        %dma_wait3A_470 = arith.constant 0 : i32
        %dma_wait3A_471 = tpu.memref_slice %arg3[%dma_wait3A_469, %dma_wait3A_470] : memref<320000x128xf32, #tpu.memory_space<hbm>> -> memref<40x128xf32, #tpu.memory_space<hbm>>
        tpu.wait_dma2 semaphore(%arg31 : memref<!tpu.dma_semaphore, #tpu.memory_space<semaphore_mem>>) src(%dma_wait3A_471 : memref<40x128xf32, #tpu.memory_space<hbm>>) dst(%arg13 : memref<40x128xf32, #tpu.memory_space<vmem>>)
        %dma_start3A_472 = arith.constant 9 : i32
        %dma_start3A_473 = arith.constant 0 : i32
        %dma_start3A_474 = tpu.memref_slice %arg10[%dma_start3A_472, %dma_start3A_473] : memref<16x40xi32, #tpu.memory_space<vmem>> -> memref<1x40xi32, #tpu.memory_space<vmem>>
        %dma_start3A_475 = tpu.memref_squeeze %dma_start3A_474 : memref<1x40xi32, #tpu.memory_space<vmem>> -> memref<40xi32, #tpu.memory_space<vmem>>
        %dma_start3A_476 = arith.constant 0 : i32
        %dma_start3A_477 = arith.constant 0 : i32
        %dma_start3A_478 = tpu.memref_slice %arg46[%dma_start3A_476, %dma_start3A_477] : memref<10000x128xf32, #tpu.memory_space<vmem_shared>> -> memref<10000x128xf32, #tpu.memory_space<vmem_shared>>
        tpu.enqueue_indirect_dma source(%arg13 : memref<40x128xf32, #tpu.memory_space<vmem>>) target(%dma_start3A_478 : memref<10000x128xf32, #tpu.memory_space<vmem_shared>>) offsets(%dma_start3A_475 : memref<40xi32, #tpu.memory_space<vmem>>) semaphore(%arg39 : memref<!tpu.dma_semaphore, #tpu.memory_space<semaphore_mem>>) {add = true}
      } else {
      }
      %mul3A_254 = arith.constant 32 : i32
      %mul3A_255 = arith.muli %scan3A_164, %mul3A_254 : i32
      %add3A_256 = arith.constant 10 : i32
      %add3A_257 = arith.addi %mul3A_255, %add3A_256 : i32
      %lt3A_258 = arith.constant 250 : i32
      %lt3A_259 = arith.cmpi slt, %add3A_257, %lt3A_258 : i32
      %convert_element_type3A_260 = arith.extui %lt3A_259 : i1 to i32
      %cond3A_261 = arith.constant 0 : i32
      %cond3A_262 = arith.cmpi ne, %convert_element_type3A_260, %cond3A_261 : i32
      scf.if %cond3A_262 {
        %add3A_452 = arith.constant 4 : i32
        %add3A_453 = arith.addi %add3A_257, %add3A_452 : i32
        %lt3A_454 = arith.constant 250 : i32
        %lt3A_455 = arith.cmpi slt, %add3A_453, %lt3A_454 : i32
        %convert_element_type3A_456 = arith.extui %lt3A_455 : i1 to i32
        %cond3A_457 = arith.constant 0 : i32
        %cond3A_458 = arith.cmpi ne, %convert_element_type3A_456, %cond3A_457 : i32
        scf.if %cond3A_458 {
          %ge3A = arith.constant 4 : i32
          %ge3A_479 = arith.cmpi sge, %add3A_257, %ge3A : i32
          %convert_element_type3A_480 = arith.extui %ge3A_479 : i1 to i32
          %cond3A_481 = arith.constant 0 : i32
          %cond3A_482 = arith.cmpi ne, %convert_element_type3A_480, %cond3A_481 : i32
          scf.if %cond3A_482 {
            %dma_wait3A_494 = arith.constant 0 : i32
            %dma_wait3A_495 = arith.constant 0 : i32
            %dma_wait3A_496 = tpu.memref_slice %arg3[%dma_wait3A_494, %dma_wait3A_495] : memref<320000x128xf32, #tpu.memory_space<hbm>> -> memref<40x128xf32, #tpu.memory_space<hbm>>
            %dma_wait3A_497 = arith.constant 0 : i32
            %dma_wait3A_498 = arith.constant 0 : i32
            %dma_wait3A_499 = tpu.memref_slice %arg3[%dma_wait3A_497, %dma_wait3A_498] : memref<320000x128xf32, #tpu.memory_space<hbm>> -> memref<40x128xf32, #tpu.memory_space<hbm>>
            tpu.wait_dma2 semaphore(%arg44 : memref<!tpu.dma_semaphore, #tpu.memory_space<semaphore_mem>>) src(%dma_wait3A_499 : memref<40x128xf32, #tpu.memory_space<hbm>>) dst(%arg18 : memref<40x128xf32, #tpu.memory_space<vmem>>)
          } else {
          }
          %add3A_483 = arith.constant 4 : i32
          %add3A_484 = arith.addi %add3A_257, %add3A_483 : i32
          %mul3A_485 = arith.constant 10000 : i32
          %mul3A_486 = arith.muli %add3A, %mul3A_485 : i32
          %mul3A_487 = arith.constant 40 : i32
          %mul3A_488 = arith.muli %add3A_484, %mul3A_487 : i32
          %add3A_489 = arith.addi %mul3A_486, %mul3A_488 : i32
          %dma_start3A_490 = arith.constant 0 : i32
          %dma_start3A_491 = tpu.memref_slice %arg3[%add3A_489, %dma_start3A_490] : memref<320000x128xf32, #tpu.memory_space<hbm>> -> memref<40x128xf32, #tpu.memory_space<hbm>>
          %dma_start3A_492 = arith.constant 0 : i32
          %dma_start3A_493 = tpu.memref_slice %arg3[%add3A_489, %dma_start3A_492] : memref<320000x128xf32, #tpu.memory_space<hbm>> -> memref<40x128xf32, #tpu.memory_space<hbm>>
          tpu.enqueue_dma source(%dma_start3A_493 : memref<40x128xf32, #tpu.memory_space<hbm>>) target(%arg18 : memref<40x128xf32, #tpu.memory_space<vmem>>) target_semaphore(%arg28 : memref<!tpu.dma_semaphore, #tpu.memory_space<semaphore_mem>>)
        } else {
        }
        %add3A_459 = arith.constant 2 : i32
        %add3A_460 = arith.addi %add3A_257, %add3A_459 : i32
        %lt3A_461 = arith.constant 250 : i32
        %lt3A_462 = arith.cmpi slt, %add3A_460, %lt3A_461 : i32
        %convert_element_type3A_463 = arith.extui %lt3A_462 : i1 to i32
        %cond3A_464 = arith.constant 0 : i32
        %cond3A_465 = arith.cmpi ne, %convert_element_type3A_463, %cond3A_464 : i32
        scf.if %cond3A_465 {
          %dma_wait3A_479 = arith.constant 0 : i32
          %dma_wait3A_480 = arith.constant 0 : i32
          %dma_wait3A_481 = tpu.memref_slice %arg3[%dma_wait3A_479, %dma_wait3A_480] : memref<320000x128xf32, #tpu.memory_space<hbm>> -> memref<40x128xf32, #tpu.memory_space<hbm>>
          %dma_wait3A_482 = arith.constant 0 : i32
          %dma_wait3A_483 = arith.constant 0 : i32
          %dma_wait3A_484 = tpu.memref_slice %arg3[%dma_wait3A_482, %dma_wait3A_483] : memref<320000x128xf32, #tpu.memory_space<hbm>> -> memref<40x128xf32, #tpu.memory_space<hbm>>
          tpu.wait_dma2 semaphore(%arg26 : memref<!tpu.dma_semaphore, #tpu.memory_space<semaphore_mem>>) src(%dma_wait3A_484 : memref<40x128xf32, #tpu.memory_space<hbm>>) dst(%arg16 : memref<40x128xf32, #tpu.memory_space<vmem>>)
          %dma_start3A_485 = arith.constant 12 : i32
          %dma_start3A_486 = arith.constant 0 : i32
          %dma_start3A_487 = tpu.memref_slice %arg8[%dma_start3A_485, %dma_start3A_486] : memref<16x40xi32, #tpu.memory_space<vmem>> -> memref<1x40xi32, #tpu.memory_space<vmem>>
          %dma_start3A_488 = tpu.memref_squeeze %dma_start3A_487 : memref<1x40xi32, #tpu.memory_space<vmem>> -> memref<40xi32, #tpu.memory_space<vmem>>
          %dma_start3A_489 = arith.constant 0 : i32
          %dma_start3A_490 = arith.constant 0 : i32
          %dma_start3A_491 = tpu.memref_slice %arg2[%dma_start3A_489, %dma_start3A_490] : memref<10000x128xf32, #tpu.memory_space<hbm>> -> memref<10000x128xf32, #tpu.memory_space<hbm>>
          tpu.enqueue_indirect_dma source(%dma_start3A_491 : memref<10000x128xf32, #tpu.memory_space<hbm>>) target(%arg16 : memref<40x128xf32, #tpu.memory_space<vmem>>) offsets(%dma_start3A_488 : memref<40xi32, #tpu.memory_space<vmem>>) semaphore(%arg34 : memref<!tpu.dma_semaphore, #tpu.memory_space<semaphore_mem>>) {add = true}
        } else {
        }
        %dma_wait3A_466 = arith.constant 0 : i32
        %dma_wait3A_467 = arith.constant 0 : i32
        %dma_wait3A_468 = tpu.memref_slice %arg3[%dma_wait3A_466, %dma_wait3A_467] : memref<320000x128xf32, #tpu.memory_space<hbm>> -> memref<40x128xf32, #tpu.memory_space<hbm>>
        %dma_wait3A_469 = arith.constant 0 : i32
        %dma_wait3A_470 = arith.constant 0 : i32
        %dma_wait3A_471 = tpu.memref_slice %arg3[%dma_wait3A_469, %dma_wait3A_470] : memref<320000x128xf32, #tpu.memory_space<hbm>> -> memref<40x128xf32, #tpu.memory_space<hbm>>
        tpu.wait_dma2 semaphore(%arg32 : memref<!tpu.dma_semaphore, #tpu.memory_space<semaphore_mem>>) src(%dma_wait3A_471 : memref<40x128xf32, #tpu.memory_space<hbm>>) dst(%arg14 : memref<40x128xf32, #tpu.memory_space<vmem>>)
        %dma_start3A_472 = arith.constant 10 : i32
        %dma_start3A_473 = arith.constant 0 : i32
        %dma_start3A_474 = tpu.memref_slice %arg10[%dma_start3A_472, %dma_start3A_473] : memref<16x40xi32, #tpu.memory_space<vmem>> -> memref<1x40xi32, #tpu.memory_space<vmem>>
        %dma_start3A_475 = tpu.memref_squeeze %dma_start3A_474 : memref<1x40xi32, #tpu.memory_space<vmem>> -> memref<40xi32, #tpu.memory_space<vmem>>
        %dma_start3A_476 = arith.constant 0 : i32
        %dma_start3A_477 = arith.constant 0 : i32
        %dma_start3A_478 = tpu.memref_slice %arg46[%dma_start3A_476, %dma_start3A_477] : memref<10000x128xf32, #tpu.memory_space<vmem_shared>> -> memref<10000x128xf32, #tpu.memory_space<vmem_shared>>
        tpu.enqueue_indirect_dma source(%arg14 : memref<40x128xf32, #tpu.memory_space<vmem>>) target(%dma_start3A_478 : memref<10000x128xf32, #tpu.memory_space<vmem_shared>>) offsets(%dma_start3A_475 : memref<40xi32, #tpu.memory_space<vmem>>) semaphore(%arg40 : memref<!tpu.dma_semaphore, #tpu.memory_space<semaphore_mem>>) {add = true}
      } else {
      }
      %mul3A_263 = arith.constant 32 : i32
      %mul3A_264 = arith.muli %scan3A_164, %mul3A_263 : i32
      %add3A_265 = arith.constant 11 : i32
      %add3A_266 = arith.addi %mul3A_264, %add3A_265 : i32
      %lt3A_267 = arith.constant 250 : i32
      %lt3A_268 = arith.cmpi slt, %add3A_266, %lt3A_267 : i32
      %convert_element_type3A_269 = arith.extui %lt3A_268 : i1 to i32
      %cond3A_270 = arith.constant 0 : i32
      %cond3A_271 = arith.cmpi ne, %convert_element_type3A_269, %cond3A_270 : i32
      scf.if %cond3A_271 {
        %add3A_452 = arith.constant 4 : i32
        %add3A_453 = arith.addi %add3A_266, %add3A_452 : i32
        %lt3A_454 = arith.constant 250 : i32
        %lt3A_455 = arith.cmpi slt, %add3A_453, %lt3A_454 : i32
        %convert_element_type3A_456 = arith.extui %lt3A_455 : i1 to i32
        %cond3A_457 = arith.constant 0 : i32
        %cond3A_458 = arith.cmpi ne, %convert_element_type3A_456, %cond3A_457 : i32
        scf.if %cond3A_458 {
          %ge3A = arith.constant 4 : i32
          %ge3A_479 = arith.cmpi sge, %add3A_266, %ge3A : i32
          %convert_element_type3A_480 = arith.extui %ge3A_479 : i1 to i32
          %cond3A_481 = arith.constant 0 : i32
          %cond3A_482 = arith.cmpi ne, %convert_element_type3A_480, %cond3A_481 : i32
          scf.if %cond3A_482 {
            %dma_wait3A_494 = arith.constant 0 : i32
            %dma_wait3A_495 = arith.constant 0 : i32
            %dma_wait3A_496 = tpu.memref_slice %arg3[%dma_wait3A_494, %dma_wait3A_495] : memref<320000x128xf32, #tpu.memory_space<hbm>> -> memref<40x128xf32, #tpu.memory_space<hbm>>
            %dma_wait3A_497 = arith.constant 0 : i32
            %dma_wait3A_498 = arith.constant 0 : i32
            %dma_wait3A_499 = tpu.memref_slice %arg3[%dma_wait3A_497, %dma_wait3A_498] : memref<320000x128xf32, #tpu.memory_space<hbm>> -> memref<40x128xf32, #tpu.memory_space<hbm>>
            tpu.wait_dma2 semaphore(%arg45 : memref<!tpu.dma_semaphore, #tpu.memory_space<semaphore_mem>>) src(%dma_wait3A_499 : memref<40x128xf32, #tpu.memory_space<hbm>>) dst(%arg19 : memref<40x128xf32, #tpu.memory_space<vmem>>)
          } else {
          }
          %add3A_483 = arith.constant 4 : i32
          %add3A_484 = arith.addi %add3A_266, %add3A_483 : i32
          %mul3A_485 = arith.constant 10000 : i32
          %mul3A_486 = arith.muli %add3A, %mul3A_485 : i32
          %mul3A_487 = arith.constant 40 : i32
          %mul3A_488 = arith.muli %add3A_484, %mul3A_487 : i32
          %add3A_489 = arith.addi %mul3A_486, %mul3A_488 : i32
          %dma_start3A_490 = arith.constant 0 : i32
          %dma_start3A_491 = tpu.memref_slice %arg3[%add3A_489, %dma_start3A_490] : memref<320000x128xf32, #tpu.memory_space<hbm>> -> memref<40x128xf32, #tpu.memory_space<hbm>>
          %dma_start3A_492 = arith.constant 0 : i32
          %dma_start3A_493 = tpu.memref_slice %arg3[%add3A_489, %dma_start3A_492] : memref<320000x128xf32, #tpu.memory_space<hbm>> -> memref<40x128xf32, #tpu.memory_space<hbm>>
          tpu.enqueue_dma source(%dma_start3A_493 : memref<40x128xf32, #tpu.memory_space<hbm>>) target(%arg19 : memref<40x128xf32, #tpu.memory_space<vmem>>) target_semaphore(%arg29 : memref<!tpu.dma_semaphore, #tpu.memory_space<semaphore_mem>>)
        } else {
        }
        %add3A_459 = arith.constant 2 : i32
        %add3A_460 = arith.addi %add3A_266, %add3A_459 : i32
        %lt3A_461 = arith.constant 250 : i32
        %lt3A_462 = arith.cmpi slt, %add3A_460, %lt3A_461 : i32
        %convert_element_type3A_463 = arith.extui %lt3A_462 : i1 to i32
        %cond3A_464 = arith.constant 0 : i32
        %cond3A_465 = arith.cmpi ne, %convert_element_type3A_463, %cond3A_464 : i32
        scf.if %cond3A_465 {
          %dma_wait3A_479 = arith.constant 0 : i32
          %dma_wait3A_480 = arith.constant 0 : i32
          %dma_wait3A_481 = tpu.memref_slice %arg3[%dma_wait3A_479, %dma_wait3A_480] : memref<320000x128xf32, #tpu.memory_space<hbm>> -> memref<40x128xf32, #tpu.memory_space<hbm>>
          %dma_wait3A_482 = arith.constant 0 : i32
          %dma_wait3A_483 = arith.constant 0 : i32
          %dma_wait3A_484 = tpu.memref_slice %arg3[%dma_wait3A_482, %dma_wait3A_483] : memref<320000x128xf32, #tpu.memory_space<hbm>> -> memref<40x128xf32, #tpu.memory_space<hbm>>
          tpu.wait_dma2 semaphore(%arg27 : memref<!tpu.dma_semaphore, #tpu.memory_space<semaphore_mem>>) src(%dma_wait3A_484 : memref<40x128xf32, #tpu.memory_space<hbm>>) dst(%arg17 : memref<40x128xf32, #tpu.memory_space<vmem>>)
          %dma_start3A_485 = arith.constant 13 : i32
          %dma_start3A_486 = arith.constant 0 : i32
          %dma_start3A_487 = tpu.memref_slice %arg8[%dma_start3A_485, %dma_start3A_486] : memref<16x40xi32, #tpu.memory_space<vmem>> -> memref<1x40xi32, #tpu.memory_space<vmem>>
          %dma_start3A_488 = tpu.memref_squeeze %dma_start3A_487 : memref<1x40xi32, #tpu.memory_space<vmem>> -> memref<40xi32, #tpu.memory_space<vmem>>
          %dma_start3A_489 = arith.constant 0 : i32
          %dma_start3A_490 = arith.constant 0 : i32
          %dma_start3A_491 = tpu.memref_slice %arg2[%dma_start3A_489, %dma_start3A_490] : memref<10000x128xf32, #tpu.memory_space<hbm>> -> memref<10000x128xf32, #tpu.memory_space<hbm>>
          tpu.enqueue_indirect_dma source(%dma_start3A_491 : memref<10000x128xf32, #tpu.memory_space<hbm>>) target(%arg17 : memref<40x128xf32, #tpu.memory_space<vmem>>) offsets(%dma_start3A_488 : memref<40xi32, #tpu.memory_space<vmem>>) semaphore(%arg35 : memref<!tpu.dma_semaphore, #tpu.memory_space<semaphore_mem>>) {add = true}
        } else {
        }
        %dma_wait3A_466 = arith.constant 0 : i32
        %dma_wait3A_467 = arith.constant 0 : i32
        %dma_wait3A_468 = tpu.memref_slice %arg3[%dma_wait3A_466, %dma_wait3A_467] : memref<320000x128xf32, #tpu.memory_space<hbm>> -> memref<40x128xf32, #tpu.memory_space<hbm>>
        %dma_wait3A_469 = arith.constant 0 : i32
        %dma_wait3A_470 = arith.constant 0 : i32
        %dma_wait3A_471 = tpu.memref_slice %arg3[%dma_wait3A_469, %dma_wait3A_470] : memref<320000x128xf32, #tpu.memory_space<hbm>> -> memref<40x128xf32, #tpu.memory_space<hbm>>
        tpu.wait_dma2 semaphore(%arg33 : memref<!tpu.dma_semaphore, #tpu.memory_space<semaphore_mem>>) src(%dma_wait3A_471 : memref<40x128xf32, #tpu.memory_space<hbm>>) dst(%arg15 : memref<40x128xf32, #tpu.memory_space<vmem>>)
        %dma_start3A_472 = arith.constant 11 : i32
        %dma_start3A_473 = arith.constant 0 : i32
        %dma_start3A_474 = tpu.memref_slice %arg10[%dma_start3A_472, %dma_start3A_473] : memref<16x40xi32, #tpu.memory_space<vmem>> -> memref<1x40xi32, #tpu.memory_space<vmem>>
        %dma_start3A_475 = tpu.memref_squeeze %dma_start3A_474 : memref<1x40xi32, #tpu.memory_space<vmem>> -> memref<40xi32, #tpu.memory_space<vmem>>
        %dma_start3A_476 = arith.constant 0 : i32
        %dma_start3A_477 = arith.constant 0 : i32
        %dma_start3A_478 = tpu.memref_slice %arg46[%dma_start3A_476, %dma_start3A_477] : memref<10000x128xf32, #tpu.memory_space<vmem_shared>> -> memref<10000x128xf32, #tpu.memory_space<vmem_shared>>
        tpu.enqueue_indirect_dma source(%arg15 : memref<40x128xf32, #tpu.memory_space<vmem>>) target(%dma_start3A_478 : memref<10000x128xf32, #tpu.memory_space<vmem_shared>>) offsets(%dma_start3A_475 : memref<40xi32, #tpu.memory_space<vmem>>) semaphore(%arg41 : memref<!tpu.dma_semaphore, #tpu.memory_space<semaphore_mem>>) {add = true}
      } else {
      }
      %mul3A_272 = arith.constant 32 : i32
      %mul3A_273 = arith.muli %scan3A_164, %mul3A_272 : i32
      %add3A_274 = arith.constant 12 : i32
      %add3A_275 = arith.addi %mul3A_273, %add3A_274 : i32
      %lt3A_276 = arith.constant 250 : i32
      %lt3A_277 = arith.cmpi slt, %add3A_275, %lt3A_276 : i32
      %convert_element_type3A_278 = arith.extui %lt3A_277 : i1 to i32
      %cond3A_279 = arith.constant 0 : i32
      %cond3A_280 = arith.cmpi ne, %convert_element_type3A_278, %cond3A_279 : i32
      scf.if %cond3A_280 {
        %add3A_452 = arith.constant 4 : i32
        %add3A_453 = arith.addi %add3A_275, %add3A_452 : i32
        %lt3A_454 = arith.constant 250 : i32
        %lt3A_455 = arith.cmpi slt, %add3A_453, %lt3A_454 : i32
        %convert_element_type3A_456 = arith.extui %lt3A_455 : i1 to i32
        %cond3A_457 = arith.constant 0 : i32
        %cond3A_458 = arith.cmpi ne, %convert_element_type3A_456, %cond3A_457 : i32
        scf.if %cond3A_458 {
          %ge3A = arith.constant 4 : i32
          %ge3A_479 = arith.cmpi sge, %add3A_275, %ge3A : i32
          %convert_element_type3A_480 = arith.extui %ge3A_479 : i1 to i32
          %cond3A_481 = arith.constant 0 : i32
          %cond3A_482 = arith.cmpi ne, %convert_element_type3A_480, %cond3A_481 : i32
          scf.if %cond3A_482 {
            %dma_wait3A_494 = arith.constant 0 : i32
            %dma_wait3A_495 = arith.constant 0 : i32
            %dma_wait3A_496 = tpu.memref_slice %arg3[%dma_wait3A_494, %dma_wait3A_495] : memref<320000x128xf32, #tpu.memory_space<hbm>> -> memref<40x128xf32, #tpu.memory_space<hbm>>
            %dma_wait3A_497 = arith.constant 0 : i32
            %dma_wait3A_498 = arith.constant 0 : i32
            %dma_wait3A_499 = tpu.memref_slice %arg3[%dma_wait3A_497, %dma_wait3A_498] : memref<320000x128xf32, #tpu.memory_space<hbm>> -> memref<40x128xf32, #tpu.memory_space<hbm>>
            tpu.wait_dma2 semaphore(%arg38 : memref<!tpu.dma_semaphore, #tpu.memory_space<semaphore_mem>>) src(%dma_wait3A_499 : memref<40x128xf32, #tpu.memory_space<hbm>>) dst(%arg12 : memref<40x128xf32, #tpu.memory_space<vmem>>)
          } else {
          }
          %add3A_483 = arith.constant 4 : i32
          %add3A_484 = arith.addi %add3A_275, %add3A_483 : i32
          %mul3A_485 = arith.constant 10000 : i32
          %mul3A_486 = arith.muli %add3A, %mul3A_485 : i32
          %mul3A_487 = arith.constant 40 : i32
          %mul3A_488 = arith.muli %add3A_484, %mul3A_487 : i32
          %add3A_489 = arith.addi %mul3A_486, %mul3A_488 : i32
          %dma_start3A_490 = arith.constant 0 : i32
          %dma_start3A_491 = tpu.memref_slice %arg3[%add3A_489, %dma_start3A_490] : memref<320000x128xf32, #tpu.memory_space<hbm>> -> memref<40x128xf32, #tpu.memory_space<hbm>>
          %dma_start3A_492 = arith.constant 0 : i32
          %dma_start3A_493 = tpu.memref_slice %arg3[%add3A_489, %dma_start3A_492] : memref<320000x128xf32, #tpu.memory_space<hbm>> -> memref<40x128xf32, #tpu.memory_space<hbm>>
          tpu.enqueue_dma source(%dma_start3A_493 : memref<40x128xf32, #tpu.memory_space<hbm>>) target(%arg12 : memref<40x128xf32, #tpu.memory_space<vmem>>) target_semaphore(%arg22 : memref<!tpu.dma_semaphore, #tpu.memory_space<semaphore_mem>>)
        } else {
        }
        %add3A_459 = arith.constant 2 : i32
        %add3A_460 = arith.addi %add3A_275, %add3A_459 : i32
        %lt3A_461 = arith.constant 250 : i32
        %lt3A_462 = arith.cmpi slt, %add3A_460, %lt3A_461 : i32
        %convert_element_type3A_463 = arith.extui %lt3A_462 : i1 to i32
        %cond3A_464 = arith.constant 0 : i32
        %cond3A_465 = arith.cmpi ne, %convert_element_type3A_463, %cond3A_464 : i32
        scf.if %cond3A_465 {
          %dma_wait3A_479 = arith.constant 0 : i32
          %dma_wait3A_480 = arith.constant 0 : i32
          %dma_wait3A_481 = tpu.memref_slice %arg3[%dma_wait3A_479, %dma_wait3A_480] : memref<320000x128xf32, #tpu.memory_space<hbm>> -> memref<40x128xf32, #tpu.memory_space<hbm>>
          %dma_wait3A_482 = arith.constant 0 : i32
          %dma_wait3A_483 = arith.constant 0 : i32
          %dma_wait3A_484 = tpu.memref_slice %arg3[%dma_wait3A_482, %dma_wait3A_483] : memref<320000x128xf32, #tpu.memory_space<hbm>> -> memref<40x128xf32, #tpu.memory_space<hbm>>
          tpu.wait_dma2 semaphore(%arg28 : memref<!tpu.dma_semaphore, #tpu.memory_space<semaphore_mem>>) src(%dma_wait3A_484 : memref<40x128xf32, #tpu.memory_space<hbm>>) dst(%arg18 : memref<40x128xf32, #tpu.memory_space<vmem>>)
          %dma_start3A_485 = arith.constant 14 : i32
          %dma_start3A_486 = arith.constant 0 : i32
          %dma_start3A_487 = tpu.memref_slice %arg8[%dma_start3A_485, %dma_start3A_486] : memref<16x40xi32, #tpu.memory_space<vmem>> -> memref<1x40xi32, #tpu.memory_space<vmem>>
          %dma_start3A_488 = tpu.memref_squeeze %dma_start3A_487 : memref<1x40xi32, #tpu.memory_space<vmem>> -> memref<40xi32, #tpu.memory_space<vmem>>
          %dma_start3A_489 = arith.constant 0 : i32
          %dma_start3A_490 = arith.constant 0 : i32
          %dma_start3A_491 = tpu.memref_slice %arg2[%dma_start3A_489, %dma_start3A_490] : memref<10000x128xf32, #tpu.memory_space<hbm>> -> memref<10000x128xf32, #tpu.memory_space<hbm>>
          tpu.enqueue_indirect_dma source(%dma_start3A_491 : memref<10000x128xf32, #tpu.memory_space<hbm>>) target(%arg18 : memref<40x128xf32, #tpu.memory_space<vmem>>) offsets(%dma_start3A_488 : memref<40xi32, #tpu.memory_space<vmem>>) semaphore(%arg36 : memref<!tpu.dma_semaphore, #tpu.memory_space<semaphore_mem>>) {add = true}
        } else {
        }
        %dma_wait3A_466 = arith.constant 0 : i32
        %dma_wait3A_467 = arith.constant 0 : i32
        %dma_wait3A_468 = tpu.memref_slice %arg3[%dma_wait3A_466, %dma_wait3A_467] : memref<320000x128xf32, #tpu.memory_space<hbm>> -> memref<40x128xf32, #tpu.memory_space<hbm>>
        %dma_wait3A_469 = arith.constant 0 : i32
        %dma_wait3A_470 = arith.constant 0 : i32
        %dma_wait3A_471 = tpu.memref_slice %arg3[%dma_wait3A_469, %dma_wait3A_470] : memref<320000x128xf32, #tpu.memory_space<hbm>> -> memref<40x128xf32, #tpu.memory_space<hbm>>
        tpu.wait_dma2 semaphore(%arg34 : memref<!tpu.dma_semaphore, #tpu.memory_space<semaphore_mem>>) src(%dma_wait3A_471 : memref<40x128xf32, #tpu.memory_space<hbm>>) dst(%arg16 : memref<40x128xf32, #tpu.memory_space<vmem>>)
        %dma_start3A_472 = arith.constant 12 : i32
        %dma_start3A_473 = arith.constant 0 : i32
        %dma_start3A_474 = tpu.memref_slice %arg10[%dma_start3A_472, %dma_start3A_473] : memref<16x40xi32, #tpu.memory_space<vmem>> -> memref<1x40xi32, #tpu.memory_space<vmem>>
        %dma_start3A_475 = tpu.memref_squeeze %dma_start3A_474 : memref<1x40xi32, #tpu.memory_space<vmem>> -> memref<40xi32, #tpu.memory_space<vmem>>
        %dma_start3A_476 = arith.constant 0 : i32
        %dma_start3A_477 = arith.constant 0 : i32
        %dma_start3A_478 = tpu.memref_slice %arg46[%dma_start3A_476, %dma_start3A_477] : memref<10000x128xf32, #tpu.memory_space<vmem_shared>> -> memref<10000x128xf32, #tpu.memory_space<vmem_shared>>
        tpu.enqueue_indirect_dma source(%arg16 : memref<40x128xf32, #tpu.memory_space<vmem>>) target(%dma_start3A_478 : memref<10000x128xf32, #tpu.memory_space<vmem_shared>>) offsets(%dma_start3A_475 : memref<40xi32, #tpu.memory_space<vmem>>) semaphore(%arg42 : memref<!tpu.dma_semaphore, #tpu.memory_space<semaphore_mem>>) {add = true}
      } else {
      }
      %mul3A_281 = arith.constant 32 : i32
      %mul3A_282 = arith.muli %scan3A_164, %mul3A_281 : i32
      %add3A_283 = arith.constant 13 : i32
      %add3A_284 = arith.addi %mul3A_282, %add3A_283 : i32
      %lt3A_285 = arith.constant 250 : i32
      %lt3A_286 = arith.cmpi slt, %add3A_284, %lt3A_285 : i32
      %convert_element_type3A_287 = arith.extui %lt3A_286 : i1 to i32
      %cond3A_288 = arith.constant 0 : i32
      %cond3A_289 = arith.cmpi ne, %convert_element_type3A_287, %cond3A_288 : i32
      scf.if %cond3A_289 {
        %add3A_452 = arith.constant 4 : i32
        %add3A_453 = arith.addi %add3A_284, %add3A_452 : i32
        %lt3A_454 = arith.constant 250 : i32
        %lt3A_455 = arith.cmpi slt, %add3A_453, %lt3A_454 : i32
        %convert_element_type3A_456 = arith.extui %lt3A_455 : i1 to i32
        %cond3A_457 = arith.constant 0 : i32
        %cond3A_458 = arith.cmpi ne, %convert_element_type3A_456, %cond3A_457 : i32
        scf.if %cond3A_458 {
          %ge3A = arith.constant 4 : i32
          %ge3A_479 = arith.cmpi sge, %add3A_284, %ge3A : i32
          %convert_element_type3A_480 = arith.extui %ge3A_479 : i1 to i32
          %cond3A_481 = arith.constant 0 : i32
          %cond3A_482 = arith.cmpi ne, %convert_element_type3A_480, %cond3A_481 : i32
          scf.if %cond3A_482 {
            %dma_wait3A_494 = arith.constant 0 : i32
            %dma_wait3A_495 = arith.constant 0 : i32
            %dma_wait3A_496 = tpu.memref_slice %arg3[%dma_wait3A_494, %dma_wait3A_495] : memref<320000x128xf32, #tpu.memory_space<hbm>> -> memref<40x128xf32, #tpu.memory_space<hbm>>
            %dma_wait3A_497 = arith.constant 0 : i32
            %dma_wait3A_498 = arith.constant 0 : i32
            %dma_wait3A_499 = tpu.memref_slice %arg3[%dma_wait3A_497, %dma_wait3A_498] : memref<320000x128xf32, #tpu.memory_space<hbm>> -> memref<40x128xf32, #tpu.memory_space<hbm>>
            tpu.wait_dma2 semaphore(%arg39 : memref<!tpu.dma_semaphore, #tpu.memory_space<semaphore_mem>>) src(%dma_wait3A_499 : memref<40x128xf32, #tpu.memory_space<hbm>>) dst(%arg13 : memref<40x128xf32, #tpu.memory_space<vmem>>)
          } else {
          }
          %add3A_483 = arith.constant 4 : i32
          %add3A_484 = arith.addi %add3A_284, %add3A_483 : i32
          %mul3A_485 = arith.constant 10000 : i32
          %mul3A_486 = arith.muli %add3A, %mul3A_485 : i32
          %mul3A_487 = arith.constant 40 : i32
          %mul3A_488 = arith.muli %add3A_484, %mul3A_487 : i32
          %add3A_489 = arith.addi %mul3A_486, %mul3A_488 : i32
          %dma_start3A_490 = arith.constant 0 : i32
          %dma_start3A_491 = tpu.memref_slice %arg3[%add3A_489, %dma_start3A_490] : memref<320000x128xf32, #tpu.memory_space<hbm>> -> memref<40x128xf32, #tpu.memory_space<hbm>>
          %dma_start3A_492 = arith.constant 0 : i32
          %dma_start3A_493 = tpu.memref_slice %arg3[%add3A_489, %dma_start3A_492] : memref<320000x128xf32, #tpu.memory_space<hbm>> -> memref<40x128xf32, #tpu.memory_space<hbm>>
          tpu.enqueue_dma source(%dma_start3A_493 : memref<40x128xf32, #tpu.memory_space<hbm>>) target(%arg13 : memref<40x128xf32, #tpu.memory_space<vmem>>) target_semaphore(%arg23 : memref<!tpu.dma_semaphore, #tpu.memory_space<semaphore_mem>>)
        } else {
        }
        %add3A_459 = arith.constant 2 : i32
        %add3A_460 = arith.addi %add3A_284, %add3A_459 : i32
        %lt3A_461 = arith.constant 250 : i32
        %lt3A_462 = arith.cmpi slt, %add3A_460, %lt3A_461 : i32
        %convert_element_type3A_463 = arith.extui %lt3A_462 : i1 to i32
        %cond3A_464 = arith.constant 0 : i32
        %cond3A_465 = arith.cmpi ne, %convert_element_type3A_463, %cond3A_464 : i32
        scf.if %cond3A_465 {
          %dma_wait3A_479 = arith.constant 0 : i32
          %dma_wait3A_480 = arith.constant 0 : i32
          %dma_wait3A_481 = tpu.memref_slice %arg3[%dma_wait3A_479, %dma_wait3A_480] : memref<320000x128xf32, #tpu.memory_space<hbm>> -> memref<40x128xf32, #tpu.memory_space<hbm>>
          %dma_wait3A_482 = arith.constant 0 : i32
          %dma_wait3A_483 = arith.constant 0 : i32
          %dma_wait3A_484 = tpu.memref_slice %arg3[%dma_wait3A_482, %dma_wait3A_483] : memref<320000x128xf32, #tpu.memory_space<hbm>> -> memref<40x128xf32, #tpu.memory_space<hbm>>
          tpu.wait_dma2 semaphore(%arg29 : memref<!tpu.dma_semaphore, #tpu.memory_space<semaphore_mem>>) src(%dma_wait3A_484 : memref<40x128xf32, #tpu.memory_space<hbm>>) dst(%arg19 : memref<40x128xf32, #tpu.memory_space<vmem>>)
          %dma_start3A_485 = arith.constant 15 : i32
          %dma_start3A_486 = arith.constant 0 : i32
          %dma_start3A_487 = tpu.memref_slice %arg8[%dma_start3A_485, %dma_start3A_486] : memref<16x40xi32, #tpu.memory_space<vmem>> -> memref<1x40xi32, #tpu.memory_space<vmem>>
          %dma_start3A_488 = tpu.memref_squeeze %dma_start3A_487 : memref<1x40xi32, #tpu.memory_space<vmem>> -> memref<40xi32, #tpu.memory_space<vmem>>
          %dma_start3A_489 = arith.constant 0 : i32
          %dma_start3A_490 = arith.constant 0 : i32
          %dma_start3A_491 = tpu.memref_slice %arg2[%dma_start3A_489, %dma_start3A_490] : memref<10000x128xf32, #tpu.memory_space<hbm>> -> memref<10000x128xf32, #tpu.memory_space<hbm>>
          tpu.enqueue_indirect_dma source(%dma_start3A_491 : memref<10000x128xf32, #tpu.memory_space<hbm>>) target(%arg19 : memref<40x128xf32, #tpu.memory_space<vmem>>) offsets(%dma_start3A_488 : memref<40xi32, #tpu.memory_space<vmem>>) semaphore(%arg37 : memref<!tpu.dma_semaphore, #tpu.memory_space<semaphore_mem>>) {add = true}
        } else {
        }
        %dma_wait3A_466 = arith.constant 0 : i32
        %dma_wait3A_467 = arith.constant 0 : i32
        %dma_wait3A_468 = tpu.memref_slice %arg3[%dma_wait3A_466, %dma_wait3A_467] : memref<320000x128xf32, #tpu.memory_space<hbm>> -> memref<40x128xf32, #tpu.memory_space<hbm>>
        %dma_wait3A_469 = arith.constant 0 : i32
        %dma_wait3A_470 = arith.constant 0 : i32
        %dma_wait3A_471 = tpu.memref_slice %arg3[%dma_wait3A_469, %dma_wait3A_470] : memref<320000x128xf32, #tpu.memory_space<hbm>> -> memref<40x128xf32, #tpu.memory_space<hbm>>
        tpu.wait_dma2 semaphore(%arg35 : memref<!tpu.dma_semaphore, #tpu.memory_space<semaphore_mem>>) src(%dma_wait3A_471 : memref<40x128xf32, #tpu.memory_space<hbm>>) dst(%arg17 : memref<40x128xf32, #tpu.memory_space<vmem>>)
        %dma_start3A_472 = arith.constant 13 : i32
        %dma_start3A_473 = arith.constant 0 : i32
        %dma_start3A_474 = tpu.memref_slice %arg10[%dma_start3A_472, %dma_start3A_473] : memref<16x40xi32, #tpu.memory_space<vmem>> -> memref<1x40xi32, #tpu.memory_space<vmem>>
        %dma_start3A_475 = tpu.memref_squeeze %dma_start3A_474 : memref<1x40xi32, #tpu.memory_space<vmem>> -> memref<40xi32, #tpu.memory_space<vmem>>
        %dma_start3A_476 = arith.constant 0 : i32
        %dma_start3A_477 = arith.constant 0 : i32
        %dma_start3A_478 = tpu.memref_slice %arg46[%dma_start3A_476, %dma_start3A_477] : memref<10000x128xf32, #tpu.memory_space<vmem_shared>> -> memref<10000x128xf32, #tpu.memory_space<vmem_shared>>
        tpu.enqueue_indirect_dma source(%arg17 : memref<40x128xf32, #tpu.memory_space<vmem>>) target(%dma_start3A_478 : memref<10000x128xf32, #tpu.memory_space<vmem_shared>>) offsets(%dma_start3A_475 : memref<40xi32, #tpu.memory_space<vmem>>) semaphore(%arg43 : memref<!tpu.dma_semaphore, #tpu.memory_space<semaphore_mem>>) {add = true}
      } else {
      }
      %mul3A_290 = arith.constant 32 : i32
      %mul3A_291 = arith.muli %scan3A_164, %mul3A_290 : i32
      %add3A_292 = arith.constant 14 : i32
      %add3A_293 = arith.addi %mul3A_291, %add3A_292 : i32
      %lt3A_294 = arith.constant 250 : i32
      %lt3A_295 = arith.cmpi slt, %add3A_293, %lt3A_294 : i32
      %convert_element_type3A_296 = arith.extui %lt3A_295 : i1 to i32
      %cond3A_297 = arith.constant 0 : i32
      %cond3A_298 = arith.cmpi ne, %convert_element_type3A_296, %cond3A_297 : i32
      scf.if %cond3A_298 {
        %add3A_452 = arith.constant 4 : i32
        %add3A_453 = arith.addi %add3A_293, %add3A_452 : i32
        %lt3A_454 = arith.constant 250 : i32
        %lt3A_455 = arith.cmpi slt, %add3A_453, %lt3A_454 : i32
        %convert_element_type3A_456 = arith.extui %lt3A_455 : i1 to i32
        %cond3A_457 = arith.constant 0 : i32
        %cond3A_458 = arith.cmpi ne, %convert_element_type3A_456, %cond3A_457 : i32
        scf.if %cond3A_458 {
          %ge3A = arith.constant 4 : i32
          %ge3A_504 = arith.cmpi sge, %add3A_293, %ge3A : i32
          %convert_element_type3A_505 = arith.extui %ge3A_504 : i1 to i32
          %cond3A_506 = arith.constant 0 : i32
          %cond3A_507 = arith.cmpi ne, %convert_element_type3A_505, %cond3A_506 : i32
          scf.if %cond3A_507 {
            %dma_wait3A_519 = arith.constant 0 : i32
            %dma_wait3A_520 = arith.constant 0 : i32
            %dma_wait3A_521 = tpu.memref_slice %arg3[%dma_wait3A_519, %dma_wait3A_520] : memref<320000x128xf32, #tpu.memory_space<hbm>> -> memref<40x128xf32, #tpu.memory_space<hbm>>
            %dma_wait3A_522 = arith.constant 0 : i32
            %dma_wait3A_523 = arith.constant 0 : i32
            %dma_wait3A_524 = tpu.memref_slice %arg3[%dma_wait3A_522, %dma_wait3A_523] : memref<320000x128xf32, #tpu.memory_space<hbm>> -> memref<40x128xf32, #tpu.memory_space<hbm>>
            tpu.wait_dma2 semaphore(%arg40 : memref<!tpu.dma_semaphore, #tpu.memory_space<semaphore_mem>>) src(%dma_wait3A_524 : memref<40x128xf32, #tpu.memory_space<hbm>>) dst(%arg14 : memref<40x128xf32, #tpu.memory_space<vmem>>)
          } else {
          }
          %add3A_508 = arith.constant 4 : i32
          %add3A_509 = arith.addi %add3A_293, %add3A_508 : i32
          %mul3A_510 = arith.constant 10000 : i32
          %mul3A_511 = arith.muli %add3A, %mul3A_510 : i32
          %mul3A_512 = arith.constant 40 : i32
          %mul3A_513 = arith.muli %add3A_509, %mul3A_512 : i32
          %add3A_514 = arith.addi %mul3A_511, %mul3A_513 : i32
          %dma_start3A_515 = arith.constant 0 : i32
          %dma_start3A_516 = tpu.memref_slice %arg3[%add3A_514, %dma_start3A_515] : memref<320000x128xf32, #tpu.memory_space<hbm>> -> memref<40x128xf32, #tpu.memory_space<hbm>>
          %dma_start3A_517 = arith.constant 0 : i32
          %dma_start3A_518 = tpu.memref_slice %arg3[%add3A_514, %dma_start3A_517] : memref<320000x128xf32, #tpu.memory_space<hbm>> -> memref<40x128xf32, #tpu.memory_space<hbm>>
          tpu.enqueue_dma source(%dma_start3A_518 : memref<40x128xf32, #tpu.memory_space<hbm>>) target(%arg14 : memref<40x128xf32, #tpu.memory_space<vmem>>) target_semaphore(%arg24 : memref<!tpu.dma_semaphore, #tpu.memory_space<semaphore_mem>>)
        } else {
        }
        %add3A_459 = arith.constant 2 : i32
        %add3A_460 = arith.addi %add3A_293, %add3A_459 : i32
        %jit3A = arith.constant 16 : i32
        %div3A = arith.divsi %add3A_460, %jit3A : i32
        %sign3A = arith.constant 0 : i32
        %sign3A_461 = arith.cmpi sgt, %add3A_460, %sign3A : i32
        %sign3A_462 = arith.extui %sign3A_461 : i1 to i32
        %sign3A_463 = arith.constant 0 : i32
        %sign3A_464 = arith.cmpi slt, %add3A_460, %sign3A_463 : i32
        %sign3A_465 = arith.extui %sign3A_464 : i1 to i32
        %sign3A_466 = arith.subi %sign3A_462, %sign3A_465 : i32
        %sign3A_467 = arith.constant 0 : i32
        %sign3A_468 = arith.cmpi sgt, %jit3A, %sign3A_467 : i32
        %sign3A_469 = arith.extui %sign3A_468 : i1 to i32
        %sign3A_470 = arith.constant 0 : i32
        %sign3A_471 = arith.cmpi slt, %jit3A, %sign3A_470 : i32
        %sign3A_472 = arith.extui %sign3A_471 : i1 to i32
        %sign3A_473 = arith.subi %sign3A_469, %sign3A_472 : i32
        %ne3A = arith.cmpi ne, %sign3A_466, %sign3A_473 : i32
        %rem3A = arith.remsi %add3A_460, %jit3A : i32
        %ne3A_474 = arith.constant 0 : i32
        %ne3A_475 = arith.cmpi ne, %rem3A, %ne3A_474 : i32
        %and3A = arith.andi %ne3A, %ne3A_475 : i1
        %sub3A = arith.constant 1 : i32
        %sub3A_476 = arith.subi %div3A, %sub3A : i32
        %select_n3A = arith.select %and3A, %sub3A_476, %div3A : i32
        %mul3A_477 = arith.constant 16 : i32
        %mul3A_478 = arith.muli %select_n3A, %mul3A_477 : i32
        %lt3A_479 = arith.constant 250 : i32
        %lt3A_480 = arith.cmpi slt, %mul3A_478, %lt3A_479 : i32
        %convert_element_type3A_481 = arith.extui %lt3A_480 : i1 to i32
        %cond3A_482 = arith.constant 0 : i32
        %cond3A_483 = arith.cmpi ne, %convert_element_type3A_481, %cond3A_482 : i32
        scf.if %cond3A_483 {
          %dma_wait3A_504 = arith.constant 0 : i32
          %dma_wait3A_505 = arith.constant 0 : i32
          %dma_wait3A_506 = arith.constant 0 : i32
          %dma_wait3A_507 = tpu.memref_slice %arg4[%dma_wait3A_504, %dma_wait3A_505, %dma_wait3A_506] : memref<512x16x40xi32, #tpu.memory_space<hbm>> -> memref<1x16x40xi32, #tpu.memory_space<hbm>>
          %dma_wait3A_508 = tpu.memref_squeeze %dma_wait3A_507 : memref<1x16x40xi32, #tpu.memory_space<hbm>> -> memref<16x40xi32, #tpu.memory_space<hbm>>
          %dma_wait3A_509 = arith.constant 0 : i32
          %dma_wait3A_510 = arith.constant 0 : i32
          %dma_wait3A_511 = tpu.memref_slice %arg4[%dma_wait3A_504, %dma_wait3A_509, %dma_wait3A_510] : memref<512x16x40xi32, #tpu.memory_space<hbm>> -> memref<1x16x40xi32, #tpu.memory_space<hbm>>
          %dma_wait3A_512 = tpu.memref_squeeze %dma_wait3A_511 : memref<1x16x40xi32, #tpu.memory_space<hbm>> -> memref<16x40xi32, #tpu.memory_space<hbm>>
          tpu.wait_dma2 semaphore(%arg21 : memref<!tpu.dma_semaphore, #tpu.memory_space<semaphore_mem>>) src(%dma_wait3A_512 : memref<16x40xi32, #tpu.memory_space<hbm>>) dst(%arg9 : memref<16x40xi32, #tpu.memory_space<vmem>>)
          %dma_wait3A_513 = arith.constant 0 : i32
          %dma_wait3A_514 = arith.constant 0 : i32
          %dma_wait3A_515 = arith.constant 0 : i32
          %dma_wait3A_516 = tpu.memref_slice %arg4[%dma_wait3A_513, %dma_wait3A_514, %dma_wait3A_515] : memref<512x16x40xi32, #tpu.memory_space<hbm>> -> memref<1x16x40xi32, #tpu.memory_space<hbm>>
          %dma_wait3A_517 = tpu.memref_squeeze %dma_wait3A_516 : memref<1x16x40xi32, #tpu.memory_space<hbm>> -> memref<16x40xi32, #tpu.memory_space<hbm>>
          %dma_wait3A_518 = arith.constant 0 : i32
          %dma_wait3A_519 = arith.constant 0 : i32
          %dma_wait3A_520 = tpu.memref_slice %arg4[%dma_wait3A_513, %dma_wait3A_518, %dma_wait3A_519] : memref<512x16x40xi32, #tpu.memory_space<hbm>> -> memref<1x16x40xi32, #tpu.memory_space<hbm>>
          %dma_wait3A_521 = tpu.memref_squeeze %dma_wait3A_520 : memref<1x16x40xi32, #tpu.memory_space<hbm>> -> memref<16x40xi32, #tpu.memory_space<hbm>>
          tpu.wait_dma2 semaphore(%arg21 : memref<!tpu.dma_semaphore, #tpu.memory_space<semaphore_mem>>) src(%dma_wait3A_521 : memref<16x40xi32, #tpu.memory_space<hbm>>) dst(%arg11 : memref<16x40xi32, #tpu.memory_space<vmem>>)
        } else {
        }
        %add3A_484 = arith.constant 2 : i32
        %add3A_485 = arith.addi %add3A_293, %add3A_484 : i32
        %lt3A_486 = arith.constant 250 : i32
        %lt3A_487 = arith.cmpi slt, %add3A_485, %lt3A_486 : i32
        %convert_element_type3A_488 = arith.extui %lt3A_487 : i1 to i32
        %cond3A_489 = arith.constant 0 : i32
        %cond3A_490 = arith.cmpi ne, %convert_element_type3A_488, %cond3A_489 : i32
        scf.if %cond3A_490 {
          %dma_wait3A_504 = arith.constant 0 : i32
          %dma_wait3A_505 = arith.constant 0 : i32
          %dma_wait3A_506 = tpu.memref_slice %arg3[%dma_wait3A_504, %dma_wait3A_505] : memref<320000x128xf32, #tpu.memory_space<hbm>> -> memref<40x128xf32, #tpu.memory_space<hbm>>
          %dma_wait3A_507 = arith.constant 0 : i32
          %dma_wait3A_508 = arith.constant 0 : i32
          %dma_wait3A_509 = tpu.memref_slice %arg3[%dma_wait3A_507, %dma_wait3A_508] : memref<320000x128xf32, #tpu.memory_space<hbm>> -> memref<40x128xf32, #tpu.memory_space<hbm>>
          tpu.wait_dma2 semaphore(%arg22 : memref<!tpu.dma_semaphore, #tpu.memory_space<semaphore_mem>>) src(%dma_wait3A_509 : memref<40x128xf32, #tpu.memory_space<hbm>>) dst(%arg12 : memref<40x128xf32, #tpu.memory_space<vmem>>)
          %dma_start3A_510 = arith.constant 0 : i32
          %dma_start3A_511 = arith.constant 0 : i32
          %dma_start3A_512 = tpu.memref_slice %arg9[%dma_start3A_510, %dma_start3A_511] : memref<16x40xi32, #tpu.memory_space<vmem>> -> memref<1x40xi32, #tpu.memory_space<vmem>>
          %dma_start3A_513 = tpu.memref_squeeze %dma_start3A_512 : memref<1x40xi32, #tpu.memory_space<vmem>> -> memref<40xi32, #tpu.memory_space<vmem>>
          %dma_start3A_514 = arith.constant 0 : i32
          %dma_start3A_515 = arith.constant 0 : i32
          %dma_start3A_516 = tpu.memref_slice %arg2[%dma_start3A_514, %dma_start3A_515] : memref<10000x128xf32, #tpu.memory_space<hbm>> -> memref<10000x128xf32, #tpu.memory_space<hbm>>
          tpu.enqueue_indirect_dma source(%dma_start3A_516 : memref<10000x128xf32, #tpu.memory_space<hbm>>) target(%arg12 : memref<40x128xf32, #tpu.memory_space<vmem>>) offsets(%dma_start3A_513 : memref<40xi32, #tpu.memory_space<vmem>>) semaphore(%arg30 : memref<!tpu.dma_semaphore, #tpu.memory_space<semaphore_mem>>) {add = true}
        } else {
        }
        %dma_wait3A_491 = arith.constant 0 : i32
        %dma_wait3A_492 = arith.constant 0 : i32
        %dma_wait3A_493 = tpu.memref_slice %arg3[%dma_wait3A_491, %dma_wait3A_492] : memref<320000x128xf32, #tpu.memory_space<hbm>> -> memref<40x128xf32, #tpu.memory_space<hbm>>
        %dma_wait3A_494 = arith.constant 0 : i32
        %dma_wait3A_495 = arith.constant 0 : i32
        %dma_wait3A_496 = tpu.memref_slice %arg3[%dma_wait3A_494, %dma_wait3A_495] : memref<320000x128xf32, #tpu.memory_space<hbm>> -> memref<40x128xf32, #tpu.memory_space<hbm>>
        tpu.wait_dma2 semaphore(%arg36 : memref<!tpu.dma_semaphore, #tpu.memory_space<semaphore_mem>>) src(%dma_wait3A_496 : memref<40x128xf32, #tpu.memory_space<hbm>>) dst(%arg18 : memref<40x128xf32, #tpu.memory_space<vmem>>)
        %dma_start3A_497 = arith.constant 14 : i32
        %dma_start3A_498 = arith.constant 0 : i32
        %dma_start3A_499 = tpu.memref_slice %arg10[%dma_start3A_497, %dma_start3A_498] : memref<16x40xi32, #tpu.memory_space<vmem>> -> memref<1x40xi32, #tpu.memory_space<vmem>>
        %dma_start3A_500 = tpu.memref_squeeze %dma_start3A_499 : memref<1x40xi32, #tpu.memory_space<vmem>> -> memref<40xi32, #tpu.memory_space<vmem>>
        %dma_start3A_501 = arith.constant 0 : i32
        %dma_start3A_502 = arith.constant 0 : i32
        %dma_start3A_503 = tpu.memref_slice %arg46[%dma_start3A_501, %dma_start3A_502] : memref<10000x128xf32, #tpu.memory_space<vmem_shared>> -> memref<10000x128xf32, #tpu.memory_space<vmem_shared>>
        tpu.enqueue_indirect_dma source(%arg18 : memref<40x128xf32, #tpu.memory_space<vmem>>) target(%dma_start3A_503 : memref<10000x128xf32, #tpu.memory_space<vmem_shared>>) offsets(%dma_start3A_500 : memref<40xi32, #tpu.memory_space<vmem>>) semaphore(%arg44 : memref<!tpu.dma_semaphore, #tpu.memory_space<semaphore_mem>>) {add = true}
      } else {
      }
      %mul3A_299 = arith.constant 32 : i32
      %mul3A_300 = arith.muli %scan3A_164, %mul3A_299 : i32
      %add3A_301 = arith.constant 15 : i32
      %add3A_302 = arith.addi %mul3A_300, %add3A_301 : i32
      %lt3A_303 = arith.constant 250 : i32
      %lt3A_304 = arith.cmpi slt, %add3A_302, %lt3A_303 : i32
      %convert_element_type3A_305 = arith.extui %lt3A_304 : i1 to i32
      %cond3A_306 = arith.constant 0 : i32
      %cond3A_307 = arith.cmpi ne, %convert_element_type3A_305, %cond3A_306 : i32
      scf.if %cond3A_307 {
        %add3A_452 = arith.constant 4 : i32
        %add3A_453 = arith.addi %add3A_302, %add3A_452 : i32
        %lt3A_454 = arith.constant 250 : i32
        %lt3A_455 = arith.cmpi slt, %add3A_453, %lt3A_454 : i32
        %convert_element_type3A_456 = arith.extui %lt3A_455 : i1 to i32
        %cond3A_457 = arith.constant 0 : i32
        %cond3A_458 = arith.cmpi ne, %convert_element_type3A_456, %cond3A_457 : i32
        scf.if %cond3A_458 {
          %ge3A = arith.constant 4 : i32
          %ge3A_479 = arith.cmpi sge, %add3A_302, %ge3A : i32
          %convert_element_type3A_480 = arith.extui %ge3A_479 : i1 to i32
          %cond3A_481 = arith.constant 0 : i32
          %cond3A_482 = arith.cmpi ne, %convert_element_type3A_480, %cond3A_481 : i32
          scf.if %cond3A_482 {
            %dma_wait3A_494 = arith.constant 0 : i32
            %dma_wait3A_495 = arith.constant 0 : i32
            %dma_wait3A_496 = tpu.memref_slice %arg3[%dma_wait3A_494, %dma_wait3A_495] : memref<320000x128xf32, #tpu.memory_space<hbm>> -> memref<40x128xf32, #tpu.memory_space<hbm>>
            %dma_wait3A_497 = arith.constant 0 : i32
            %dma_wait3A_498 = arith.constant 0 : i32
            %dma_wait3A_499 = tpu.memref_slice %arg3[%dma_wait3A_497, %dma_wait3A_498] : memref<320000x128xf32, #tpu.memory_space<hbm>> -> memref<40x128xf32, #tpu.memory_space<hbm>>
            tpu.wait_dma2 semaphore(%arg41 : memref<!tpu.dma_semaphore, #tpu.memory_space<semaphore_mem>>) src(%dma_wait3A_499 : memref<40x128xf32, #tpu.memory_space<hbm>>) dst(%arg15 : memref<40x128xf32, #tpu.memory_space<vmem>>)
          } else {
          }
          %add3A_483 = arith.constant 4 : i32
          %add3A_484 = arith.addi %add3A_302, %add3A_483 : i32
          %mul3A_485 = arith.constant 10000 : i32
          %mul3A_486 = arith.muli %add3A, %mul3A_485 : i32
          %mul3A_487 = arith.constant 40 : i32
          %mul3A_488 = arith.muli %add3A_484, %mul3A_487 : i32
          %add3A_489 = arith.addi %mul3A_486, %mul3A_488 : i32
          %dma_start3A_490 = arith.constant 0 : i32
          %dma_start3A_491 = tpu.memref_slice %arg3[%add3A_489, %dma_start3A_490] : memref<320000x128xf32, #tpu.memory_space<hbm>> -> memref<40x128xf32, #tpu.memory_space<hbm>>
          %dma_start3A_492 = arith.constant 0 : i32
          %dma_start3A_493 = tpu.memref_slice %arg3[%add3A_489, %dma_start3A_492] : memref<320000x128xf32, #tpu.memory_space<hbm>> -> memref<40x128xf32, #tpu.memory_space<hbm>>
          tpu.enqueue_dma source(%dma_start3A_493 : memref<40x128xf32, #tpu.memory_space<hbm>>) target(%arg15 : memref<40x128xf32, #tpu.memory_space<vmem>>) target_semaphore(%arg25 : memref<!tpu.dma_semaphore, #tpu.memory_space<semaphore_mem>>)
        } else {
        }
        %add3A_459 = arith.constant 2 : i32
        %add3A_460 = arith.addi %add3A_302, %add3A_459 : i32
        %lt3A_461 = arith.constant 250 : i32
        %lt3A_462 = arith.cmpi slt, %add3A_460, %lt3A_461 : i32
        %convert_element_type3A_463 = arith.extui %lt3A_462 : i1 to i32
        %cond3A_464 = arith.constant 0 : i32
        %cond3A_465 = arith.cmpi ne, %convert_element_type3A_463, %cond3A_464 : i32
        scf.if %cond3A_465 {
          %dma_wait3A_479 = arith.constant 0 : i32
          %dma_wait3A_480 = arith.constant 0 : i32
          %dma_wait3A_481 = tpu.memref_slice %arg3[%dma_wait3A_479, %dma_wait3A_480] : memref<320000x128xf32, #tpu.memory_space<hbm>> -> memref<40x128xf32, #tpu.memory_space<hbm>>
          %dma_wait3A_482 = arith.constant 0 : i32
          %dma_wait3A_483 = arith.constant 0 : i32
          %dma_wait3A_484 = tpu.memref_slice %arg3[%dma_wait3A_482, %dma_wait3A_483] : memref<320000x128xf32, #tpu.memory_space<hbm>> -> memref<40x128xf32, #tpu.memory_space<hbm>>
          tpu.wait_dma2 semaphore(%arg23 : memref<!tpu.dma_semaphore, #tpu.memory_space<semaphore_mem>>) src(%dma_wait3A_484 : memref<40x128xf32, #tpu.memory_space<hbm>>) dst(%arg13 : memref<40x128xf32, #tpu.memory_space<vmem>>)
          %dma_start3A_485 = arith.constant 1 : i32
          %dma_start3A_486 = arith.constant 0 : i32
          %dma_start3A_487 = tpu.memref_slice %arg9[%dma_start3A_485, %dma_start3A_486] : memref<16x40xi32, #tpu.memory_space<vmem>> -> memref<1x40xi32, #tpu.memory_space<vmem>>
          %dma_start3A_488 = tpu.memref_squeeze %dma_start3A_487 : memref<1x40xi32, #tpu.memory_space<vmem>> -> memref<40xi32, #tpu.memory_space<vmem>>
          %dma_start3A_489 = arith.constant 0 : i32
          %dma_start3A_490 = arith.constant 0 : i32
          %dma_start3A_491 = tpu.memref_slice %arg2[%dma_start3A_489, %dma_start3A_490] : memref<10000x128xf32, #tpu.memory_space<hbm>> -> memref<10000x128xf32, #tpu.memory_space<hbm>>
          tpu.enqueue_indirect_dma source(%dma_start3A_491 : memref<10000x128xf32, #tpu.memory_space<hbm>>) target(%arg13 : memref<40x128xf32, #tpu.memory_space<vmem>>) offsets(%dma_start3A_488 : memref<40xi32, #tpu.memory_space<vmem>>) semaphore(%arg31 : memref<!tpu.dma_semaphore, #tpu.memory_space<semaphore_mem>>) {add = true}
        } else {
        }
        %dma_wait3A_466 = arith.constant 0 : i32
        %dma_wait3A_467 = arith.constant 0 : i32
        %dma_wait3A_468 = tpu.memref_slice %arg3[%dma_wait3A_466, %dma_wait3A_467] : memref<320000x128xf32, #tpu.memory_space<hbm>> -> memref<40x128xf32, #tpu.memory_space<hbm>>
        %dma_wait3A_469 = arith.constant 0 : i32
        %dma_wait3A_470 = arith.constant 0 : i32
        %dma_wait3A_471 = tpu.memref_slice %arg3[%dma_wait3A_469, %dma_wait3A_470] : memref<320000x128xf32, #tpu.memory_space<hbm>> -> memref<40x128xf32, #tpu.memory_space<hbm>>
        tpu.wait_dma2 semaphore(%arg37 : memref<!tpu.dma_semaphore, #tpu.memory_space<semaphore_mem>>) src(%dma_wait3A_471 : memref<40x128xf32, #tpu.memory_space<hbm>>) dst(%arg19 : memref<40x128xf32, #tpu.memory_space<vmem>>)
        %dma_start3A_472 = arith.constant 15 : i32
        %dma_start3A_473 = arith.constant 0 : i32
        %dma_start3A_474 = tpu.memref_slice %arg10[%dma_start3A_472, %dma_start3A_473] : memref<16x40xi32, #tpu.memory_space<vmem>> -> memref<1x40xi32, #tpu.memory_space<vmem>>
        %dma_start3A_475 = tpu.memref_squeeze %dma_start3A_474 : memref<1x40xi32, #tpu.memory_space<vmem>> -> memref<40xi32, #tpu.memory_space<vmem>>
        %dma_start3A_476 = arith.constant 0 : i32
        %dma_start3A_477 = arith.constant 0 : i32
        %dma_start3A_478 = tpu.memref_slice %arg46[%dma_start3A_476, %dma_start3A_477] : memref<10000x128xf32, #tpu.memory_space<vmem_shared>> -> memref<10000x128xf32, #tpu.memory_space<vmem_shared>>
        tpu.enqueue_indirect_dma source(%arg19 : memref<40x128xf32, #tpu.memory_space<vmem>>) target(%dma_start3A_478 : memref<10000x128xf32, #tpu.memory_space<vmem_shared>>) offsets(%dma_start3A_475 : memref<40xi32, #tpu.memory_space<vmem>>) semaphore(%arg45 : memref<!tpu.dma_semaphore, #tpu.memory_space<semaphore_mem>>) {add = true}
      } else {
      }
      %mul3A_308 = arith.constant 32 : i32
      %mul3A_309 = arith.muli %scan3A_164, %mul3A_308 : i32
      %add3A_310 = arith.constant 16 : i32
      %add3A_311 = arith.addi %mul3A_309, %add3A_310 : i32
      %lt3A_312 = arith.constant 250 : i32
      %lt3A_313 = arith.cmpi slt, %add3A_311, %lt3A_312 : i32
      %convert_element_type3A_314 = arith.extui %lt3A_313 : i1 to i32
      %cond3A_315 = arith.constant 0 : i32
      %cond3A_316 = arith.cmpi ne, %convert_element_type3A_314, %cond3A_315 : i32
      scf.if %cond3A_316 {
        %add3A_452 = arith.constant 4 : i32
        %add3A_453 = arith.addi %add3A_311, %add3A_452 : i32
        %lt3A_454 = arith.constant 250 : i32
        %lt3A_455 = arith.cmpi slt, %add3A_453, %lt3A_454 : i32
        %convert_element_type3A_456 = arith.extui %lt3A_455 : i1 to i32
        %cond3A_457 = arith.constant 0 : i32
        %cond3A_458 = arith.cmpi ne, %convert_element_type3A_456, %cond3A_457 : i32
        scf.if %cond3A_458 {
          %ge3A = arith.constant 4 : i32
          %ge3A_479 = arith.cmpi sge, %add3A_311, %ge3A : i32
          %convert_element_type3A_480 = arith.extui %ge3A_479 : i1 to i32
          %cond3A_481 = arith.constant 0 : i32
          %cond3A_482 = arith.cmpi ne, %convert_element_type3A_480, %cond3A_481 : i32
          scf.if %cond3A_482 {
            %dma_wait3A_494 = arith.constant 0 : i32
            %dma_wait3A_495 = arith.constant 0 : i32
            %dma_wait3A_496 = tpu.memref_slice %arg3[%dma_wait3A_494, %dma_wait3A_495] : memref<320000x128xf32, #tpu.memory_space<hbm>> -> memref<40x128xf32, #tpu.memory_space<hbm>>
            %dma_wait3A_497 = arith.constant 0 : i32
            %dma_wait3A_498 = arith.constant 0 : i32
            %dma_wait3A_499 = tpu.memref_slice %arg3[%dma_wait3A_497, %dma_wait3A_498] : memref<320000x128xf32, #tpu.memory_space<hbm>> -> memref<40x128xf32, #tpu.memory_space<hbm>>
            tpu.wait_dma2 semaphore(%arg42 : memref<!tpu.dma_semaphore, #tpu.memory_space<semaphore_mem>>) src(%dma_wait3A_499 : memref<40x128xf32, #tpu.memory_space<hbm>>) dst(%arg16 : memref<40x128xf32, #tpu.memory_space<vmem>>)
          } else {
          }
          %add3A_483 = arith.constant 4 : i32
          %add3A_484 = arith.addi %add3A_311, %add3A_483 : i32
          %mul3A_485 = arith.constant 10000 : i32
          %mul3A_486 = arith.muli %add3A, %mul3A_485 : i32
          %mul3A_487 = arith.constant 40 : i32
          %mul3A_488 = arith.muli %add3A_484, %mul3A_487 : i32
          %add3A_489 = arith.addi %mul3A_486, %mul3A_488 : i32
          %dma_start3A_490 = arith.constant 0 : i32
          %dma_start3A_491 = tpu.memref_slice %arg3[%add3A_489, %dma_start3A_490] : memref<320000x128xf32, #tpu.memory_space<hbm>> -> memref<40x128xf32, #tpu.memory_space<hbm>>
          %dma_start3A_492 = arith.constant 0 : i32
          %dma_start3A_493 = tpu.memref_slice %arg3[%add3A_489, %dma_start3A_492] : memref<320000x128xf32, #tpu.memory_space<hbm>> -> memref<40x128xf32, #tpu.memory_space<hbm>>
          tpu.enqueue_dma source(%dma_start3A_493 : memref<40x128xf32, #tpu.memory_space<hbm>>) target(%arg16 : memref<40x128xf32, #tpu.memory_space<vmem>>) target_semaphore(%arg26 : memref<!tpu.dma_semaphore, #tpu.memory_space<semaphore_mem>>)
        } else {
        }
        %add3A_459 = arith.constant 2 : i32
        %add3A_460 = arith.addi %add3A_311, %add3A_459 : i32
        %lt3A_461 = arith.constant 250 : i32
        %lt3A_462 = arith.cmpi slt, %add3A_460, %lt3A_461 : i32
        %convert_element_type3A_463 = arith.extui %lt3A_462 : i1 to i32
        %cond3A_464 = arith.constant 0 : i32
        %cond3A_465 = arith.cmpi ne, %convert_element_type3A_463, %cond3A_464 : i32
        scf.if %cond3A_465 {
          %dma_wait3A_479 = arith.constant 0 : i32
          %dma_wait3A_480 = arith.constant 0 : i32
          %dma_wait3A_481 = tpu.memref_slice %arg3[%dma_wait3A_479, %dma_wait3A_480] : memref<320000x128xf32, #tpu.memory_space<hbm>> -> memref<40x128xf32, #tpu.memory_space<hbm>>
          %dma_wait3A_482 = arith.constant 0 : i32
          %dma_wait3A_483 = arith.constant 0 : i32
          %dma_wait3A_484 = tpu.memref_slice %arg3[%dma_wait3A_482, %dma_wait3A_483] : memref<320000x128xf32, #tpu.memory_space<hbm>> -> memref<40x128xf32, #tpu.memory_space<hbm>>
          tpu.wait_dma2 semaphore(%arg24 : memref<!tpu.dma_semaphore, #tpu.memory_space<semaphore_mem>>) src(%dma_wait3A_484 : memref<40x128xf32, #tpu.memory_space<hbm>>) dst(%arg14 : memref<40x128xf32, #tpu.memory_space<vmem>>)
          %dma_start3A_485 = arith.constant 2 : i32
          %dma_start3A_486 = arith.constant 0 : i32
          %dma_start3A_487 = tpu.memref_slice %arg9[%dma_start3A_485, %dma_start3A_486] : memref<16x40xi32, #tpu.memory_space<vmem>> -> memref<1x40xi32, #tpu.memory_space<vmem>>
          %dma_start3A_488 = tpu.memref_squeeze %dma_start3A_487 : memref<1x40xi32, #tpu.memory_space<vmem>> -> memref<40xi32, #tpu.memory_space<vmem>>
          %dma_start3A_489 = arith.constant 0 : i32
          %dma_start3A_490 = arith.constant 0 : i32
          %dma_start3A_491 = tpu.memref_slice %arg2[%dma_start3A_489, %dma_start3A_490] : memref<10000x128xf32, #tpu.memory_space<hbm>> -> memref<10000x128xf32, #tpu.memory_space<hbm>>
          tpu.enqueue_indirect_dma source(%dma_start3A_491 : memref<10000x128xf32, #tpu.memory_space<hbm>>) target(%arg14 : memref<40x128xf32, #tpu.memory_space<vmem>>) offsets(%dma_start3A_488 : memref<40xi32, #tpu.memory_space<vmem>>) semaphore(%arg32 : memref<!tpu.dma_semaphore, #tpu.memory_space<semaphore_mem>>) {add = true}
        } else {
        }
        %dma_wait3A_466 = arith.constant 0 : i32
        %dma_wait3A_467 = arith.constant 0 : i32
        %dma_wait3A_468 = tpu.memref_slice %arg3[%dma_wait3A_466, %dma_wait3A_467] : memref<320000x128xf32, #tpu.memory_space<hbm>> -> memref<40x128xf32, #tpu.memory_space<hbm>>
        %dma_wait3A_469 = arith.constant 0 : i32
        %dma_wait3A_470 = arith.constant 0 : i32
        %dma_wait3A_471 = tpu.memref_slice %arg3[%dma_wait3A_469, %dma_wait3A_470] : memref<320000x128xf32, #tpu.memory_space<hbm>> -> memref<40x128xf32, #tpu.memory_space<hbm>>
        tpu.wait_dma2 semaphore(%arg30 : memref<!tpu.dma_semaphore, #tpu.memory_space<semaphore_mem>>) src(%dma_wait3A_471 : memref<40x128xf32, #tpu.memory_space<hbm>>) dst(%arg12 : memref<40x128xf32, #tpu.memory_space<vmem>>)
        %dma_start3A_472 = arith.constant 0 : i32
        %dma_start3A_473 = arith.constant 0 : i32
        %dma_start3A_474 = tpu.memref_slice %arg11[%dma_start3A_472, %dma_start3A_473] : memref<16x40xi32, #tpu.memory_space<vmem>> -> memref<1x40xi32, #tpu.memory_space<vmem>>
        %dma_start3A_475 = tpu.memref_squeeze %dma_start3A_474 : memref<1x40xi32, #tpu.memory_space<vmem>> -> memref<40xi32, #tpu.memory_space<vmem>>
        %dma_start3A_476 = arith.constant 0 : i32
        %dma_start3A_477 = arith.constant 0 : i32
        %dma_start3A_478 = tpu.memref_slice %arg46[%dma_start3A_476, %dma_start3A_477] : memref<10000x128xf32, #tpu.memory_space<vmem_shared>> -> memref<10000x128xf32, #tpu.memory_space<vmem_shared>>
        tpu.enqueue_indirect_dma source(%arg12 : memref<40x128xf32, #tpu.memory_space<vmem>>) target(%dma_start3A_478 : memref<10000x128xf32, #tpu.memory_space<vmem_shared>>) offsets(%dma_start3A_475 : memref<40xi32, #tpu.memory_space<vmem>>) semaphore(%arg38 : memref<!tpu.dma_semaphore, #tpu.memory_space<semaphore_mem>>) {add = true}
      } else {
      }
      %mul3A_317 = arith.constant 32 : i32
      %mul3A_318 = arith.muli %scan3A_164, %mul3A_317 : i32
      %add3A_319 = arith.constant 17 : i32
      %add3A_320 = arith.addi %mul3A_318, %add3A_319 : i32
      %lt3A_321 = arith.constant 250 : i32
      %lt3A_322 = arith.cmpi slt, %add3A_320, %lt3A_321 : i32
      %convert_element_type3A_323 = arith.extui %lt3A_322 : i1 to i32
      %cond3A_324 = arith.constant 0 : i32
      %cond3A_325 = arith.cmpi ne, %convert_element_type3A_323, %cond3A_324 : i32
      scf.if %cond3A_325 {
        %add3A_452 = arith.constant 4 : i32
        %add3A_453 = arith.addi %add3A_320, %add3A_452 : i32
        %lt3A_454 = arith.constant 250 : i32
        %lt3A_455 = arith.cmpi slt, %add3A_453, %lt3A_454 : i32
        %convert_element_type3A_456 = arith.extui %lt3A_455 : i1 to i32
        %cond3A_457 = arith.constant 0 : i32
        %cond3A_458 = arith.cmpi ne, %convert_element_type3A_456, %cond3A_457 : i32
        scf.if %cond3A_458 {
          %ge3A = arith.constant 4 : i32
          %ge3A_479 = arith.cmpi sge, %add3A_320, %ge3A : i32
          %convert_element_type3A_480 = arith.extui %ge3A_479 : i1 to i32
          %cond3A_481 = arith.constant 0 : i32
          %cond3A_482 = arith.cmpi ne, %convert_element_type3A_480, %cond3A_481 : i32
          scf.if %cond3A_482 {
            %dma_wait3A_494 = arith.constant 0 : i32
            %dma_wait3A_495 = arith.constant 0 : i32
            %dma_wait3A_496 = tpu.memref_slice %arg3[%dma_wait3A_494, %dma_wait3A_495] : memref<320000x128xf32, #tpu.memory_space<hbm>> -> memref<40x128xf32, #tpu.memory_space<hbm>>
            %dma_wait3A_497 = arith.constant 0 : i32
            %dma_wait3A_498 = arith.constant 0 : i32
            %dma_wait3A_499 = tpu.memref_slice %arg3[%dma_wait3A_497, %dma_wait3A_498] : memref<320000x128xf32, #tpu.memory_space<hbm>> -> memref<40x128xf32, #tpu.memory_space<hbm>>
            tpu.wait_dma2 semaphore(%arg43 : memref<!tpu.dma_semaphore, #tpu.memory_space<semaphore_mem>>) src(%dma_wait3A_499 : memref<40x128xf32, #tpu.memory_space<hbm>>) dst(%arg17 : memref<40x128xf32, #tpu.memory_space<vmem>>)
          } else {
          }
          %add3A_483 = arith.constant 4 : i32
          %add3A_484 = arith.addi %add3A_320, %add3A_483 : i32
          %mul3A_485 = arith.constant 10000 : i32
          %mul3A_486 = arith.muli %add3A, %mul3A_485 : i32
          %mul3A_487 = arith.constant 40 : i32
          %mul3A_488 = arith.muli %add3A_484, %mul3A_487 : i32
          %add3A_489 = arith.addi %mul3A_486, %mul3A_488 : i32
          %dma_start3A_490 = arith.constant 0 : i32
          %dma_start3A_491 = tpu.memref_slice %arg3[%add3A_489, %dma_start3A_490] : memref<320000x128xf32, #tpu.memory_space<hbm>> -> memref<40x128xf32, #tpu.memory_space<hbm>>
          %dma_start3A_492 = arith.constant 0 : i32
          %dma_start3A_493 = tpu.memref_slice %arg3[%add3A_489, %dma_start3A_492] : memref<320000x128xf32, #tpu.memory_space<hbm>> -> memref<40x128xf32, #tpu.memory_space<hbm>>
          tpu.enqueue_dma source(%dma_start3A_493 : memref<40x128xf32, #tpu.memory_space<hbm>>) target(%arg17 : memref<40x128xf32, #tpu.memory_space<vmem>>) target_semaphore(%arg27 : memref<!tpu.dma_semaphore, #tpu.memory_space<semaphore_mem>>)
        } else {
        }
        %add3A_459 = arith.constant 2 : i32
        %add3A_460 = arith.addi %add3A_320, %add3A_459 : i32
        %lt3A_461 = arith.constant 250 : i32
        %lt3A_462 = arith.cmpi slt, %add3A_460, %lt3A_461 : i32
        %convert_element_type3A_463 = arith.extui %lt3A_462 : i1 to i32
        %cond3A_464 = arith.constant 0 : i32
        %cond3A_465 = arith.cmpi ne, %convert_element_type3A_463, %cond3A_464 : i32
        scf.if %cond3A_465 {
          %dma_wait3A_479 = arith.constant 0 : i32
          %dma_wait3A_480 = arith.constant 0 : i32
          %dma_wait3A_481 = tpu.memref_slice %arg3[%dma_wait3A_479, %dma_wait3A_480] : memref<320000x128xf32, #tpu.memory_space<hbm>> -> memref<40x128xf32, #tpu.memory_space<hbm>>
          %dma_wait3A_482 = arith.constant 0 : i32
          %dma_wait3A_483 = arith.constant 0 : i32
          %dma_wait3A_484 = tpu.memref_slice %arg3[%dma_wait3A_482, %dma_wait3A_483] : memref<320000x128xf32, #tpu.memory_space<hbm>> -> memref<40x128xf32, #tpu.memory_space<hbm>>
          tpu.wait_dma2 semaphore(%arg25 : memref<!tpu.dma_semaphore, #tpu.memory_space<semaphore_mem>>) src(%dma_wait3A_484 : memref<40x128xf32, #tpu.memory_space<hbm>>) dst(%arg15 : memref<40x128xf32, #tpu.memory_space<vmem>>)
          %dma_start3A_485 = arith.constant 3 : i32
          %dma_start3A_486 = arith.constant 0 : i32
          %dma_start3A_487 = tpu.memref_slice %arg9[%dma_start3A_485, %dma_start3A_486] : memref<16x40xi32, #tpu.memory_space<vmem>> -> memref<1x40xi32, #tpu.memory_space<vmem>>
          %dma_start3A_488 = tpu.memref_squeeze %dma_start3A_487 : memref<1x40xi32, #tpu.memory_space<vmem>> -> memref<40xi32, #tpu.memory_space<vmem>>
          %dma_start3A_489 = arith.constant 0 : i32
          %dma_start3A_490 = arith.constant 0 : i32
          %dma_start3A_491 = tpu.memref_slice %arg2[%dma_start3A_489, %dma_start3A_490] : memref<10000x128xf32, #tpu.memory_space<hbm>> -> memref<10000x128xf32, #tpu.memory_space<hbm>>
          tpu.enqueue_indirect_dma source(%dma_start3A_491 : memref<10000x128xf32, #tpu.memory_space<hbm>>) target(%arg15 : memref<40x128xf32, #tpu.memory_space<vmem>>) offsets(%dma_start3A_488 : memref<40xi32, #tpu.memory_space<vmem>>) semaphore(%arg33 : memref<!tpu.dma_semaphore, #tpu.memory_space<semaphore_mem>>) {add = true}
        } else {
        }
        %dma_wait3A_466 = arith.constant 0 : i32
        %dma_wait3A_467 = arith.constant 0 : i32
        %dma_wait3A_468 = tpu.memref_slice %arg3[%dma_wait3A_466, %dma_wait3A_467] : memref<320000x128xf32, #tpu.memory_space<hbm>> -> memref<40x128xf32, #tpu.memory_space<hbm>>
        %dma_wait3A_469 = arith.constant 0 : i32
        %dma_wait3A_470 = arith.constant 0 : i32
        %dma_wait3A_471 = tpu.memref_slice %arg3[%dma_wait3A_469, %dma_wait3A_470] : memref<320000x128xf32, #tpu.memory_space<hbm>> -> memref<40x128xf32, #tpu.memory_space<hbm>>
        tpu.wait_dma2 semaphore(%arg31 : memref<!tpu.dma_semaphore, #tpu.memory_space<semaphore_mem>>) src(%dma_wait3A_471 : memref<40x128xf32, #tpu.memory_space<hbm>>) dst(%arg13 : memref<40x128xf32, #tpu.memory_space<vmem>>)
        %dma_start3A_472 = arith.constant 1 : i32
        %dma_start3A_473 = arith.constant 0 : i32
        %dma_start3A_474 = tpu.memref_slice %arg11[%dma_start3A_472, %dma_start3A_473] : memref<16x40xi32, #tpu.memory_space<vmem>> -> memref<1x40xi32, #tpu.memory_space<vmem>>
        %dma_start3A_475 = tpu.memref_squeeze %dma_start3A_474 : memref<1x40xi32, #tpu.memory_space<vmem>> -> memref<40xi32, #tpu.memory_space<vmem>>
        %dma_start3A_476 = arith.constant 0 : i32
        %dma_start3A_477 = arith.constant 0 : i32
        %dma_start3A_478 = tpu.memref_slice %arg46[%dma_start3A_476, %dma_start3A_477] : memref<10000x128xf32, #tpu.memory_space<vmem_shared>> -> memref<10000x128xf32, #tpu.memory_space<vmem_shared>>
        tpu.enqueue_indirect_dma source(%arg13 : memref<40x128xf32, #tpu.memory_space<vmem>>) target(%dma_start3A_478 : memref<10000x128xf32, #tpu.memory_space<vmem_shared>>) offsets(%dma_start3A_475 : memref<40xi32, #tpu.memory_space<vmem>>) semaphore(%arg39 : memref<!tpu.dma_semaphore, #tpu.memory_space<semaphore_mem>>) {add = true}
      } else {
      }
      %mul3A_326 = arith.constant 32 : i32
      %mul3A_327 = arith.muli %scan3A_164, %mul3A_326 : i32
      %add3A_328 = arith.constant 18 : i32
      %add3A_329 = arith.addi %mul3A_327, %add3A_328 : i32
      %lt3A_330 = arith.constant 250 : i32
      %lt3A_331 = arith.cmpi slt, %add3A_329, %lt3A_330 : i32
      %convert_element_type3A_332 = arith.extui %lt3A_331 : i1 to i32
      %cond3A_333 = arith.constant 0 : i32
      %cond3A_334 = arith.cmpi ne, %convert_element_type3A_332, %cond3A_333 : i32
      scf.if %cond3A_334 {
        %add3A_452 = arith.constant 4 : i32
        %add3A_453 = arith.addi %add3A_329, %add3A_452 : i32
        %lt3A_454 = arith.constant 250 : i32
        %lt3A_455 = arith.cmpi slt, %add3A_453, %lt3A_454 : i32
        %convert_element_type3A_456 = arith.extui %lt3A_455 : i1 to i32
        %cond3A_457 = arith.constant 0 : i32
        %cond3A_458 = arith.cmpi ne, %convert_element_type3A_456, %cond3A_457 : i32
        scf.if %cond3A_458 {
          %ge3A = arith.constant 4 : i32
          %ge3A_479 = arith.cmpi sge, %add3A_329, %ge3A : i32
          %convert_element_type3A_480 = arith.extui %ge3A_479 : i1 to i32
          %cond3A_481 = arith.constant 0 : i32
          %cond3A_482 = arith.cmpi ne, %convert_element_type3A_480, %cond3A_481 : i32
          scf.if %cond3A_482 {
            %dma_wait3A_494 = arith.constant 0 : i32
            %dma_wait3A_495 = arith.constant 0 : i32
            %dma_wait3A_496 = tpu.memref_slice %arg3[%dma_wait3A_494, %dma_wait3A_495] : memref<320000x128xf32, #tpu.memory_space<hbm>> -> memref<40x128xf32, #tpu.memory_space<hbm>>
            %dma_wait3A_497 = arith.constant 0 : i32
            %dma_wait3A_498 = arith.constant 0 : i32
            %dma_wait3A_499 = tpu.memref_slice %arg3[%dma_wait3A_497, %dma_wait3A_498] : memref<320000x128xf32, #tpu.memory_space<hbm>> -> memref<40x128xf32, #tpu.memory_space<hbm>>
            tpu.wait_dma2 semaphore(%arg44 : memref<!tpu.dma_semaphore, #tpu.memory_space<semaphore_mem>>) src(%dma_wait3A_499 : memref<40x128xf32, #tpu.memory_space<hbm>>) dst(%arg18 : memref<40x128xf32, #tpu.memory_space<vmem>>)
          } else {
          }
          %add3A_483 = arith.constant 4 : i32
          %add3A_484 = arith.addi %add3A_329, %add3A_483 : i32
          %mul3A_485 = arith.constant 10000 : i32
          %mul3A_486 = arith.muli %add3A, %mul3A_485 : i32
          %mul3A_487 = arith.constant 40 : i32
          %mul3A_488 = arith.muli %add3A_484, %mul3A_487 : i32
          %add3A_489 = arith.addi %mul3A_486, %mul3A_488 : i32
          %dma_start3A_490 = arith.constant 0 : i32
          %dma_start3A_491 = tpu.memref_slice %arg3[%add3A_489, %dma_start3A_490] : memref<320000x128xf32, #tpu.memory_space<hbm>> -> memref<40x128xf32, #tpu.memory_space<hbm>>
          %dma_start3A_492 = arith.constant 0 : i32
          %dma_start3A_493 = tpu.memref_slice %arg3[%add3A_489, %dma_start3A_492] : memref<320000x128xf32, #tpu.memory_space<hbm>> -> memref<40x128xf32, #tpu.memory_space<hbm>>
          tpu.enqueue_dma source(%dma_start3A_493 : memref<40x128xf32, #tpu.memory_space<hbm>>) target(%arg18 : memref<40x128xf32, #tpu.memory_space<vmem>>) target_semaphore(%arg28 : memref<!tpu.dma_semaphore, #tpu.memory_space<semaphore_mem>>)
        } else {
        }
        %add3A_459 = arith.constant 2 : i32
        %add3A_460 = arith.addi %add3A_329, %add3A_459 : i32
        %lt3A_461 = arith.constant 250 : i32
        %lt3A_462 = arith.cmpi slt, %add3A_460, %lt3A_461 : i32
        %convert_element_type3A_463 = arith.extui %lt3A_462 : i1 to i32
        %cond3A_464 = arith.constant 0 : i32
        %cond3A_465 = arith.cmpi ne, %convert_element_type3A_463, %cond3A_464 : i32
        scf.if %cond3A_465 {
          %dma_wait3A_479 = arith.constant 0 : i32
          %dma_wait3A_480 = arith.constant 0 : i32
          %dma_wait3A_481 = tpu.memref_slice %arg3[%dma_wait3A_479, %dma_wait3A_480] : memref<320000x128xf32, #tpu.memory_space<hbm>> -> memref<40x128xf32, #tpu.memory_space<hbm>>
          %dma_wait3A_482 = arith.constant 0 : i32
          %dma_wait3A_483 = arith.constant 0 : i32
          %dma_wait3A_484 = tpu.memref_slice %arg3[%dma_wait3A_482, %dma_wait3A_483] : memref<320000x128xf32, #tpu.memory_space<hbm>> -> memref<40x128xf32, #tpu.memory_space<hbm>>
          tpu.wait_dma2 semaphore(%arg26 : memref<!tpu.dma_semaphore, #tpu.memory_space<semaphore_mem>>) src(%dma_wait3A_484 : memref<40x128xf32, #tpu.memory_space<hbm>>) dst(%arg16 : memref<40x128xf32, #tpu.memory_space<vmem>>)
          %dma_start3A_485 = arith.constant 4 : i32
          %dma_start3A_486 = arith.constant 0 : i32
          %dma_start3A_487 = tpu.memref_slice %arg9[%dma_start3A_485, %dma_start3A_486] : memref<16x40xi32, #tpu.memory_space<vmem>> -> memref<1x40xi32, #tpu.memory_space<vmem>>
          %dma_start3A_488 = tpu.memref_squeeze %dma_start3A_487 : memref<1x40xi32, #tpu.memory_space<vmem>> -> memref<40xi32, #tpu.memory_space<vmem>>
          %dma_start3A_489 = arith.constant 0 : i32
          %dma_start3A_490 = arith.constant 0 : i32
          %dma_start3A_491 = tpu.memref_slice %arg2[%dma_start3A_489, %dma_start3A_490] : memref<10000x128xf32, #tpu.memory_space<hbm>> -> memref<10000x128xf32, #tpu.memory_space<hbm>>
          tpu.enqueue_indirect_dma source(%dma_start3A_491 : memref<10000x128xf32, #tpu.memory_space<hbm>>) target(%arg16 : memref<40x128xf32, #tpu.memory_space<vmem>>) offsets(%dma_start3A_488 : memref<40xi32, #tpu.memory_space<vmem>>) semaphore(%arg34 : memref<!tpu.dma_semaphore, #tpu.memory_space<semaphore_mem>>) {add = true}
        } else {
        }
        %dma_wait3A_466 = arith.constant 0 : i32
        %dma_wait3A_467 = arith.constant 0 : i32
        %dma_wait3A_468 = tpu.memref_slice %arg3[%dma_wait3A_466, %dma_wait3A_467] : memref<320000x128xf32, #tpu.memory_space<hbm>> -> memref<40x128xf32, #tpu.memory_space<hbm>>
        %dma_wait3A_469 = arith.constant 0 : i32
        %dma_wait3A_470 = arith.constant 0 : i32
        %dma_wait3A_471 = tpu.memref_slice %arg3[%dma_wait3A_469, %dma_wait3A_470] : memref<320000x128xf32, #tpu.memory_space<hbm>> -> memref<40x128xf32, #tpu.memory_space<hbm>>
        tpu.wait_dma2 semaphore(%arg32 : memref<!tpu.dma_semaphore, #tpu.memory_space<semaphore_mem>>) src(%dma_wait3A_471 : memref<40x128xf32, #tpu.memory_space<hbm>>) dst(%arg14 : memref<40x128xf32, #tpu.memory_space<vmem>>)
        %dma_start3A_472 = arith.constant 2 : i32
        %dma_start3A_473 = arith.constant 0 : i32
        %dma_start3A_474 = tpu.memref_slice %arg11[%dma_start3A_472, %dma_start3A_473] : memref<16x40xi32, #tpu.memory_space<vmem>> -> memref<1x40xi32, #tpu.memory_space<vmem>>
        %dma_start3A_475 = tpu.memref_squeeze %dma_start3A_474 : memref<1x40xi32, #tpu.memory_space<vmem>> -> memref<40xi32, #tpu.memory_space<vmem>>
        %dma_start3A_476 = arith.constant 0 : i32
        %dma_start3A_477 = arith.constant 0 : i32
        %dma_start3A_478 = tpu.memref_slice %arg46[%dma_start3A_476, %dma_start3A_477] : memref<10000x128xf32, #tpu.memory_space<vmem_shared>> -> memref<10000x128xf32, #tpu.memory_space<vmem_shared>>
        tpu.enqueue_indirect_dma source(%arg14 : memref<40x128xf32, #tpu.memory_space<vmem>>) target(%dma_start3A_478 : memref<10000x128xf32, #tpu.memory_space<vmem_shared>>) offsets(%dma_start3A_475 : memref<40xi32, #tpu.memory_space<vmem>>) semaphore(%arg40 : memref<!tpu.dma_semaphore, #tpu.memory_space<semaphore_mem>>) {add = true}
      } else {
      }
      %mul3A_335 = arith.constant 32 : i32
      %mul3A_336 = arith.muli %scan3A_164, %mul3A_335 : i32
      %add3A_337 = arith.constant 19 : i32
      %add3A_338 = arith.addi %mul3A_336, %add3A_337 : i32
      %lt3A_339 = arith.constant 250 : i32
      %lt3A_340 = arith.cmpi slt, %add3A_338, %lt3A_339 : i32
      %convert_element_type3A_341 = arith.extui %lt3A_340 : i1 to i32
      %cond3A_342 = arith.constant 0 : i32
      %cond3A_343 = arith.cmpi ne, %convert_element_type3A_341, %cond3A_342 : i32
      scf.if %cond3A_343 {
        %add3A_452 = arith.constant 4 : i32
        %add3A_453 = arith.addi %add3A_338, %add3A_452 : i32
        %lt3A_454 = arith.constant 250 : i32
        %lt3A_455 = arith.cmpi slt, %add3A_453, %lt3A_454 : i32
        %convert_element_type3A_456 = arith.extui %lt3A_455 : i1 to i32
        %cond3A_457 = arith.constant 0 : i32
        %cond3A_458 = arith.cmpi ne, %convert_element_type3A_456, %cond3A_457 : i32
        scf.if %cond3A_458 {
          %ge3A = arith.constant 4 : i32
          %ge3A_506 = arith.cmpi sge, %add3A_338, %ge3A : i32
          %convert_element_type3A_507 = arith.extui %ge3A_506 : i1 to i32
          %cond3A_508 = arith.constant 0 : i32
          %cond3A_509 = arith.cmpi ne, %convert_element_type3A_507, %cond3A_508 : i32
          scf.if %cond3A_509 {
            %dma_wait3A_521 = arith.constant 0 : i32
            %dma_wait3A_522 = arith.constant 0 : i32
            %dma_wait3A_523 = tpu.memref_slice %arg3[%dma_wait3A_521, %dma_wait3A_522] : memref<320000x128xf32, #tpu.memory_space<hbm>> -> memref<40x128xf32, #tpu.memory_space<hbm>>
            %dma_wait3A_524 = arith.constant 0 : i32
            %dma_wait3A_525 = arith.constant 0 : i32
            %dma_wait3A_526 = tpu.memref_slice %arg3[%dma_wait3A_524, %dma_wait3A_525] : memref<320000x128xf32, #tpu.memory_space<hbm>> -> memref<40x128xf32, #tpu.memory_space<hbm>>
            tpu.wait_dma2 semaphore(%arg45 : memref<!tpu.dma_semaphore, #tpu.memory_space<semaphore_mem>>) src(%dma_wait3A_526 : memref<40x128xf32, #tpu.memory_space<hbm>>) dst(%arg19 : memref<40x128xf32, #tpu.memory_space<vmem>>)
          } else {
          }
          %add3A_510 = arith.constant 4 : i32
          %add3A_511 = arith.addi %add3A_338, %add3A_510 : i32
          %mul3A_512 = arith.constant 10000 : i32
          %mul3A_513 = arith.muli %add3A, %mul3A_512 : i32
          %mul3A_514 = arith.constant 40 : i32
          %mul3A_515 = arith.muli %add3A_511, %mul3A_514 : i32
          %add3A_516 = arith.addi %mul3A_513, %mul3A_515 : i32
          %dma_start3A_517 = arith.constant 0 : i32
          %dma_start3A_518 = tpu.memref_slice %arg3[%add3A_516, %dma_start3A_517] : memref<320000x128xf32, #tpu.memory_space<hbm>> -> memref<40x128xf32, #tpu.memory_space<hbm>>
          %dma_start3A_519 = arith.constant 0 : i32
          %dma_start3A_520 = tpu.memref_slice %arg3[%add3A_516, %dma_start3A_519] : memref<320000x128xf32, #tpu.memory_space<hbm>> -> memref<40x128xf32, #tpu.memory_space<hbm>>
          tpu.enqueue_dma source(%dma_start3A_520 : memref<40x128xf32, #tpu.memory_space<hbm>>) target(%arg19 : memref<40x128xf32, #tpu.memory_space<vmem>>) target_semaphore(%arg29 : memref<!tpu.dma_semaphore, #tpu.memory_space<semaphore_mem>>)
        } else {
        }
        %add3A_459 = arith.constant 16 : i32
        %add3A_460 = arith.addi %add3A_338, %add3A_459 : i32
        %sub3A = arith.constant 3 : i32
        %sub3A_461 = arith.subi %add3A_460, %sub3A : i32
        %jit3A = arith.constant 16 : i32
        %div3A = arith.divsi %sub3A_461, %jit3A : i32
        %sign3A = arith.constant 0 : i32
        %sign3A_462 = arith.cmpi sgt, %sub3A_461, %sign3A : i32
        %sign3A_463 = arith.extui %sign3A_462 : i1 to i32
        %sign3A_464 = arith.constant 0 : i32
        %sign3A_465 = arith.cmpi slt, %sub3A_461, %sign3A_464 : i32
        %sign3A_466 = arith.extui %sign3A_465 : i1 to i32
        %sign3A_467 = arith.subi %sign3A_463, %sign3A_466 : i32
        %sign3A_468 = arith.constant 0 : i32
        %sign3A_469 = arith.cmpi sgt, %jit3A, %sign3A_468 : i32
        %sign3A_470 = arith.extui %sign3A_469 : i1 to i32
        %sign3A_471 = arith.constant 0 : i32
        %sign3A_472 = arith.cmpi slt, %jit3A, %sign3A_471 : i32
        %sign3A_473 = arith.extui %sign3A_472 : i1 to i32
        %sign3A_474 = arith.subi %sign3A_470, %sign3A_473 : i32
        %ne3A = arith.cmpi ne, %sign3A_467, %sign3A_474 : i32
        %rem3A = arith.remsi %sub3A_461, %jit3A : i32
        %ne3A_475 = arith.constant 0 : i32
        %ne3A_476 = arith.cmpi ne, %rem3A, %ne3A_475 : i32
        %and3A = arith.andi %ne3A, %ne3A_476 : i1
        %sub3A_477 = arith.constant 1 : i32
        %sub3A_478 = arith.subi %div3A, %sub3A_477 : i32
        %select_n3A = arith.select %and3A, %sub3A_478, %div3A : i32
        %mul3A_479 = arith.constant 16 : i32
        %mul3A_480 = arith.muli %select_n3A, %mul3A_479 : i32
        %lt3A_481 = arith.constant 250 : i32
        %lt3A_482 = arith.cmpi slt, %mul3A_480, %lt3A_481 : i32
        %convert_element_type3A_483 = arith.extui %lt3A_482 : i1 to i32
        %cond3A_484 = arith.constant 0 : i32
        %cond3A_485 = arith.cmpi ne, %convert_element_type3A_483, %cond3A_484 : i32
        scf.if %cond3A_485 {
          %mul3A_506 = arith.constant 16 : i32
          %mul3A_507 = arith.muli %add3A, %mul3A_506 : i32
          %add3A_508 = arith.addi %mul3A_507, %select_n3A : i32
          %dma_start3A_509 = arith.constant 0 : i32
          %dma_start3A_510 = arith.constant 0 : i32
          %dma_start3A_511 = tpu.memref_slice %arg4[%add3A_508, %dma_start3A_509, %dma_start3A_510] : memref<512x16x40xi32, #tpu.memory_space<hbm>> -> memref<1x16x40xi32, #tpu.memory_space<hbm>>
          %dma_start3A_512 = tpu.memref_squeeze %dma_start3A_511 : memref<1x16x40xi32, #tpu.memory_space<hbm>> -> memref<16x40xi32, #tpu.memory_space<hbm>>
          %dma_start3A_513 = arith.constant 0 : i32
          %dma_start3A_514 = arith.constant 0 : i32
          %dma_start3A_515 = tpu.memref_slice %arg4[%add3A_508, %dma_start3A_513, %dma_start3A_514] : memref<512x16x40xi32, #tpu.memory_space<hbm>> -> memref<1x16x40xi32, #tpu.memory_space<hbm>>
          %dma_start3A_516 = tpu.memref_squeeze %dma_start3A_515 : memref<1x16x40xi32, #tpu.memory_space<hbm>> -> memref<16x40xi32, #tpu.memory_space<hbm>>
          tpu.enqueue_dma source(%dma_start3A_516 : memref<16x40xi32, #tpu.memory_space<hbm>>) target(%arg8 : memref<16x40xi32, #tpu.memory_space<vmem>>) target_semaphore(%arg20 : memref<!tpu.dma_semaphore, #tpu.memory_space<semaphore_mem>>)
          %dma_start3A_517 = arith.constant 0 : i32
          %dma_start3A_518 = arith.constant 0 : i32
          %dma_start3A_519 = tpu.memref_slice %arg5[%add3A_508, %dma_start3A_517, %dma_start3A_518] : memref<512x16x40xi32, #tpu.memory_space<hbm>> -> memref<1x16x40xi32, #tpu.memory_space<hbm>>
          %dma_start3A_520 = tpu.memref_squeeze %dma_start3A_519 : memref<1x16x40xi32, #tpu.memory_space<hbm>> -> memref<16x40xi32, #tpu.memory_space<hbm>>
          %dma_start3A_521 = arith.constant 0 : i32
          %dma_start3A_522 = arith.constant 0 : i32
          %dma_start3A_523 = tpu.memref_slice %arg5[%add3A_508, %dma_start3A_521, %dma_start3A_522] : memref<512x16x40xi32, #tpu.memory_space<hbm>> -> memref<1x16x40xi32, #tpu.memory_space<hbm>>
          %dma_start3A_524 = tpu.memref_squeeze %dma_start3A_523 : memref<1x16x40xi32, #tpu.memory_space<hbm>> -> memref<16x40xi32, #tpu.memory_space<hbm>>
          tpu.enqueue_dma source(%dma_start3A_524 : memref<16x40xi32, #tpu.memory_space<hbm>>) target(%arg10 : memref<16x40xi32, #tpu.memory_space<vmem>>) target_semaphore(%arg20 : memref<!tpu.dma_semaphore, #tpu.memory_space<semaphore_mem>>)
        } else {
        }
        %add3A_486 = arith.constant 2 : i32
        %add3A_487 = arith.addi %add3A_338, %add3A_486 : i32
        %lt3A_488 = arith.constant 250 : i32
        %lt3A_489 = arith.cmpi slt, %add3A_487, %lt3A_488 : i32
        %convert_element_type3A_490 = arith.extui %lt3A_489 : i1 to i32
        %cond3A_491 = arith.constant 0 : i32
        %cond3A_492 = arith.cmpi ne, %convert_element_type3A_490, %cond3A_491 : i32
        scf.if %cond3A_492 {
          %dma_wait3A_506 = arith.constant 0 : i32
          %dma_wait3A_507 = arith.constant 0 : i32
          %dma_wait3A_508 = tpu.memref_slice %arg3[%dma_wait3A_506, %dma_wait3A_507] : memref<320000x128xf32, #tpu.memory_space<hbm>> -> memref<40x128xf32, #tpu.memory_space<hbm>>
          %dma_wait3A_509 = arith.constant 0 : i32
          %dma_wait3A_510 = arith.constant 0 : i32
          %dma_wait3A_511 = tpu.memref_slice %arg3[%dma_wait3A_509, %dma_wait3A_510] : memref<320000x128xf32, #tpu.memory_space<hbm>> -> memref<40x128xf32, #tpu.memory_space<hbm>>
          tpu.wait_dma2 semaphore(%arg27 : memref<!tpu.dma_semaphore, #tpu.memory_space<semaphore_mem>>) src(%dma_wait3A_511 : memref<40x128xf32, #tpu.memory_space<hbm>>) dst(%arg17 : memref<40x128xf32, #tpu.memory_space<vmem>>)
          %dma_start3A_512 = arith.constant 5 : i32
          %dma_start3A_513 = arith.constant 0 : i32
          %dma_start3A_514 = tpu.memref_slice %arg9[%dma_start3A_512, %dma_start3A_513] : memref<16x40xi32, #tpu.memory_space<vmem>> -> memref<1x40xi32, #tpu.memory_space<vmem>>
          %dma_start3A_515 = tpu.memref_squeeze %dma_start3A_514 : memref<1x40xi32, #tpu.memory_space<vmem>> -> memref<40xi32, #tpu.memory_space<vmem>>
          %dma_start3A_516 = arith.constant 0 : i32
          %dma_start3A_517 = arith.constant 0 : i32
          %dma_start3A_518 = tpu.memref_slice %arg2[%dma_start3A_516, %dma_start3A_517] : memref<10000x128xf32, #tpu.memory_space<hbm>> -> memref<10000x128xf32, #tpu.memory_space<hbm>>
          tpu.enqueue_indirect_dma source(%dma_start3A_518 : memref<10000x128xf32, #tpu.memory_space<hbm>>) target(%arg17 : memref<40x128xf32, #tpu.memory_space<vmem>>) offsets(%dma_start3A_515 : memref<40xi32, #tpu.memory_space<vmem>>) semaphore(%arg35 : memref<!tpu.dma_semaphore, #tpu.memory_space<semaphore_mem>>) {add = true}
        } else {
        }
        %dma_wait3A_493 = arith.constant 0 : i32
        %dma_wait3A_494 = arith.constant 0 : i32
        %dma_wait3A_495 = tpu.memref_slice %arg3[%dma_wait3A_493, %dma_wait3A_494] : memref<320000x128xf32, #tpu.memory_space<hbm>> -> memref<40x128xf32, #tpu.memory_space<hbm>>
        %dma_wait3A_496 = arith.constant 0 : i32
        %dma_wait3A_497 = arith.constant 0 : i32
        %dma_wait3A_498 = tpu.memref_slice %arg3[%dma_wait3A_496, %dma_wait3A_497] : memref<320000x128xf32, #tpu.memory_space<hbm>> -> memref<40x128xf32, #tpu.memory_space<hbm>>
        tpu.wait_dma2 semaphore(%arg33 : memref<!tpu.dma_semaphore, #tpu.memory_space<semaphore_mem>>) src(%dma_wait3A_498 : memref<40x128xf32, #tpu.memory_space<hbm>>) dst(%arg15 : memref<40x128xf32, #tpu.memory_space<vmem>>)
        %dma_start3A_499 = arith.constant 3 : i32
        %dma_start3A_500 = arith.constant 0 : i32
        %dma_start3A_501 = tpu.memref_slice %arg11[%dma_start3A_499, %dma_start3A_500] : memref<16x40xi32, #tpu.memory_space<vmem>> -> memref<1x40xi32, #tpu.memory_space<vmem>>
        %dma_start3A_502 = tpu.memref_squeeze %dma_start3A_501 : memref<1x40xi32, #tpu.memory_space<vmem>> -> memref<40xi32, #tpu.memory_space<vmem>>
        %dma_start3A_503 = arith.constant 0 : i32
        %dma_start3A_504 = arith.constant 0 : i32
        %dma_start3A_505 = tpu.memref_slice %arg46[%dma_start3A_503, %dma_start3A_504] : memref<10000x128xf32, #tpu.memory_space<vmem_shared>> -> memref<10000x128xf32, #tpu.memory_space<vmem_shared>>
        tpu.enqueue_indirect_dma source(%arg15 : memref<40x128xf32, #tpu.memory_space<vmem>>) target(%dma_start3A_505 : memref<10000x128xf32, #tpu.memory_space<vmem_shared>>) offsets(%dma_start3A_502 : memref<40xi32, #tpu.memory_space<vmem>>) semaphore(%arg41 : memref<!tpu.dma_semaphore, #tpu.memory_space<semaphore_mem>>) {add = true}
      } else {
      }
      %mul3A_344 = arith.constant 32 : i32
      %mul3A_345 = arith.muli %scan3A_164, %mul3A_344 : i32
      %add3A_346 = arith.constant 20 : i32
      %add3A_347 = arith.addi %mul3A_345, %add3A_346 : i32
      %lt3A_348 = arith.constant 250 : i32
      %lt3A_349 = arith.cmpi slt, %add3A_347, %lt3A_348 : i32
      %convert_element_type3A_350 = arith.extui %lt3A_349 : i1 to i32
      %cond3A_351 = arith.constant 0 : i32
      %cond3A_352 = arith.cmpi ne, %convert_element_type3A_350, %cond3A_351 : i32
      scf.if %cond3A_352 {
        %add3A_452 = arith.constant 4 : i32
        %add3A_453 = arith.addi %add3A_347, %add3A_452 : i32
        %lt3A_454 = arith.constant 250 : i32
        %lt3A_455 = arith.cmpi slt, %add3A_453, %lt3A_454 : i32
        %convert_element_type3A_456 = arith.extui %lt3A_455 : i1 to i32
        %cond3A_457 = arith.constant 0 : i32
        %cond3A_458 = arith.cmpi ne, %convert_element_type3A_456, %cond3A_457 : i32
        scf.if %cond3A_458 {
          %ge3A = arith.constant 4 : i32
          %ge3A_479 = arith.cmpi sge, %add3A_347, %ge3A : i32
          %convert_element_type3A_480 = arith.extui %ge3A_479 : i1 to i32
          %cond3A_481 = arith.constant 0 : i32
          %cond3A_482 = arith.cmpi ne, %convert_element_type3A_480, %cond3A_481 : i32
          scf.if %cond3A_482 {
            %dma_wait3A_494 = arith.constant 0 : i32
            %dma_wait3A_495 = arith.constant 0 : i32
            %dma_wait3A_496 = tpu.memref_slice %arg3[%dma_wait3A_494, %dma_wait3A_495] : memref<320000x128xf32, #tpu.memory_space<hbm>> -> memref<40x128xf32, #tpu.memory_space<hbm>>
            %dma_wait3A_497 = arith.constant 0 : i32
            %dma_wait3A_498 = arith.constant 0 : i32
            %dma_wait3A_499 = tpu.memref_slice %arg3[%dma_wait3A_497, %dma_wait3A_498] : memref<320000x128xf32, #tpu.memory_space<hbm>> -> memref<40x128xf32, #tpu.memory_space<hbm>>
            tpu.wait_dma2 semaphore(%arg38 : memref<!tpu.dma_semaphore, #tpu.memory_space<semaphore_mem>>) src(%dma_wait3A_499 : memref<40x128xf32, #tpu.memory_space<hbm>>) dst(%arg12 : memref<40x128xf32, #tpu.memory_space<vmem>>)
          } else {
          }
          %add3A_483 = arith.constant 4 : i32
          %add3A_484 = arith.addi %add3A_347, %add3A_483 : i32
          %mul3A_485 = arith.constant 10000 : i32
          %mul3A_486 = arith.muli %add3A, %mul3A_485 : i32
          %mul3A_487 = arith.constant 40 : i32
          %mul3A_488 = arith.muli %add3A_484, %mul3A_487 : i32
          %add3A_489 = arith.addi %mul3A_486, %mul3A_488 : i32
          %dma_start3A_490 = arith.constant 0 : i32
          %dma_start3A_491 = tpu.memref_slice %arg3[%add3A_489, %dma_start3A_490] : memref<320000x128xf32, #tpu.memory_space<hbm>> -> memref<40x128xf32, #tpu.memory_space<hbm>>
          %dma_start3A_492 = arith.constant 0 : i32
          %dma_start3A_493 = tpu.memref_slice %arg3[%add3A_489, %dma_start3A_492] : memref<320000x128xf32, #tpu.memory_space<hbm>> -> memref<40x128xf32, #tpu.memory_space<hbm>>
          tpu.enqueue_dma source(%dma_start3A_493 : memref<40x128xf32, #tpu.memory_space<hbm>>) target(%arg12 : memref<40x128xf32, #tpu.memory_space<vmem>>) target_semaphore(%arg22 : memref<!tpu.dma_semaphore, #tpu.memory_space<semaphore_mem>>)
        } else {
        }
        %add3A_459 = arith.constant 2 : i32
        %add3A_460 = arith.addi %add3A_347, %add3A_459 : i32
        %lt3A_461 = arith.constant 250 : i32
        %lt3A_462 = arith.cmpi slt, %add3A_460, %lt3A_461 : i32
        %convert_element_type3A_463 = arith.extui %lt3A_462 : i1 to i32
        %cond3A_464 = arith.constant 0 : i32
        %cond3A_465 = arith.cmpi ne, %convert_element_type3A_463, %cond3A_464 : i32
        scf.if %cond3A_465 {
          %dma_wait3A_479 = arith.constant 0 : i32
          %dma_wait3A_480 = arith.constant 0 : i32
          %dma_wait3A_481 = tpu.memref_slice %arg3[%dma_wait3A_479, %dma_wait3A_480] : memref<320000x128xf32, #tpu.memory_space<hbm>> -> memref<40x128xf32, #tpu.memory_space<hbm>>
          %dma_wait3A_482 = arith.constant 0 : i32
          %dma_wait3A_483 = arith.constant 0 : i32
          %dma_wait3A_484 = tpu.memref_slice %arg3[%dma_wait3A_482, %dma_wait3A_483] : memref<320000x128xf32, #tpu.memory_space<hbm>> -> memref<40x128xf32, #tpu.memory_space<hbm>>
          tpu.wait_dma2 semaphore(%arg28 : memref<!tpu.dma_semaphore, #tpu.memory_space<semaphore_mem>>) src(%dma_wait3A_484 : memref<40x128xf32, #tpu.memory_space<hbm>>) dst(%arg18 : memref<40x128xf32, #tpu.memory_space<vmem>>)
          %dma_start3A_485 = arith.constant 6 : i32
          %dma_start3A_486 = arith.constant 0 : i32
          %dma_start3A_487 = tpu.memref_slice %arg9[%dma_start3A_485, %dma_start3A_486] : memref<16x40xi32, #tpu.memory_space<vmem>> -> memref<1x40xi32, #tpu.memory_space<vmem>>
          %dma_start3A_488 = tpu.memref_squeeze %dma_start3A_487 : memref<1x40xi32, #tpu.memory_space<vmem>> -> memref<40xi32, #tpu.memory_space<vmem>>
          %dma_start3A_489 = arith.constant 0 : i32
          %dma_start3A_490 = arith.constant 0 : i32
          %dma_start3A_491 = tpu.memref_slice %arg2[%dma_start3A_489, %dma_start3A_490] : memref<10000x128xf32, #tpu.memory_space<hbm>> -> memref<10000x128xf32, #tpu.memory_space<hbm>>
          tpu.enqueue_indirect_dma source(%dma_start3A_491 : memref<10000x128xf32, #tpu.memory_space<hbm>>) target(%arg18 : memref<40x128xf32, #tpu.memory_space<vmem>>) offsets(%dma_start3A_488 : memref<40xi32, #tpu.memory_space<vmem>>) semaphore(%arg36 : memref<!tpu.dma_semaphore, #tpu.memory_space<semaphore_mem>>) {add = true}
        } else {
        }
        %dma_wait3A_466 = arith.constant 0 : i32
        %dma_wait3A_467 = arith.constant 0 : i32
        %dma_wait3A_468 = tpu.memref_slice %arg3[%dma_wait3A_466, %dma_wait3A_467] : memref<320000x128xf32, #tpu.memory_space<hbm>> -> memref<40x128xf32, #tpu.memory_space<hbm>>
        %dma_wait3A_469 = arith.constant 0 : i32
        %dma_wait3A_470 = arith.constant 0 : i32
        %dma_wait3A_471 = tpu.memref_slice %arg3[%dma_wait3A_469, %dma_wait3A_470] : memref<320000x128xf32, #tpu.memory_space<hbm>> -> memref<40x128xf32, #tpu.memory_space<hbm>>
        tpu.wait_dma2 semaphore(%arg34 : memref<!tpu.dma_semaphore, #tpu.memory_space<semaphore_mem>>) src(%dma_wait3A_471 : memref<40x128xf32, #tpu.memory_space<hbm>>) dst(%arg16 : memref<40x128xf32, #tpu.memory_space<vmem>>)
        %dma_start3A_472 = arith.constant 4 : i32
        %dma_start3A_473 = arith.constant 0 : i32
        %dma_start3A_474 = tpu.memref_slice %arg11[%dma_start3A_472, %dma_start3A_473] : memref<16x40xi32, #tpu.memory_space<vmem>> -> memref<1x40xi32, #tpu.memory_space<vmem>>
        %dma_start3A_475 = tpu.memref_squeeze %dma_start3A_474 : memref<1x40xi32, #tpu.memory_space<vmem>> -> memref<40xi32, #tpu.memory_space<vmem>>
        %dma_start3A_476 = arith.constant 0 : i32
        %dma_start3A_477 = arith.constant 0 : i32
        %dma_start3A_478 = tpu.memref_slice %arg46[%dma_start3A_476, %dma_start3A_477] : memref<10000x128xf32, #tpu.memory_space<vmem_shared>> -> memref<10000x128xf32, #tpu.memory_space<vmem_shared>>
        tpu.enqueue_indirect_dma source(%arg16 : memref<40x128xf32, #tpu.memory_space<vmem>>) target(%dma_start3A_478 : memref<10000x128xf32, #tpu.memory_space<vmem_shared>>) offsets(%dma_start3A_475 : memref<40xi32, #tpu.memory_space<vmem>>) semaphore(%arg42 : memref<!tpu.dma_semaphore, #tpu.memory_space<semaphore_mem>>) {add = true}
      } else {
      }
      %mul3A_353 = arith.constant 32 : i32
      %mul3A_354 = arith.muli %scan3A_164, %mul3A_353 : i32
      %add3A_355 = arith.constant 21 : i32
      %add3A_356 = arith.addi %mul3A_354, %add3A_355 : i32
      %lt3A_357 = arith.constant 250 : i32
      %lt3A_358 = arith.cmpi slt, %add3A_356, %lt3A_357 : i32
      %convert_element_type3A_359 = arith.extui %lt3A_358 : i1 to i32
      %cond3A_360 = arith.constant 0 : i32
      %cond3A_361 = arith.cmpi ne, %convert_element_type3A_359, %cond3A_360 : i32
      scf.if %cond3A_361 {
        %add3A_452 = arith.constant 4 : i32
        %add3A_453 = arith.addi %add3A_356, %add3A_452 : i32
        %lt3A_454 = arith.constant 250 : i32
        %lt3A_455 = arith.cmpi slt, %add3A_453, %lt3A_454 : i32
        %convert_element_type3A_456 = arith.extui %lt3A_455 : i1 to i32
        %cond3A_457 = arith.constant 0 : i32
        %cond3A_458 = arith.cmpi ne, %convert_element_type3A_456, %cond3A_457 : i32
        scf.if %cond3A_458 {
          %ge3A = arith.constant 4 : i32
          %ge3A_479 = arith.cmpi sge, %add3A_356, %ge3A : i32
          %convert_element_type3A_480 = arith.extui %ge3A_479 : i1 to i32
          %cond3A_481 = arith.constant 0 : i32
          %cond3A_482 = arith.cmpi ne, %convert_element_type3A_480, %cond3A_481 : i32
          scf.if %cond3A_482 {
            %dma_wait3A_494 = arith.constant 0 : i32
            %dma_wait3A_495 = arith.constant 0 : i32
            %dma_wait3A_496 = tpu.memref_slice %arg3[%dma_wait3A_494, %dma_wait3A_495] : memref<320000x128xf32, #tpu.memory_space<hbm>> -> memref<40x128xf32, #tpu.memory_space<hbm>>
            %dma_wait3A_497 = arith.constant 0 : i32
            %dma_wait3A_498 = arith.constant 0 : i32
            %dma_wait3A_499 = tpu.memref_slice %arg3[%dma_wait3A_497, %dma_wait3A_498] : memref<320000x128xf32, #tpu.memory_space<hbm>> -> memref<40x128xf32, #tpu.memory_space<hbm>>
            tpu.wait_dma2 semaphore(%arg39 : memref<!tpu.dma_semaphore, #tpu.memory_space<semaphore_mem>>) src(%dma_wait3A_499 : memref<40x128xf32, #tpu.memory_space<hbm>>) dst(%arg13 : memref<40x128xf32, #tpu.memory_space<vmem>>)
          } else {
          }
          %add3A_483 = arith.constant 4 : i32
          %add3A_484 = arith.addi %add3A_356, %add3A_483 : i32
          %mul3A_485 = arith.constant 10000 : i32
          %mul3A_486 = arith.muli %add3A, %mul3A_485 : i32
          %mul3A_487 = arith.constant 40 : i32
          %mul3A_488 = arith.muli %add3A_484, %mul3A_487 : i32
          %add3A_489 = arith.addi %mul3A_486, %mul3A_488 : i32
          %dma_start3A_490 = arith.constant 0 : i32
          %dma_start3A_491 = tpu.memref_slice %arg3[%add3A_489, %dma_start3A_490] : memref<320000x128xf32, #tpu.memory_space<hbm>> -> memref<40x128xf32, #tpu.memory_space<hbm>>
          %dma_start3A_492 = arith.constant 0 : i32
          %dma_start3A_493 = tpu.memref_slice %arg3[%add3A_489, %dma_start3A_492] : memref<320000x128xf32, #tpu.memory_space<hbm>> -> memref<40x128xf32, #tpu.memory_space<hbm>>
          tpu.enqueue_dma source(%dma_start3A_493 : memref<40x128xf32, #tpu.memory_space<hbm>>) target(%arg13 : memref<40x128xf32, #tpu.memory_space<vmem>>) target_semaphore(%arg23 : memref<!tpu.dma_semaphore, #tpu.memory_space<semaphore_mem>>)
        } else {
        }
        %add3A_459 = arith.constant 2 : i32
        %add3A_460 = arith.addi %add3A_356, %add3A_459 : i32
        %lt3A_461 = arith.constant 250 : i32
        %lt3A_462 = arith.cmpi slt, %add3A_460, %lt3A_461 : i32
        %convert_element_type3A_463 = arith.extui %lt3A_462 : i1 to i32
        %cond3A_464 = arith.constant 0 : i32
        %cond3A_465 = arith.cmpi ne, %convert_element_type3A_463, %cond3A_464 : i32
        scf.if %cond3A_465 {
          %dma_wait3A_479 = arith.constant 0 : i32
          %dma_wait3A_480 = arith.constant 0 : i32
          %dma_wait3A_481 = tpu.memref_slice %arg3[%dma_wait3A_479, %dma_wait3A_480] : memref<320000x128xf32, #tpu.memory_space<hbm>> -> memref<40x128xf32, #tpu.memory_space<hbm>>
          %dma_wait3A_482 = arith.constant 0 : i32
          %dma_wait3A_483 = arith.constant 0 : i32
          %dma_wait3A_484 = tpu.memref_slice %arg3[%dma_wait3A_482, %dma_wait3A_483] : memref<320000x128xf32, #tpu.memory_space<hbm>> -> memref<40x128xf32, #tpu.memory_space<hbm>>
          tpu.wait_dma2 semaphore(%arg29 : memref<!tpu.dma_semaphore, #tpu.memory_space<semaphore_mem>>) src(%dma_wait3A_484 : memref<40x128xf32, #tpu.memory_space<hbm>>) dst(%arg19 : memref<40x128xf32, #tpu.memory_space<vmem>>)
          %dma_start3A_485 = arith.constant 7 : i32
          %dma_start3A_486 = arith.constant 0 : i32
          %dma_start3A_487 = tpu.memref_slice %arg9[%dma_start3A_485, %dma_start3A_486] : memref<16x40xi32, #tpu.memory_space<vmem>> -> memref<1x40xi32, #tpu.memory_space<vmem>>
          %dma_start3A_488 = tpu.memref_squeeze %dma_start3A_487 : memref<1x40xi32, #tpu.memory_space<vmem>> -> memref<40xi32, #tpu.memory_space<vmem>>
          %dma_start3A_489 = arith.constant 0 : i32
          %dma_start3A_490 = arith.constant 0 : i32
          %dma_start3A_491 = tpu.memref_slice %arg2[%dma_start3A_489, %dma_start3A_490] : memref<10000x128xf32, #tpu.memory_space<hbm>> -> memref<10000x128xf32, #tpu.memory_space<hbm>>
          tpu.enqueue_indirect_dma source(%dma_start3A_491 : memref<10000x128xf32, #tpu.memory_space<hbm>>) target(%arg19 : memref<40x128xf32, #tpu.memory_space<vmem>>) offsets(%dma_start3A_488 : memref<40xi32, #tpu.memory_space<vmem>>) semaphore(%arg37 : memref<!tpu.dma_semaphore, #tpu.memory_space<semaphore_mem>>) {add = true}
        } else {
        }
        %dma_wait3A_466 = arith.constant 0 : i32
        %dma_wait3A_467 = arith.constant 0 : i32
        %dma_wait3A_468 = tpu.memref_slice %arg3[%dma_wait3A_466, %dma_wait3A_467] : memref<320000x128xf32, #tpu.memory_space<hbm>> -> memref<40x128xf32, #tpu.memory_space<hbm>>
        %dma_wait3A_469 = arith.constant 0 : i32
        %dma_wait3A_470 = arith.constant 0 : i32
        %dma_wait3A_471 = tpu.memref_slice %arg3[%dma_wait3A_469, %dma_wait3A_470] : memref<320000x128xf32, #tpu.memory_space<hbm>> -> memref<40x128xf32, #tpu.memory_space<hbm>>
        tpu.wait_dma2 semaphore(%arg35 : memref<!tpu.dma_semaphore, #tpu.memory_space<semaphore_mem>>) src(%dma_wait3A_471 : memref<40x128xf32, #tpu.memory_space<hbm>>) dst(%arg17 : memref<40x128xf32, #tpu.memory_space<vmem>>)
        %dma_start3A_472 = arith.constant 5 : i32
        %dma_start3A_473 = arith.constant 0 : i32
        %dma_start3A_474 = tpu.memref_slice %arg11[%dma_start3A_472, %dma_start3A_473] : memref<16x40xi32, #tpu.memory_space<vmem>> -> memref<1x40xi32, #tpu.memory_space<vmem>>
        %dma_start3A_475 = tpu.memref_squeeze %dma_start3A_474 : memref<1x40xi32, #tpu.memory_space<vmem>> -> memref<40xi32, #tpu.memory_space<vmem>>
        %dma_start3A_476 = arith.constant 0 : i32
        %dma_start3A_477 = arith.constant 0 : i32
        %dma_start3A_478 = tpu.memref_slice %arg46[%dma_start3A_476, %dma_start3A_477] : memref<10000x128xf32, #tpu.memory_space<vmem_shared>> -> memref<10000x128xf32, #tpu.memory_space<vmem_shared>>
        tpu.enqueue_indirect_dma source(%arg17 : memref<40x128xf32, #tpu.memory_space<vmem>>) target(%dma_start3A_478 : memref<10000x128xf32, #tpu.memory_space<vmem_shared>>) offsets(%dma_start3A_475 : memref<40xi32, #tpu.memory_space<vmem>>) semaphore(%arg43 : memref<!tpu.dma_semaphore, #tpu.memory_space<semaphore_mem>>) {add = true}
      } else {
      }
      %mul3A_362 = arith.constant 32 : i32
      %mul3A_363 = arith.muli %scan3A_164, %mul3A_362 : i32
      %add3A_364 = arith.constant 22 : i32
      %add3A_365 = arith.addi %mul3A_363, %add3A_364 : i32
      %lt3A_366 = arith.constant 250 : i32
      %lt3A_367 = arith.cmpi slt, %add3A_365, %lt3A_366 : i32
      %convert_element_type3A_368 = arith.extui %lt3A_367 : i1 to i32
      %cond3A_369 = arith.constant 0 : i32
      %cond3A_370 = arith.cmpi ne, %convert_element_type3A_368, %cond3A_369 : i32
      scf.if %cond3A_370 {
        %add3A_452 = arith.constant 4 : i32
        %add3A_453 = arith.addi %add3A_365, %add3A_452 : i32
        %lt3A_454 = arith.constant 250 : i32
        %lt3A_455 = arith.cmpi slt, %add3A_453, %lt3A_454 : i32
        %convert_element_type3A_456 = arith.extui %lt3A_455 : i1 to i32
        %cond3A_457 = arith.constant 0 : i32
        %cond3A_458 = arith.cmpi ne, %convert_element_type3A_456, %cond3A_457 : i32
        scf.if %cond3A_458 {
          %ge3A = arith.constant 4 : i32
          %ge3A_479 = arith.cmpi sge, %add3A_365, %ge3A : i32
          %convert_element_type3A_480 = arith.extui %ge3A_479 : i1 to i32
          %cond3A_481 = arith.constant 0 : i32
          %cond3A_482 = arith.cmpi ne, %convert_element_type3A_480, %cond3A_481 : i32
          scf.if %cond3A_482 {
            %dma_wait3A_494 = arith.constant 0 : i32
            %dma_wait3A_495 = arith.constant 0 : i32
            %dma_wait3A_496 = tpu.memref_slice %arg3[%dma_wait3A_494, %dma_wait3A_495] : memref<320000x128xf32, #tpu.memory_space<hbm>> -> memref<40x128xf32, #tpu.memory_space<hbm>>
            %dma_wait3A_497 = arith.constant 0 : i32
            %dma_wait3A_498 = arith.constant 0 : i32
            %dma_wait3A_499 = tpu.memref_slice %arg3[%dma_wait3A_497, %dma_wait3A_498] : memref<320000x128xf32, #tpu.memory_space<hbm>> -> memref<40x128xf32, #tpu.memory_space<hbm>>
            tpu.wait_dma2 semaphore(%arg40 : memref<!tpu.dma_semaphore, #tpu.memory_space<semaphore_mem>>) src(%dma_wait3A_499 : memref<40x128xf32, #tpu.memory_space<hbm>>) dst(%arg14 : memref<40x128xf32, #tpu.memory_space<vmem>>)
          } else {
          }
          %add3A_483 = arith.constant 4 : i32
          %add3A_484 = arith.addi %add3A_365, %add3A_483 : i32
          %mul3A_485 = arith.constant 10000 : i32
          %mul3A_486 = arith.muli %add3A, %mul3A_485 : i32
          %mul3A_487 = arith.constant 40 : i32
          %mul3A_488 = arith.muli %add3A_484, %mul3A_487 : i32
          %add3A_489 = arith.addi %mul3A_486, %mul3A_488 : i32
          %dma_start3A_490 = arith.constant 0 : i32
          %dma_start3A_491 = tpu.memref_slice %arg3[%add3A_489, %dma_start3A_490] : memref<320000x128xf32, #tpu.memory_space<hbm>> -> memref<40x128xf32, #tpu.memory_space<hbm>>
          %dma_start3A_492 = arith.constant 0 : i32
          %dma_start3A_493 = tpu.memref_slice %arg3[%add3A_489, %dma_start3A_492] : memref<320000x128xf32, #tpu.memory_space<hbm>> -> memref<40x128xf32, #tpu.memory_space<hbm>>
          tpu.enqueue_dma source(%dma_start3A_493 : memref<40x128xf32, #tpu.memory_space<hbm>>) target(%arg14 : memref<40x128xf32, #tpu.memory_space<vmem>>) target_semaphore(%arg24 : memref<!tpu.dma_semaphore, #tpu.memory_space<semaphore_mem>>)
        } else {
        }
        %add3A_459 = arith.constant 2 : i32
        %add3A_460 = arith.addi %add3A_365, %add3A_459 : i32
        %lt3A_461 = arith.constant 250 : i32
        %lt3A_462 = arith.cmpi slt, %add3A_460, %lt3A_461 : i32
        %convert_element_type3A_463 = arith.extui %lt3A_462 : i1 to i32
        %cond3A_464 = arith.constant 0 : i32
        %cond3A_465 = arith.cmpi ne, %convert_element_type3A_463, %cond3A_464 : i32
        scf.if %cond3A_465 {
          %dma_wait3A_479 = arith.constant 0 : i32
          %dma_wait3A_480 = arith.constant 0 : i32
          %dma_wait3A_481 = tpu.memref_slice %arg3[%dma_wait3A_479, %dma_wait3A_480] : memref<320000x128xf32, #tpu.memory_space<hbm>> -> memref<40x128xf32, #tpu.memory_space<hbm>>
          %dma_wait3A_482 = arith.constant 0 : i32
          %dma_wait3A_483 = arith.constant 0 : i32
          %dma_wait3A_484 = tpu.memref_slice %arg3[%dma_wait3A_482, %dma_wait3A_483] : memref<320000x128xf32, #tpu.memory_space<hbm>> -> memref<40x128xf32, #tpu.memory_space<hbm>>
          tpu.wait_dma2 semaphore(%arg22 : memref<!tpu.dma_semaphore, #tpu.memory_space<semaphore_mem>>) src(%dma_wait3A_484 : memref<40x128xf32, #tpu.memory_space<hbm>>) dst(%arg12 : memref<40x128xf32, #tpu.memory_space<vmem>>)
          %dma_start3A_485 = arith.constant 8 : i32
          %dma_start3A_486 = arith.constant 0 : i32
          %dma_start3A_487 = tpu.memref_slice %arg9[%dma_start3A_485, %dma_start3A_486] : memref<16x40xi32, #tpu.memory_space<vmem>> -> memref<1x40xi32, #tpu.memory_space<vmem>>
          %dma_start3A_488 = tpu.memref_squeeze %dma_start3A_487 : memref<1x40xi32, #tpu.memory_space<vmem>> -> memref<40xi32, #tpu.memory_space<vmem>>
          %dma_start3A_489 = arith.constant 0 : i32
          %dma_start3A_490 = arith.constant 0 : i32
          %dma_start3A_491 = tpu.memref_slice %arg2[%dma_start3A_489, %dma_start3A_490] : memref<10000x128xf32, #tpu.memory_space<hbm>> -> memref<10000x128xf32, #tpu.memory_space<hbm>>
          tpu.enqueue_indirect_dma source(%dma_start3A_491 : memref<10000x128xf32, #tpu.memory_space<hbm>>) target(%arg12 : memref<40x128xf32, #tpu.memory_space<vmem>>) offsets(%dma_start3A_488 : memref<40xi32, #tpu.memory_space<vmem>>) semaphore(%arg30 : memref<!tpu.dma_semaphore, #tpu.memory_space<semaphore_mem>>) {add = true}
        } else {
        }
        %dma_wait3A_466 = arith.constant 0 : i32
        %dma_wait3A_467 = arith.constant 0 : i32
        %dma_wait3A_468 = tpu.memref_slice %arg3[%dma_wait3A_466, %dma_wait3A_467] : memref<320000x128xf32, #tpu.memory_space<hbm>> -> memref<40x128xf32, #tpu.memory_space<hbm>>
        %dma_wait3A_469 = arith.constant 0 : i32
        %dma_wait3A_470 = arith.constant 0 : i32
        %dma_wait3A_471 = tpu.memref_slice %arg3[%dma_wait3A_469, %dma_wait3A_470] : memref<320000x128xf32, #tpu.memory_space<hbm>> -> memref<40x128xf32, #tpu.memory_space<hbm>>
        tpu.wait_dma2 semaphore(%arg36 : memref<!tpu.dma_semaphore, #tpu.memory_space<semaphore_mem>>) src(%dma_wait3A_471 : memref<40x128xf32, #tpu.memory_space<hbm>>) dst(%arg18 : memref<40x128xf32, #tpu.memory_space<vmem>>)
        %dma_start3A_472 = arith.constant 6 : i32
        %dma_start3A_473 = arith.constant 0 : i32
        %dma_start3A_474 = tpu.memref_slice %arg11[%dma_start3A_472, %dma_start3A_473] : memref<16x40xi32, #tpu.memory_space<vmem>> -> memref<1x40xi32, #tpu.memory_space<vmem>>
        %dma_start3A_475 = tpu.memref_squeeze %dma_start3A_474 : memref<1x40xi32, #tpu.memory_space<vmem>> -> memref<40xi32, #tpu.memory_space<vmem>>
        %dma_start3A_476 = arith.constant 0 : i32
        %dma_start3A_477 = arith.constant 0 : i32
        %dma_start3A_478 = tpu.memref_slice %arg46[%dma_start3A_476, %dma_start3A_477] : memref<10000x128xf32, #tpu.memory_space<vmem_shared>> -> memref<10000x128xf32, #tpu.memory_space<vmem_shared>>
        tpu.enqueue_indirect_dma source(%arg18 : memref<40x128xf32, #tpu.memory_space<vmem>>) target(%dma_start3A_478 : memref<10000x128xf32, #tpu.memory_space<vmem_shared>>) offsets(%dma_start3A_475 : memref<40xi32, #tpu.memory_space<vmem>>) semaphore(%arg44 : memref<!tpu.dma_semaphore, #tpu.memory_space<semaphore_mem>>) {add = true}
      } else {
      }
      %mul3A_371 = arith.constant 32 : i32
      %mul3A_372 = arith.muli %scan3A_164, %mul3A_371 : i32
      %add3A_373 = arith.constant 23 : i32
      %add3A_374 = arith.addi %mul3A_372, %add3A_373 : i32
      %lt3A_375 = arith.constant 250 : i32
      %lt3A_376 = arith.cmpi slt, %add3A_374, %lt3A_375 : i32
      %convert_element_type3A_377 = arith.extui %lt3A_376 : i1 to i32
      %cond3A_378 = arith.constant 0 : i32
      %cond3A_379 = arith.cmpi ne, %convert_element_type3A_377, %cond3A_378 : i32
      scf.if %cond3A_379 {
        %add3A_452 = arith.constant 4 : i32
        %add3A_453 = arith.addi %add3A_374, %add3A_452 : i32
        %lt3A_454 = arith.constant 250 : i32
        %lt3A_455 = arith.cmpi slt, %add3A_453, %lt3A_454 : i32
        %convert_element_type3A_456 = arith.extui %lt3A_455 : i1 to i32
        %cond3A_457 = arith.constant 0 : i32
        %cond3A_458 = arith.cmpi ne, %convert_element_type3A_456, %cond3A_457 : i32
        scf.if %cond3A_458 {
          %ge3A = arith.constant 4 : i32
          %ge3A_479 = arith.cmpi sge, %add3A_374, %ge3A : i32
          %convert_element_type3A_480 = arith.extui %ge3A_479 : i1 to i32
          %cond3A_481 = arith.constant 0 : i32
          %cond3A_482 = arith.cmpi ne, %convert_element_type3A_480, %cond3A_481 : i32
          scf.if %cond3A_482 {
            %dma_wait3A_494 = arith.constant 0 : i32
            %dma_wait3A_495 = arith.constant 0 : i32
            %dma_wait3A_496 = tpu.memref_slice %arg3[%dma_wait3A_494, %dma_wait3A_495] : memref<320000x128xf32, #tpu.memory_space<hbm>> -> memref<40x128xf32, #tpu.memory_space<hbm>>
            %dma_wait3A_497 = arith.constant 0 : i32
            %dma_wait3A_498 = arith.constant 0 : i32
            %dma_wait3A_499 = tpu.memref_slice %arg3[%dma_wait3A_497, %dma_wait3A_498] : memref<320000x128xf32, #tpu.memory_space<hbm>> -> memref<40x128xf32, #tpu.memory_space<hbm>>
            tpu.wait_dma2 semaphore(%arg41 : memref<!tpu.dma_semaphore, #tpu.memory_space<semaphore_mem>>) src(%dma_wait3A_499 : memref<40x128xf32, #tpu.memory_space<hbm>>) dst(%arg15 : memref<40x128xf32, #tpu.memory_space<vmem>>)
          } else {
          }
          %add3A_483 = arith.constant 4 : i32
          %add3A_484 = arith.addi %add3A_374, %add3A_483 : i32
          %mul3A_485 = arith.constant 10000 : i32
          %mul3A_486 = arith.muli %add3A, %mul3A_485 : i32
          %mul3A_487 = arith.constant 40 : i32
          %mul3A_488 = arith.muli %add3A_484, %mul3A_487 : i32
          %add3A_489 = arith.addi %mul3A_486, %mul3A_488 : i32
          %dma_start3A_490 = arith.constant 0 : i32
          %dma_start3A_491 = tpu.memref_slice %arg3[%add3A_489, %dma_start3A_490] : memref<320000x128xf32, #tpu.memory_space<hbm>> -> memref<40x128xf32, #tpu.memory_space<hbm>>
          %dma_start3A_492 = arith.constant 0 : i32
          %dma_start3A_493 = tpu.memref_slice %arg3[%add3A_489, %dma_start3A_492] : memref<320000x128xf32, #tpu.memory_space<hbm>> -> memref<40x128xf32, #tpu.memory_space<hbm>>
          tpu.enqueue_dma source(%dma_start3A_493 : memref<40x128xf32, #tpu.memory_space<hbm>>) target(%arg15 : memref<40x128xf32, #tpu.memory_space<vmem>>) target_semaphore(%arg25 : memref<!tpu.dma_semaphore, #tpu.memory_space<semaphore_mem>>)
        } else {
        }
        %add3A_459 = arith.constant 2 : i32
        %add3A_460 = arith.addi %add3A_374, %add3A_459 : i32
        %lt3A_461 = arith.constant 250 : i32
        %lt3A_462 = arith.cmpi slt, %add3A_460, %lt3A_461 : i32
        %convert_element_type3A_463 = arith.extui %lt3A_462 : i1 to i32
        %cond3A_464 = arith.constant 0 : i32
        %cond3A_465 = arith.cmpi ne, %convert_element_type3A_463, %cond3A_464 : i32
        scf.if %cond3A_465 {
          %dma_wait3A_479 = arith.constant 0 : i32
          %dma_wait3A_480 = arith.constant 0 : i32
          %dma_wait3A_481 = tpu.memref_slice %arg3[%dma_wait3A_479, %dma_wait3A_480] : memref<320000x128xf32, #tpu.memory_space<hbm>> -> memref<40x128xf32, #tpu.memory_space<hbm>>
          %dma_wait3A_482 = arith.constant 0 : i32
          %dma_wait3A_483 = arith.constant 0 : i32
          %dma_wait3A_484 = tpu.memref_slice %arg3[%dma_wait3A_482, %dma_wait3A_483] : memref<320000x128xf32, #tpu.memory_space<hbm>> -> memref<40x128xf32, #tpu.memory_space<hbm>>
          tpu.wait_dma2 semaphore(%arg23 : memref<!tpu.dma_semaphore, #tpu.memory_space<semaphore_mem>>) src(%dma_wait3A_484 : memref<40x128xf32, #tpu.memory_space<hbm>>) dst(%arg13 : memref<40x128xf32, #tpu.memory_space<vmem>>)
          %dma_start3A_485 = arith.constant 9 : i32
          %dma_start3A_486 = arith.constant 0 : i32
          %dma_start3A_487 = tpu.memref_slice %arg9[%dma_start3A_485, %dma_start3A_486] : memref<16x40xi32, #tpu.memory_space<vmem>> -> memref<1x40xi32, #tpu.memory_space<vmem>>
          %dma_start3A_488 = tpu.memref_squeeze %dma_start3A_487 : memref<1x40xi32, #tpu.memory_space<vmem>> -> memref<40xi32, #tpu.memory_space<vmem>>
          %dma_start3A_489 = arith.constant 0 : i32
          %dma_start3A_490 = arith.constant 0 : i32
          %dma_start3A_491 = tpu.memref_slice %arg2[%dma_start3A_489, %dma_start3A_490] : memref<10000x128xf32, #tpu.memory_space<hbm>> -> memref<10000x128xf32, #tpu.memory_space<hbm>>
          tpu.enqueue_indirect_dma source(%dma_start3A_491 : memref<10000x128xf32, #tpu.memory_space<hbm>>) target(%arg13 : memref<40x128xf32, #tpu.memory_space<vmem>>) offsets(%dma_start3A_488 : memref<40xi32, #tpu.memory_space<vmem>>) semaphore(%arg31 : memref<!tpu.dma_semaphore, #tpu.memory_space<semaphore_mem>>) {add = true}
        } else {
        }
        %dma_wait3A_466 = arith.constant 0 : i32
        %dma_wait3A_467 = arith.constant 0 : i32
        %dma_wait3A_468 = tpu.memref_slice %arg3[%dma_wait3A_466, %dma_wait3A_467] : memref<320000x128xf32, #tpu.memory_space<hbm>> -> memref<40x128xf32, #tpu.memory_space<hbm>>
        %dma_wait3A_469 = arith.constant 0 : i32
        %dma_wait3A_470 = arith.constant 0 : i32
        %dma_wait3A_471 = tpu.memref_slice %arg3[%dma_wait3A_469, %dma_wait3A_470] : memref<320000x128xf32, #tpu.memory_space<hbm>> -> memref<40x128xf32, #tpu.memory_space<hbm>>
        tpu.wait_dma2 semaphore(%arg37 : memref<!tpu.dma_semaphore, #tpu.memory_space<semaphore_mem>>) src(%dma_wait3A_471 : memref<40x128xf32, #tpu.memory_space<hbm>>) dst(%arg19 : memref<40x128xf32, #tpu.memory_space<vmem>>)
        %dma_start3A_472 = arith.constant 7 : i32
        %dma_start3A_473 = arith.constant 0 : i32
        %dma_start3A_474 = tpu.memref_slice %arg11[%dma_start3A_472, %dma_start3A_473] : memref<16x40xi32, #tpu.memory_space<vmem>> -> memref<1x40xi32, #tpu.memory_space<vmem>>
        %dma_start3A_475 = tpu.memref_squeeze %dma_start3A_474 : memref<1x40xi32, #tpu.memory_space<vmem>> -> memref<40xi32, #tpu.memory_space<vmem>>
        %dma_start3A_476 = arith.constant 0 : i32
        %dma_start3A_477 = arith.constant 0 : i32
        %dma_start3A_478 = tpu.memref_slice %arg46[%dma_start3A_476, %dma_start3A_477] : memref<10000x128xf32, #tpu.memory_space<vmem_shared>> -> memref<10000x128xf32, #tpu.memory_space<vmem_shared>>
        tpu.enqueue_indirect_dma source(%arg19 : memref<40x128xf32, #tpu.memory_space<vmem>>) target(%dma_start3A_478 : memref<10000x128xf32, #tpu.memory_space<vmem_shared>>) offsets(%dma_start3A_475 : memref<40xi32, #tpu.memory_space<vmem>>) semaphore(%arg45 : memref<!tpu.dma_semaphore, #tpu.memory_space<semaphore_mem>>) {add = true}
      } else {
      }
      %mul3A_380 = arith.constant 32 : i32
      %mul3A_381 = arith.muli %scan3A_164, %mul3A_380 : i32
      %add3A_382 = arith.constant 24 : i32
      %add3A_383 = arith.addi %mul3A_381, %add3A_382 : i32
      %lt3A_384 = arith.constant 250 : i32
      %lt3A_385 = arith.cmpi slt, %add3A_383, %lt3A_384 : i32
      %convert_element_type3A_386 = arith.extui %lt3A_385 : i1 to i32
      %cond3A_387 = arith.constant 0 : i32
      %cond3A_388 = arith.cmpi ne, %convert_element_type3A_386, %cond3A_387 : i32
      scf.if %cond3A_388 {
        %add3A_452 = arith.constant 4 : i32
        %add3A_453 = arith.addi %add3A_383, %add3A_452 : i32
        %lt3A_454 = arith.constant 250 : i32
        %lt3A_455 = arith.cmpi slt, %add3A_453, %lt3A_454 : i32
        %convert_element_type3A_456 = arith.extui %lt3A_455 : i1 to i32
        %cond3A_457 = arith.constant 0 : i32
        %cond3A_458 = arith.cmpi ne, %convert_element_type3A_456, %cond3A_457 : i32
        scf.if %cond3A_458 {
          %ge3A = arith.constant 4 : i32
          %ge3A_479 = arith.cmpi sge, %add3A_383, %ge3A : i32
          %convert_element_type3A_480 = arith.extui %ge3A_479 : i1 to i32
          %cond3A_481 = arith.constant 0 : i32
          %cond3A_482 = arith.cmpi ne, %convert_element_type3A_480, %cond3A_481 : i32
          scf.if %cond3A_482 {
            %dma_wait3A_494 = arith.constant 0 : i32
            %dma_wait3A_495 = arith.constant 0 : i32
            %dma_wait3A_496 = tpu.memref_slice %arg3[%dma_wait3A_494, %dma_wait3A_495] : memref<320000x128xf32, #tpu.memory_space<hbm>> -> memref<40x128xf32, #tpu.memory_space<hbm>>
            %dma_wait3A_497 = arith.constant 0 : i32
            %dma_wait3A_498 = arith.constant 0 : i32
            %dma_wait3A_499 = tpu.memref_slice %arg3[%dma_wait3A_497, %dma_wait3A_498] : memref<320000x128xf32, #tpu.memory_space<hbm>> -> memref<40x128xf32, #tpu.memory_space<hbm>>
            tpu.wait_dma2 semaphore(%arg42 : memref<!tpu.dma_semaphore, #tpu.memory_space<semaphore_mem>>) src(%dma_wait3A_499 : memref<40x128xf32, #tpu.memory_space<hbm>>) dst(%arg16 : memref<40x128xf32, #tpu.memory_space<vmem>>)
          } else {
          }
          %add3A_483 = arith.constant 4 : i32
          %add3A_484 = arith.addi %add3A_383, %add3A_483 : i32
          %mul3A_485 = arith.constant 10000 : i32
          %mul3A_486 = arith.muli %add3A, %mul3A_485 : i32
          %mul3A_487 = arith.constant 40 : i32
          %mul3A_488 = arith.muli %add3A_484, %mul3A_487 : i32
          %add3A_489 = arith.addi %mul3A_486, %mul3A_488 : i32
          %dma_start3A_490 = arith.constant 0 : i32
          %dma_start3A_491 = tpu.memref_slice %arg3[%add3A_489, %dma_start3A_490] : memref<320000x128xf32, #tpu.memory_space<hbm>> -> memref<40x128xf32, #tpu.memory_space<hbm>>
          %dma_start3A_492 = arith.constant 0 : i32
          %dma_start3A_493 = tpu.memref_slice %arg3[%add3A_489, %dma_start3A_492] : memref<320000x128xf32, #tpu.memory_space<hbm>> -> memref<40x128xf32, #tpu.memory_space<hbm>>
          tpu.enqueue_dma source(%dma_start3A_493 : memref<40x128xf32, #tpu.memory_space<hbm>>) target(%arg16 : memref<40x128xf32, #tpu.memory_space<vmem>>) target_semaphore(%arg26 : memref<!tpu.dma_semaphore, #tpu.memory_space<semaphore_mem>>)
        } else {
        }
        %add3A_459 = arith.constant 2 : i32
        %add3A_460 = arith.addi %add3A_383, %add3A_459 : i32
        %lt3A_461 = arith.constant 250 : i32
        %lt3A_462 = arith.cmpi slt, %add3A_460, %lt3A_461 : i32
        %convert_element_type3A_463 = arith.extui %lt3A_462 : i1 to i32
        %cond3A_464 = arith.constant 0 : i32
        %cond3A_465 = arith.cmpi ne, %convert_element_type3A_463, %cond3A_464 : i32
        scf.if %cond3A_465 {
          %dma_wait3A_479 = arith.constant 0 : i32
          %dma_wait3A_480 = arith.constant 0 : i32
          %dma_wait3A_481 = tpu.memref_slice %arg3[%dma_wait3A_479, %dma_wait3A_480] : memref<320000x128xf32, #tpu.memory_space<hbm>> -> memref<40x128xf32, #tpu.memory_space<hbm>>
          %dma_wait3A_482 = arith.constant 0 : i32
          %dma_wait3A_483 = arith.constant 0 : i32
          %dma_wait3A_484 = tpu.memref_slice %arg3[%dma_wait3A_482, %dma_wait3A_483] : memref<320000x128xf32, #tpu.memory_space<hbm>> -> memref<40x128xf32, #tpu.memory_space<hbm>>
          tpu.wait_dma2 semaphore(%arg24 : memref<!tpu.dma_semaphore, #tpu.memory_space<semaphore_mem>>) src(%dma_wait3A_484 : memref<40x128xf32, #tpu.memory_space<hbm>>) dst(%arg14 : memref<40x128xf32, #tpu.memory_space<vmem>>)
          %dma_start3A_485 = arith.constant 10 : i32
          %dma_start3A_486 = arith.constant 0 : i32
          %dma_start3A_487 = tpu.memref_slice %arg9[%dma_start3A_485, %dma_start3A_486] : memref<16x40xi32, #tpu.memory_space<vmem>> -> memref<1x40xi32, #tpu.memory_space<vmem>>
          %dma_start3A_488 = tpu.memref_squeeze %dma_start3A_487 : memref<1x40xi32, #tpu.memory_space<vmem>> -> memref<40xi32, #tpu.memory_space<vmem>>
          %dma_start3A_489 = arith.constant 0 : i32
          %dma_start3A_490 = arith.constant 0 : i32
          %dma_start3A_491 = tpu.memref_slice %arg2[%dma_start3A_489, %dma_start3A_490] : memref<10000x128xf32, #tpu.memory_space<hbm>> -> memref<10000x128xf32, #tpu.memory_space<hbm>>
          tpu.enqueue_indirect_dma source(%dma_start3A_491 : memref<10000x128xf32, #tpu.memory_space<hbm>>) target(%arg14 : memref<40x128xf32, #tpu.memory_space<vmem>>) offsets(%dma_start3A_488 : memref<40xi32, #tpu.memory_space<vmem>>) semaphore(%arg32 : memref<!tpu.dma_semaphore, #tpu.memory_space<semaphore_mem>>) {add = true}
        } else {
        }
        %dma_wait3A_466 = arith.constant 0 : i32
        %dma_wait3A_467 = arith.constant 0 : i32
        %dma_wait3A_468 = tpu.memref_slice %arg3[%dma_wait3A_466, %dma_wait3A_467] : memref<320000x128xf32, #tpu.memory_space<hbm>> -> memref<40x128xf32, #tpu.memory_space<hbm>>
        %dma_wait3A_469 = arith.constant 0 : i32
        %dma_wait3A_470 = arith.constant 0 : i32
        %dma_wait3A_471 = tpu.memref_slice %arg3[%dma_wait3A_469, %dma_wait3A_470] : memref<320000x128xf32, #tpu.memory_space<hbm>> -> memref<40x128xf32, #tpu.memory_space<hbm>>
        tpu.wait_dma2 semaphore(%arg30 : memref<!tpu.dma_semaphore, #tpu.memory_space<semaphore_mem>>) src(%dma_wait3A_471 : memref<40x128xf32, #tpu.memory_space<hbm>>) dst(%arg12 : memref<40x128xf32, #tpu.memory_space<vmem>>)
        %dma_start3A_472 = arith.constant 8 : i32
        %dma_start3A_473 = arith.constant 0 : i32
        %dma_start3A_474 = tpu.memref_slice %arg11[%dma_start3A_472, %dma_start3A_473] : memref<16x40xi32, #tpu.memory_space<vmem>> -> memref<1x40xi32, #tpu.memory_space<vmem>>
        %dma_start3A_475 = tpu.memref_squeeze %dma_start3A_474 : memref<1x40xi32, #tpu.memory_space<vmem>> -> memref<40xi32, #tpu.memory_space<vmem>>
        %dma_start3A_476 = arith.constant 0 : i32
        %dma_start3A_477 = arith.constant 0 : i32
        %dma_start3A_478 = tpu.memref_slice %arg46[%dma_start3A_476, %dma_start3A_477] : memref<10000x128xf32, #tpu.memory_space<vmem_shared>> -> memref<10000x128xf32, #tpu.memory_space<vmem_shared>>
        tpu.enqueue_indirect_dma source(%arg12 : memref<40x128xf32, #tpu.memory_space<vmem>>) target(%dma_start3A_478 : memref<10000x128xf32, #tpu.memory_space<vmem_shared>>) offsets(%dma_start3A_475 : memref<40xi32, #tpu.memory_space<vmem>>) semaphore(%arg38 : memref<!tpu.dma_semaphore, #tpu.memory_space<semaphore_mem>>) {add = true}
      } else {
      }
      %mul3A_389 = arith.constant 32 : i32
      %mul3A_390 = arith.muli %scan3A_164, %mul3A_389 : i32
      %add3A_391 = arith.constant 25 : i32
      %add3A_392 = arith.addi %mul3A_390, %add3A_391 : i32
      %lt3A_393 = arith.constant 250 : i32
      %lt3A_394 = arith.cmpi slt, %add3A_392, %lt3A_393 : i32
      %convert_element_type3A_395 = arith.extui %lt3A_394 : i1 to i32
      %cond3A_396 = arith.constant 0 : i32
      %cond3A_397 = arith.cmpi ne, %convert_element_type3A_395, %cond3A_396 : i32
      scf.if %cond3A_397 {
        %add3A_452 = arith.constant 4 : i32
        %add3A_453 = arith.addi %add3A_392, %add3A_452 : i32
        %lt3A_454 = arith.constant 250 : i32
        %lt3A_455 = arith.cmpi slt, %add3A_453, %lt3A_454 : i32
        %convert_element_type3A_456 = arith.extui %lt3A_455 : i1 to i32
        %cond3A_457 = arith.constant 0 : i32
        %cond3A_458 = arith.cmpi ne, %convert_element_type3A_456, %cond3A_457 : i32
        scf.if %cond3A_458 {
          %ge3A = arith.constant 4 : i32
          %ge3A_479 = arith.cmpi sge, %add3A_392, %ge3A : i32
          %convert_element_type3A_480 = arith.extui %ge3A_479 : i1 to i32
          %cond3A_481 = arith.constant 0 : i32
          %cond3A_482 = arith.cmpi ne, %convert_element_type3A_480, %cond3A_481 : i32
          scf.if %cond3A_482 {
            %dma_wait3A_494 = arith.constant 0 : i32
            %dma_wait3A_495 = arith.constant 0 : i32
            %dma_wait3A_496 = tpu.memref_slice %arg3[%dma_wait3A_494, %dma_wait3A_495] : memref<320000x128xf32, #tpu.memory_space<hbm>> -> memref<40x128xf32, #tpu.memory_space<hbm>>
            %dma_wait3A_497 = arith.constant 0 : i32
            %dma_wait3A_498 = arith.constant 0 : i32
            %dma_wait3A_499 = tpu.memref_slice %arg3[%dma_wait3A_497, %dma_wait3A_498] : memref<320000x128xf32, #tpu.memory_space<hbm>> -> memref<40x128xf32, #tpu.memory_space<hbm>>
            tpu.wait_dma2 semaphore(%arg43 : memref<!tpu.dma_semaphore, #tpu.memory_space<semaphore_mem>>) src(%dma_wait3A_499 : memref<40x128xf32, #tpu.memory_space<hbm>>) dst(%arg17 : memref<40x128xf32, #tpu.memory_space<vmem>>)
          } else {
          }
          %add3A_483 = arith.constant 4 : i32
          %add3A_484 = arith.addi %add3A_392, %add3A_483 : i32
          %mul3A_485 = arith.constant 10000 : i32
          %mul3A_486 = arith.muli %add3A, %mul3A_485 : i32
          %mul3A_487 = arith.constant 40 : i32
          %mul3A_488 = arith.muli %add3A_484, %mul3A_487 : i32
          %add3A_489 = arith.addi %mul3A_486, %mul3A_488 : i32
          %dma_start3A_490 = arith.constant 0 : i32
          %dma_start3A_491 = tpu.memref_slice %arg3[%add3A_489, %dma_start3A_490] : memref<320000x128xf32, #tpu.memory_space<hbm>> -> memref<40x128xf32, #tpu.memory_space<hbm>>
          %dma_start3A_492 = arith.constant 0 : i32
          %dma_start3A_493 = tpu.memref_slice %arg3[%add3A_489, %dma_start3A_492] : memref<320000x128xf32, #tpu.memory_space<hbm>> -> memref<40x128xf32, #tpu.memory_space<hbm>>
          tpu.enqueue_dma source(%dma_start3A_493 : memref<40x128xf32, #tpu.memory_space<hbm>>) target(%arg17 : memref<40x128xf32, #tpu.memory_space<vmem>>) target_semaphore(%arg27 : memref<!tpu.dma_semaphore, #tpu.memory_space<semaphore_mem>>)
        } else {
        }
        %add3A_459 = arith.constant 2 : i32
        %add3A_460 = arith.addi %add3A_392, %add3A_459 : i32
        %lt3A_461 = arith.constant 250 : i32
        %lt3A_462 = arith.cmpi slt, %add3A_460, %lt3A_461 : i32
        %convert_element_type3A_463 = arith.extui %lt3A_462 : i1 to i32
        %cond3A_464 = arith.constant 0 : i32
        %cond3A_465 = arith.cmpi ne, %convert_element_type3A_463, %cond3A_464 : i32
        scf.if %cond3A_465 {
          %dma_wait3A_479 = arith.constant 0 : i32
          %dma_wait3A_480 = arith.constant 0 : i32
          %dma_wait3A_481 = tpu.memref_slice %arg3[%dma_wait3A_479, %dma_wait3A_480] : memref<320000x128xf32, #tpu.memory_space<hbm>> -> memref<40x128xf32, #tpu.memory_space<hbm>>
          %dma_wait3A_482 = arith.constant 0 : i32
          %dma_wait3A_483 = arith.constant 0 : i32
          %dma_wait3A_484 = tpu.memref_slice %arg3[%dma_wait3A_482, %dma_wait3A_483] : memref<320000x128xf32, #tpu.memory_space<hbm>> -> memref<40x128xf32, #tpu.memory_space<hbm>>
          tpu.wait_dma2 semaphore(%arg25 : memref<!tpu.dma_semaphore, #tpu.memory_space<semaphore_mem>>) src(%dma_wait3A_484 : memref<40x128xf32, #tpu.memory_space<hbm>>) dst(%arg15 : memref<40x128xf32, #tpu.memory_space<vmem>>)
          %dma_start3A_485 = arith.constant 11 : i32
          %dma_start3A_486 = arith.constant 0 : i32
          %dma_start3A_487 = tpu.memref_slice %arg9[%dma_start3A_485, %dma_start3A_486] : memref<16x40xi32, #tpu.memory_space<vmem>> -> memref<1x40xi32, #tpu.memory_space<vmem>>
          %dma_start3A_488 = tpu.memref_squeeze %dma_start3A_487 : memref<1x40xi32, #tpu.memory_space<vmem>> -> memref<40xi32, #tpu.memory_space<vmem>>
          %dma_start3A_489 = arith.constant 0 : i32
          %dma_start3A_490 = arith.constant 0 : i32
          %dma_start3A_491 = tpu.memref_slice %arg2[%dma_start3A_489, %dma_start3A_490] : memref<10000x128xf32, #tpu.memory_space<hbm>> -> memref<10000x128xf32, #tpu.memory_space<hbm>>
          tpu.enqueue_indirect_dma source(%dma_start3A_491 : memref<10000x128xf32, #tpu.memory_space<hbm>>) target(%arg15 : memref<40x128xf32, #tpu.memory_space<vmem>>) offsets(%dma_start3A_488 : memref<40xi32, #tpu.memory_space<vmem>>) semaphore(%arg33 : memref<!tpu.dma_semaphore, #tpu.memory_space<semaphore_mem>>) {add = true}
        } else {
        }
        %dma_wait3A_466 = arith.constant 0 : i32
        %dma_wait3A_467 = arith.constant 0 : i32
        %dma_wait3A_468 = tpu.memref_slice %arg3[%dma_wait3A_466, %dma_wait3A_467] : memref<320000x128xf32, #tpu.memory_space<hbm>> -> memref<40x128xf32, #tpu.memory_space<hbm>>
        %dma_wait3A_469 = arith.constant 0 : i32
        %dma_wait3A_470 = arith.constant 0 : i32
        %dma_wait3A_471 = tpu.memref_slice %arg3[%dma_wait3A_469, %dma_wait3A_470] : memref<320000x128xf32, #tpu.memory_space<hbm>> -> memref<40x128xf32, #tpu.memory_space<hbm>>
        tpu.wait_dma2 semaphore(%arg31 : memref<!tpu.dma_semaphore, #tpu.memory_space<semaphore_mem>>) src(%dma_wait3A_471 : memref<40x128xf32, #tpu.memory_space<hbm>>) dst(%arg13 : memref<40x128xf32, #tpu.memory_space<vmem>>)
        %dma_start3A_472 = arith.constant 9 : i32
        %dma_start3A_473 = arith.constant 0 : i32
        %dma_start3A_474 = tpu.memref_slice %arg11[%dma_start3A_472, %dma_start3A_473] : memref<16x40xi32, #tpu.memory_space<vmem>> -> memref<1x40xi32, #tpu.memory_space<vmem>>
        %dma_start3A_475 = tpu.memref_squeeze %dma_start3A_474 : memref<1x40xi32, #tpu.memory_space<vmem>> -> memref<40xi32, #tpu.memory_space<vmem>>
        %dma_start3A_476 = arith.constant 0 : i32
        %dma_start3A_477 = arith.constant 0 : i32
        %dma_start3A_478 = tpu.memref_slice %arg46[%dma_start3A_476, %dma_start3A_477] : memref<10000x128xf32, #tpu.memory_space<vmem_shared>> -> memref<10000x128xf32, #tpu.memory_space<vmem_shared>>
        tpu.enqueue_indirect_dma source(%arg13 : memref<40x128xf32, #tpu.memory_space<vmem>>) target(%dma_start3A_478 : memref<10000x128xf32, #tpu.memory_space<vmem_shared>>) offsets(%dma_start3A_475 : memref<40xi32, #tpu.memory_space<vmem>>) semaphore(%arg39 : memref<!tpu.dma_semaphore, #tpu.memory_space<semaphore_mem>>) {add = true}
      } else {
      }
      %mul3A_398 = arith.constant 32 : i32
      %mul3A_399 = arith.muli %scan3A_164, %mul3A_398 : i32
      %add3A_400 = arith.constant 26 : i32
      %add3A_401 = arith.addi %mul3A_399, %add3A_400 : i32
      %lt3A_402 = arith.constant 250 : i32
      %lt3A_403 = arith.cmpi slt, %add3A_401, %lt3A_402 : i32
      %convert_element_type3A_404 = arith.extui %lt3A_403 : i1 to i32
      %cond3A_405 = arith.constant 0 : i32
      %cond3A_406 = arith.cmpi ne, %convert_element_type3A_404, %cond3A_405 : i32
      scf.if %cond3A_406 {
        %add3A_452 = arith.constant 4 : i32
        %add3A_453 = arith.addi %add3A_401, %add3A_452 : i32
        %lt3A_454 = arith.constant 250 : i32
        %lt3A_455 = arith.cmpi slt, %add3A_453, %lt3A_454 : i32
        %convert_element_type3A_456 = arith.extui %lt3A_455 : i1 to i32
        %cond3A_457 = arith.constant 0 : i32
        %cond3A_458 = arith.cmpi ne, %convert_element_type3A_456, %cond3A_457 : i32
        scf.if %cond3A_458 {
          %ge3A = arith.constant 4 : i32
          %ge3A_479 = arith.cmpi sge, %add3A_401, %ge3A : i32
          %convert_element_type3A_480 = arith.extui %ge3A_479 : i1 to i32
          %cond3A_481 = arith.constant 0 : i32
          %cond3A_482 = arith.cmpi ne, %convert_element_type3A_480, %cond3A_481 : i32
          scf.if %cond3A_482 {
            %dma_wait3A_494 = arith.constant 0 : i32
            %dma_wait3A_495 = arith.constant 0 : i32
            %dma_wait3A_496 = tpu.memref_slice %arg3[%dma_wait3A_494, %dma_wait3A_495] : memref<320000x128xf32, #tpu.memory_space<hbm>> -> memref<40x128xf32, #tpu.memory_space<hbm>>
            %dma_wait3A_497 = arith.constant 0 : i32
            %dma_wait3A_498 = arith.constant 0 : i32
            %dma_wait3A_499 = tpu.memref_slice %arg3[%dma_wait3A_497, %dma_wait3A_498] : memref<320000x128xf32, #tpu.memory_space<hbm>> -> memref<40x128xf32, #tpu.memory_space<hbm>>
            tpu.wait_dma2 semaphore(%arg44 : memref<!tpu.dma_semaphore, #tpu.memory_space<semaphore_mem>>) src(%dma_wait3A_499 : memref<40x128xf32, #tpu.memory_space<hbm>>) dst(%arg18 : memref<40x128xf32, #tpu.memory_space<vmem>>)
          } else {
          }
          %add3A_483 = arith.constant 4 : i32
          %add3A_484 = arith.addi %add3A_401, %add3A_483 : i32
          %mul3A_485 = arith.constant 10000 : i32
          %mul3A_486 = arith.muli %add3A, %mul3A_485 : i32
          %mul3A_487 = arith.constant 40 : i32
          %mul3A_488 = arith.muli %add3A_484, %mul3A_487 : i32
          %add3A_489 = arith.addi %mul3A_486, %mul3A_488 : i32
          %dma_start3A_490 = arith.constant 0 : i32
          %dma_start3A_491 = tpu.memref_slice %arg3[%add3A_489, %dma_start3A_490] : memref<320000x128xf32, #tpu.memory_space<hbm>> -> memref<40x128xf32, #tpu.memory_space<hbm>>
          %dma_start3A_492 = arith.constant 0 : i32
          %dma_start3A_493 = tpu.memref_slice %arg3[%add3A_489, %dma_start3A_492] : memref<320000x128xf32, #tpu.memory_space<hbm>> -> memref<40x128xf32, #tpu.memory_space<hbm>>
          tpu.enqueue_dma source(%dma_start3A_493 : memref<40x128xf32, #tpu.memory_space<hbm>>) target(%arg18 : memref<40x128xf32, #tpu.memory_space<vmem>>) target_semaphore(%arg28 : memref<!tpu.dma_semaphore, #tpu.memory_space<semaphore_mem>>)
        } else {
        }
        %add3A_459 = arith.constant 2 : i32
        %add3A_460 = arith.addi %add3A_401, %add3A_459 : i32
        %lt3A_461 = arith.constant 250 : i32
        %lt3A_462 = arith.cmpi slt, %add3A_460, %lt3A_461 : i32
        %convert_element_type3A_463 = arith.extui %lt3A_462 : i1 to i32
        %cond3A_464 = arith.constant 0 : i32
        %cond3A_465 = arith.cmpi ne, %convert_element_type3A_463, %cond3A_464 : i32
        scf.if %cond3A_465 {
          %dma_wait3A_479 = arith.constant 0 : i32
          %dma_wait3A_480 = arith.constant 0 : i32
          %dma_wait3A_481 = tpu.memref_slice %arg3[%dma_wait3A_479, %dma_wait3A_480] : memref<320000x128xf32, #tpu.memory_space<hbm>> -> memref<40x128xf32, #tpu.memory_space<hbm>>
          %dma_wait3A_482 = arith.constant 0 : i32
          %dma_wait3A_483 = arith.constant 0 : i32
          %dma_wait3A_484 = tpu.memref_slice %arg3[%dma_wait3A_482, %dma_wait3A_483] : memref<320000x128xf32, #tpu.memory_space<hbm>> -> memref<40x128xf32, #tpu.memory_space<hbm>>
          tpu.wait_dma2 semaphore(%arg26 : memref<!tpu.dma_semaphore, #tpu.memory_space<semaphore_mem>>) src(%dma_wait3A_484 : memref<40x128xf32, #tpu.memory_space<hbm>>) dst(%arg16 : memref<40x128xf32, #tpu.memory_space<vmem>>)
          %dma_start3A_485 = arith.constant 12 : i32
          %dma_start3A_486 = arith.constant 0 : i32
          %dma_start3A_487 = tpu.memref_slice %arg9[%dma_start3A_485, %dma_start3A_486] : memref<16x40xi32, #tpu.memory_space<vmem>> -> memref<1x40xi32, #tpu.memory_space<vmem>>
          %dma_start3A_488 = tpu.memref_squeeze %dma_start3A_487 : memref<1x40xi32, #tpu.memory_space<vmem>> -> memref<40xi32, #tpu.memory_space<vmem>>
          %dma_start3A_489 = arith.constant 0 : i32
          %dma_start3A_490 = arith.constant 0 : i32
          %dma_start3A_491 = tpu.memref_slice %arg2[%dma_start3A_489, %dma_start3A_490] : memref<10000x128xf32, #tpu.memory_space<hbm>> -> memref<10000x128xf32, #tpu.memory_space<hbm>>
          tpu.enqueue_indirect_dma source(%dma_start3A_491 : memref<10000x128xf32, #tpu.memory_space<hbm>>) target(%arg16 : memref<40x128xf32, #tpu.memory_space<vmem>>) offsets(%dma_start3A_488 : memref<40xi32, #tpu.memory_space<vmem>>) semaphore(%arg34 : memref<!tpu.dma_semaphore, #tpu.memory_space<semaphore_mem>>) {add = true}
        } else {
        }
        %dma_wait3A_466 = arith.constant 0 : i32
        %dma_wait3A_467 = arith.constant 0 : i32
        %dma_wait3A_468 = tpu.memref_slice %arg3[%dma_wait3A_466, %dma_wait3A_467] : memref<320000x128xf32, #tpu.memory_space<hbm>> -> memref<40x128xf32, #tpu.memory_space<hbm>>
        %dma_wait3A_469 = arith.constant 0 : i32
        %dma_wait3A_470 = arith.constant 0 : i32
        %dma_wait3A_471 = tpu.memref_slice %arg3[%dma_wait3A_469, %dma_wait3A_470] : memref<320000x128xf32, #tpu.memory_space<hbm>> -> memref<40x128xf32, #tpu.memory_space<hbm>>
        tpu.wait_dma2 semaphore(%arg32 : memref<!tpu.dma_semaphore, #tpu.memory_space<semaphore_mem>>) src(%dma_wait3A_471 : memref<40x128xf32, #tpu.memory_space<hbm>>) dst(%arg14 : memref<40x128xf32, #tpu.memory_space<vmem>>)
        %dma_start3A_472 = arith.constant 10 : i32
        %dma_start3A_473 = arith.constant 0 : i32
        %dma_start3A_474 = tpu.memref_slice %arg11[%dma_start3A_472, %dma_start3A_473] : memref<16x40xi32, #tpu.memory_space<vmem>> -> memref<1x40xi32, #tpu.memory_space<vmem>>
        %dma_start3A_475 = tpu.memref_squeeze %dma_start3A_474 : memref<1x40xi32, #tpu.memory_space<vmem>> -> memref<40xi32, #tpu.memory_space<vmem>>
        %dma_start3A_476 = arith.constant 0 : i32
        %dma_start3A_477 = arith.constant 0 : i32
        %dma_start3A_478 = tpu.memref_slice %arg46[%dma_start3A_476, %dma_start3A_477] : memref<10000x128xf32, #tpu.memory_space<vmem_shared>> -> memref<10000x128xf32, #tpu.memory_space<vmem_shared>>
        tpu.enqueue_indirect_dma source(%arg14 : memref<40x128xf32, #tpu.memory_space<vmem>>) target(%dma_start3A_478 : memref<10000x128xf32, #tpu.memory_space<vmem_shared>>) offsets(%dma_start3A_475 : memref<40xi32, #tpu.memory_space<vmem>>) semaphore(%arg40 : memref<!tpu.dma_semaphore, #tpu.memory_space<semaphore_mem>>) {add = true}
      } else {
      }
      %mul3A_407 = arith.constant 32 : i32
      %mul3A_408 = arith.muli %scan3A_164, %mul3A_407 : i32
      %add3A_409 = arith.constant 27 : i32
      %add3A_410 = arith.addi %mul3A_408, %add3A_409 : i32
      %lt3A_411 = arith.constant 250 : i32
      %lt3A_412 = arith.cmpi slt, %add3A_410, %lt3A_411 : i32
      %convert_element_type3A_413 = arith.extui %lt3A_412 : i1 to i32
      %cond3A_414 = arith.constant 0 : i32
      %cond3A_415 = arith.cmpi ne, %convert_element_type3A_413, %cond3A_414 : i32
      scf.if %cond3A_415 {
        %add3A_452 = arith.constant 4 : i32
        %add3A_453 = arith.addi %add3A_410, %add3A_452 : i32
        %lt3A_454 = arith.constant 250 : i32
        %lt3A_455 = arith.cmpi slt, %add3A_453, %lt3A_454 : i32
        %convert_element_type3A_456 = arith.extui %lt3A_455 : i1 to i32
        %cond3A_457 = arith.constant 0 : i32
        %cond3A_458 = arith.cmpi ne, %convert_element_type3A_456, %cond3A_457 : i32
        scf.if %cond3A_458 {
          %ge3A = arith.constant 4 : i32
          %ge3A_479 = arith.cmpi sge, %add3A_410, %ge3A : i32
          %convert_element_type3A_480 = arith.extui %ge3A_479 : i1 to i32
          %cond3A_481 = arith.constant 0 : i32
          %cond3A_482 = arith.cmpi ne, %convert_element_type3A_480, %cond3A_481 : i32
          scf.if %cond3A_482 {
            %dma_wait3A_494 = arith.constant 0 : i32
            %dma_wait3A_495 = arith.constant 0 : i32
            %dma_wait3A_496 = tpu.memref_slice %arg3[%dma_wait3A_494, %dma_wait3A_495] : memref<320000x128xf32, #tpu.memory_space<hbm>> -> memref<40x128xf32, #tpu.memory_space<hbm>>
            %dma_wait3A_497 = arith.constant 0 : i32
            %dma_wait3A_498 = arith.constant 0 : i32
            %dma_wait3A_499 = tpu.memref_slice %arg3[%dma_wait3A_497, %dma_wait3A_498] : memref<320000x128xf32, #tpu.memory_space<hbm>> -> memref<40x128xf32, #tpu.memory_space<hbm>>
            tpu.wait_dma2 semaphore(%arg45 : memref<!tpu.dma_semaphore, #tpu.memory_space<semaphore_mem>>) src(%dma_wait3A_499 : memref<40x128xf32, #tpu.memory_space<hbm>>) dst(%arg19 : memref<40x128xf32, #tpu.memory_space<vmem>>)
          } else {
          }
          %add3A_483 = arith.constant 4 : i32
          %add3A_484 = arith.addi %add3A_410, %add3A_483 : i32
          %mul3A_485 = arith.constant 10000 : i32
          %mul3A_486 = arith.muli %add3A, %mul3A_485 : i32
          %mul3A_487 = arith.constant 40 : i32
          %mul3A_488 = arith.muli %add3A_484, %mul3A_487 : i32
          %add3A_489 = arith.addi %mul3A_486, %mul3A_488 : i32
          %dma_start3A_490 = arith.constant 0 : i32
          %dma_start3A_491 = tpu.memref_slice %arg3[%add3A_489, %dma_start3A_490] : memref<320000x128xf32, #tpu.memory_space<hbm>> -> memref<40x128xf32, #tpu.memory_space<hbm>>
          %dma_start3A_492 = arith.constant 0 : i32
          %dma_start3A_493 = tpu.memref_slice %arg3[%add3A_489, %dma_start3A_492] : memref<320000x128xf32, #tpu.memory_space<hbm>> -> memref<40x128xf32, #tpu.memory_space<hbm>>
          tpu.enqueue_dma source(%dma_start3A_493 : memref<40x128xf32, #tpu.memory_space<hbm>>) target(%arg19 : memref<40x128xf32, #tpu.memory_space<vmem>>) target_semaphore(%arg29 : memref<!tpu.dma_semaphore, #tpu.memory_space<semaphore_mem>>)
        } else {
        }
        %add3A_459 = arith.constant 2 : i32
        %add3A_460 = arith.addi %add3A_410, %add3A_459 : i32
        %lt3A_461 = arith.constant 250 : i32
        %lt3A_462 = arith.cmpi slt, %add3A_460, %lt3A_461 : i32
        %convert_element_type3A_463 = arith.extui %lt3A_462 : i1 to i32
        %cond3A_464 = arith.constant 0 : i32
        %cond3A_465 = arith.cmpi ne, %convert_element_type3A_463, %cond3A_464 : i32
        scf.if %cond3A_465 {
          %dma_wait3A_479 = arith.constant 0 : i32
          %dma_wait3A_480 = arith.constant 0 : i32
          %dma_wait3A_481 = tpu.memref_slice %arg3[%dma_wait3A_479, %dma_wait3A_480] : memref<320000x128xf32, #tpu.memory_space<hbm>> -> memref<40x128xf32, #tpu.memory_space<hbm>>
          %dma_wait3A_482 = arith.constant 0 : i32
          %dma_wait3A_483 = arith.constant 0 : i32
          %dma_wait3A_484 = tpu.memref_slice %arg3[%dma_wait3A_482, %dma_wait3A_483] : memref<320000x128xf32, #tpu.memory_space<hbm>> -> memref<40x128xf32, #tpu.memory_space<hbm>>
          tpu.wait_dma2 semaphore(%arg27 : memref<!tpu.dma_semaphore, #tpu.memory_space<semaphore_mem>>) src(%dma_wait3A_484 : memref<40x128xf32, #tpu.memory_space<hbm>>) dst(%arg17 : memref<40x128xf32, #tpu.memory_space<vmem>>)
          %dma_start3A_485 = arith.constant 13 : i32
          %dma_start3A_486 = arith.constant 0 : i32
          %dma_start3A_487 = tpu.memref_slice %arg9[%dma_start3A_485, %dma_start3A_486] : memref<16x40xi32, #tpu.memory_space<vmem>> -> memref<1x40xi32, #tpu.memory_space<vmem>>
          %dma_start3A_488 = tpu.memref_squeeze %dma_start3A_487 : memref<1x40xi32, #tpu.memory_space<vmem>> -> memref<40xi32, #tpu.memory_space<vmem>>
          %dma_start3A_489 = arith.constant 0 : i32
          %dma_start3A_490 = arith.constant 0 : i32
          %dma_start3A_491 = tpu.memref_slice %arg2[%dma_start3A_489, %dma_start3A_490] : memref<10000x128xf32, #tpu.memory_space<hbm>> -> memref<10000x128xf32, #tpu.memory_space<hbm>>
          tpu.enqueue_indirect_dma source(%dma_start3A_491 : memref<10000x128xf32, #tpu.memory_space<hbm>>) target(%arg17 : memref<40x128xf32, #tpu.memory_space<vmem>>) offsets(%dma_start3A_488 : memref<40xi32, #tpu.memory_space<vmem>>) semaphore(%arg35 : memref<!tpu.dma_semaphore, #tpu.memory_space<semaphore_mem>>) {add = true}
        } else {
        }
        %dma_wait3A_466 = arith.constant 0 : i32
        %dma_wait3A_467 = arith.constant 0 : i32
        %dma_wait3A_468 = tpu.memref_slice %arg3[%dma_wait3A_466, %dma_wait3A_467] : memref<320000x128xf32, #tpu.memory_space<hbm>> -> memref<40x128xf32, #tpu.memory_space<hbm>>
        %dma_wait3A_469 = arith.constant 0 : i32
        %dma_wait3A_470 = arith.constant 0 : i32
        %dma_wait3A_471 = tpu.memref_slice %arg3[%dma_wait3A_469, %dma_wait3A_470] : memref<320000x128xf32, #tpu.memory_space<hbm>> -> memref<40x128xf32, #tpu.memory_space<hbm>>
        tpu.wait_dma2 semaphore(%arg33 : memref<!tpu.dma_semaphore, #tpu.memory_space<semaphore_mem>>) src(%dma_wait3A_471 : memref<40x128xf32, #tpu.memory_space<hbm>>) dst(%arg15 : memref<40x128xf32, #tpu.memory_space<vmem>>)
        %dma_start3A_472 = arith.constant 11 : i32
        %dma_start3A_473 = arith.constant 0 : i32
        %dma_start3A_474 = tpu.memref_slice %arg11[%dma_start3A_472, %dma_start3A_473] : memref<16x40xi32, #tpu.memory_space<vmem>> -> memref<1x40xi32, #tpu.memory_space<vmem>>
        %dma_start3A_475 = tpu.memref_squeeze %dma_start3A_474 : memref<1x40xi32, #tpu.memory_space<vmem>> -> memref<40xi32, #tpu.memory_space<vmem>>
        %dma_start3A_476 = arith.constant 0 : i32
        %dma_start3A_477 = arith.constant 0 : i32
        %dma_start3A_478 = tpu.memref_slice %arg46[%dma_start3A_476, %dma_start3A_477] : memref<10000x128xf32, #tpu.memory_space<vmem_shared>> -> memref<10000x128xf32, #tpu.memory_space<vmem_shared>>
        tpu.enqueue_indirect_dma source(%arg15 : memref<40x128xf32, #tpu.memory_space<vmem>>) target(%dma_start3A_478 : memref<10000x128xf32, #tpu.memory_space<vmem_shared>>) offsets(%dma_start3A_475 : memref<40xi32, #tpu.memory_space<vmem>>) semaphore(%arg41 : memref<!tpu.dma_semaphore, #tpu.memory_space<semaphore_mem>>) {add = true}
      } else {
      }
      %mul3A_416 = arith.constant 32 : i32
      %mul3A_417 = arith.muli %scan3A_164, %mul3A_416 : i32
      %add3A_418 = arith.constant 28 : i32
      %add3A_419 = arith.addi %mul3A_417, %add3A_418 : i32
      %lt3A_420 = arith.constant 250 : i32
      %lt3A_421 = arith.cmpi slt, %add3A_419, %lt3A_420 : i32
      %convert_element_type3A_422 = arith.extui %lt3A_421 : i1 to i32
      %cond3A_423 = arith.constant 0 : i32
      %cond3A_424 = arith.cmpi ne, %convert_element_type3A_422, %cond3A_423 : i32
      scf.if %cond3A_424 {
        %add3A_452 = arith.constant 4 : i32
        %add3A_453 = arith.addi %add3A_419, %add3A_452 : i32
        %lt3A_454 = arith.constant 250 : i32
        %lt3A_455 = arith.cmpi slt, %add3A_453, %lt3A_454 : i32
        %convert_element_type3A_456 = arith.extui %lt3A_455 : i1 to i32
        %cond3A_457 = arith.constant 0 : i32
        %cond3A_458 = arith.cmpi ne, %convert_element_type3A_456, %cond3A_457 : i32
        scf.if %cond3A_458 {
          %ge3A = arith.constant 4 : i32
          %ge3A_479 = arith.cmpi sge, %add3A_419, %ge3A : i32
          %convert_element_type3A_480 = arith.extui %ge3A_479 : i1 to i32
          %cond3A_481 = arith.constant 0 : i32
          %cond3A_482 = arith.cmpi ne, %convert_element_type3A_480, %cond3A_481 : i32
          scf.if %cond3A_482 {
            %dma_wait3A_494 = arith.constant 0 : i32
            %dma_wait3A_495 = arith.constant 0 : i32
            %dma_wait3A_496 = tpu.memref_slice %arg3[%dma_wait3A_494, %dma_wait3A_495] : memref<320000x128xf32, #tpu.memory_space<hbm>> -> memref<40x128xf32, #tpu.memory_space<hbm>>
            %dma_wait3A_497 = arith.constant 0 : i32
            %dma_wait3A_498 = arith.constant 0 : i32
            %dma_wait3A_499 = tpu.memref_slice %arg3[%dma_wait3A_497, %dma_wait3A_498] : memref<320000x128xf32, #tpu.memory_space<hbm>> -> memref<40x128xf32, #tpu.memory_space<hbm>>
            tpu.wait_dma2 semaphore(%arg38 : memref<!tpu.dma_semaphore, #tpu.memory_space<semaphore_mem>>) src(%dma_wait3A_499 : memref<40x128xf32, #tpu.memory_space<hbm>>) dst(%arg12 : memref<40x128xf32, #tpu.memory_space<vmem>>)
          } else {
          }
          %add3A_483 = arith.constant 4 : i32
          %add3A_484 = arith.addi %add3A_419, %add3A_483 : i32
          %mul3A_485 = arith.constant 10000 : i32
          %mul3A_486 = arith.muli %add3A, %mul3A_485 : i32
          %mul3A_487 = arith.constant 40 : i32
          %mul3A_488 = arith.muli %add3A_484, %mul3A_487 : i32
          %add3A_489 = arith.addi %mul3A_486, %mul3A_488 : i32
          %dma_start3A_490 = arith.constant 0 : i32
          %dma_start3A_491 = tpu.memref_slice %arg3[%add3A_489, %dma_start3A_490] : memref<320000x128xf32, #tpu.memory_space<hbm>> -> memref<40x128xf32, #tpu.memory_space<hbm>>
          %dma_start3A_492 = arith.constant 0 : i32
          %dma_start3A_493 = tpu.memref_slice %arg3[%add3A_489, %dma_start3A_492] : memref<320000x128xf32, #tpu.memory_space<hbm>> -> memref<40x128xf32, #tpu.memory_space<hbm>>
          tpu.enqueue_dma source(%dma_start3A_493 : memref<40x128xf32, #tpu.memory_space<hbm>>) target(%arg12 : memref<40x128xf32, #tpu.memory_space<vmem>>) target_semaphore(%arg22 : memref<!tpu.dma_semaphore, #tpu.memory_space<semaphore_mem>>)
        } else {
        }
        %add3A_459 = arith.constant 2 : i32
        %add3A_460 = arith.addi %add3A_419, %add3A_459 : i32
        %lt3A_461 = arith.constant 250 : i32
        %lt3A_462 = arith.cmpi slt, %add3A_460, %lt3A_461 : i32
        %convert_element_type3A_463 = arith.extui %lt3A_462 : i1 to i32
        %cond3A_464 = arith.constant 0 : i32
        %cond3A_465 = arith.cmpi ne, %convert_element_type3A_463, %cond3A_464 : i32
        scf.if %cond3A_465 {
          %dma_wait3A_479 = arith.constant 0 : i32
          %dma_wait3A_480 = arith.constant 0 : i32
          %dma_wait3A_481 = tpu.memref_slice %arg3[%dma_wait3A_479, %dma_wait3A_480] : memref<320000x128xf32, #tpu.memory_space<hbm>> -> memref<40x128xf32, #tpu.memory_space<hbm>>
          %dma_wait3A_482 = arith.constant 0 : i32
          %dma_wait3A_483 = arith.constant 0 : i32
          %dma_wait3A_484 = tpu.memref_slice %arg3[%dma_wait3A_482, %dma_wait3A_483] : memref<320000x128xf32, #tpu.memory_space<hbm>> -> memref<40x128xf32, #tpu.memory_space<hbm>>
          tpu.wait_dma2 semaphore(%arg28 : memref<!tpu.dma_semaphore, #tpu.memory_space<semaphore_mem>>) src(%dma_wait3A_484 : memref<40x128xf32, #tpu.memory_space<hbm>>) dst(%arg18 : memref<40x128xf32, #tpu.memory_space<vmem>>)
          %dma_start3A_485 = arith.constant 14 : i32
          %dma_start3A_486 = arith.constant 0 : i32
          %dma_start3A_487 = tpu.memref_slice %arg9[%dma_start3A_485, %dma_start3A_486] : memref<16x40xi32, #tpu.memory_space<vmem>> -> memref<1x40xi32, #tpu.memory_space<vmem>>
          %dma_start3A_488 = tpu.memref_squeeze %dma_start3A_487 : memref<1x40xi32, #tpu.memory_space<vmem>> -> memref<40xi32, #tpu.memory_space<vmem>>
          %dma_start3A_489 = arith.constant 0 : i32
          %dma_start3A_490 = arith.constant 0 : i32
          %dma_start3A_491 = tpu.memref_slice %arg2[%dma_start3A_489, %dma_start3A_490] : memref<10000x128xf32, #tpu.memory_space<hbm>> -> memref<10000x128xf32, #tpu.memory_space<hbm>>
          tpu.enqueue_indirect_dma source(%dma_start3A_491 : memref<10000x128xf32, #tpu.memory_space<hbm>>) target(%arg18 : memref<40x128xf32, #tpu.memory_space<vmem>>) offsets(%dma_start3A_488 : memref<40xi32, #tpu.memory_space<vmem>>) semaphore(%arg36 : memref<!tpu.dma_semaphore, #tpu.memory_space<semaphore_mem>>) {add = true}
        } else {
        }
        %dma_wait3A_466 = arith.constant 0 : i32
        %dma_wait3A_467 = arith.constant 0 : i32
        %dma_wait3A_468 = tpu.memref_slice %arg3[%dma_wait3A_466, %dma_wait3A_467] : memref<320000x128xf32, #tpu.memory_space<hbm>> -> memref<40x128xf32, #tpu.memory_space<hbm>>
        %dma_wait3A_469 = arith.constant 0 : i32
        %dma_wait3A_470 = arith.constant 0 : i32
        %dma_wait3A_471 = tpu.memref_slice %arg3[%dma_wait3A_469, %dma_wait3A_470] : memref<320000x128xf32, #tpu.memory_space<hbm>> -> memref<40x128xf32, #tpu.memory_space<hbm>>
        tpu.wait_dma2 semaphore(%arg34 : memref<!tpu.dma_semaphore, #tpu.memory_space<semaphore_mem>>) src(%dma_wait3A_471 : memref<40x128xf32, #tpu.memory_space<hbm>>) dst(%arg16 : memref<40x128xf32, #tpu.memory_space<vmem>>)
        %dma_start3A_472 = arith.constant 12 : i32
        %dma_start3A_473 = arith.constant 0 : i32
        %dma_start3A_474 = tpu.memref_slice %arg11[%dma_start3A_472, %dma_start3A_473] : memref<16x40xi32, #tpu.memory_space<vmem>> -> memref<1x40xi32, #tpu.memory_space<vmem>>
        %dma_start3A_475 = tpu.memref_squeeze %dma_start3A_474 : memref<1x40xi32, #tpu.memory_space<vmem>> -> memref<40xi32, #tpu.memory_space<vmem>>
        %dma_start3A_476 = arith.constant 0 : i32
        %dma_start3A_477 = arith.constant 0 : i32
        %dma_start3A_478 = tpu.memref_slice %arg46[%dma_start3A_476, %dma_start3A_477] : memref<10000x128xf32, #tpu.memory_space<vmem_shared>> -> memref<10000x128xf32, #tpu.memory_space<vmem_shared>>
        tpu.enqueue_indirect_dma source(%arg16 : memref<40x128xf32, #tpu.memory_space<vmem>>) target(%dma_start3A_478 : memref<10000x128xf32, #tpu.memory_space<vmem_shared>>) offsets(%dma_start3A_475 : memref<40xi32, #tpu.memory_space<vmem>>) semaphore(%arg42 : memref<!tpu.dma_semaphore, #tpu.memory_space<semaphore_mem>>) {add = true}
      } else {
      }
      %mul3A_425 = arith.constant 32 : i32
      %mul3A_426 = arith.muli %scan3A_164, %mul3A_425 : i32
      %add3A_427 = arith.constant 29 : i32
      %add3A_428 = arith.addi %mul3A_426, %add3A_427 : i32
      %lt3A_429 = arith.constant 250 : i32
      %lt3A_430 = arith.cmpi slt, %add3A_428, %lt3A_429 : i32
      %convert_element_type3A_431 = arith.extui %lt3A_430 : i1 to i32
      %cond3A_432 = arith.constant 0 : i32
      %cond3A_433 = arith.cmpi ne, %convert_element_type3A_431, %cond3A_432 : i32
      scf.if %cond3A_433 {
        %add3A_452 = arith.constant 4 : i32
        %add3A_453 = arith.addi %add3A_428, %add3A_452 : i32
        %lt3A_454 = arith.constant 250 : i32
        %lt3A_455 = arith.cmpi slt, %add3A_453, %lt3A_454 : i32
        %convert_element_type3A_456 = arith.extui %lt3A_455 : i1 to i32
        %cond3A_457 = arith.constant 0 : i32
        %cond3A_458 = arith.cmpi ne, %convert_element_type3A_456, %cond3A_457 : i32
        scf.if %cond3A_458 {
          %ge3A = arith.constant 4 : i32
          %ge3A_479 = arith.cmpi sge, %add3A_428, %ge3A : i32
          %convert_element_type3A_480 = arith.extui %ge3A_479 : i1 to i32
          %cond3A_481 = arith.constant 0 : i32
          %cond3A_482 = arith.cmpi ne, %convert_element_type3A_480, %cond3A_481 : i32
          scf.if %cond3A_482 {
            %dma_wait3A_494 = arith.constant 0 : i32
            %dma_wait3A_495 = arith.constant 0 : i32
            %dma_wait3A_496 = tpu.memref_slice %arg3[%dma_wait3A_494, %dma_wait3A_495] : memref<320000x128xf32, #tpu.memory_space<hbm>> -> memref<40x128xf32, #tpu.memory_space<hbm>>
            %dma_wait3A_497 = arith.constant 0 : i32
            %dma_wait3A_498 = arith.constant 0 : i32
            %dma_wait3A_499 = tpu.memref_slice %arg3[%dma_wait3A_497, %dma_wait3A_498] : memref<320000x128xf32, #tpu.memory_space<hbm>> -> memref<40x128xf32, #tpu.memory_space<hbm>>
            tpu.wait_dma2 semaphore(%arg39 : memref<!tpu.dma_semaphore, #tpu.memory_space<semaphore_mem>>) src(%dma_wait3A_499 : memref<40x128xf32, #tpu.memory_space<hbm>>) dst(%arg13 : memref<40x128xf32, #tpu.memory_space<vmem>>)
          } else {
          }
          %add3A_483 = arith.constant 4 : i32
          %add3A_484 = arith.addi %add3A_428, %add3A_483 : i32
          %mul3A_485 = arith.constant 10000 : i32
          %mul3A_486 = arith.muli %add3A, %mul3A_485 : i32
          %mul3A_487 = arith.constant 40 : i32
          %mul3A_488 = arith.muli %add3A_484, %mul3A_487 : i32
          %add3A_489 = arith.addi %mul3A_486, %mul3A_488 : i32
          %dma_start3A_490 = arith.constant 0 : i32
          %dma_start3A_491 = tpu.memref_slice %arg3[%add3A_489, %dma_start3A_490] : memref<320000x128xf32, #tpu.memory_space<hbm>> -> memref<40x128xf32, #tpu.memory_space<hbm>>
          %dma_start3A_492 = arith.constant 0 : i32
          %dma_start3A_493 = tpu.memref_slice %arg3[%add3A_489, %dma_start3A_492] : memref<320000x128xf32, #tpu.memory_space<hbm>> -> memref<40x128xf32, #tpu.memory_space<hbm>>
          tpu.enqueue_dma source(%dma_start3A_493 : memref<40x128xf32, #tpu.memory_space<hbm>>) target(%arg13 : memref<40x128xf32, #tpu.memory_space<vmem>>) target_semaphore(%arg23 : memref<!tpu.dma_semaphore, #tpu.memory_space<semaphore_mem>>)
        } else {
        }
        %add3A_459 = arith.constant 2 : i32
        %add3A_460 = arith.addi %add3A_428, %add3A_459 : i32
        %lt3A_461 = arith.constant 250 : i32
        %lt3A_462 = arith.cmpi slt, %add3A_460, %lt3A_461 : i32
        %convert_element_type3A_463 = arith.extui %lt3A_462 : i1 to i32
        %cond3A_464 = arith.constant 0 : i32
        %cond3A_465 = arith.cmpi ne, %convert_element_type3A_463, %cond3A_464 : i32
        scf.if %cond3A_465 {
          %dma_wait3A_479 = arith.constant 0 : i32
          %dma_wait3A_480 = arith.constant 0 : i32
          %dma_wait3A_481 = tpu.memref_slice %arg3[%dma_wait3A_479, %dma_wait3A_480] : memref<320000x128xf32, #tpu.memory_space<hbm>> -> memref<40x128xf32, #tpu.memory_space<hbm>>
          %dma_wait3A_482 = arith.constant 0 : i32
          %dma_wait3A_483 = arith.constant 0 : i32
          %dma_wait3A_484 = tpu.memref_slice %arg3[%dma_wait3A_482, %dma_wait3A_483] : memref<320000x128xf32, #tpu.memory_space<hbm>> -> memref<40x128xf32, #tpu.memory_space<hbm>>
          tpu.wait_dma2 semaphore(%arg29 : memref<!tpu.dma_semaphore, #tpu.memory_space<semaphore_mem>>) src(%dma_wait3A_484 : memref<40x128xf32, #tpu.memory_space<hbm>>) dst(%arg19 : memref<40x128xf32, #tpu.memory_space<vmem>>)
          %dma_start3A_485 = arith.constant 15 : i32
          %dma_start3A_486 = arith.constant 0 : i32
          %dma_start3A_487 = tpu.memref_slice %arg9[%dma_start3A_485, %dma_start3A_486] : memref<16x40xi32, #tpu.memory_space<vmem>> -> memref<1x40xi32, #tpu.memory_space<vmem>>
          %dma_start3A_488 = tpu.memref_squeeze %dma_start3A_487 : memref<1x40xi32, #tpu.memory_space<vmem>> -> memref<40xi32, #tpu.memory_space<vmem>>
          %dma_start3A_489 = arith.constant 0 : i32
          %dma_start3A_490 = arith.constant 0 : i32
          %dma_start3A_491 = tpu.memref_slice %arg2[%dma_start3A_489, %dma_start3A_490] : memref<10000x128xf32, #tpu.memory_space<hbm>> -> memref<10000x128xf32, #tpu.memory_space<hbm>>
          tpu.enqueue_indirect_dma source(%dma_start3A_491 : memref<10000x128xf32, #tpu.memory_space<hbm>>) target(%arg19 : memref<40x128xf32, #tpu.memory_space<vmem>>) offsets(%dma_start3A_488 : memref<40xi32, #tpu.memory_space<vmem>>) semaphore(%arg37 : memref<!tpu.dma_semaphore, #tpu.memory_space<semaphore_mem>>) {add = true}
        } else {
        }
        %dma_wait3A_466 = arith.constant 0 : i32
        %dma_wait3A_467 = arith.constant 0 : i32
        %dma_wait3A_468 = tpu.memref_slice %arg3[%dma_wait3A_466, %dma_wait3A_467] : memref<320000x128xf32, #tpu.memory_space<hbm>> -> memref<40x128xf32, #tpu.memory_space<hbm>>
        %dma_wait3A_469 = arith.constant 0 : i32
        %dma_wait3A_470 = arith.constant 0 : i32
        %dma_wait3A_471 = tpu.memref_slice %arg3[%dma_wait3A_469, %dma_wait3A_470] : memref<320000x128xf32, #tpu.memory_space<hbm>> -> memref<40x128xf32, #tpu.memory_space<hbm>>
        tpu.wait_dma2 semaphore(%arg35 : memref<!tpu.dma_semaphore, #tpu.memory_space<semaphore_mem>>) src(%dma_wait3A_471 : memref<40x128xf32, #tpu.memory_space<hbm>>) dst(%arg17 : memref<40x128xf32, #tpu.memory_space<vmem>>)
        %dma_start3A_472 = arith.constant 13 : i32
        %dma_start3A_473 = arith.constant 0 : i32
        %dma_start3A_474 = tpu.memref_slice %arg11[%dma_start3A_472, %dma_start3A_473] : memref<16x40xi32, #tpu.memory_space<vmem>> -> memref<1x40xi32, #tpu.memory_space<vmem>>
        %dma_start3A_475 = tpu.memref_squeeze %dma_start3A_474 : memref<1x40xi32, #tpu.memory_space<vmem>> -> memref<40xi32, #tpu.memory_space<vmem>>
        %dma_start3A_476 = arith.constant 0 : i32
        %dma_start3A_477 = arith.constant 0 : i32
        %dma_start3A_478 = tpu.memref_slice %arg46[%dma_start3A_476, %dma_start3A_477] : memref<10000x128xf32, #tpu.memory_space<vmem_shared>> -> memref<10000x128xf32, #tpu.memory_space<vmem_shared>>
        tpu.enqueue_indirect_dma source(%arg17 : memref<40x128xf32, #tpu.memory_space<vmem>>) target(%dma_start3A_478 : memref<10000x128xf32, #tpu.memory_space<vmem_shared>>) offsets(%dma_start3A_475 : memref<40xi32, #tpu.memory_space<vmem>>) semaphore(%arg43 : memref<!tpu.dma_semaphore, #tpu.memory_space<semaphore_mem>>) {add = true}
      } else {
      }
      %mul3A_434 = arith.constant 32 : i32
      %mul3A_435 = arith.muli %scan3A_164, %mul3A_434 : i32
      %add3A_436 = arith.constant 30 : i32
      %add3A_437 = arith.addi %mul3A_435, %add3A_436 : i32
      %lt3A_438 = arith.constant 250 : i32
      %lt3A_439 = arith.cmpi slt, %add3A_437, %lt3A_438 : i32
      %convert_element_type3A_440 = arith.extui %lt3A_439 : i1 to i32
      %cond3A_441 = arith.constant 0 : i32
      %cond3A_442 = arith.cmpi ne, %convert_element_type3A_440, %cond3A_441 : i32
      scf.if %cond3A_442 {
        %add3A_452 = arith.constant 4 : i32
        %add3A_453 = arith.addi %add3A_437, %add3A_452 : i32
        %lt3A_454 = arith.constant 250 : i32
        %lt3A_455 = arith.cmpi slt, %add3A_453, %lt3A_454 : i32
        %convert_element_type3A_456 = arith.extui %lt3A_455 : i1 to i32
        %cond3A_457 = arith.constant 0 : i32
        %cond3A_458 = arith.cmpi ne, %convert_element_type3A_456, %cond3A_457 : i32
        scf.if %cond3A_458 {
          %ge3A = arith.constant 4 : i32
          %ge3A_504 = arith.cmpi sge, %add3A_437, %ge3A : i32
          %convert_element_type3A_505 = arith.extui %ge3A_504 : i1 to i32
          %cond3A_506 = arith.constant 0 : i32
          %cond3A_507 = arith.cmpi ne, %convert_element_type3A_505, %cond3A_506 : i32
          scf.if %cond3A_507 {
            %dma_wait3A_519 = arith.constant 0 : i32
            %dma_wait3A_520 = arith.constant 0 : i32
            %dma_wait3A_521 = tpu.memref_slice %arg3[%dma_wait3A_519, %dma_wait3A_520] : memref<320000x128xf32, #tpu.memory_space<hbm>> -> memref<40x128xf32, #tpu.memory_space<hbm>>
            %dma_wait3A_522 = arith.constant 0 : i32
            %dma_wait3A_523 = arith.constant 0 : i32
            %dma_wait3A_524 = tpu.memref_slice %arg3[%dma_wait3A_522, %dma_wait3A_523] : memref<320000x128xf32, #tpu.memory_space<hbm>> -> memref<40x128xf32, #tpu.memory_space<hbm>>
            tpu.wait_dma2 semaphore(%arg40 : memref<!tpu.dma_semaphore, #tpu.memory_space<semaphore_mem>>) src(%dma_wait3A_524 : memref<40x128xf32, #tpu.memory_space<hbm>>) dst(%arg14 : memref<40x128xf32, #tpu.memory_space<vmem>>)
          } else {
          }
          %add3A_508 = arith.constant 4 : i32
          %add3A_509 = arith.addi %add3A_437, %add3A_508 : i32
          %mul3A_510 = arith.constant 10000 : i32
          %mul3A_511 = arith.muli %add3A, %mul3A_510 : i32
          %mul3A_512 = arith.constant 40 : i32
          %mul3A_513 = arith.muli %add3A_509, %mul3A_512 : i32
          %add3A_514 = arith.addi %mul3A_511, %mul3A_513 : i32
          %dma_start3A_515 = arith.constant 0 : i32
          %dma_start3A_516 = tpu.memref_slice %arg3[%add3A_514, %dma_start3A_515] : memref<320000x128xf32, #tpu.memory_space<hbm>> -> memref<40x128xf32, #tpu.memory_space<hbm>>
          %dma_start3A_517 = arith.constant 0 : i32
          %dma_start3A_518 = tpu.memref_slice %arg3[%add3A_514, %dma_start3A_517] : memref<320000x128xf32, #tpu.memory_space<hbm>> -> memref<40x128xf32, #tpu.memory_space<hbm>>
          tpu.enqueue_dma source(%dma_start3A_518 : memref<40x128xf32, #tpu.memory_space<hbm>>) target(%arg14 : memref<40x128xf32, #tpu.memory_space<vmem>>) target_semaphore(%arg24 : memref<!tpu.dma_semaphore, #tpu.memory_space<semaphore_mem>>)
        } else {
        }
        %add3A_459 = arith.constant 2 : i32
        %add3A_460 = arith.addi %add3A_437, %add3A_459 : i32
        %jit3A = arith.constant 16 : i32
        %div3A = arith.divsi %add3A_460, %jit3A : i32
        %sign3A = arith.constant 0 : i32
        %sign3A_461 = arith.cmpi sgt, %add3A_460, %sign3A : i32
        %sign3A_462 = arith.extui %sign3A_461 : i1 to i32
        %sign3A_463 = arith.constant 0 : i32
        %sign3A_464 = arith.cmpi slt, %add3A_460, %sign3A_463 : i32
        %sign3A_465 = arith.extui %sign3A_464 : i1 to i32
        %sign3A_466 = arith.subi %sign3A_462, %sign3A_465 : i32
        %sign3A_467 = arith.constant 0 : i32
        %sign3A_468 = arith.cmpi sgt, %jit3A, %sign3A_467 : i32
        %sign3A_469 = arith.extui %sign3A_468 : i1 to i32
        %sign3A_470 = arith.constant 0 : i32
        %sign3A_471 = arith.cmpi slt, %jit3A, %sign3A_470 : i32
        %sign3A_472 = arith.extui %sign3A_471 : i1 to i32
        %sign3A_473 = arith.subi %sign3A_469, %sign3A_472 : i32
        %ne3A = arith.cmpi ne, %sign3A_466, %sign3A_473 : i32
        %rem3A = arith.remsi %add3A_460, %jit3A : i32
        %ne3A_474 = arith.constant 0 : i32
        %ne3A_475 = arith.cmpi ne, %rem3A, %ne3A_474 : i32
        %and3A = arith.andi %ne3A, %ne3A_475 : i1
        %sub3A = arith.constant 1 : i32
        %sub3A_476 = arith.subi %div3A, %sub3A : i32
        %select_n3A = arith.select %and3A, %sub3A_476, %div3A : i32
        %mul3A_477 = arith.constant 16 : i32
        %mul3A_478 = arith.muli %select_n3A, %mul3A_477 : i32
        %lt3A_479 = arith.constant 250 : i32
        %lt3A_480 = arith.cmpi slt, %mul3A_478, %lt3A_479 : i32
        %convert_element_type3A_481 = arith.extui %lt3A_480 : i1 to i32
        %cond3A_482 = arith.constant 0 : i32
        %cond3A_483 = arith.cmpi ne, %convert_element_type3A_481, %cond3A_482 : i32
        scf.if %cond3A_483 {
          %dma_wait3A_504 = arith.constant 0 : i32
          %dma_wait3A_505 = arith.constant 0 : i32
          %dma_wait3A_506 = arith.constant 0 : i32
          %dma_wait3A_507 = tpu.memref_slice %arg4[%dma_wait3A_504, %dma_wait3A_505, %dma_wait3A_506] : memref<512x16x40xi32, #tpu.memory_space<hbm>> -> memref<1x16x40xi32, #tpu.memory_space<hbm>>
          %dma_wait3A_508 = tpu.memref_squeeze %dma_wait3A_507 : memref<1x16x40xi32, #tpu.memory_space<hbm>> -> memref<16x40xi32, #tpu.memory_space<hbm>>
          %dma_wait3A_509 = arith.constant 0 : i32
          %dma_wait3A_510 = arith.constant 0 : i32
          %dma_wait3A_511 = tpu.memref_slice %arg4[%dma_wait3A_504, %dma_wait3A_509, %dma_wait3A_510] : memref<512x16x40xi32, #tpu.memory_space<hbm>> -> memref<1x16x40xi32, #tpu.memory_space<hbm>>
          %dma_wait3A_512 = tpu.memref_squeeze %dma_wait3A_511 : memref<1x16x40xi32, #tpu.memory_space<hbm>> -> memref<16x40xi32, #tpu.memory_space<hbm>>
          tpu.wait_dma2 semaphore(%arg20 : memref<!tpu.dma_semaphore, #tpu.memory_space<semaphore_mem>>) src(%dma_wait3A_512 : memref<16x40xi32, #tpu.memory_space<hbm>>) dst(%arg8 : memref<16x40xi32, #tpu.memory_space<vmem>>)
          %dma_wait3A_513 = arith.constant 0 : i32
          %dma_wait3A_514 = arith.constant 0 : i32
          %dma_wait3A_515 = arith.constant 0 : i32
          %dma_wait3A_516 = tpu.memref_slice %arg4[%dma_wait3A_513, %dma_wait3A_514, %dma_wait3A_515] : memref<512x16x40xi32, #tpu.memory_space<hbm>> -> memref<1x16x40xi32, #tpu.memory_space<hbm>>
          %dma_wait3A_517 = tpu.memref_squeeze %dma_wait3A_516 : memref<1x16x40xi32, #tpu.memory_space<hbm>> -> memref<16x40xi32, #tpu.memory_space<hbm>>
          %dma_wait3A_518 = arith.constant 0 : i32
          %dma_wait3A_519 = arith.constant 0 : i32
          %dma_wait3A_520 = tpu.memref_slice %arg4[%dma_wait3A_513, %dma_wait3A_518, %dma_wait3A_519] : memref<512x16x40xi32, #tpu.memory_space<hbm>> -> memref<1x16x40xi32, #tpu.memory_space<hbm>>
          %dma_wait3A_521 = tpu.memref_squeeze %dma_wait3A_520 : memref<1x16x40xi32, #tpu.memory_space<hbm>> -> memref<16x40xi32, #tpu.memory_space<hbm>>
          tpu.wait_dma2 semaphore(%arg20 : memref<!tpu.dma_semaphore, #tpu.memory_space<semaphore_mem>>) src(%dma_wait3A_521 : memref<16x40xi32, #tpu.memory_space<hbm>>) dst(%arg10 : memref<16x40xi32, #tpu.memory_space<vmem>>)
        } else {
        }
        %add3A_484 = arith.constant 2 : i32
        %add3A_485 = arith.addi %add3A_437, %add3A_484 : i32
        %lt3A_486 = arith.constant 250 : i32
        %lt3A_487 = arith.cmpi slt, %add3A_485, %lt3A_486 : i32
        %convert_element_type3A_488 = arith.extui %lt3A_487 : i1 to i32
        %cond3A_489 = arith.constant 0 : i32
        %cond3A_490 = arith.cmpi ne, %convert_element_type3A_488, %cond3A_489 : i32
        scf.if %cond3A_490 {
          %dma_wait3A_504 = arith.constant 0 : i32
          %dma_wait3A_505 = arith.constant 0 : i32
          %dma_wait3A_506 = tpu.memref_slice %arg3[%dma_wait3A_504, %dma_wait3A_505] : memref<320000x128xf32, #tpu.memory_space<hbm>> -> memref<40x128xf32, #tpu.memory_space<hbm>>
          %dma_wait3A_507 = arith.constant 0 : i32
          %dma_wait3A_508 = arith.constant 0 : i32
          %dma_wait3A_509 = tpu.memref_slice %arg3[%dma_wait3A_507, %dma_wait3A_508] : memref<320000x128xf32, #tpu.memory_space<hbm>> -> memref<40x128xf32, #tpu.memory_space<hbm>>
          tpu.wait_dma2 semaphore(%arg22 : memref<!tpu.dma_semaphore, #tpu.memory_space<semaphore_mem>>) src(%dma_wait3A_509 : memref<40x128xf32, #tpu.memory_space<hbm>>) dst(%arg12 : memref<40x128xf32, #tpu.memory_space<vmem>>)
          %dma_start3A_510 = arith.constant 0 : i32
          %dma_start3A_511 = arith.constant 0 : i32
          %dma_start3A_512 = tpu.memref_slice %arg8[%dma_start3A_510, %dma_start3A_511] : memref<16x40xi32, #tpu.memory_space<vmem>> -> memref<1x40xi32, #tpu.memory_space<vmem>>
          %dma_start3A_513 = tpu.memref_squeeze %dma_start3A_512 : memref<1x40xi32, #tpu.memory_space<vmem>> -> memref<40xi32, #tpu.memory_space<vmem>>
          %dma_start3A_514 = arith.constant 0 : i32
          %dma_start3A_515 = arith.constant 0 : i32
          %dma_start3A_516 = tpu.memref_slice %arg2[%dma_start3A_514, %dma_start3A_515] : memref<10000x128xf32, #tpu.memory_space<hbm>> -> memref<10000x128xf32, #tpu.memory_space<hbm>>
          tpu.enqueue_indirect_dma source(%dma_start3A_516 : memref<10000x128xf32, #tpu.memory_space<hbm>>) target(%arg12 : memref<40x128xf32, #tpu.memory_space<vmem>>) offsets(%dma_start3A_513 : memref<40xi32, #tpu.memory_space<vmem>>) semaphore(%arg30 : memref<!tpu.dma_semaphore, #tpu.memory_space<semaphore_mem>>) {add = true}
        } else {
        }
        %dma_wait3A_491 = arith.constant 0 : i32
        %dma_wait3A_492 = arith.constant 0 : i32
        %dma_wait3A_493 = tpu.memref_slice %arg3[%dma_wait3A_491, %dma_wait3A_492] : memref<320000x128xf32, #tpu.memory_space<hbm>> -> memref<40x128xf32, #tpu.memory_space<hbm>>
        %dma_wait3A_494 = arith.constant 0 : i32
        %dma_wait3A_495 = arith.constant 0 : i32
        %dma_wait3A_496 = tpu.memref_slice %arg3[%dma_wait3A_494, %dma_wait3A_495] : memref<320000x128xf32, #tpu.memory_space<hbm>> -> memref<40x128xf32, #tpu.memory_space<hbm>>
        tpu.wait_dma2 semaphore(%arg36 : memref<!tpu.dma_semaphore, #tpu.memory_space<semaphore_mem>>) src(%dma_wait3A_496 : memref<40x128xf32, #tpu.memory_space<hbm>>) dst(%arg18 : memref<40x128xf32, #tpu.memory_space<vmem>>)
        %dma_start3A_497 = arith.constant 14 : i32
        %dma_start3A_498 = arith.constant 0 : i32
        %dma_start3A_499 = tpu.memref_slice %arg11[%dma_start3A_497, %dma_start3A_498] : memref<16x40xi32, #tpu.memory_space<vmem>> -> memref<1x40xi32, #tpu.memory_space<vmem>>
        %dma_start3A_500 = tpu.memref_squeeze %dma_start3A_499 : memref<1x40xi32, #tpu.memory_space<vmem>> -> memref<40xi32, #tpu.memory_space<vmem>>
        %dma_start3A_501 = arith.constant 0 : i32
        %dma_start3A_502 = arith.constant 0 : i32
        %dma_start3A_503 = tpu.memref_slice %arg46[%dma_start3A_501, %dma_start3A_502] : memref<10000x128xf32, #tpu.memory_space<vmem_shared>> -> memref<10000x128xf32, #tpu.memory_space<vmem_shared>>
        tpu.enqueue_indirect_dma source(%arg18 : memref<40x128xf32, #tpu.memory_space<vmem>>) target(%dma_start3A_503 : memref<10000x128xf32, #tpu.memory_space<vmem_shared>>) offsets(%dma_start3A_500 : memref<40xi32, #tpu.memory_space<vmem>>) semaphore(%arg44 : memref<!tpu.dma_semaphore, #tpu.memory_space<semaphore_mem>>) {add = true}
      } else {
      }
      %mul3A_443 = arith.constant 32 : i32
      %mul3A_444 = arith.muli %scan3A_164, %mul3A_443 : i32
      %add3A_445 = arith.constant 31 : i32
      %add3A_446 = arith.addi %mul3A_444, %add3A_445 : i32
      %lt3A_447 = arith.constant 250 : i32
      %lt3A_448 = arith.cmpi slt, %add3A_446, %lt3A_447 : i32
      %convert_element_type3A_449 = arith.extui %lt3A_448 : i1 to i32
      %cond3A_450 = arith.constant 0 : i32
      %cond3A_451 = arith.cmpi ne, %convert_element_type3A_449, %cond3A_450 : i32
      scf.if %cond3A_451 {
        %add3A_452 = arith.constant 4 : i32
        %add3A_453 = arith.addi %add3A_446, %add3A_452 : i32
        %lt3A_454 = arith.constant 250 : i32
        %lt3A_455 = arith.cmpi slt, %add3A_453, %lt3A_454 : i32
        %convert_element_type3A_456 = arith.extui %lt3A_455 : i1 to i32
        %cond3A_457 = arith.constant 0 : i32
        %cond3A_458 = arith.cmpi ne, %convert_element_type3A_456, %cond3A_457 : i32
        scf.if %cond3A_458 {
          %ge3A = arith.constant 4 : i32
          %ge3A_479 = arith.cmpi sge, %add3A_446, %ge3A : i32
          %convert_element_type3A_480 = arith.extui %ge3A_479 : i1 to i32
          %cond3A_481 = arith.constant 0 : i32
          %cond3A_482 = arith.cmpi ne, %convert_element_type3A_480, %cond3A_481 : i32
          scf.if %cond3A_482 {
            %dma_wait3A_494 = arith.constant 0 : i32
            %dma_wait3A_495 = arith.constant 0 : i32
            %dma_wait3A_496 = tpu.memref_slice %arg3[%dma_wait3A_494, %dma_wait3A_495] : memref<320000x128xf32, #tpu.memory_space<hbm>> -> memref<40x128xf32, #tpu.memory_space<hbm>>
            %dma_wait3A_497 = arith.constant 0 : i32
            %dma_wait3A_498 = arith.constant 0 : i32
            %dma_wait3A_499 = tpu.memref_slice %arg3[%dma_wait3A_497, %dma_wait3A_498] : memref<320000x128xf32, #tpu.memory_space<hbm>> -> memref<40x128xf32, #tpu.memory_space<hbm>>
            tpu.wait_dma2 semaphore(%arg41 : memref<!tpu.dma_semaphore, #tpu.memory_space<semaphore_mem>>) src(%dma_wait3A_499 : memref<40x128xf32, #tpu.memory_space<hbm>>) dst(%arg15 : memref<40x128xf32, #tpu.memory_space<vmem>>)
          } else {
          }
          %add3A_483 = arith.constant 4 : i32
          %add3A_484 = arith.addi %add3A_446, %add3A_483 : i32
          %mul3A_485 = arith.constant 10000 : i32
          %mul3A_486 = arith.muli %add3A, %mul3A_485 : i32
          %mul3A_487 = arith.constant 40 : i32
          %mul3A_488 = arith.muli %add3A_484, %mul3A_487 : i32
          %add3A_489 = arith.addi %mul3A_486, %mul3A_488 : i32
          %dma_start3A_490 = arith.constant 0 : i32
          %dma_start3A_491 = tpu.memref_slice %arg3[%add3A_489, %dma_start3A_490] : memref<320000x128xf32, #tpu.memory_space<hbm>> -> memref<40x128xf32, #tpu.memory_space<hbm>>
          %dma_start3A_492 = arith.constant 0 : i32
          %dma_start3A_493 = tpu.memref_slice %arg3[%add3A_489, %dma_start3A_492] : memref<320000x128xf32, #tpu.memory_space<hbm>> -> memref<40x128xf32, #tpu.memory_space<hbm>>
          tpu.enqueue_dma source(%dma_start3A_493 : memref<40x128xf32, #tpu.memory_space<hbm>>) target(%arg15 : memref<40x128xf32, #tpu.memory_space<vmem>>) target_semaphore(%arg25 : memref<!tpu.dma_semaphore, #tpu.memory_space<semaphore_mem>>)
        } else {
        }
        %add3A_459 = arith.constant 2 : i32
        %add3A_460 = arith.addi %add3A_446, %add3A_459 : i32
        %lt3A_461 = arith.constant 250 : i32
        %lt3A_462 = arith.cmpi slt, %add3A_460, %lt3A_461 : i32
        %convert_element_type3A_463 = arith.extui %lt3A_462 : i1 to i32
        %cond3A_464 = arith.constant 0 : i32
        %cond3A_465 = arith.cmpi ne, %convert_element_type3A_463, %cond3A_464 : i32
        scf.if %cond3A_465 {
          %dma_wait3A_479 = arith.constant 0 : i32
          %dma_wait3A_480 = arith.constant 0 : i32
          %dma_wait3A_481 = tpu.memref_slice %arg3[%dma_wait3A_479, %dma_wait3A_480] : memref<320000x128xf32, #tpu.memory_space<hbm>> -> memref<40x128xf32, #tpu.memory_space<hbm>>
          %dma_wait3A_482 = arith.constant 0 : i32
          %dma_wait3A_483 = arith.constant 0 : i32
          %dma_wait3A_484 = tpu.memref_slice %arg3[%dma_wait3A_482, %dma_wait3A_483] : memref<320000x128xf32, #tpu.memory_space<hbm>> -> memref<40x128xf32, #tpu.memory_space<hbm>>
          tpu.wait_dma2 semaphore(%arg23 : memref<!tpu.dma_semaphore, #tpu.memory_space<semaphore_mem>>) src(%dma_wait3A_484 : memref<40x128xf32, #tpu.memory_space<hbm>>) dst(%arg13 : memref<40x128xf32, #tpu.memory_space<vmem>>)
          %dma_start3A_485 = arith.constant 1 : i32
          %dma_start3A_486 = arith.constant 0 : i32
          %dma_start3A_487 = tpu.memref_slice %arg8[%dma_start3A_485, %dma_start3A_486] : memref<16x40xi32, #tpu.memory_space<vmem>> -> memref<1x40xi32, #tpu.memory_space<vmem>>
          %dma_start3A_488 = tpu.memref_squeeze %dma_start3A_487 : memref<1x40xi32, #tpu.memory_space<vmem>> -> memref<40xi32, #tpu.memory_space<vmem>>
          %dma_start3A_489 = arith.constant 0 : i32
          %dma_start3A_490 = arith.constant 0 : i32
          %dma_start3A_491 = tpu.memref_slice %arg2[%dma_start3A_489, %dma_start3A_490] : memref<10000x128xf32, #tpu.memory_space<hbm>> -> memref<10000x128xf32, #tpu.memory_space<hbm>>
          tpu.enqueue_indirect_dma source(%dma_start3A_491 : memref<10000x128xf32, #tpu.memory_space<hbm>>) target(%arg13 : memref<40x128xf32, #tpu.memory_space<vmem>>) offsets(%dma_start3A_488 : memref<40xi32, #tpu.memory_space<vmem>>) semaphore(%arg31 : memref<!tpu.dma_semaphore, #tpu.memory_space<semaphore_mem>>) {add = true}
        } else {
        }
        %dma_wait3A_466 = arith.constant 0 : i32
        %dma_wait3A_467 = arith.constant 0 : i32
        %dma_wait3A_468 = tpu.memref_slice %arg3[%dma_wait3A_466, %dma_wait3A_467] : memref<320000x128xf32, #tpu.memory_space<hbm>> -> memref<40x128xf32, #tpu.memory_space<hbm>>
        %dma_wait3A_469 = arith.constant 0 : i32
        %dma_wait3A_470 = arith.constant 0 : i32
        %dma_wait3A_471 = tpu.memref_slice %arg3[%dma_wait3A_469, %dma_wait3A_470] : memref<320000x128xf32, #tpu.memory_space<hbm>> -> memref<40x128xf32, #tpu.memory_space<hbm>>
        tpu.wait_dma2 semaphore(%arg37 : memref<!tpu.dma_semaphore, #tpu.memory_space<semaphore_mem>>) src(%dma_wait3A_471 : memref<40x128xf32, #tpu.memory_space<hbm>>) dst(%arg19 : memref<40x128xf32, #tpu.memory_space<vmem>>)
        %dma_start3A_472 = arith.constant 15 : i32
        %dma_start3A_473 = arith.constant 0 : i32
        %dma_start3A_474 = tpu.memref_slice %arg11[%dma_start3A_472, %dma_start3A_473] : memref<16x40xi32, #tpu.memory_space<vmem>> -> memref<1x40xi32, #tpu.memory_space<vmem>>
        %dma_start3A_475 = tpu.memref_squeeze %dma_start3A_474 : memref<1x40xi32, #tpu.memory_space<vmem>> -> memref<40xi32, #tpu.memory_space<vmem>>
        %dma_start3A_476 = arith.constant 0 : i32
        %dma_start3A_477 = arith.constant 0 : i32
        %dma_start3A_478 = tpu.memref_slice %arg46[%dma_start3A_476, %dma_start3A_477] : memref<10000x128xf32, #tpu.memory_space<vmem_shared>> -> memref<10000x128xf32, #tpu.memory_space<vmem_shared>>
        tpu.enqueue_indirect_dma source(%arg19 : memref<40x128xf32, #tpu.memory_space<vmem>>) target(%dma_start3A_478 : memref<10000x128xf32, #tpu.memory_space<vmem_shared>>) offsets(%dma_start3A_475 : memref<40xi32, #tpu.memory_space<vmem>>) semaphore(%arg45 : memref<!tpu.dma_semaphore, #tpu.memory_space<semaphore_mem>>) {add = true}
      } else {
      }
    }
    %scan3A_105 = arith.constant 8 : i32
    %dma_wait3A_106 = arith.constant 0 : i32
    %dma_wait3A_107 = arith.constant 0 : i32
    %dma_wait3A_108 = tpu.memref_slice %arg3[%dma_wait3A_106, %dma_wait3A_107] : memref<320000x128xf32, #tpu.memory_space<hbm>> -> memref<40x128xf32, #tpu.memory_space<hbm>>
    %dma_wait3A_109 = arith.constant 0 : i32
    %dma_wait3A_110 = arith.constant 0 : i32
    %dma_wait3A_111 = tpu.memref_slice %arg3[%dma_wait3A_109, %dma_wait3A_110] : memref<320000x128xf32, #tpu.memory_space<hbm>> -> memref<40x128xf32, #tpu.memory_space<hbm>>
    tpu.wait_dma2 semaphore(%arg38 : memref<!tpu.dma_semaphore, #tpu.memory_space<semaphore_mem>>) src(%dma_wait3A_111 : memref<40x128xf32, #tpu.memory_space<hbm>>) dst(%arg12 : memref<40x128xf32, #tpu.memory_space<vmem>>)
    %dma_wait3A_112 = arith.constant 0 : i32
    %dma_wait3A_113 = arith.constant 0 : i32
    %dma_wait3A_114 = tpu.memref_slice %arg3[%dma_wait3A_112, %dma_wait3A_113] : memref<320000x128xf32, #tpu.memory_space<hbm>> -> memref<40x128xf32, #tpu.memory_space<hbm>>
    %dma_wait3A_115 = arith.constant 0 : i32
    %dma_wait3A_116 = arith.constant 0 : i32
    %dma_wait3A_117 = tpu.memref_slice %arg3[%dma_wait3A_115, %dma_wait3A_116] : memref<320000x128xf32, #tpu.memory_space<hbm>> -> memref<40x128xf32, #tpu.memory_space<hbm>>
    tpu.wait_dma2 semaphore(%arg39 : memref<!tpu.dma_semaphore, #tpu.memory_space<semaphore_mem>>) src(%dma_wait3A_117 : memref<40x128xf32, #tpu.memory_space<hbm>>) dst(%arg13 : memref<40x128xf32, #tpu.memory_space<vmem>>)
    %dma_wait3A_118 = arith.constant 0 : i32
    %dma_wait3A_119 = arith.constant 0 : i32
    %dma_wait3A_120 = tpu.memref_slice %arg3[%dma_wait3A_118, %dma_wait3A_119] : memref<320000x128xf32, #tpu.memory_space<hbm>> -> memref<40x128xf32, #tpu.memory_space<hbm>>
    %dma_wait3A_121 = arith.constant 0 : i32
    %dma_wait3A_122 = arith.constant 0 : i32
    %dma_wait3A_123 = tpu.memref_slice %arg3[%dma_wait3A_121, %dma_wait3A_122] : memref<320000x128xf32, #tpu.memory_space<hbm>> -> memref<40x128xf32, #tpu.memory_space<hbm>>
    tpu.wait_dma2 semaphore(%arg40 : memref<!tpu.dma_semaphore, #tpu.memory_space<semaphore_mem>>) src(%dma_wait3A_123 : memref<40x128xf32, #tpu.memory_space<hbm>>) dst(%arg14 : memref<40x128xf32, #tpu.memory_space<vmem>>)
    %dma_wait3A_124 = arith.constant 0 : i32
    %dma_wait3A_125 = arith.constant 0 : i32
    %dma_wait3A_126 = tpu.memref_slice %arg3[%dma_wait3A_124, %dma_wait3A_125] : memref<320000x128xf32, #tpu.memory_space<hbm>> -> memref<40x128xf32, #tpu.memory_space<hbm>>
    %dma_wait3A_127 = arith.constant 0 : i32
    %dma_wait3A_128 = arith.constant 0 : i32
    %dma_wait3A_129 = tpu.memref_slice %arg3[%dma_wait3A_127, %dma_wait3A_128] : memref<320000x128xf32, #tpu.memory_space<hbm>> -> memref<40x128xf32, #tpu.memory_space<hbm>>
    tpu.wait_dma2 semaphore(%arg41 : memref<!tpu.dma_semaphore, #tpu.memory_space<semaphore_mem>>) src(%dma_wait3A_129 : memref<40x128xf32, #tpu.memory_space<hbm>>) dst(%arg15 : memref<40x128xf32, #tpu.memory_space<vmem>>)
    %dma_wait3A_130 = arith.constant 0 : i32
    %dma_wait3A_131 = arith.constant 0 : i32
    %dma_wait3A_132 = tpu.memref_slice %arg3[%dma_wait3A_130, %dma_wait3A_131] : memref<320000x128xf32, #tpu.memory_space<hbm>> -> memref<40x128xf32, #tpu.memory_space<hbm>>
    %dma_wait3A_133 = arith.constant 0 : i32
    %dma_wait3A_134 = arith.constant 0 : i32
    %dma_wait3A_135 = tpu.memref_slice %arg3[%dma_wait3A_133, %dma_wait3A_134] : memref<320000x128xf32, #tpu.memory_space<hbm>> -> memref<40x128xf32, #tpu.memory_space<hbm>>
    tpu.wait_dma2 semaphore(%arg42 : memref<!tpu.dma_semaphore, #tpu.memory_space<semaphore_mem>>) src(%dma_wait3A_135 : memref<40x128xf32, #tpu.memory_space<hbm>>) dst(%arg16 : memref<40x128xf32, #tpu.memory_space<vmem>>)
    %dma_wait3A_136 = arith.constant 0 : i32
    %dma_wait3A_137 = arith.constant 0 : i32
    %dma_wait3A_138 = tpu.memref_slice %arg3[%dma_wait3A_136, %dma_wait3A_137] : memref<320000x128xf32, #tpu.memory_space<hbm>> -> memref<40x128xf32, #tpu.memory_space<hbm>>
    %dma_wait3A_139 = arith.constant 0 : i32
    %dma_wait3A_140 = arith.constant 0 : i32
    %dma_wait3A_141 = tpu.memref_slice %arg3[%dma_wait3A_139, %dma_wait3A_140] : memref<320000x128xf32, #tpu.memory_space<hbm>> -> memref<40x128xf32, #tpu.memory_space<hbm>>
    tpu.wait_dma2 semaphore(%arg43 : memref<!tpu.dma_semaphore, #tpu.memory_space<semaphore_mem>>) src(%dma_wait3A_141 : memref<40x128xf32, #tpu.memory_space<hbm>>) dst(%arg17 : memref<40x128xf32, #tpu.memory_space<vmem>>)
    %dma_wait3A_142 = arith.constant 0 : i32
    %dma_wait3A_143 = arith.constant 0 : i32
    %dma_wait3A_144 = tpu.memref_slice %arg3[%dma_wait3A_142, %dma_wait3A_143] : memref<320000x128xf32, #tpu.memory_space<hbm>> -> memref<40x128xf32, #tpu.memory_space<hbm>>
    %dma_wait3A_145 = arith.constant 0 : i32
    %dma_wait3A_146 = arith.constant 0 : i32
    %dma_wait3A_147 = tpu.memref_slice %arg3[%dma_wait3A_145, %dma_wait3A_146] : memref<320000x128xf32, #tpu.memory_space<hbm>> -> memref<40x128xf32, #tpu.memory_space<hbm>>
    tpu.wait_dma2 semaphore(%arg44 : memref<!tpu.dma_semaphore, #tpu.memory_space<semaphore_mem>>) src(%dma_wait3A_147 : memref<40x128xf32, #tpu.memory_space<hbm>>) dst(%arg18 : memref<40x128xf32, #tpu.memory_space<vmem>>)
    %dma_wait3A_148 = arith.constant 0 : i32
    %dma_wait3A_149 = arith.constant 0 : i32
    %dma_wait3A_150 = tpu.memref_slice %arg3[%dma_wait3A_148, %dma_wait3A_149] : memref<320000x128xf32, #tpu.memory_space<hbm>> -> memref<40x128xf32, #tpu.memory_space<hbm>>
    %dma_wait3A_151 = arith.constant 0 : i32
    %dma_wait3A_152 = arith.constant 0 : i32
    %dma_wait3A_153 = tpu.memref_slice %arg3[%dma_wait3A_151, %dma_wait3A_152] : memref<320000x128xf32, #tpu.memory_space<hbm>> -> memref<40x128xf32, #tpu.memory_space<hbm>>
    tpu.wait_dma2 semaphore(%arg45 : memref<!tpu.dma_semaphore, #tpu.memory_space<semaphore_mem>>) src(%dma_wait3A_153 : memref<40x128xf32, #tpu.memory_space<hbm>>) dst(%arg19 : memref<40x128xf32, #tpu.memory_space<vmem>>)
    %barrier3A_154 = arith.constant 0 : index
    tpu.barrier barrier_id(%barrier3A_154)
    %mul3A_155 = arith.constant 624 : i32
    %mul3A_156 = arith.muli %arg1, %mul3A_155 : i32
    %mul3A_157 = arith.constant 624 : i32
    %mul3A_158 = arith.muli %arg1, %mul3A_157 : i32
    "tpu.region"() ({
      %run_scoped3A = tpu.sem_alloc : memref<!tpu.dma_semaphore, #tpu.memory_space<semaphore_mem>>
      %dma_start3A_164 = arith.constant 0 : i32
      %dma_start3A_165 = tpu.memref_slice %arg7[%arg0, %mul3A_158, %dma_start3A_164] : memref<2x10000x128xf32, #tpu.memory_space<hbm>> -> memref<1x624x128xf32, #tpu.memory_space<hbm>>
      %dma_start3A_166 = tpu.memref_squeeze %dma_start3A_165 : memref<1x624x128xf32, #tpu.memory_space<hbm>> -> memref<624x128xf32, #tpu.memory_space<hbm>>
      %dma_start3A_167 = arith.constant 0 : i32
      %dma_start3A_168 = tpu.memref_slice %arg46[%mul3A_156, %dma_start3A_167] : memref<10000x128xf32, #tpu.memory_space<vmem_shared>> -> memref<624x128xf32, #tpu.memory_space<vmem_shared>>
      tpu.enqueue_dma source(%dma_start3A_168 : memref<624x128xf32, #tpu.memory_space<vmem_shared>>) target(%dma_start3A_166 : memref<624x128xf32, #tpu.memory_space<hbm>>) target_semaphore(%run_scoped3A : memref<!tpu.dma_semaphore, #tpu.memory_space<semaphore_mem>>)
      %dma_wait3A_169 = arith.constant 0 : i32
      %dma_wait3A_170 = tpu.memref_slice %arg7[%arg0, %mul3A_158, %dma_wait3A_169] : memref<2x10000x128xf32, #tpu.memory_space<hbm>> -> memref<1x624x128xf32, #tpu.memory_space<hbm>>
      %dma_wait3A_171 = tpu.memref_squeeze %dma_wait3A_170 : memref<1x624x128xf32, #tpu.memory_space<hbm>> -> memref<624x128xf32, #tpu.memory_space<hbm>>
      %dma_wait3A_172 = arith.constant 0 : i32
      %dma_wait3A_173 = tpu.memref_slice %arg46[%mul3A_156, %dma_wait3A_172] : memref<10000x128xf32, #tpu.memory_space<vmem_shared>> -> memref<624x128xf32, #tpu.memory_space<vmem_shared>>
      tpu.wait_dma2 semaphore(%run_scoped3A : memref<!tpu.dma_semaphore, #tpu.memory_space<semaphore_mem>>) src(%dma_wait3A_173 : memref<624x128xf32, #tpu.memory_space<vmem_shared>>) dst(%dma_wait3A_171 : memref<624x128xf32, #tpu.memory_space<hbm>>)
      tpu.yield
    }) : () -> ()
    %eq3A_159 = arith.constant 15 : i32
    %eq3A_160 = arith.cmpi eq, %arg1, %eq3A_159 : i32
    %convert_element_type3A_161 = arith.extui %eq3A_160 : i1 to i32
    %cond3A_162 = arith.constant 0 : i32
    %cond3A_163 = arith.cmpi ne, %convert_element_type3A_161, %cond3A_162 : i32
    scf.if %cond3A_163 {
      "tpu.region"() ({
        %run_scoped3A = tpu.sem_alloc : memref<!tpu.dma_semaphore, #tpu.memory_space<semaphore_mem>>
        %dma_start3A_164 = arith.constant 9984 : i32
        %dma_start3A_165 = arith.constant 0 : i32
        %dma_start3A_166 = tpu.memref_slice %arg7[%arg0, %dma_start3A_164, %dma_start3A_165] : memref<2x10000x128xf32, #tpu.memory_space<hbm>> -> memref<1x16x128xf32, #tpu.memory_space<hbm>>
        %dma_start3A_167 = tpu.memref_squeeze %dma_start3A_166 : memref<1x16x128xf32, #tpu.memory_space<hbm>> -> memref<16x128xf32, #tpu.memory_space<hbm>>
        %dma_start3A_168 = arith.constant 9984 : i32
        %dma_start3A_169 = arith.constant 0 : i32
        %dma_start3A_170 = tpu.memref_slice %arg46[%dma_start3A_168, %dma_start3A_169] : memref<10000x128xf32, #tpu.memory_space<vmem_shared>> -> memref<16x128xf32, #tpu.memory_space<vmem_shared>>
        tpu.enqueue_dma source(%dma_start3A_170 : memref<16x128xf32, #tpu.memory_space<vmem_shared>>) target(%dma_start3A_167 : memref<16x128xf32, #tpu.memory_space<hbm>>) target_semaphore(%run_scoped3A : memref<!tpu.dma_semaphore, #tpu.memory_space<semaphore_mem>>)
        %dma_wait3A_171 = arith.constant 9984 : i32
        %dma_wait3A_172 = arith.constant 0 : i32
        %dma_wait3A_173 = tpu.memref_slice %arg7[%arg0, %dma_wait3A_171, %dma_wait3A_172] : memref<2x10000x128xf32, #tpu.memory_space<hbm>> -> memref<1x16x128xf32, #tpu.memory_space<hbm>>
        %dma_wait3A_174 = tpu.memref_squeeze %dma_wait3A_173 : memref<1x16x128xf32, #tpu.memory_space<hbm>> -> memref<16x128xf32, #tpu.memory_space<hbm>>
        %dma_wait3A_175 = arith.constant 9984 : i32
        %dma_wait3A_176 = arith.constant 0 : i32
        %dma_wait3A_177 = tpu.memref_slice %arg46[%dma_wait3A_175, %dma_wait3A_176] : memref<10000x128xf32, #tpu.memory_space<vmem_shared>> -> memref<16x128xf32, #tpu.memory_space<vmem_shared>>
        tpu.wait_dma2 semaphore(%run_scoped3A : memref<!tpu.dma_semaphore, #tpu.memory_space<semaphore_mem>>) src(%dma_wait3A_177 : memref<16x128xf32, #tpu.memory_space<vmem_shared>>) dst(%dma_wait3A_174 : memref<16x128xf32, #tpu.memory_space<hbm>>)
        tpu.yield
      }) : () -> ()
    } else {
    }
    return
  }
}

module attributes {stable_mosaic.version = 14 : i64} {
  func.func @_mlp_body(%arg0: i32, %arg1: memref<2x1000x128xf32, #tpu.memory_space<vmem>>, %arg2: memref<128x256xf32, #tpu.memory_space<vmem>>, %arg3: memref<1x256xf32, #tpu.memory_space<vmem>>, %arg4: memref<256x128xf32, #tpu.memory_space<vmem>>, %arg5: memref<1x128xf32, #tpu.memory_space<vmem>>, %arg6: memref<1000x128xf32, #tpu.memory_space<vmem>>) attributes {dimension_semantics = [#tpu.dimension_semantics<arbitrary>], iteration_bounds = array<i64: 10>, scalar_prefetch = 0 : i64, scratch_operands = 0 : i64, tpu.core_type = #tpu.core_type<tc>, window_params = [{transform_indices = @transform_0, window_bounds = array<i64: 2, 1000, 128>}, {pipeline_mode = #tpu.pipeline_mode<synchronous>, transform_indices = @transform_1, window_bounds = array<i64: 128, 256>}, {pipeline_mode = #tpu.pipeline_mode<synchronous>, transform_indices = @transform_2, window_bounds = array<i64: 1, 256>}, {pipeline_mode = #tpu.pipeline_mode<synchronous>, transform_indices = @transform_3, window_bounds = array<i64: 256, 128>}, {pipeline_mode = #tpu.pipeline_mode<synchronous>, transform_indices = @transform_4, window_bounds = array<i64: 1, 128>}, {transform_indices = @transform_5, window_bounds = array<i64: 1000, 128>}]} {
    %get3A = arith.constant 0 : index
    %get3A_0 = arith.constant 0 : index
    %get3A_1 = arith.constant 0 : index
    %get3A_2 = vector.load %arg1[%get3A, %get3A_0, %get3A_1] : memref<2x1000x128xf32, #tpu.memory_space<vmem>>, vector<1x1000x128xf32>
    %get3A_3 = vector.shape_cast %get3A_2 : vector<1x1000x128xf32> to vector<1000x128xf32>
    %get3A_4 = arith.constant 1 : index
    %get3A_5 = arith.constant 0 : index
    %get3A_6 = arith.constant 0 : index
    %get3A_7 = vector.load %arg1[%get3A_4, %get3A_5, %get3A_6] : memref<2x1000x128xf32, #tpu.memory_space<vmem>>, vector<1x1000x128xf32>
    %get3A_8 = vector.shape_cast %get3A_7 : vector<1x1000x128xf32> to vector<1000x128xf32>
    %add3A = arith.addf %get3A_3, %get3A_8 : vector<1000x128xf32>
    %get3A_9 = arith.constant 0 : index
    %get3A_10 = arith.constant 0 : index
    %get3A_11 = vector.load %arg2[%get3A_9, %get3A_10] : memref<128x256xf32, #tpu.memory_space<vmem>>, vector<128x256xf32>
    %dot_general3A = arith.constant dense<0.000000e+00> : vector<1000x256xf32>
    %dot_general3A_12 = tpu.matmul %add3A, %get3A_11, %dot_general3A {dimension_numbers = #tpu.dot_dimension_numbers<[1], [0], [0], [1], [0, 0, 1, 1], [], []>, transpose_lhs_hint = false} : vector<1000x128xf32>, vector<128x256xf32>, vector<1000x256xf32> -> vector<1000x256xf32>
    %get3A_13 = arith.constant 0 : index
    %get3A_14 = arith.constant 0 : index
    %get3A_15 = vector.load %arg3[%get3A_13, %get3A_14] : memref<1x256xf32, #tpu.memory_space<vmem>>, vector<1x256xf32>
    %add3A_16 = vector.broadcast %get3A_15 : vector<1x256xf32> to vector<1000x256xf32>
    %add3A_17 = arith.addf %dot_general3A_12, %add3A_16 : vector<1000x256xf32>
    %max3A = arith.constant 0.000000e+00 : f32
    %max3A_18 = vector.broadcast %max3A : f32 to vector<1000x256xf32>
    %max3A_19 = arith.maximumf %add3A_17, %max3A_18 : vector<1000x256xf32>
    %get3A_20 = arith.constant 0 : index
    %get3A_21 = arith.constant 0 : index
    %get3A_22 = vector.load %arg4[%get3A_20, %get3A_21] : memref<256x128xf32, #tpu.memory_space<vmem>>, vector<256x128xf32>
    %dot_general3A_23 = arith.constant dense<0.000000e+00> : vector<1000x128xf32>
    %dot_general3A_24 = tpu.matmul %max3A_19, %get3A_22, %dot_general3A_23 {dimension_numbers = #tpu.dot_dimension_numbers<[1], [0], [0], [1], [0, 0, 1, 1], [], []>, transpose_lhs_hint = false} : vector<1000x256xf32>, vector<256x128xf32>, vector<1000x128xf32> -> vector<1000x128xf32>
    %get3A_25 = arith.constant 0 : index
    %get3A_26 = arith.constant 0 : index
    %get3A_27 = vector.load %arg5[%get3A_25, %get3A_26] : memref<1x128xf32, #tpu.memory_space<vmem>>, vector<1x128xf32>
    %add3A_28 = vector.broadcast %get3A_27 : vector<1x128xf32> to vector<1000x128xf32>
    %add3A_29 = arith.addf %dot_general3A_24, %add3A_28 : vector<1000x128xf32>
    %swap3A = arith.constant 0 : index
    %swap3A_30 = arith.constant 0 : index
    %swap3A_31 = vector.load %arg6[%swap3A, %swap3A_30] : memref<1000x128xf32, #tpu.memory_space<vmem>>, vector<1000x128xf32>
    tpu.vector_store %arg6[%swap3A, %swap3A_30], %add3A_29 {strides = array<i32>} : memref<1000x128xf32, #tpu.memory_space<vmem>>, vector<1000x128xf32>,
    return
  }
  func.func @transform_0(%arg0: i32) -> (i32, i32, i32) {
    %c0_i32 = arith.constant 0 : i32
    %c0_i32_0 = arith.constant 0 : i32
    %c0_i32_1 = arith.constant 0 : i32
    return %c0_i32, %arg0, %c0_i32_0 : i32, i32, i32
  }
  func.func @transform_1(%arg0: i32) -> (i32, i32) {
    %c0_i32 = arith.constant 0 : i32
    %c0_i32_0 = arith.constant 0 : i32
    %c0_i32_1 = arith.constant 0 : i32
    return %c0_i32, %c0_i32_0 : i32, i32
  }
  func.func @transform_2(%arg0: i32) -> (i32, i32) {
    %c0_i32 = arith.constant 0 : i32
    %c0_i32_0 = arith.constant 0 : i32
    %c0_i32_1 = arith.constant 0 : i32
    return %c0_i32, %c0_i32_0 : i32, i32
  }
  func.func @transform_3(%arg0: i32) -> (i32, i32) {
    %c0_i32 = arith.constant 0 : i32
    %c0_i32_0 = arith.constant 0 : i32
    %c0_i32_1 = arith.constant 0 : i32
    return %c0_i32, %c0_i32_0 : i32, i32
  }
  func.func @transform_4(%arg0: i32) -> (i32, i32) {
    %c0_i32 = arith.constant 0 : i32
    %c0_i32_0 = arith.constant 0 : i32
    %c0_i32_1 = arith.constant 0 : i32
    return %c0_i32, %c0_i32_0 : i32, i32
  }
  func.func @transform_5(%arg0: i32) -> (i32, i32) {
    %c0_i32 = arith.constant 0 : i32
    %c0_i32_0 = arith.constant 0 : i32
    return %arg0, %c0_i32 : i32, i32
  }
}

</mosaic_0001>

<sc_bundles>
// kernel: kernel.4.cloned.1.call-start
scs
__scs_entry_jumppad:
0x0: {  	(pc) =	sbr.rel $0x88, $3  }
0x1: {  	(tag) =	ssettag $0x0;
	lr =	simm.s32 $0x1  }
0x2: {  	[smem:$0x3F9A] =	sst lr;
	_ =	strace $0xD0000000  }
0x3: {  	_ = 	snop  }
0x4: {  	_ = 	snop  }
0x5: {  	_ = 	snop  }
0x6: {  	_ = 	snop  }
0x7: {  	_ = 	snop  }
__scs_overlays_trampoline_lowered:
0x8: {  	[smem:$0x3FA9] =	sst s0  }
0x9: {  	[smem:$0x3FAA] =	sst s1  }
0xa: {  	[smem:$0x3FAB] =	sst s2  }
0xb: {  	[smem:$0x3FAC] =	sst s3  }
0xc: {  	[smem:$0x3FAD] =	sst s4  }
0xd: {  	[smem:$0x3FAE] =	sst s5  }
0xe: {  	[smem:$0x3FAF] =	sst s6  }
0xf: {  	[smem:$0x3FB0] =	sst s7  }
0x10: {  	[smem:$0x3FB1] =	sst s8  }
0x11: {  	[smem:$0x3FB2] =	sst s9;
	s0 =	simm.s32 @!p0 $0x0  }
0x12: {  	s1 =	sld [smem:$0x3F98];
	s0 =	simm.s32 @p0 $0x1  }
0x13: {  	[smem:$0x3FB3] =	sst s0;
	s0 =	simm.s32 @!p1 $0x0  }
0x14: {  	s2 =	sld [smem:$0x3F97];
	s0 =	simm.s32 @p1 $0x1  }
0x15: {  	[smem:$0x3FB4] =	sst s0;
	s0 =	simm.s32 @!p2 $0x0  }
0x16: {  	s3 =	sld [smem:$0x3FDB];
	s0 =	simm.s32 @p2 $0x1  }
0x17: {  	s4 =	simm.s32 $0x1BF5;
	[smem:$0x3FB6] =	sst s0  }
0x18: {  	s0 =	sld [smem:$0x3F99];
	_ =	swait.ge [sflag:s4], $0x0  }
0x19: {  	s7 =	sld [smem:$0x3F9A]  }
0x1a: {  	s8 =	sadd.s32 $0xFFFFE003, lr  }
0x1b: {  	s9 =	sadd.s32 $0xFFFFFEF7, lr;
	s5 =	simm.s32 $0xFFFFFFFF;
	p2 =	slt.u32 s8, $0xFFFFF086  }
0x1c: {  	p1 =	slt.u32 s9, $0xF7A;
	s5 =	simm.s32 @!p2 $0x0  }
0x1d: {  	s5 =	simm.s32 @p1 $0x1;
	p0 =	seq.s32 s7, s2  }
0x1e: {  	s7 =	smul.u32 @!p0 $0xF7A, s2;
	p2 =	seq.s32 @!p0 s5, $0x0  }
0x1f: {  	s9 =	smul.u32 $0xF7A, s1;
	s8 =	simm.s32 @!p0 $0x1BF5;
	p2 =	por !p2, p0  }
0x20: {  	[sflag:s8] =	ssyncset.s32 @!p0 $0xFFFFF086;
	s6 =	sadd.s32 @!p0 s3, s7;
	s7 =	simm.s32 @!p0 $0x108  }
0x21: {  	s3 =	sadd.s32 s3, s9;
	s6 =	sadd.s32 @!p0 $0x88, s6;
	s7 =	simm.s32 @p2 $0x1082  }
0x22: {  	[simem:s7], [sflag:s8] =	dma.local @!p0 [hbm:s6], $0xF7A  }
0x23: {  	s9 =	sor.u32 $0xD0000000, s2;
	s6 =	simm.s32 $0x108;
	_ =	swait.ge @!p0 [sflag:s8], $0x0  }
0x24: {  	s3 =	sadd.s32 $0x88, s3;
	s6 =	simm.s32 @!p1 $0x1082;
	[sflag:s4] =	ssyncset.s32 $0xFFFFF086  }
0x25: {  	[simem:s6], [sflag:s4] =	dma.local [hbm:s3], $0xF7A  }
0x26: {  	[smem:$0x3F9A] =	sst s1;
	(tag) =	ssettag s2;
	_ =	strace s9  }
0x27: {  	s1 =	sld [smem:$0x3FAA]  }
0x28: {  	s2 =	sld [smem:$0x3FAB]  }
0x29: {  	s4 =	sld [smem:$0x3FAD]  }
0x2a: {  	p0 =	seq.s32 s5, $0x0;
	s5 =	sld [smem:$0x3FAE]  }
0x2b: {  	s6 =	sld [smem:$0x3FAF]  }
0x2c: {  	s7 =	sld [smem:$0x3FB0]  }
0x2d: {  	s3 =	simm.s32 $0x108;
	s8 =	sld [smem:$0x3FB1]  }
0x2e: {  	s3 =	simm.s32 @!p0 $0x1082;
	s9 =	sld [smem:$0x3FB2]  }
0x2f: {  	lr =	sadd.s32 s0, s3;
	s0 =	sld [smem:$0x3FA9]  }
0x30: {  	s3 =	sld [smem:$0x3FAC]  }
0x31: {  	[smem:$0x3FB5] =	sst s10  }
0x32: {  	s10 =	sld [smem:$0x3FB3];
	_ =	sdelay $0x3  }
0x33: {  	p0 =	seq.s32 s10, $0x1;
	s10 =	sld [smem:$0x3FB5];
	_ =	sdelay $0x3  }
0x34: {  	[smem:$0x3FB5] =	sst s10  }
0x35: {  	s10 =	sld [smem:$0x3FB4];
	_ =	sdelay $0x3  }
0x36: {  	p1 =	seq.s32 s10, $0x1;
	s10 =	sld [smem:$0x3FB5];
	_ =	sdelay $0x3  }
0x37: {  	[smem:$0x3FB5] =	sst s10  }
0x38: {  	s10 =	sld [smem:$0x3FB6]  }
0x39: {  	_ = 	snop;
	(pc) =	sbr.ind lr, $3  }
0x3a: {  	_ = 	snop  }
0x3b: {  	_ = 	snop  }
0x3c: {  	p2 =	seq.s32 s10, $0x1;
	s10 =	sld [smem:$0x3FB5]  }
0x3d: {  	_ =	shalt  }
0x3e: {  	_ =	shalt  }
0x3f: {  	_ =	shalt  }
0x40: {  	_ =	shalt  }
0x41: {  	_ =	shalt  }
0x42: {  	_ =	shalt  }
0x43: {  	_ =	shalt  }
0x44: {  	_ =	shalt  }
0x45: {  	_ =	shalt  }
0x46: {  	_ =	shalt  }
0x47: {  	_ =	shalt  }
0x48: {  	_ =	shalt  }
0x49: {  	_ =	shalt  }
0x4a: {  	_ =	shalt  }
0x4b: {  	_ =	shalt  }
0x4c: {  	_ =	shalt  }
0x4d: {  	_ =	shalt  }
0x4e: {  	_ =	shalt  }
0x4f: {  	_ =	shalt  }
0x50: {  	_ =	shalt  }
0x51: {  	_ =	shalt  }
0x52: {  	_ =	shalt  }
0x53: {  	_ =	shalt  }
0x54: {  	_ =	shalt  }
0x55: {  	_ =	shalt  }
0x56: {  	_ =	shalt  }
0x57: {  	_ =	shalt  }
0x58: {  	_ =	shalt  }
0x59: {  	_ =	shalt  }
0x5a: {  	_ =	shalt  }
0x5b: {  	_ =	shalt  }
0x5c: {  	_ =	shalt  }
0x5d: {  	_ =	shalt  }
0x5e: {  	_ =	shalt  }
0x5f: {  	_ =	shalt  }
0x60: {  	_ =	shalt  }
0x61: {  	_ =	shalt  }
0x62: {  	_ =	shalt  }
0x63: {  	_ =	shalt  }
0x64: {  	_ =	shalt  }
0x65: {  	_ =	shalt  }
0x66: {  	_ =	shalt  }
0x67: {  	_ =	shalt  }
0x68: {  	_ =	shalt  }
0x69: {  	_ =	shalt  }
0x6a: {  	_ =	shalt  }
0x6b: {  	_ =	shalt  }
0x6c: {  	_ =	shalt  }
0x6d: {  	_ =	shalt  }
0x6e: {  	_ =	shalt  }
0x6f: {  	_ =	shalt  }
0x70: {  	_ =	shalt  }
0x71: {  	_ =	shalt  }
0x72: {  	_ =	shalt  }
0x73: {  	_ =	shalt  }
0x74: {  	_ =	shalt  }
0x75: {  	_ =	shalt  }
0x76: {  	_ =	shalt  }
0x77: {  	_ =	shalt  }
0x78: {  	_ =	shalt  }
0x79: {  	_ =	shalt  }
0x7a: {  	_ =	shalt  }
0x7b: {  	_ =	shalt  }
0x7c: {  	_ =	shalt  }
0x7d: {  	_ =	shalt  }
0x7e: {  	_ =	shalt  }
0x7f: {  	_ =	shalt  }
0x80: {  	_ =	shalt  }
0x81: {  	_ =	shalt  }
0x82: {  	_ =	shalt  }
0x83: {  	_ =	shalt  }
0x84: {  	_ =	shalt  }
0x85: {  	_ =	shalt  }
0x86: {  	_ =	shalt  }
0x87: {  	_ =	shalt  }
.Lfunc_end0:
.L_simem_size_0:
called_computation_lowered:
.L_overlay_start_0:
0x88: {  	s2 =	sld [smem:$0x3FD9]  }
0x89: {  	s3 =	sld [smem:$0x3FFE];
	_ =	sdelay $0x1  }
0x8a: {  	s1 =	srdreg.scid  }
0x8b: {  	s0 =	sand.u32 $0x1, s1  }
0x8c: {  	s17 =	sshll.u32 s0, $0xA;
	s2 =	sadd.s32 s3, s2  }
0x8d: {  	s2 =	sadd.s32 s2, s17  }
0x8e: {  	[smem:$0x3FC1] =	sst s2  }
0x8f: {  	_ = 	snop  }
0x90: {  	s2 =	sld [smem:$0x3FC9]  }
0x91: {  	s18 =	sld [smem:$0x3FC8]  }
0x92: {  	s4 =	sld [smem:$0x3FD0];
	(tm) =	ssettm $0x1  }
0x93: {  	s5 =	sld [smem:$0x3FFB];
	_ =	sdelay $0x3  }
0x94: {  	_ =	strace s5  }
0x95: {  	s5 =	sld [smem:$0x3FFC];
	_ =	sdelay $0x3  }
0x96: {  	_ =	strace s5  }
0x97: {  	s5 =	sld [smem:$0x3FFD];
	_ =	sdelay $0x3  }
0x98: {  	_ =	strace s5  }
0x99: {  	_ =	strace $0x8FFFFFFF  }
0x9a: {  	s19 =	sld [smem:$0x3FDB];
	_ =	sdelay $0x1  }
0x9b: {  	s6 =	simm.s32 $_scs_section_size  }
0x9c: {  	s7 =	simm.s32 $_size__tile_overlayer_lowered;
	s8 =	simm.s32 $_tile_overlayer_lowered  }
0x9d: {  	s22 =	simm.s32 $0x1BFF;
	s21 =	sshll.u32 s8, $0x1;
	s5 =	sadd.s32 s6, s19  }
0x9e: {  	s9 =	simm.s32 $0x0;
	s20 =	sshll.u32 s7, $0x1;
	s7 =	sadd.s32 s21, s5  }
0x9f: {  	[timem:s9], [sflag:s22] =	dma.local [hbm:s7], s20  }
0xa0: {  	_ =	swait.ge [sflag:s22], s20  }
0xa1: {  	s6 =	ssub.s32 $0x0, s20;
	[sflag:s22] =	ssyncset.done $0x0  }
0xa2: {  	[sflag:s22] =	ssyncadd.s32 s6;
	_ =	sdelay $0x1  }
0xa3: {  	s23 =	simm.s32 $0x1B8B  }
0xa4: {  	_ =	swait.ge [sflag:s23], $0x1  }
0xa5: {  	[sflag:s23] =	ssyncset.done $0x0  }
0xa6: {  	s25 =	simm.s32 $0x1B8E;
	s24 =	sld [smem:$0x3FFE];
	[sflag:s23] =	ssyncadd.s32 $0xFFFFFFFF  }
0xa7: {  	s26 =	simm.s32 $execute0_lowered;
	[smem:$0x3FD2] =	sst s25  }
0xa8: {  	s7 =	sshll.u32 s26, $0x1;
	_ =	strace $0x80000046;
	[dreg:$0x1] =	wrdreg $0xFFFFFFFF  }
0xa9: {  	s28 =	simm.s32 $_size_execute0_lowered;
	s5 =	sadd.s32 s5, s7;
	[dreg:$0x0] =	wrdreg $0x0  }
0xaa: {  	s7 =	sshll.u32 s28, $0x1;
	[dreg:$0x2] =	wrdreg s5  }
0xab: {  	[dreg:$0x3] =	wrdreg s7  }
0xac: {  	[dreg:$0x4] =	wrdreg $0xC0  }
0xad: {  	_ =	task [dreg:s9], $0x5FFFF  }
0xae: {  	[dreg:$0x1] =	wrdreg $0xFFFFFFFF  }
0xaf: {  	[dreg:$0x0] =	wrdreg $0x60  }
0xb0: {  	[dreg:$0x2] =	wrdreg s2  }
0xb1: {  	[dreg:$0x3] =	wrdreg s18  }
0xb2: {  	[dreg:$0x4] =	wrdreg s24  }
0xb3: {  	[dreg:$0x5] =	wrdreg s4  }
0xb4: {  	[dreg:$0x6] =	wrdreg $0xC0000  }
0xb5: {  	[dreg:$0x7] =	wrdreg $0x9  }
0xb6: {  	_ =	task.clear_ibuf [dreg:s9], $0x8FFFF;
	_ =	strace $0x90000046  }
0xb7: {  	s29 =	simm.s32 $0x9;
	_ =	strace $0x80000048  }
0xb8: {  	_ =	swait.ge [sflag:s29], $0x1  }
0xb9: {  	[sflag:s29] =	ssyncadd.s32 $0xFFFFFFFF  }
0xba: {  	_ =	strace $0x90000048  }
0xbb: {  	_ =	sfence  }
0xbc: {  	s30 =	sld [smem:$0x0];
	_ =	sdelay $0x2  }
0xbd: {  	s31 =	sshll.u32 s1, $0xD;
	s1 =	sshrl.u32 s1, $0x2  }
0xbe: {  	s3 =	sand.u32 $0x4000, s31;
	s1 =	sadd.s32 s1, s30  }
0xbf: {  	s0 =	sor.u32 s3, s0;
	s1 =	sshll.u32 s1, $0x11  }
0xc0: {  	s0 =	sor.u32 s1, s0  }
0xc1: {  	s0 =	sadd.s32 $0x8F2B, s0  }
0xc2: {  	[sflag:s0] =	ssyncadd.remote.s32 $0x1  }
0xc3: {  	_ =	sfence.sel $0xFFFF  }
0xc4: {  	[dreg:$0x0] =	wrdreg $0xFFFFFFFF;
	(pc) =	sbr.abs _section_cstart, $3  }
0xc5: {  	[dreg:$0x1] =	wrdreg $0xFFFFFFFF  }
0xc6: {  	_ =	task.clear_ibuf [dreg:s9], $0x2FFFF;
	_ =	strace $0x9FFFFFFF  }
0xc7: {  	(tm) =	ssettm $0x7FFFFFFF  }
tec
execute0_lowered:
.L_overlay_start_1:
0x0: {  	(tag) =	ssettag $0x1  }
0x1: {  	s1 =	rddreg [dreg:$0x0]  }
0x2: {  	s0 =	rddreg [dreg:$0x1]  }
0x3: {  	s4 =	rddreg [dreg:$0x2]  }
0x4: {  	s5 =	rddreg [dreg:$0x3]  }
0x5: {  	s29 =	rddreg [dreg:$0x4];
	s24 =	simm.s32 $0x0  }
0x6: {  	s6 =	srdreg.scid;
	s3 =	stileid.u32;
	s28 =	simm.s32 $0x9  }
0x7: {  	[smem:$0x7FF] =	sst s24;
	s7 =	sadd.s32 $0x600, s4;
	s6 =	sand.u32 $0x1, s6  }
0x8: {  	s8 =	sadd.s32 $0x20600, s4;
	s10 =	smul.u32 $0x4E000, s3;
	s4 =	sadd.s32 $0x40600, s4  }
0x9: {  	s12 =	smul.u32 $0x13800, s3;
	s23 =	sshll.u32 s3, $0x6;
	s25 =	sadd.s32 $0x138000, s29  }
0xa: {  	p0 =	sne.s32 s3, $0xF;
	_ =	strace $0x80000047;
	s9 =	ssub.s32 $0x2, s6  }
0xb: {  	s21 =	sshll.u32 s6, $0x4;
	[dreg:$0x9] =	wrdreg s25;
	s14 =	smul.u32 $0x138800, s6  }
0xc: {  	s25 =	sshll.u32 s6, $0x10;
	s11 =	sshrl.u32 s9, $0x1;
	s10 =	sshrl.u32 s10, $0x2  }
0xd: {  	s22 =	sshrl.u32 s12, $0x3;
	s9 =	ssub.s32 s9, s11;
	s11 =	sor.u32 s3, s21  }
0xe: {  	s10 =	sadd.s32 s10, s29;
	s18 =	sadd.s32 s12, s14;
	s19 =	sshrl.u32 s14, $0x3  }
0xf: {  	s21 =	smul.u32 $0x271000, s6;
	s12 =	simm.s32 $0x4800;
	[dreg:$0x6] =	wrdreg s10  }
0x10: {  	s10 =	sadd.s32 s5, s22;
	s13 =	smul.u32 $0x138800, s11;
	s22 =	sor.u32 $0x1C1B, s23  }
0x11: {  	s5 =	sadd.s32 $0x27000, s5;
	s26 =	sshll.u32 s11, $0xC;
	s30 =	smul.u32 $0x27100, s11  }
0x12: {  	s23 =	smax.u32 s9, $0x1;
	s9 =	simm.s32 $0x4;
	[dreg:$0x7] =	wrdreg s10  }
0x13: {  	[dreg:$0xa] =	wrdreg s5;
	s2 =	sadd.s32 s7, s26;
	s5 =	sadd.s32 s8, s26  }
0x14: {  	s10 =	sadd.s32 s4, s19;
	[dreg:$0x13] =	wrdreg s23;
	s26 =	smul.u32 $0x27100, s3  }
0x15: {  	s7 =	sadd.s32 s25, s7;
	s19 =	simm.s32 $0x2000;
	[dreg:$0x8] =	wrdreg s22  }
0x16: {  	s23 =	simm.s32 $0xD;
	s31 =	sshrl.u32 s13, $0x3;
	[dreg:$0xb] =	wrdreg s2  }
0x17: {  	[dreg:$0xc] =	wrdreg s5;
	s15 =	sadd.s32 s0, s30;
	s5 =	sshrl.u32 s18, $0x3  }
0x18: {  	s20 =	sadd.s32 $0x27000, s10;
	s30 =	sshll.u32 s3, $0xC;
	[dreg:$0x15] =	wrdreg s7  }
0x19: {  	s10 =	simm.s32 $0xC;
	s18 =	simm.s32 $0x9800;
	[dreg:$0xd] =	wrdreg s15  }
0x1a: {  	s7 =	simm.s32 $0x7;
	s3 =	simm.s32 $0x0;
	[dreg:$0x12] =	wrdreg s20  }
0x1b: {  	s11 =	sadd.s32 s0, s31;
	s4 =	sadd.s32 s4, s5;
	[dreg:$0x14] =	wrdreg s30  }
0x1c: {  	s0 =	sadd.s32 s21, s0;
	s31 =	sadd.s32 s25, s8;
	[dreg:$0x11] =	wrdreg s4  }
0x1d: {  	s8 =	simm.s32 $0x1B;
	s16 =	sadd.s32 $0x280, s11;
	[dreg:$0x16] =	wrdreg s31  }
.Ltmp0:
0x1e: {  	s17 =	sadd.s32 $0x500, s11;
	[dreg:$0xe] =	wrdreg s16;
	(pc) =	sbr.rel .LBB2_1-.Ltmp0, $4  }
0x1f: {  	s5 =	simm.s32 $0x3400;
	s11 =	sadd.s32 $0x780, s11;
	[dreg:$0xf] =	wrdreg s17  }
0x20: {  	s15 =	simm.s32 $0x7000;
	s0 =	sadd.s32 s26, s0;
	[dreg:$0x10] =	wrdreg s11  }
0x21: {  	s20 =	simm.s32 $0xAC00;
	[dreg:$0x17] =	wrdreg s0;
	s11 =	simm.s32 $0x5C00  }
0x22: {  	s16 =	simm.s32 $0x3;
	s0 =	simm.s32 $0x28;
	s17 =	simm.s32 $0x6  }
.LBB2_6:
0x23: {  	s4 =	simm.s32 $0x13  }
0x24: {  	_ =	swait.ge [sflag:s4], $0x1400  }
0x25: {  	[sflag:s4] =	ssyncset.done $0x0  }
0x26: {  	s13 =	simm.s32 $0x14;
	[sflag:s4] =	ssyncadd.s32 $0xFFFFEC00  }
0x27: {  	_ =	swait.ge [sflag:s13], $0x1400  }
0x28: {  	[sflag:s13] =	ssyncset.done $0x0  }
0x29: {  	s14 =	simm.s32 $0x15;
	[sflag:s13] =	ssyncadd.s32 $0xFFFFEC00  }
0x2a: {  	_ =	swait.ge [sflag:s14], $0x1400  }
0x2b: {  	[sflag:s14] =	ssyncset.done $0x0  }
0x2c: {  	s16 =	simm.s32 $0x16;
	[sflag:s14] =	ssyncadd.s32 $0xFFFFEC00  }
0x2d: {  	_ =	swait.ge [sflag:s16], $0x1400  }
0x2e: {  	[sflag:s16] =	ssyncset.done $0x0  }
0x2f: {  	s21 =	simm.s32 $0x17;
	[sflag:s16] =	ssyncadd.s32 $0xFFFFEC00  }
0x30: {  	_ =	swait.ge [sflag:s21], $0x1400  }
0x31: {  	[sflag:s21] =	ssyncset.done $0x0  }
0x32: {  	s22 =	simm.s32 $0x18;
	[sflag:s21] =	ssyncadd.s32 $0xFFFFEC00  }
0x33: {  	_ =	swait.ge [sflag:s22], $0x1400  }
0x34: {  	[sflag:s22] =	ssyncset.done $0x0  }
0x35: {  	s25 =	simm.s32 $0x19;
	[sflag:s22] =	ssyncadd.s32 $0xFFFFEC00  }
0x36: {  	_ =	swait.ge [sflag:s25], $0x1400  }
0x37: {  	[sflag:s25] =	ssyncset.done $0x0  }
0x38: {  	s26 =	simm.s32 $0x1A;
	[sflag:s25] =	ssyncadd.s32 $0xFFFFEC00  }
0x39: {  	_ =	swait.ge [sflag:s26], $0x1400  }
0x3a: {  	[sflag:s26] =	ssyncset.done $0x0  }
0x3b: {  	[sflag:s26] =	ssyncadd.s32 $0xFFFFEC00  }
0x3c: {  	[bflag:$0x0] =	sbarrier.arrive $0xFFFF  }
0x3d: {  	s22 =	rddreg [dreg:$0x8]  }
0x3e: {  	s30 =	rddreg [dreg:$0x11]  }
0x3f: {  	s8 =	simm.s32 $0x1B;
	s6 =	rddreg [dreg:$0x19]  }
0x40: {  	[hbm:s30], [sflag:s22] =	dma.local [spmem:s6], $0x2700  }
0x41: {  	_ =	swait.ge [sflag:s8], $0x2700  }
0x42: {  	[sflag:s8] =	ssyncset.done $0x0;
	s4 =	rddreg [dreg:$0x12]  }
0x43: {  	s6 =	rddreg [dreg:$0x1a];
	[sflag:s8] =	ssyncadd.s32 $0xFFFFD900  }
0x44: {  	[hbm:s4], [sflag:s22] =	dma.local @!p0 [spmem:s6], $0x100  }
0x45: {  	s4 =	simm.s32 @!p0 $0x1B  }
0x46: {  	_ =	swait.ge @!p0 [sflag:s4], $0x100  }
0x47: {  	s3 =	rddreg [dreg:$0x18]  }
0x48: {  	s31 =	rddreg [dreg:$0x13];
	s3 =	sadd.s32 $0x1, s3  }
0x49: {  	p1 =	sne.s32 s3, s31  }
.Ltmp1:
0x4a: {  	_ = 	snop;
	(pc) =	sbr.rel @!p1 .LBB2_7-.Ltmp1, $3  }
0x4b: {  	_ =	sdelay $0x1  }
0x4c: {  	s11 =	simm.s32 $0x5C00;
	[sflag:s4] =	ssyncset.done @!p0 $0x0  }
0x4d: {  	s9 =	simm.s32 $0x4;
	s16 =	simm.s32 $0x3;
	[sflag:s4] =	ssyncadd.s32 @!p0 $0xFFFFFF00  }
.LBB2_1:
0x4e: {  	[dreg:$0x18] =	wrdreg s3  }
0x4f: {  	s4 =	rddreg [dreg:$0x6]  }
0x50: {  	s3 =	rddreg [dreg:$0x7];
	s6 =	sshrl.u32 s4, $0x3  }
0x51: {  	[dreg:$0x19] =	wrdreg s6  }
0x52: {  	[spmem:s6], [sflag:s22] =	dma.local [hbm:s3], $0x2700  }
0x53: {  	_ =	swait.ge [sflag:s8], $0x2700  }
0x54: {  	s4 =	rddreg [dreg:$0x9]  }
0x55: {  	[sflag:s8] =	ssyncset.done $0x0;
	s6 =	sshrl.u32 @!p0 s4, $0x3;
	s4 =	rddreg [dreg:$0xa]  }
0x56: {  	[sflag:s8] =	ssyncadd.s32 $0xFFFFD900;
	[dreg:$0x1a] =	wrdreg s6  }
0x57: {  	[spmem:s6], [sflag:s22] =	dma.local @!p0 [hbm:s4], $0x100  }
0x58: {  	s6 =	simm.s32 @!p0 $0x1B  }
0x59: {  	_ =	swait.ge @!p0 [sflag:s6], $0x100  }
0x5a: {  	[sflag:s6] =	ssyncset.done @!p0 $0x0  }
0x5b: {  	[sflag:s6] =	ssyncadd.s32 @!p0 $0xFFFFFF00  }
0x5c: {  	[bflag:$0x0] =	sbarrier.arrive $0xFFFF  }
0x5d: {  	s8 =	rddreg [dreg:$0xb]  }
0x5e: {  	[tilespmem:s24], [sflag:$0x1] =	stream.linear.gather [hbm4b:s8+s24], $0x800, $0x38;
	[tilespmem:$0x1F880] =	vst v63  }
0x5f: {  	s14 =	simm.s32 $0x1000;
	s21 =	simm.s32 $0x1;
	s13 =	rddreg [dreg:$0xc]  }
0x60: {  	[tilespmem:s14], [sflag:$0x1] =	stream.linear.gather [hbm4b:s13+s24], $0x800, $0x38;
	[tilespmem:$0x1F880] =	vst v63  }
0x61: {  	_ =	swait.ge [sflag:s21], $0x800  }
0x62: {  	[sflag:s21] =	ssyncset.done $0x0  }
0x63: {  	[sflag:s21] =	ssyncadd.s32 $0xFFFFF800  }
0x64: {  	_ =	swait.ge [sflag:s21], $0x800  }
0x65: {  	[sflag:s21] =	ssyncset.done $0x0  }
0x66: {  	s22 =	rddreg [dreg:$0xd];
	[sflag:s21] =	ssyncadd.s32 $0xFFFFF800  }
0x67: {  	[tilespmem:s19], [sflag:$0x3] =	stream.linear.gather [hbm4b:s22+s24], $0x1400, $0x38;
	[tilespmem:$0x1F880] =	vst v63  }
0x68: {  	s25 =	rddreg [dreg:$0xe]  }
0x69: {  	[tilespmem:s5], [sflag:$0x4] =	stream.linear.gather [hbm4b:s25+s24], $0x1400, $0x38;
	[tilespmem:$0x1F880] =	vst v63  }
0x6a: {  	s26 =	rddreg [dreg:$0xf]  }
0x6b: {  	[tilespmem:s12], [sflag:$0x5] =	stream.linear.gather [hbm4b:s26+s24], $0x1400, $0x38;
	[tilespmem:$0x1F880] =	vst v63  }
0x6c: {  	s30 =	rddreg [dreg:$0x10]  }
0x6d: {  	[tilespmem:s11], [sflag:$0x6] =	stream.linear.gather [hbm4b:s30+s24], $0x1400, $0x38;
	[tilespmem:$0x1F880] =	vst v63  }
0x6e: {  	_ =	swait.ge [sflag:s16], $0x1400  }
0x6f: {  	[sflag:s16] =	ssyncset.done $0x0  }
0x70: {  	[sflag:s16] =	ssyncadd.s32 $0xFFFFEC00  }
0x71: {  	[tilespmem:s19], [sflag:$0xB] =	stream.indirect.gather.add.f32 [hbm:s1], $0x80, s24, s0, $0xb8;
	[tilespmem:$0x1F880] =	vst v63  }
.Ltmp2:
0x72: {  	_ = 	snop;
	(pc) =	sbr.rel .LBB2_2-.Ltmp2, $4  }
0x73: {  	s31 =	simm.s32 $0x80;
	s6 =	simm.s32 $0x0;
	_ =	swait.ge [sflag:s9], $0x1400  }
0x74: {  	s8 =	simm.s32 $0x0;
	[sflag:s9] =	ssyncset.done $0x0;
	s14 =	rddreg [dreg:$0x16]  }
0x75: {  	s13 =	simm.s32 $0x1D;
	s22 =	rddreg [dreg:$0x15];
	[sflag:s9] =	ssyncadd.s32 $0xFFFFEC00  }
0x76: {  	[tilespmem:s5], [sflag:$0xC] =	stream.indirect.gather.add.f32 [hbm:s1], $0x80, s31, s0, $0xb8;
	[tilespmem:$0x1F880] =	vst v63  }
.LBB2_4:
0x77: {  	s2 =	simm.s32 $0xC;
	s4 =	simm.s32 $0x1C80  }
0x78: {  	s12 =	simm.s32 $0x4800;
	s18 =	simm.s32 $0x9800;
	_ =	swait.ge [sflag:s2], $0x1400  }
0x79: {  	s19 =	simm.s32 $0x2000;
	s5 =	simm.s32 $0x3400;
	[sflag:s2] =	ssyncset.done $0x0  }
0x7a: {  	s20 =	simm.s32 $0xAC00;
	s10 =	simm.s32 $0xC;
	[sflag:s2] =	ssyncadd.s32 $0xFFFFEC00  }
0x7b: {  	[spmem:s29] =	stream.indirect.scatter.add.f32 [tilespmem:s17], [sflag:$0x14], $0x80, s4, s0, $0xb8;
	[tilespmem:$0x1F880] =	vst v63  }
.LBB2_5:
0x7c: {  	s8 =	sadd.s32 $0x5000, s8  }
0x7d: {  	p1 =	sne.s32 s8, $0x28000  }
.Ltmp3:
0x7e: {  	_ = 	snop;
	(pc) =	sbr.rel @!p1 .LBB2_6-.Ltmp3, $4  }
0x7f: {  	_ = 	snop  }
0x80: {  	s6 =	sadd.s32 $0x1, s6;
	s22 =	sadd.s32 $0x200, s22;
	s14 =	sadd.s32 $0x200, s14  }
0x81: {  	s13 =	sadd.s32 $0x20, s13;
	s15 =	simm.s32 $0x7000;
	s17 =	simm.s32 $0x6  }
0x82: {  	s7 =	simm.s32 $0x7;
	s23 =	simm.s32 $0xD;
	s28 =	simm.s32 $0x9  }
.LBB2_2:
0x83: {  	[dreg:$0x1e] =	wrdreg s13  }
0x84: {  	[dreg:$0x1d] =	wrdreg s14  }
0x85: {  	[dreg:$0x1c] =	wrdreg s22;
	p1 =	seq.s32 s8, $0x0  }
0x86: {  	[dreg:$0x1b] =	wrdreg s6;
	s31 =	simm.s32 @!p1 $0x17  }
0x87: {  	_ =	swait.ge @!p1 [sflag:s31], $0x1400  }
0x88: {  	s3 =	rddreg [dreg:$0x17]  }
0x89: {  	[sflag:s31] =	ssyncset.done @!p1 $0x0;
	s11 =	sadd.s32 s8, s3  }
0x8a: {  	s21 =	simm.s32 $0x5;
	[sflag:s31] =	ssyncadd.s32 @!p1 $0xFFFFEC00;
	s4 =	sadd.s32 $0xA00, s11  }
0x8b: {  	[tilespmem:s15], [sflag:$0x7] =	stream.linear.gather [hbm4b:s4+s24], $0x1400, $0x38;
	[tilespmem:$0x1F880] =	vst v63  }
0x8c: {  	_ =	swait.ge [sflag:s21], $0x1400  }
0x8d: {  	[sflag:s21] =	ssyncset.done $0x0  }
0x8e: {  	s26 =	simm.s32 $0xB;
	s4 =	simm.s32 $0x100;
	[sflag:s21] =	ssyncadd.s32 $0xFFFFEC00  }
0x8f: {  	[tilespmem:s12], [sflag:$0xD] =	stream.indirect.gather.add.f32 [hbm:s1], $0x80, s4, s0, $0xb8;
	[tilespmem:$0x1F880] =	vst v63  }
0x90: {  	_ =	swait.ge [sflag:s26], $0x1400  }
0x91: {  	[sflag:s26] =	ssyncset.done $0x0  }
0x92: {  	s6 =	simm.s32 $0x1000;
	s31 =	simm.s32 @!p1 $0x18;
	[sflag:s26] =	ssyncadd.s32 $0xFFFFEC00  }
0x93: {  	[spmem:s29] =	stream.indirect.scatter.add.f32 [tilespmem:s19], [sflag:$0x13], $0x80, s6, s0, $0xb8;
	[tilespmem:$0x1F880] =	vst v63  }
0x94: {  	_ =	swait.ge @!p1 [sflag:s31], $0x1400  }
0x95: {  	[sflag:s31] =	ssyncset.done @!p1 $0x0  }
0x96: {  	s2 =	simm.s32 $0x8400;
	s9 =	sadd.s32 $0xC80, s11;
	[sflag:s31] =	ssyncadd.s32 @!p1 $0xFFFFEC00  }
0x97: {  	[tilespmem:s2], [sflag:$0x8] =	stream.linear.gather [hbm4b:s9+s24], $0x1400, $0x38;
	[tilespmem:$0x1F880] =	vst v63  }
0x98: {  	_ =	swait.ge [sflag:s17], $0x1400  }
0x99: {  	[sflag:s17] =	ssyncset.done $0x0  }
0x9a: {  	s13 =	simm.s32 $0x5C00;
	s9 =	simm.s32 $0x180;
	[sflag:s17] =	ssyncadd.s32 $0xFFFFEC00  }
0x9b: {  	[tilespmem:s13], [sflag:$0xE] =	stream.indirect.gather.add.f32 [hbm:s1], $0x80, s9, s0, $0xb8;
	[tilespmem:$0x1F880] =	vst v63  }
0x9c: {  	_ =	swait.ge [sflag:s10], $0x1400  }
0x9d: {  	[sflag:s10] =	ssyncset.done $0x0  }
0x9e: {  	s16 =	simm.s32 $0x1080;
	s31 =	simm.s32 @!p1 $0x19;
	[sflag:s10] =	ssyncadd.s32 $0xFFFFEC00  }
0x9f: {  	[spmem:s29] =	stream.indirect.scatter.add.f32 [tilespmem:s5], [sflag:$0x14], $0x80, s16, s0, $0xb8;
	[tilespmem:$0x1F880] =	vst v63  }
0xa0: {  	_ =	swait.ge @!p1 [sflag:s31], $0x1400  }
0xa1: {  	[sflag:s31] =	ssyncset.done @!p1 $0x0  }
0xa2: {  	s17 =	sadd.s32 $0xF00, s11;
	[sflag:s31] =	ssyncadd.s32 @!p1 $0xFFFFEC00  }
0xa3: {  	[tilespmem:s18], [sflag:$0x9] =	stream.linear.gather [hbm4b:s17+s24], $0x1400, $0x38;
	[tilespmem:$0x1F880] =	vst v63  }
0xa4: {  	_ =	swait.ge [sflag:s7], $0x1400  }
0xa5: {  	[sflag:s7] =	ssyncset.done $0x0  }
0xa6: {  	s18 =	simm.s32 $0x200;
	[sflag:s7] =	ssyncadd.s32 $0xFFFFEC00  }
0xa7: {  	[tilespmem:s15], [sflag:$0xF] =	stream.indirect.gather.add.f32 [hbm:s1], $0x80, s18, s0, $0xb8;
	[tilespmem:$0x1F880] =	vst v63  }
0xa8: {  	_ =	swait.ge [sflag:s23], $0x1400  }
0xa9: {  	[sflag:s23] =	ssyncset.done $0x0  }
0xaa: {  	s31 =	simm.s32 @!p1 $0x1A;
	[sflag:s23] =	ssyncadd.s32 $0xFFFFEC00;
	s23 =	simm.s32 $0x1100  }
0xab: {  	[spmem:s29] =	stream.indirect.scatter.add.f32 [tilespmem:s12], [sflag:$0x15], $0x80, s23, s0, $0xb8;
	[tilespmem:$0x1F880] =	vst v63  }
0xac: {  	_ =	swait.ge @!p1 [sflag:s31], $0x1400  }
0xad: {  	[sflag:s31] =	ssyncset.done @!p1 $0x0;
	s12 =	rddreg [dreg:$0x14]  }
0xae: {  	s25 =	sadd.s32 $0x1180, s11;
	[sflag:s31] =	ssyncadd.s32 @!p1 $0xFFFFEC00;
	s5 =	sadd.s32 s22, s12  }
0xaf: {  	[tilespmem:s20], [sflag:$0xA] =	stream.linear.gather [hbm4b:s25+s24], $0x1400, $0x38;
	[tilespmem:$0x1F880] =	vst v63  }
0xb0: {  	s6 =	simm.s32 $0x800;
	s7 =	sadd.s32 s14, s12;
	s31 =	sadd.s32 $0x100, s5  }
0xb1: {  	[tilespmem:s6], [sflag:$0x2] =	stream.linear.gather [hbm4b:s31+s24], $0x800, $0x38;
	[tilespmem:$0x1F880] =	vst v63  }
0xb2: {  	s10 =	simm.s32 $0x1800;
	s25 =	simm.s32 $0x8;
	s31 =	sadd.s32 $0x100, s7  }
0xb3: {  	[tilespmem:s10], [sflag:$0x2] =	stream.linear.gather [hbm4b:s31+s24], $0x800, $0x38;
	[tilespmem:$0x1F880] =	vst v63  }
0xb4: {  	_ =	swait.ge [sflag:s25], $0x1400  }
0xb5: {  	s13 =	simm.s32 $0x280;
	[sflag:s25] =	ssyncset.done $0x0  }
0xb6: {  	s15 =	simm.s32 $0xE;
	s14 =	simm.s32 $0x8400;
	[sflag:s25] =	ssyncadd.s32 $0xFFFFEC00  }
0xb7: {  	[tilespmem:s14], [sflag:$0x10] =	stream.indirect.gather.add.f32 [hbm:s1], $0x80, s13, s0, $0xb8;
	[tilespmem:$0x1F880] =	vst v63  }
0xb8: {  	_ =	swait.ge [sflag:s15], $0x1400  }
0xb9: {  	s4 =	simm.s32 $0x5C00;
	[sflag:s15] =	ssyncset.done $0x0  }
0xba: {  	s16 =	simm.s32 $0x1180;
	s20 =	simm.s32 $0x13;
	[sflag:s15] =	ssyncadd.s32 $0xFFFFEC00  }
0xbb: {  	[spmem:s29] =	stream.indirect.scatter.add.f32 [tilespmem:s4], [sflag:$0x16], $0x80, s16, s0, $0xb8;
	[tilespmem:$0x1F880] =	vst v63  }
0xbc: {  	_ =	swait.ge [sflag:s20], $0x1400  }
0xbd: {  	[sflag:s20] =	ssyncset.done $0x0  }
0xbe: {  	s18 =	sadd.s32 $0x1400, s11;
	[sflag:s20] =	ssyncadd.s32 $0xFFFFEC00  }
0xbf: {  	[tilespmem:s19], [sflag:$0x3] =	stream.linear.gather [hbm4b:s18+s24], $0x1400, $0x38;
	[tilespmem:$0x1F880] =	vst v63  }
0xc0: {  	_ =	swait.ge [sflag:s28], $0x1400  }
0xc1: {  	s17 =	simm.s32 $0x9800;
	[sflag:s28] =	ssyncset.done $0x0  }
0xc2: {  	s22 =	simm.s32 $0x300;
	[sflag:s28] =	ssyncadd.s32 $0xFFFFEC00;
	s28 =	simm.s32 $0xF  }
0xc3: {  	[tilespmem:s17], [sflag:$0x11] =	stream.indirect.gather.add.f32 [hbm:s1], $0x80, s22, s0, $0xb8;
	[tilespmem:$0x1F880] =	vst v63  }
0xc4: {  	_ =	swait.ge [sflag:s28], $0x1400  }
0xc5: {  	s3 =	simm.s32 $0x14;
	[sflag:s28] =	ssyncset.done $0x0  }
0xc6: {  	s23 =	simm.s32 $0x7000;
	s31 =	simm.s32 $0x1200;
	[sflag:s28] =	ssyncadd.s32 $0xFFFFEC00  }
0xc7: {  	[spmem:s29] =	stream.indirect.scatter.add.f32 [tilespmem:s23], [sflag:$0x17], $0x80, s31, s0, $0xb8;
	[tilespmem:$0x1F880] =	vst v63  }
0xc8: {  	_ =	swait.ge [sflag:s3], $0x1400  }
0xc9: {  	s30 =	simm.s32 $0xA;
	[sflag:s3] =	ssyncset.done $0x0  }
0xca: {  	s2 =	simm.s32 $0x3400;
	s7 =	sadd.s32 $0x1680, s11;
	[sflag:s3] =	ssyncadd.s32 $0xFFFFEC00  }
0xcb: {  	[tilespmem:s2], [sflag:$0x4] =	stream.linear.gather [hbm4b:s7+s24], $0x1400, $0x38;
	[tilespmem:$0x1F880] =	vst v63  }
0xcc: {  	_ =	swait.ge [sflag:s30], $0x1400  }
0xcd: {  	s9 =	simm.s32 $0x380;
	[sflag:s30] =	ssyncset.done $0x0  }
0xce: {  	s13 =	simm.s32 $0xAC00;
	s16 =	simm.s32 $0x10;
	[sflag:s30] =	ssyncadd.s32 $0xFFFFEC00  }
0xcf: {  	[tilespmem:s13], [sflag:$0x12] =	stream.indirect.gather.add.f32 [hbm:s1], $0x80, s9, s0, $0xb8;
	[tilespmem:$0x1F880] =	vst v63  }
0xd0: {  	_ =	swait.ge [sflag:s16], $0x1400  }
0xd1: {  	[sflag:s16] =	ssyncset.done $0x0  }
0xd2: {  	s10 =	simm.s32 $0x1280;
	s22 =	simm.s32 $0x15;
	[sflag:s16] =	ssyncadd.s32 $0xFFFFEC00  }
0xd3: {  	[spmem:s29] =	stream.indirect.scatter.add.f32 [tilespmem:s14], [sflag:$0x18], $0x80, s10, s0, $0xb8;
	[tilespmem:$0x1F880] =	vst v63  }
0xd4: {  	_ =	swait.ge [sflag:s22], $0x1400  }
0xd5: {  	s19 =	simm.s32 $0x3;
	[sflag:s22] =	ssyncset.done $0x0  }
0xd6: {  	s3 =	simm.s32 $0x4800;
	s14 =	sadd.s32 $0x1900, s11;
	[sflag:s22] =	ssyncadd.s32 $0xFFFFEC00  }
0xd7: {  	[tilespmem:s3], [sflag:$0x5] =	stream.linear.gather [hbm4b:s14+s24], $0x1400, $0x38;
	[tilespmem:$0x1F880] =	vst v63  }
0xd8: {  	_ =	swait.ge [sflag:s19], $0x1400  }
0xd9: {  	[sflag:s19] =	ssyncset.done $0x0  }
0xda: {  	s18 =	simm.s32 $0x400;
	s7 =	simm.s32 $0x2000;
	[sflag:s19] =	ssyncadd.s32 $0xFFFFEC00  }
0xdb: {  	[tilespmem:s7], [sflag:$0xB] =	stream.indirect.gather.add.f32 [hbm:s1], $0x80, s18, s0, $0xb8;
	[tilespmem:$0x1F880] =	vst v63  }
0xdc: {  	s18 =	simm.s32 $0x11  }
0xdd: {  	_ =	swait.ge [sflag:s18], $0x1400  }
0xde: {  	[sflag:s18] =	ssyncset.done $0x0  }
0xdf: {  	s31 =	simm.s32 $0x1300;
	s9 =	simm.s32 $0x16;
	[sflag:s18] =	ssyncadd.s32 $0xFFFFEC00  }
0xe0: {  	[spmem:s29] =	stream.indirect.scatter.add.f32 [tilespmem:s17], [sflag:$0x19], $0x80, s31, s0, $0xb8;
	[tilespmem:$0x1F880] =	vst v63  }
0xe1: {  	_ =	swait.ge [sflag:s9], $0x1400  }
0xe2: {  	[sflag:s9] =	ssyncset.done $0x0  }
0xe3: {  	s5 =	sadd.s32 $0x1B80, s11;
	s2 =	simm.s32 $0x0;
	[sflag:s9] =	ssyncadd.s32 $0xFFFFEC00  }
0xe4: {  	[tilespmem:s4], [sflag:$0x6] =	stream.linear.gather [hbm4b:s5+s2], $0x1400, $0x38;
	[tilespmem:$0x1F880] =	vst v63  }
0xe5: {  	s4 =	simm.s32 $0x4  }
0xe6: {  	_ =	swait.ge [sflag:s4], $0x1400  }
0xe7: {  	s15 =	simm.s32 $0x3400;
	[sflag:s4] =	ssyncset.done $0x0  }
0xe8: {  	s5 =	simm.s32 $0x480;
	[sflag:s4] =	ssyncadd.s32 $0xFFFFEC00;
	s4 =	simm.s32 $0x12  }
0xe9: {  	[tilespmem:s15], [sflag:$0xC] =	stream.indirect.gather.add.f32 [hbm:s1], $0x80, s5, s0, $0xb8;
	[tilespmem:$0x1F880] =	vst v63  }
0xea: {  	_ =	swait.ge [sflag:s4], $0x1400  }
0xeb: {  	[sflag:s4] =	ssyncset.done $0x0  }
0xec: {  	s5 =	simm.s32 $0x1380;
	[sflag:s4] =	ssyncadd.s32 $0xFFFFEC00  }
0xed: {  	[spmem:s29] =	stream.indirect.scatter.add.f32 [tilespmem:s13], [sflag:$0x1A], $0x80, s5, s0, $0xb8;
	[tilespmem:$0x1F880] =	vst v63  }
0xee: {  	s5 =	simm.s32 $0x17  }
0xef: {  	_ =	swait.ge [sflag:s5], $0x1400  }
0xf0: {  	[sflag:s5] =	ssyncset.done $0x0  }
0xf1: {  	s4 =	sadd.s32 $0x1E00, s11;
	[sflag:s5] =	ssyncadd.s32 $0xFFFFEC00  }
0xf2: {  	[tilespmem:s23], [sflag:$0x7] =	stream.linear.gather [hbm4b:s4+s2], $0x1400, $0x38;
	[tilespmem:$0x1F880] =	vst v63  }
0xf3: {  	_ =	swait.ge [sflag:s21], $0x1400  }
0xf4: {  	[sflag:s21] =	ssyncset.done $0x0  }
0xf5: {  	s13 =	simm.s32 $0x500;
	[sflag:s21] =	ssyncadd.s32 $0xFFFFEC00  }
0xf6: {  	[tilespmem:s3], [sflag:$0xD] =	stream.indirect.gather.add.f32 [hbm:s1], $0x80, s13, s0, $0xb8;
	[tilespmem:$0x1F880] =	vst v63  }
0xf7: {  	_ =	swait.ge [sflag:s26], $0x1400  }
0xf8: {  	[sflag:s26] =	ssyncset.done $0x0  }
0xf9: {  	s4 =	simm.s32 $0x1400;
	[sflag:s26] =	ssyncadd.s32 $0xFFFFEC00;
	s26 =	simm.s32 $0x18  }
0xfa: {  	[spmem:s29] =	stream.indirect.scatter.add.f32 [tilespmem:s7], [sflag:$0x13], $0x80, s4, s0, $0xb8;
	[tilespmem:$0x1F880] =	vst v63  }
0xfb: {  	_ =	swait.ge [sflag:s26], $0x1400  }
0xfc: {  	s31 =	simm.s32 $0x6;
	[sflag:s26] =	ssyncset.done $0x0  }
0xfd: {  	s13 =	sadd.s32 $0x2080, s11;
	s4 =	simm.s32 $0x8400;
	[sflag:s26] =	ssyncadd.s32 $0xFFFFEC00  }
0xfe: {  	[tilespmem:s4], [sflag:$0x8] =	stream.linear.gather [hbm4b:s13+s2], $0x1400, $0x38;
	[tilespmem:$0x1F880] =	vst v63  }
0xff: {  	_ =	swait.ge [sflag:s31], $0x1400  }
0x100: {  	s6 =	simm.s32 $0xC;
	[sflag:s31] =	ssyncset.done $0x0  }
0x101: {  	s7 =	simm.s32 $0x5C00;
	s13 =	simm.s32 $0x580;
	[sflag:s31] =	ssyncadd.s32 $0xFFFFEC00  }
0x102: {  	[tilespmem:s7], [sflag:$0xE] =	stream.indirect.gather.add.f32 [hbm:s1], $0x80, s13, s0, $0xb8;
	[tilespmem:$0x1F880] =	vst v63  }
0x103: {  	_ =	swait.ge [sflag:s6], $0x1400  }
0x104: {  	[sflag:s6] =	ssyncset.done $0x0  }
0x105: {  	s15 =	simm.s32 $0x3400;
	s13 =	simm.s32 $0x1480;
	[sflag:s6] =	ssyncadd.s32 $0xFFFFEC00  }
0x106: {  	[spmem:s29] =	stream.indirect.scatter.add.f32 [tilespmem:s15], [sflag:$0x14], $0x80, s13, s0, $0xb8;
	[tilespmem:$0x1F880] =	vst v63  }
0x107: {  	s13 =	simm.s32 $0x19  }
0x108: {  	_ =	swait.ge [sflag:s13], $0x1400  }
0x109: {  	[sflag:s13] =	ssyncset.done $0x0  }
0x10a: {  	s10 =	simm.s32 $0x7;
	s15 =	sadd.s32 $0x2300, s11;
	[sflag:s13] =	ssyncadd.s32 $0xFFFFEC00  }
0x10b: {  	[tilespmem:s17], [sflag:$0x9] =	stream.linear.gather [hbm4b:s15+s2], $0x1400, $0x38;
	[tilespmem:$0x1F880] =	vst v63  }
0x10c: {  	_ =	swait.ge [sflag:s10], $0x1400  }
0x10d: {  	[sflag:s10] =	ssyncset.done $0x0  }
0x10e: {  	s24 =	simm.s32 $0xD;
	s2 =	simm.s32 $0x600;
	[sflag:s10] =	ssyncadd.s32 $0xFFFFEC00  }
0x10f: {  	[tilespmem:s23], [sflag:$0xF] =	stream.indirect.gather.add.f32 [hbm:s1], $0x80, s2, s0, $0xb8;
	[tilespmem:$0x1F880] =	vst v63  }
0x110: {  	_ =	swait.ge [sflag:s24], $0x1400  }
0x111: {  	s3 =	simm.s32 $0x4800;
	[sflag:s24] =	ssyncset.done $0x0  }
0x112: {  	s31 =	simm.s32 $0x1A;
	s15 =	simm.s32 $0x1500;
	[sflag:s24] =	ssyncadd.s32 $0xFFFFEC00  }
0x113: {  	[spmem:s29] =	stream.indirect.scatter.add.f32 [tilespmem:s3], [sflag:$0x15], $0x80, s15, s0, $0xb8;
	[tilespmem:$0x1F880] =	vst v63  }
0x114: {  	_ =	swait.ge [sflag:s31], $0x1400  }
0x115: {  	s24 =	simm.s32 $0x0;
	[sflag:s31] =	ssyncset.done $0x0  }
0x116: {  	s3 =	sadd.s32 $0x2580, s11;
	s15 =	simm.s32 $0xAC00;
	[sflag:s31] =	ssyncadd.s32 $0xFFFFEC00  }
0x117: {  	[tilespmem:s15], [sflag:$0xA] =	stream.linear.gather [hbm4b:s3+s24], $0x1400, $0x38;
	[tilespmem:$0x1F880] =	vst v63  }
0x118: {  	_ =	swait.ge [sflag:s25], $0x1400  }
0x119: {  	[sflag:s25] =	ssyncset.done $0x0  }
0x11a: {  	s3 =	simm.s32 $0xE;
	[sflag:s25] =	ssyncadd.s32 $0xFFFFEC00;
	s25 =	simm.s32 $0x680  }
0x11b: {  	[tilespmem:s4], [sflag:$0x10] =	stream.indirect.gather.add.f32 [hbm:s1], $0x80, s25, s0, $0xb8;
	[tilespmem:$0x1F880] =	vst v63  }
0x11c: {  	_ =	swait.ge [sflag:s3], $0x1400  }
0x11d: {  	[sflag:s3] =	ssyncset.done $0x0  }
0x11e: {  	[sflag:s3] =	ssyncadd.s32 $0xFFFFEC00;
	s3 =	simm.s32 $0x1580  }
0x11f: {  	[spmem:s29] =	stream.indirect.scatter.add.f32 [tilespmem:s7], [sflag:$0x16], $0x80, s3, s0, $0xb8;
	[tilespmem:$0x1F880] =	vst v63  }
0x120: {  	_ =	swait.ge [sflag:s20], $0x1400  }
0x121: {  	s14 =	simm.s32 $0x9;
	[sflag:s20] =	ssyncset.done $0x0  }
0x122: {  	s23 =	simm.s32 $0x2000;
	s7 =	sadd.s32 $0x2800, s11;
	[sflag:s20] =	ssyncadd.s32 $0xFFFFEC00  }
0x123: {  	[tilespmem:s23], [sflag:$0x3] =	stream.linear.gather [hbm4b:s7+s24], $0x1400, $0x38;
	[tilespmem:$0x1F880] =	vst v63  }
0x124: {  	_ =	swait.ge [sflag:s14], $0x1400  }
0x125: {  	[sflag:s14] =	ssyncset.done $0x0  }
0x126: {  	[sflag:s14] =	ssyncadd.s32 $0xFFFFEC00;
	s14 =	simm.s32 $0x700  }
0x127: {  	[tilespmem:s17], [sflag:$0x11] =	stream.indirect.gather.add.f32 [hbm:s1], $0x80, s14, s0, $0xb8;
	[tilespmem:$0x1F880] =	vst v63  }
0x128: {  	_ =	swait.ge [sflag:s28], $0x1400  }
0x129: {  	s2 =	simm.s32 $0x7000;
	[sflag:s28] =	ssyncset.done $0x0  }
0x12a: {  	s7 =	simm.s32 $0x14;
	s23 =	simm.s32 $0x1600;
	[sflag:s28] =	ssyncadd.s32 $0xFFFFEC00  }
0x12b: {  	[spmem:s29] =	stream.indirect.scatter.add.f32 [tilespmem:s2], [sflag:$0x17], $0x80, s23, s0, $0xb8;
	[tilespmem:$0x1F880] =	vst v63  }
0x12c: {  	_ =	swait.ge [sflag:s7], $0x1400  }
0x12d: {  	[sflag:s7] =	ssyncset.done $0x0  }
0x12e: {  	s6 =	simm.s32 $0x3400;
	s2 =	sadd.s32 $0x2A80, s11;
	[sflag:s7] =	ssyncadd.s32 $0xFFFFEC00  }
0x12f: {  	[tilespmem:s6], [sflag:$0x4] =	stream.linear.gather [hbm4b:s2+s24], $0x1400, $0x38;
	[tilespmem:$0x1F880] =	vst v63  }
0x130: {  	_ =	swait.ge [sflag:s30], $0x1400  }
0x131: {  	[sflag:s30] =	ssyncset.done $0x0  }
0x132: {  	s15 =	simm.s32 $0xAC00;
	s14 =	simm.s32 $0x780;
	[sflag:s30] =	ssyncadd.s32 $0xFFFFEC00  }
0x133: {  	[tilespmem:s15], [sflag:$0x12] =	stream.indirect.gather.add.f32 [hbm:s1], $0x80, s14, s0, $0xb8;
	[tilespmem:$0x1F880] =	vst v63  }
0x134: {  	_ =	swait.ge [sflag:s16], $0x1400  }
0x135: {  	[sflag:s16] =	ssyncset.done $0x0  }
0x136: {  	s4 =	simm.s32 $0x8400;
	s15 =	simm.s32 $0x1680;
	[sflag:s16] =	ssyncadd.s32 $0xFFFFEC00  }
0x137: {  	[spmem:s29] =	stream.indirect.scatter.add.f32 [tilespmem:s4], [sflag:$0x18], $0x80, s15, s0, $0xb8;
	[tilespmem:$0x1F880] =	vst v63  }
0x138: {  	s14 =	rddreg [dreg:$0x1d];
	_ =	swait.ge [sflag:s22], $0x1400  }
0x139: {  	s25 =	simm.s32 $0x4800;
	[sflag:s22] =	ssyncset.done $0x0  }
0x13a: {  	s23 =	simm.s32 $0x2;
	s16 =	sadd.s32 $0x2D00, s11;
	[sflag:s22] =	ssyncadd.s32 $0xFFFFEC00  }
0x13b: {  	[tilespmem:s25], [sflag:$0x5] =	stream.linear.gather [hbm4b:s16+s24], $0x1400, $0x38;
	[tilespmem:$0x1F880] =	vst v63  }
0x13c: {  	s22 =	rddreg [dreg:$0x1c];
	_ =	swait.ge [sflag:s23], $0x800  }
0x13d: {  	[sflag:s23] =	ssyncset.done $0x0  }
0x13e: {  	[sflag:s23] =	ssyncadd.s32 $0xFFFFF800  }
0x13f: {  	_ =	swait.ge [sflag:s23], $0x800  }
0x140: {  	[sflag:s23] =	ssyncset.done $0x0  }
0x141: {  	[sflag:s23] =	ssyncadd.s32 $0xFFFFF800  }
0x142: {  	_ =	swait.ge [sflag:s19], $0x1400  }
0x143: {  	[sflag:s19] =	ssyncset.done $0x0  }
0x144: {  	s31 =	simm.s32 $0x800;
	s3 =	simm.s32 $0x2000;
	[sflag:s19] =	ssyncadd.s32 $0xFFFFEC00  }
0x145: {  	[tilespmem:s3], [sflag:$0xB] =	stream.indirect.gather.add.f32 [hbm:s1], $0x80, s31, s0, $0xb8;
	[tilespmem:$0x1F880] =	vst v63  }
0x146: {  	_ =	swait.ge [sflag:s18], $0x1400  }
0x147: {  	[sflag:s18] =	ssyncset.done $0x0  }
0x148: {  	s6 =	simm.s32 $0x9800;
	s3 =	simm.s32 $0x1700;
	[sflag:s18] =	ssyncadd.s32 $0xFFFFEC00  }
0x149: {  	[spmem:s29] =	stream.indirect.scatter.add.f32 [tilespmem:s6], [sflag:$0x19], $0x80, s3, s0, $0xb8;
	[tilespmem:$0x1F880] =	vst v63  }
0x14a: {  	_ =	swait.ge [sflag:s9], $0x1400  }
0x14b: {  	s16 =	simm.s32 $0x5C00;
	[sflag:s9] =	ssyncset.done $0x0  }
0x14c: {  	s23 =	simm.s32 $0x4;
	[sflag:s9] =	ssyncadd.s32 $0xFFFFEC00;
	s9 =	sadd.s32 $0x2F80, s11  }
0x14d: {  	[tilespmem:s16], [sflag:$0x6] =	stream.linear.gather [hbm4b:s9+s24], $0x1400, $0x38;
	[tilespmem:$0x1F880] =	vst v63  }
0x14e: {  	s6 =	rddreg [dreg:$0x1b];
	_ =	swait.ge [sflag:s23], $0x1400  }
0x14f: {  	s2 =	simm.s32 $0x3400;
	[sflag:s23] =	ssyncset.done $0x0  }
0x150: {  	s3 =	simm.s32 $0x880;
	s16 =	simm.s32 $0x12;
	[sflag:s23] =	ssyncadd.s32 $0xFFFFEC00  }
0x151: {  	[tilespmem:s2], [sflag:$0xC] =	stream.indirect.gather.add.f32 [hbm:s1], $0x80, s3, s0, $0xb8;
	[tilespmem:$0x1F880] =	vst v63  }
0x152: {  	_ =	swait.ge [sflag:s16], $0x1400  }
0x153: {  	[sflag:s16] =	ssyncset.done $0x0  }
0x154: {  	s31 =	simm.s32 $0x1780;
	s9 =	simm.s32 $0xAC00;
	[sflag:s16] =	ssyncadd.s32 $0xFFFFEC00  }
0x155: {  	[spmem:s29] =	stream.indirect.scatter.add.f32 [tilespmem:s9], [sflag:$0x1A], $0x80, s31, s0, $0xb8;
	[tilespmem:$0x1F880] =	vst v63  }
0x156: {  	_ =	swait.ge [sflag:s5], $0x1400  }
0x157: {  	[sflag:s5] =	ssyncset.done $0x0  }
0x158: {  	s17 =	simm.s32 $0x7000;
	s9 =	sadd.s32 $0x3200, s11;
	[sflag:s5] =	ssyncadd.s32 $0xFFFFEC00  }
0x159: {  	[tilespmem:s17], [sflag:$0x7] =	stream.linear.gather [hbm4b:s9+s24], $0x1400, $0x38;
	[tilespmem:$0x1F880] =	vst v63  }
0x15a: {  	_ =	swait.ge [sflag:s21], $0x1400  }
0x15b: {  	[sflag:s21] =	ssyncset.done $0x0  }
0x15c: {  	s4 =	simm.s32 $0xB;
	s3 =	simm.s32 $0x900;
	[sflag:s21] =	ssyncadd.s32 $0xFFFFEC00  }
0x15d: {  	[tilespmem:s25], [sflag:$0xD] =	stream.indirect.gather.add.f32 [hbm:s1], $0x80, s3, s0, $0xb8;
	[tilespmem:$0x1F880] =	vst v63  }
0x15e: {  	_ =	swait.ge [sflag:s4], $0x1400  }
0x15f: {  	[sflag:s4] =	ssyncset.done $0x0  }
0x160: {  	s5 =	simm.s32 $0x1800;
	s21 =	simm.s32 $0x2000;
	[sflag:s4] =	ssyncadd.s32 $0xFFFFEC00  }
0x161: {  	[spmem:s29] =	stream.indirect.scatter.add.f32 [tilespmem:s21], [sflag:$0x13], $0x80, s5, s0, $0xb8;
	[tilespmem:$0x1F880] =	vst v63  }
0x162: {  	_ =	swait.ge [sflag:s26], $0x1400  }
0x163: {  	s17 =	simm.s32 $0x8400;
	[sflag:s26] =	ssyncset.done $0x0  }
0x164: {  	s9 =	sadd.s32 $0x3480, s11;
	[sflag:s26] =	ssyncadd.s32 $0xFFFFEC00;
	s26 =	simm.s32 $0x6  }
0x165: {  	[tilespmem:s17], [sflag:$0x8] =	stream.linear.gather [hbm4b:s9+s24], $0x1400, $0x38;
	[tilespmem:$0x1F880] =	vst v63  }
0x166: {  	_ =	swait.ge [sflag:s26], $0x1400  }
0x167: {  	s2 =	simm.s32 $0xC;
	[sflag:s26] =	ssyncset.done $0x0  }
0x168: {  	s16 =	simm.s32 $0x5C00;
	s31 =	simm.s32 $0x980;
	[sflag:s26] =	ssyncadd.s32 $0xFFFFEC00  }
0x169: {  	[tilespmem:s16], [sflag:$0xE] =	stream.indirect.gather.add.f32 [hbm:s1], $0x80, s31, s0, $0xb8;
	[tilespmem:$0x1F880] =	vst v63  }
0x16a: {  	_ =	swait.ge [sflag:s2], $0x1400  }
0x16b: {  	[sflag:s2] =	ssyncset.done $0x0  }
0x16c: {  	s3 =	simm.s32 $0x3400;
	s5 =	simm.s32 $0x1880;
	[sflag:s2] =	ssyncadd.s32 $0xFFFFEC00  }
0x16d: {  	[spmem:s29] =	stream.indirect.scatter.add.f32 [tilespmem:s3], [sflag:$0x14], $0x80, s5, s0, $0xb8;
	[tilespmem:$0x1F880] =	vst v63  }
0x16e: {  	_ =	swait.ge [sflag:s13], $0x1400  }
0x16f: {  	[sflag:s13] =	ssyncset.done $0x0  }
0x170: {  	s26 =	sadd.s32 $0x3700, s11;
	s5 =	simm.s32 $0x9800;
	[sflag:s13] =	ssyncadd.s32 $0xFFFFEC00  }
0x171: {  	[tilespmem:s5], [sflag:$0x9] =	stream.linear.gather [hbm4b:s26+s24], $0x1400, $0x38;
	[tilespmem:$0x1F880] =	vst v63  }
0x172: {  	s13 =	rddreg [dreg:$0x1e];
	_ =	swait.ge [sflag:s10], $0x1400  }
0x173: {  	s28 =	simm.s32 $0xD;
	[sflag:s10] =	ssyncset.done $0x0  }
0x174: {  	s31 =	simm.s32 $0xA00;
	s26 =	simm.s32 $0x7000;
	[sflag:s10] =	ssyncadd.s32 $0xFFFFEC00  }
0x175: {  	[tilespmem:s26], [sflag:$0xF] =	stream.indirect.gather.add.f32 [hbm:s1], $0x80, s31, s0, $0xb8;
	[tilespmem:$0x1F880] =	vst v63  }
0x176: {  	_ =	swait.ge [sflag:s28], $0x1400  }
0x177: {  	[sflag:s28] =	ssyncset.done $0x0  }
0x178: {  	s2 =	simm.s32 $0x1900;
	[sflag:s28] =	ssyncadd.s32 $0xFFFFEC00;
	s28 =	simm.s32 $0x1A  }
0x179: {  	[spmem:s29] =	stream.indirect.scatter.add.f32 [tilespmem:s25], [sflag:$0x15], $0x80, s2, s0, $0xb8;
	[tilespmem:$0x1F880] =	vst v63  }
0x17a: {  	_ =	swait.ge [sflag:s28], $0x1400  }
0x17b: {  	p1 =	seq.s32 s8, $0x23000;
	s4 =	sadd.s32 $0x3980, s11;
	[sflag:s28] =	ssyncset.done $0x0  }
0x17c: {  	s10 =	simm.s32 $0xAC00;
	s31 =	sadd.s32 @!p1 s22, s12;
	[sflag:s28] =	ssyncadd.s32 $0xFFFFEC00  }
0x17d: {  	[tilespmem:s10], [sflag:$0xA] =	stream.linear.gather [hbm4b:s4+s24], $0x1400, $0x38;
	[tilespmem:$0x1F880] =	vst v63  }
0x17e: {  	s31 =	sadd.s32 @!p1 $0x200, s31;
	s4 =	simm.s32 @!p1 $0x0  }
0x17f: {  	[tilespmem:s4], [sflag:$0x1] =	stream.linear.gather @!p1 [hbm4b:s31+s4], $0x800, $0x38;
	[tilespmem:$0x1F880] =	vst v63  }
0x180: {  	s31 =	sadd.s32 @!p1 s14, s12  }
0x181: {  	s15 =	simm.s32 $0x8;
	s12 =	simm.s32 @!p1 $0x1000;
	s31 =	sadd.s32 @!p1 $0x200, s31  }
0x182: {  	[tilespmem:s12], [sflag:$0x1] =	stream.linear.gather @!p1 [hbm4b:s31+s4], $0x800, $0x38;
	[tilespmem:$0x1F880] =	vst v63  }
0x183: {  	_ =	swait.ge [sflag:s15], $0x1400  }
0x184: {  	[sflag:s15] =	ssyncset.done $0x0  }
0x185: {  	s25 =	simm.s32 $0xE;
	[sflag:s15] =	ssyncadd.s32 $0xFFFFEC00;
	s15 =	simm.s32 $0xA80  }
0x186: {  	[tilespmem:s17], [sflag:$0x10] =	stream.indirect.gather.add.f32 [hbm:s1], $0x80, s15, s0, $0xb8;
	[tilespmem:$0x1F880] =	vst v63  }
0x187: {  	_ =	swait.ge [sflag:s25], $0x1400  }
0x188: {  	[sflag:s25] =	ssyncset.done $0x0  }
0x189: {  	s31 =	simm.s32 $0x1980;
	[sflag:s25] =	ssyncadd.s32 $0xFFFFEC00  }
0x18a: {  	[spmem:s29] =	stream.indirect.scatter.add.f32 [tilespmem:s16], [sflag:$0x16], $0x80, s31, s0, $0xb8;
	[tilespmem:$0x1F880] =	vst v63  }
0x18b: {  	_ =	swait.ge [sflag:s20], $0x1400  }
0x18c: {  	[sflag:s20] =	ssyncset.done $0x0  }
0x18d: {  	s9 =	simm.s32 $0x9;
	s2 =	sadd.s32 $0x3C00, s11;
	[sflag:s20] =	ssyncadd.s32 $0xFFFFEC00  }
0x18e: {  	[tilespmem:s21], [sflag:$0x3] =	stream.linear.gather [hbm4b:s2+s24], $0x1400, $0x38;
	[tilespmem:$0x1F880] =	vst v63  }
0x18f: {  	_ =	swait.ge [sflag:s9], $0x1400  }
0x190: {  	[sflag:s9] =	ssyncset.done $0x0  }
0x191: {  	s20 =	simm.s32 $0xF;
	[sflag:s9] =	ssyncadd.s32 $0xFFFFEC00;
	s9 =	simm.s32 $0xB00  }
0x192: {  	[tilespmem:s5], [sflag:$0x11] =	stream.indirect.gather.add.f32 [hbm:s1], $0x80, s9, s0, $0xb8;
	[tilespmem:$0x1F880] =	vst v63  }
0x193: {  	_ =	swait.ge [sflag:s20], $0x1400  }
0x194: {  	[sflag:s20] =	ssyncset.done $0x0  }
0x195: {  	s12 =	simm.s32 $0x1A00;
	[sflag:s20] =	ssyncadd.s32 $0xFFFFEC00  }
0x196: {  	[spmem:s29] =	stream.indirect.scatter.add.f32 [tilespmem:s26], [sflag:$0x17], $0x80, s12, s0, $0xb8;
	[tilespmem:$0x1F880] =	vst v63  }
0x197: {  	_ =	swait.ge [sflag:s7], $0x1400  }
0x198: {  	[sflag:s7] =	ssyncset.done $0x0  }
0x199: {  	s15 =	sadd.s32 $0x3E80, s11;
	[sflag:s7] =	ssyncadd.s32 $0xFFFFEC00  }
0x19a: {  	[tilespmem:s3], [sflag:$0x4] =	stream.linear.gather [hbm4b:s15+s24], $0x1400, $0x38;
	[tilespmem:$0x1F880] =	vst v63  }
0x19b: {  	_ =	swait.ge [sflag:s30], $0x1400  }
0x19c: {  	s17 =	simm.s32 $0xB80;
	[sflag:s30] =	ssyncset.done $0x0  }
0x19d: {  	s31 =	sadd.s32 $0xFFFFFFFD, s13;
	[sflag:s30] =	ssyncadd.s32 $0xFFFFEC00;
	s30 =	simm.s32 $0x10  }
0x19e: {  	[tilespmem:s10], [sflag:$0x12] =	stream.indirect.gather.add.f32 [hbm:s1], $0x80, s17, s0, $0xb8;
	[tilespmem:$0x1F880] =	vst v63  }
0x19f: {  	p1 =	sgt.u32 s31, $0xF9;
	_ =	swait.ge [sflag:s30], $0x1400  }
0x1a0: {  	s4 =	simm.s32 @!p1 $0x15;
	[sflag:s30] =	ssyncset.done $0x0  }
0x1a1: {  	s21 =	simm.s32 $0x8400;
	s26 =	simm.s32 $0x1A80;
	[sflag:s30] =	ssyncadd.s32 $0xFFFFEC00  }
0x1a2: {  	[spmem:s29] =	stream.indirect.scatter.add.f32 [tilespmem:s21], [sflag:$0x18], $0x80, s26, s0, $0xb8;
	[tilespmem:$0x1F880] =	vst v63  }
0x1a3: {  	_ =	swait.ge @!p1 [sflag:s4], $0x1400  }
0x1a4: {  	[sflag:s4] =	ssyncset.done @!p1 $0x0;
	s10 =	rddreg [dreg:$0x17]  }
0x1a5: {  	[sflag:s4] =	ssyncadd.s32 @!p1 $0xFFFFEC00;
	s4 =	sadd.s32 @!p1 s8, s10  }
0x1a6: {  	s31 =	simm.s32 @!p1 $0x4800;
	s12 =	simm.s32 @!p1 $0x0;
	s4 =	sadd.s32 @!p1 $0x4100, s4  }
0x1a7: {  	[tilespmem:s31], [sflag:$0x5] =	stream.linear.gather @!p1 [hbm4b:s4+s12], $0x1400, $0x38;
	[tilespmem:$0x1F880] =	vst v63  }
0x1a8: {  	_ =	swait.ge [sflag:s19], $0x1400  }
0x1a9: {  	[sflag:s19] =	ssyncset.done $0x0  }
0x1aa: {  	s16 =	simm.s32 $0x2000;
	s5 =	simm.s32 $0xC00;
	[sflag:s19] =	ssyncadd.s32 $0xFFFFEC00  }
0x1ab: {  	[tilespmem:s16], [sflag:$0xB] =	stream.indirect.gather.add.f32 [hbm:s1], $0x80, s5, s0, $0xb8;
	[tilespmem:$0x1F880] =	vst v63  }
0x1ac: {  	s12 =	sadd.s32 $0xFFFFFFFE, s13;
	_ =	swait.ge [sflag:s18], $0x1400  }
0x1ad: {  	s2 =	simm.s32 $0x9800;
	p1 =	sgt.u32 s12, $0xF9;
	[sflag:s18] =	ssyncset.done $0x0  }
0x1ae: {  	s9 =	simm.s32 $0x1B00;
	s4 =	simm.s32 @!p1 $0x16;
	[sflag:s18] =	ssyncadd.s32 $0xFFFFEC00  }
0x1af: {  	[spmem:s29] =	stream.indirect.scatter.add.f32 [tilespmem:s2], [sflag:$0x19], $0x80, s9, s0, $0xb8;
	[tilespmem:$0x1F880] =	vst v63  }
0x1b0: {  	_ =	swait.ge @!p1 [sflag:s4], $0x1400  }
0x1b1: {  	[sflag:s4] =	ssyncset.done @!p1 $0x0  }
0x1b2: {  	[sflag:s4] =	ssyncadd.s32 @!p1 $0xFFFFEC00;
	s4 =	sadd.s32 @!p1 s8, s10  }
0x1b3: {  	s12 =	simm.s32 @!p1 $0x0;
	s31 =	simm.s32 @!p1 $0x5C00;
	s4 =	sadd.s32 @!p1 $0x4380, s4  }
0x1b4: {  	[tilespmem:s31], [sflag:$0x6] =	stream.linear.gather @!p1 [hbm4b:s4+s12], $0x1400, $0x38;
	[tilespmem:$0x1F880] =	vst v63  }
0x1b5: {  	_ =	swait.ge [sflag:s23], $0x1400  }
0x1b6: {  	[sflag:s23] =	ssyncset.done $0x0  }
0x1b7: {  	s15 =	simm.s32 $0xC80;
	s18 =	simm.s32 $0x12;
	[sflag:s23] =	ssyncadd.s32 $0xFFFFEC00  }
0x1b8: {  	[tilespmem:s3], [sflag:$0xC] =	stream.indirect.gather.add.f32 [hbm:s1], $0x80, s15, s0, $0xb8;
	[tilespmem:$0x1F880] =	vst v63  }
0x1b9: {  	s23 =	sadd.s32 $0xFFFFFFFF, s13;
	_ =	swait.ge [sflag:s18], $0x1400  }
0x1ba: {  	s7 =	simm.s32 $0xAC00;
	p1 =	sgt.u32 s23, $0xF9;
	[sflag:s18] =	ssyncset.done $0x0  }
0x1bb: {  	s19 =	simm.s32 $0x1B80;
	s4 =	simm.s32 @!p1 $0x17;
	[sflag:s18] =	ssyncadd.s32 $0xFFFFEC00  }
0x1bc: {  	[spmem:s29] =	stream.indirect.scatter.add.f32 [tilespmem:s7], [sflag:$0x1A], $0x80, s19, s0, $0xb8;
	[tilespmem:$0x1F880] =	vst v63  }
0x1bd: {  	_ =	swait.ge @!p1 [sflag:s4], $0x1400  }
0x1be: {  	[sflag:s4] =	ssyncset.done @!p1 $0x0  }
0x1bf: {  	[sflag:s4] =	ssyncadd.s32 @!p1 $0xFFFFEC00;
	s4 =	sadd.s32 @!p1 s8, s10  }
0x1c0: {  	s12 =	simm.s32 @!p1 $0x0;
	s31 =	simm.s32 @!p1 $0x7000;
	s4 =	sadd.s32 @!p1 $0x4600, s4  }
0x1c1: {  	[tilespmem:s31], [sflag:$0x7] =	stream.linear.gather @!p1 [hbm4b:s4+s12], $0x1400, $0x38;
	[tilespmem:$0x1F880] =	vst v63  }
0x1c2: {  	p1 =	sgt.u32 s6, $0x6  }
0x1c3: {  	s4 =	simm.s32 @!p1 $0x5  }
0x1c4: {  	_ =	swait.ge @!p1 [sflag:s4], $0x1400  }
0x1c5: {  	s26 =	simm.s32 $0xB;
	s12 =	simm.s32 @!p1 $0xD00;
	[sflag:s4] =	ssyncset.done @!p1 $0x0  }
0x1c6: {  	s31 =	simm.s32 @!p1 $0x4800;
	[sflag:s4] =	ssyncadd.s32 @!p1 $0xFFFFEC00;
	s4 =	simm.s32 @!p1 $0x28  }
0x1c7: {  	[tilespmem:s31], [sflag:$0xD] =	stream.indirect.gather.add.f32 @!p1 [hbm:s1], $0x80, s12, s4, $0xb8;
	[tilespmem:$0x1F880] =	vst v63  }
0x1c8: {  	_ =	swait.ge [sflag:s26], $0x1400  }
0x1c9: {  	p2 =	sgt.u32 s13, $0xF9;
	[sflag:s26] =	ssyncset.done $0x0  }
0x1ca: {  	s31 =	simm.s32 $0x1C00;
	s4 =	simm.s32 @!p2 $0x18;
	[sflag:s26] =	ssyncadd.s32 $0xFFFFEC00  }
0x1cb: {  	[spmem:s29] =	stream.indirect.scatter.add.f32 [tilespmem:s16], [sflag:$0x13], $0x80, s31, s0, $0xb8;
	[tilespmem:$0x1F880] =	vst v63  }
.Ltmp4:
0x1cc: {  	_ =	swait.ge @!p2 [sflag:s4], $0x1400;
	(pc) =	sbr.rel @p1 .LBB2_4-.Ltmp4, $4  }
0x1cd: {  	[sflag:s4] =	ssyncset.done @!p2 $0x0  }
0x1ce: {  	s17 =	simm.s32 $0x3400;
	[sflag:s4] =	ssyncadd.s32 @!p2 $0xFFFFEC00;
	s4 =	sadd.s32 @!p2 s8, s10  }
0x1cf: {  	s12 =	simm.s32 @!p2 $0x0;
	s31 =	simm.s32 @!p2 $0x8400;
	s4 =	sadd.s32 @!p2 $0x4880, s4  }
0x1d0: {  	[tilespmem:s31], [sflag:$0x8] =	stream.linear.gather @!p2 [hbm4b:s4+s12], $0x1400, $0x38;
	[tilespmem:$0x1F880] =	vst v63  }
0x1d1: {  	s3 =	simm.s32 $0x6  }
0x1d2: {  	_ =	swait.ge [sflag:s3], $0x1400  }
0x1d3: {  	s4 =	simm.s32 $0xD80;
	[sflag:s3] =	ssyncset.done $0x0  }
0x1d4: {  	s15 =	simm.s32 $0x5C00;
	s2 =	simm.s32 $0xC;
	[sflag:s3] =	ssyncadd.s32 $0xFFFFEC00  }
0x1d5: {  	[tilespmem:s15], [sflag:$0xE] =	stream.indirect.gather.add.f32 [hbm:s1], $0x80, s4, s0, $0xb8;
	[tilespmem:$0x1F880] =	vst v63  }
0x1d6: {  	_ =	swait.ge [sflag:s2], $0x1400  }
0x1d7: {  	s10 =	simm.s32 $0x1C80;
	[sflag:s2] =	ssyncset.done $0x0  }
0x1d8: {  	s16 =	simm.s32 $0x3400;
	s12 =	simm.s32 $0x19;
	[sflag:s2] =	ssyncadd.s32 $0xFFFFEC00  }
0x1d9: {  	[spmem:s29] =	stream.indirect.scatter.add.f32 [tilespmem:s16], [sflag:$0x14], $0x80, s10, s0, $0xb8;
	[tilespmem:$0x1F880] =	vst v63  }
0x1da: {  	_ =	swait.ge [sflag:s12], $0x1400  }
0x1db: {  	s17 =	sadd.s32 $0x4B00, s11;
	[sflag:s12] =	ssyncset.done $0x0  }
0x1dc: {  	s18 =	simm.s32 $0x7;
	[sflag:s12] =	ssyncadd.s32 $0xFFFFEC00;
	s12 =	simm.s32 $0x9800  }
0x1dd: {  	[tilespmem:s12], [sflag:$0x9] =	stream.linear.gather [hbm4b:s17+s24], $0x1400, $0x38;
	[tilespmem:$0x1F880] =	vst v63  }
0x1de: {  	_ =	swait.ge [sflag:s18], $0x1400  }
0x1df: {  	s19 =	simm.s32 $0xE00;
	[sflag:s18] =	ssyncset.done $0x0  }
0x1e0: {  	s7 =	simm.s32 $0x7000;
	s23 =	simm.s32 $0xD;
	[sflag:s18] =	ssyncadd.s32 $0xFFFFEC00  }
0x1e1: {  	[tilespmem:s7], [sflag:$0xF] =	stream.indirect.gather.add.f32 [hbm:s1], $0x80, s19, s0, $0xb8;
	[tilespmem:$0x1F880] =	vst v63  }
0x1e2: {  	_ =	swait.ge [sflag:s23], $0x1400  }
0x1e3: {  	[sflag:s23] =	ssyncset.done $0x0  }
0x1e4: {  	s26 =	simm.s32 $0x1D00;
	s3 =	simm.s32 $0x4800;
	[sflag:s23] =	ssyncadd.s32 $0xFFFFEC00  }
0x1e5: {  	[spmem:s29] =	stream.indirect.scatter.add.f32 [tilespmem:s3], [sflag:$0x15], $0x80, s26, s0, $0xb8;
	[tilespmem:$0x1F880] =	vst v63  }
0x1e6: {  	_ =	swait.ge [sflag:s28], $0x1400  }
0x1e7: {  	s31 =	sadd.s32 $0x4D80, s11;
	[sflag:s28] =	ssyncset.done $0x0  }
0x1e8: {  	s9 =	simm.s32 $0xAC00;
	s2 =	simm.s32 $0x8;
	[sflag:s28] =	ssyncadd.s32 $0xFFFFEC00  }
0x1e9: {  	[tilespmem:s9], [sflag:$0xA] =	stream.linear.gather [hbm4b:s31+s24], $0x1400, $0x38;
	[tilespmem:$0x1F880] =	vst v63  }
0x1ea: {  	_ =	swait.ge [sflag:s2], $0x1400  }
0x1eb: {  	[sflag:s2] =	ssyncset.done $0x0  }
0x1ec: {  	s5 =	simm.s32 $0xE80;
	[sflag:s2] =	ssyncadd.s32 $0xFFFFEC00  }
0x1ed: {  	[tilespmem:s21], [sflag:$0x10] =	stream.indirect.gather.add.f32 [hbm:s1], $0x80, s5, s0, $0xb8;
	[tilespmem:$0x1F880] =	vst v63  }
0x1ee: {  	_ =	swait.ge [sflag:s25], $0x1400  }
0x1ef: {  	[sflag:s25] =	ssyncset.done $0x0  }
0x1f0: {  	s10 =	simm.s32 $0x1D80;
	s17 =	simm.s32 $0x13;
	[sflag:s25] =	ssyncadd.s32 $0xFFFFEC00  }
0x1f1: {  	[spmem:s29] =	stream.indirect.scatter.add.f32 [tilespmem:s15], [sflag:$0x16], $0x80, s10, s0, $0xb8;
	[tilespmem:$0x1F880] =	vst v63  }
0x1f2: {  	_ =	swait.ge [sflag:s17], $0x1400  }
0x1f3: {  	s18 =	sadd.s32 $0x5000, s11;
	[sflag:s17] =	ssyncset.done $0x0  }
0x1f4: {  	s19 =	simm.s32 $0x9;
	s10 =	simm.s32 $0x2000;
	[sflag:s17] =	ssyncadd.s32 $0xFFFFEC00  }
0x1f5: {  	[tilespmem:s10], [sflag:$0x3] =	stream.linear.gather [hbm4b:s18+s24], $0x1400, $0x38;
	[tilespmem:$0x1F880] =	vst v63  }
0x1f6: {  	_ =	swait.ge [sflag:s19], $0x1400  }
0x1f7: {  	[sflag:s19] =	ssyncset.done $0x0  }
0x1f8: {  	s23 =	simm.s32 $0xF00;
	[sflag:s19] =	ssyncadd.s32 $0xFFFFEC00  }
0x1f9: {  	[tilespmem:s12], [sflag:$0x11] =	stream.indirect.gather.add.f32 [hbm:s1], $0x80, s23, s0, $0xb8;
	[tilespmem:$0x1F880] =	vst v63  }
0x1fa: {  	_ =	swait.ge [sflag:s20], $0x1400  }
0x1fb: {  	[sflag:s20] =	ssyncset.done $0x0  }
0x1fc: {  	s26 =	simm.s32 $0x14;
	s25 =	simm.s32 $0x1E00;
	[sflag:s20] =	ssyncadd.s32 $0xFFFFEC00  }
0x1fd: {  	[spmem:s29] =	stream.indirect.scatter.add.f32 [tilespmem:s7], [sflag:$0x17], $0x80, s25, s0, $0xb8;
	[tilespmem:$0x1F880] =	vst v63  }
0x1fe: {  	_ =	swait.ge [sflag:s26], $0x1400  }
0x1ff: {  	[sflag:s26] =	ssyncset.done $0x0  }
0x200: {  	s28 =	sadd.s32 $0x5280, s11;
	s31 =	simm.s32 $0xA;
	[sflag:s26] =	ssyncadd.s32 $0xFFFFEC00  }
0x201: {  	[tilespmem:s16], [sflag:$0x4] =	stream.linear.gather [hbm4b:s28+s24], $0x1400, $0x38;
	[tilespmem:$0x1F880] =	vst v63  }
0x202: {  	_ =	swait.ge [sflag:s31], $0x1400  }
0x203: {  	[sflag:s31] =	ssyncset.done $0x0  }
0x204: {  	s2 =	simm.s32 $0xF80;
	[sflag:s31] =	ssyncadd.s32 $0xFFFFEC00  }
0x205: {  	[tilespmem:s9], [sflag:$0x12] =	stream.indirect.gather.add.f32 [hbm:s1], $0x80, s2, s0, $0xb8;
	[tilespmem:$0x1F880] =	vst v63  }
0x206: {  	_ =	swait.ge [sflag:s30], $0x1400  }
0x207: {  	[sflag:s30] =	ssyncset.done $0x0  }
0x208: {  	s5 =	simm.s32 $0x1E80;
	s7 =	simm.s32 $0x15;
	[sflag:s30] =	ssyncadd.s32 $0xFFFFEC00  }
0x209: {  	[spmem:s29] =	stream.indirect.scatter.add.f32 [tilespmem:s21], [sflag:$0x18], $0x80, s5, s0, $0xb8;
	[tilespmem:$0x1F880] =	vst v63  }
0x20a: {  	_ =	swait.ge [sflag:s7], $0x1400  }
0x20b: {  	[sflag:s7] =	ssyncset.done $0x0  }
0x20c: {  	s17 =	sadd.s32 $0x5500, s11;
	s18 =	simm.s32 $0x1;
	[sflag:s7] =	ssyncadd.s32 $0xFFFFEC00  }
0x20d: {  	[tilespmem:s3], [sflag:$0x5] =	stream.linear.gather [hbm4b:s17+s24], $0x1400, $0x38;
	[tilespmem:$0x1F880] =	vst v63  }
0x20e: {  	_ =	swait.ge [sflag:s18], $0x800  }
0x20f: {  	[sflag:s18] =	ssyncset.done $0x0  }
0x210: {  	[sflag:s18] =	ssyncadd.s32 $0xFFFFF800  }
0x211: {  	_ =	swait.ge [sflag:s18], $0x800  }
0x212: {  	[sflag:s18] =	ssyncset.done $0x0  }
0x213: {  	s19 =	simm.s32 $0x3;
	[sflag:s18] =	ssyncadd.s32 $0xFFFFF800  }
0x214: {  	_ =	swait.ge [sflag:s19], $0x1400  }
0x215: {  	[sflag:s19] =	ssyncset.done $0x0  }
0x216: {  	s20 =	simm.s32 $0x11;
	[sflag:s19] =	ssyncadd.s32 $0xFFFFEC00  }
0x217: {  	[tilespmem:s10], [sflag:$0xB] =	stream.indirect.gather.add.f32 [hbm:s1], $0x80, s24, s0, $0xb8;
	[tilespmem:$0x1F880] =	vst v63  }
0x218: {  	_ =	swait.ge [sflag:s20], $0x1400  }
0x219: {  	[sflag:s20] =	ssyncset.done $0x0  }
0x21a: {  	s23 =	simm.s32 $0x16;
	s21 =	simm.s32 $0x1F00;
	[sflag:s20] =	ssyncadd.s32 $0xFFFFEC00  }
0x21b: {  	[spmem:s29] =	stream.indirect.scatter.add.f32 [tilespmem:s12], [sflag:$0x19], $0x80, s21, s0, $0xb8;
	[tilespmem:$0x1F880] =	vst v63  }
0x21c: {  	_ =	swait.ge [sflag:s23], $0x1400  }
0x21d: {  	[sflag:s23] =	ssyncset.done $0x0  }
0x21e: {  	s25 =	sadd.s32 $0x5780, s11;
	s26 =	simm.s32 $0x4;
	[sflag:s23] =	ssyncadd.s32 $0xFFFFEC00  }
0x21f: {  	[tilespmem:s15], [sflag:$0x6] =	stream.linear.gather [hbm4b:s25+s24], $0x1400, $0x38;
	[tilespmem:$0x1F880] =	vst v63  }
0x220: {  	_ =	swait.ge [sflag:s26], $0x1400  }
0x221: {  	[sflag:s26] =	ssyncset.done $0x0  }
0x222: {  	s28 =	simm.s32 $0x80;
	[sflag:s26] =	ssyncadd.s32 $0xFFFFEC00  }
0x223: {  	[tilespmem:s16], [sflag:$0xC] =	stream.indirect.gather.add.f32 [hbm:s1], $0x80, s28, s0, $0xb8;
	[tilespmem:$0x1F880] =	vst v63  }
.Ltmp5:
0x224: {  	s31 =	simm.s32 $0x1F80;
	s30 =	simm.s32 $0x12;
	(pc) =	sbr.rel .LBB2_5-.Ltmp5, $4  }
0x225: {  	s5 =	simm.s32 $0x3400;
	s18 =	simm.s32 $0x9800;
	_ =	swait.ge [sflag:s30], $0x1400  }
0x226: {  	s19 =	simm.s32 $0x2000;
	s10 =	simm.s32 $0xC;
	[sflag:s30] =	ssyncset.done $0x0  }
0x227: {  	s20 =	simm.s32 $0xAC00;
	s12 =	simm.s32 $0x4800;
	[sflag:s30] =	ssyncadd.s32 $0xFFFFEC00  }
0x228: {  	[spmem:s29] =	stream.indirect.scatter.add.f32 [tilespmem:s9], [sflag:$0x1A], $0x80, s31, s0, $0xb8;
	[tilespmem:$0x1F880] =	vst v63  }
.LBB2_7:
0x229: {  	_ =	sfence.sel $0x180000  }
0x22a: {  	[bflag:$0x0] =	sbarrier.arrive $0xFFFF  }
0x22b: {  	_ =	strace $0x90000047  }
0x22c: {  	s0 =	stileid.u32;
	[bflag:$0x2] =	sbarrier.arrive $0xFFFF  }
0x22d: {  	p0 =	sne.s32 s0, $0x0;
	s0 =	rddreg [dreg:$0x5]  }
0x22e: {  	s0 =	sadd.s32 @!p0 $0x100000, s0  }
0x22f: {  	[sflag:s0] =	ssyncadd.tile.s32 @!p0 $0x1;
	_ =	shalt  }
.Lfunc_end2:
_tile_overlayer_lowered:
.L_overlay_start_2:
0x230: {  	(tag) =	ssettag $0x2  }
0x231: {  	s0 =	rddreg [dreg:$0x0];
	s2 =	stileid.u32  }
0x232: {  	s1 =	rddreg [dreg:$0x1];
	p0 =	sne.s32 s2, $0x0  }
0x233: {  	s3 =	rddreg [dreg:$0x2];
	[bflag:$0x3] =	sbarrier.arrive $0xFFFF;
	s2 =	simm.s32 @!p0 $0x1C1B  }
0x234: {  	[timem:s3], [sflag:s2] =	dma.local @!p0 [hbm:s0], s1  }
0x235: {  	s0 =	simm.s32 @!p0 $0x1B  }
0x236: {  	_ =	swait.ge @!p0 [sflag:s0], s1  }
0x237: {  	s1 =	ssub.s32 @!p0 $0x0, s1;
	[sflag:s0] =	ssyncset.done @!p0 $0x0  }
0x238: {  	[sflag:s0] =	ssyncadd.s32 @!p0 s1  }
0x239: {  	[bflag:$0x3] =	sbarrier.arrive $0xFFFF  }
0x23a: {  	_ =	shalt  }

</sc_bundles>
